<compile_context>
chip_gen: v7x
topology: tpu7x:2x2x1
jax: 0.10.2.dev20260603
libtpu: 0.0.44.dev20260713+nightly
codegen_flags: <defaults>
</compile_context>

<pallas_src>
import functools

import jax
import jax.numpy as jnp
from jax import lax
from jax.experimental import pallas as pl
from jax.experimental.pallas import tpu as pltpu
from jax.experimental.pallas import tpu_sc as plsc

_N = 100000
_DIM = 128
_B = 16384

_NC = 2
_NS = 16
_NW = _NC * _NS
_BPW = _B // _NW
_CH = 128
_NCHUNK = _BPW // _CH


def _sc_logits_kernel(emb_hbm, u_hbm, v_hbm, w_hbm, out_hbm,
                      u_v, v_v, ru0, rv0, ru1, rv1, w_v, res_v, sem0, sem1):
    wid = lax.axis_index("s") * _NC + lax.axis_index("c")
    base = wid * _BPW

    pltpu.sync_copy(u_hbm.at[pl.ds(base, _BPW)], u_v)
    pltpu.sync_copy(v_hbm.at[pl.ds(base, _BPW)], v_v)
    pltpu.sync_copy(w_hbm.at[pl.ds(base, _BPW)], w_v)

    bufs = ((ru0, rv0, sem0), (ru1, rv1, sem1))

    def start_chunk(c):
        ru, rv, sem = bufs[c % 2]
        sl = pl.ds(c * _CH, _CH)
        cu = pltpu.async_copy(emb_hbm.at[u_v.at[sl]], ru, sem)
        cv = pltpu.async_copy(emb_hbm.at[v_v.at[sl]], rv, sem)
        return cu, cv

    lane = jnp.arange(16, dtype=jnp.int32)
    pend = start_chunk(0)

    for c in range(_NCHUNK):
        ru, rv, _ = bufs[c % 2]
        pend[0].wait()
        pend[1].wait()
        if c + 1 < _NCHUNK:
            pend = start_chunk(c + 1)

        for g in range(_CH // 16):
            rows = lane + (g * 16)
            zero = jnp.zeros((16,), jnp.float32)

            @plsc.parallel_loop(0, _DIM, step=2, unroll=4, carry=(zero, zero))
            def acc_loop(d, acc):
                a0, a1 = acc
                c0 = (lane + d) & (_DIM - 1)
                c1 = (lane + d + 1) & (_DIM - 1)
                a0 = a0 + plsc.load_gather(ru, [rows, c0]) * plsc.load_gather(rv, [rows, c0])
                a1 = a1 + plsc.load_gather(ru, [rows, c1]) * plsc.load_gather(rv, [rows, c1])
                return a0, a1

            sl = pl.ds(c * _CH + g * 16, 16)
            res_v[sl] = (acc_loop[0] + acc_loop[1]) * w_v[sl]

    pltpu.sync_copy(res_v, out_hbm.at[pl.ds(base, _BPW)])


def _sc_logits(u, v, w, emb1):
    mesh = plsc.VectorSubcoreMesh(core_axis_name="c", subcore_axis_name="s")
    return pl.kernel(
        _sc_logits_kernel,
        out_type=jax.ShapeDtypeStruct((_B,), jnp.float32),
        mesh=mesh,
        scratch_types=[
            pltpu.VMEM((_BPW,), jnp.int32),
            pltpu.VMEM((_BPW,), jnp.int32),
            pltpu.VMEM((_CH, _DIM), jnp.float32),
            pltpu.VMEM((_CH, _DIM), jnp.float32),
            pltpu.VMEM((_CH, _DIM), jnp.float32),
            pltpu.VMEM((_CH, _DIM), jnp.float32),
            pltpu.VMEM((_BPW,), jnp.float32),
            pltpu.VMEM((_BPW,), jnp.float32),
            pltpu.SemaphoreType.DMA,
            pltpu.SemaphoreType.DMA,
        ],
        compiler_params=pltpu.CompilerParams(
            needs_layout_passes=False, skip_device_barrier=True
        ),
    )(emb1, u, v, w)


def _tc_loss_body(x_ref, o_ref):
    x = x_ref[...]
    ls = jnp.minimum(x, 0.0) - jnp.log1p(jnp.exp(-jnp.abs(x)))
    o_ref[0, 0] = -jnp.sum(ls) * (1.0 / _B)


def _tc_loss(x):
    x2 = x.reshape(_B // _DIM, _DIM)
    out = pl.pallas_call(
        _tc_loss_body,
        out_shape=jax.ShapeDtypeStruct((1, 1), jnp.float32),
        out_specs=pl.BlockSpec(memory_space=pltpu.SMEM),
        compiler_params=pltpu.CompilerParams(skip_device_barrier=True),
    )(x2)
    return out[0, 0]


@jax.jit
def kernel(u, v, w, emb1):
    x = _sc_logits(u, v, w, emb1)
    return _tc_loss(x)

# --- scband reference (transcript-rebuilt; emitter-appended) ---
"""Pipeline reference for scband-line-83751862272385 (READ-ONLY COPY).

The authoritative reference and input builder live on the scoring server;
editing this copy changes nothing except your own understanding.
"""

import jax, jax.numpy as jnp
import numpy as np

N = 100000
DIM = 128
B = 16384

def setup_inputs(seed: int = 0) -> dict:
    key = jax.random.key(seed)
    k1, k2, k3, k4 = jax.random.split(key, 4)
    u = jax.random.randint(k1, (B,), 0, N)
    v = jax.random.randint(k2, (B,), 0, N)
    w = jax.random.uniform(k3, (B,), dtype=jnp.float32)
    emb1 = jax.random.normal(k4, (N, DIM), dtype=jnp.float32) * 0.02
    return {"u": u, "v": v, "w": w, "emb1": emb1}

def reference(u, v, w, emb1):
    # LINE with order == 1: both endpoints use emb1 table
    x1 = jnp.take(emb1, u, axis=0)
    x2 = jnp.take(emb1, v, axis=0)
    x = w * jnp.sum(x1 * x2, axis=1)
    return -jnp.mean(jax.nn.log_sigmoid(x))

if __name__ == "__main__":
    import jax
    _d = setup_inputs()
    print(jax.jit(kernel)(*tuple(_d.values())))

</pallas_src>

<mosaic_0001>
#map = affine_map<(d0, d1) -> (0, 0)>
#map1 = affine_map<(d0, d1) -> (0)>
module attributes {stable_mosaic.version = 14 : i64} {
  func.func @_sc_logits_kernel(%arg0: i32, %arg1: i32, %arg2: memref<100000x128xf32, #tpu.memory_space<hbm>>, %arg3: memref<16384xi32, #tpu.memory_space<hbm>>, %arg4: memref<16384xi32, #tpu.memory_space<hbm>>, %arg5: memref<16384xf32, #tpu.memory_space<hbm>>, %arg6: memref<16384xf32, #tpu.memory_space<hbm>>, %arg7: memref<512xi32, #tpu.memory_space<vmem>>, %arg8: memref<512xi32, #tpu.memory_space<vmem>>, %arg9: memref<128x128xf32, #tpu.memory_space<vmem>>, %arg10: memref<128x128xf32, #tpu.memory_space<vmem>>, %arg11: memref<128x128xf32, #tpu.memory_space<vmem>>, %arg12: memref<128x128xf32, #tpu.memory_space<vmem>>, %arg13: memref<512xf32, #tpu.memory_space<vmem>>, %arg14: memref<512xf32, #tpu.memory_space<vmem>>, %arg15: memref<!tpu.dma_semaphore, #tpu.memory_space<semaphore_mem>>, %arg16: memref<!tpu.dma_semaphore, #tpu.memory_space<semaphore_mem>>) attributes {dimension_semantics = [#tpu.dimension_semantics<core_parallel>, #tpu.dimension_semantics<subcore_parallel>], iteration_bounds = array<i64: 2, 16>, scalar_prefetch = 0 : i64, scratch_operands = 10 : i64, tpu.core_type = #tpu.core_type<sc_vector_subcore>, window_params = [{transform_indices = #map}, {transform_indices = #map1}, {transform_indices = #map1}, {transform_indices = #map1}, {transform_indices = #map1}]} {
    %mul3A = arith.constant 2 : i32
    %mul3A_0 = arith.muli %arg1, %mul3A : i32
    %add3A = arith.addi %mul3A_0, %arg0 : i32
    %mul3A_1 = arith.constant 512 : i32
    %mul3A_2 = arith.muli %add3A, %mul3A_1 : i32
    "tpu.region"() ({
      %run_scoped3A = tpu.sem_alloc : memref<!tpu.dma_semaphore, #tpu.memory_space<semaphore_mem>>
      %dma_start3A_557 = tpu.memref_slice %arg3[%mul3A_2] : memref<16384xi32, #tpu.memory_space<hbm>> -> memref<512xi32, #tpu.memory_space<hbm>>
      %dma_start3A_558 = tpu.memref_slice %arg3[%mul3A_2] : memref<16384xi32, #tpu.memory_space<hbm>> -> memref<512xi32, #tpu.memory_space<hbm>>
      tpu.enqueue_dma source(%dma_start3A_558 : memref<512xi32, #tpu.memory_space<hbm>>) target(%arg7 : memref<512xi32, #tpu.memory_space<vmem>>) target_semaphore(%run_scoped3A : memref<!tpu.dma_semaphore, #tpu.memory_space<semaphore_mem>>)
      %dma_wait3A_559 = tpu.memref_slice %arg3[%mul3A_2] : memref<16384xi32, #tpu.memory_space<hbm>> -> memref<512xi32, #tpu.memory_space<hbm>>
      %dma_wait3A_560 = tpu.memref_slice %arg3[%mul3A_2] : memref<16384xi32, #tpu.memory_space<hbm>> -> memref<512xi32, #tpu.memory_space<hbm>>
      tpu.wait_dma2 semaphore(%run_scoped3A : memref<!tpu.dma_semaphore, #tpu.memory_space<semaphore_mem>>) src(%dma_wait3A_560 : memref<512xi32, #tpu.memory_space<hbm>>) dst(%arg7 : memref<512xi32, #tpu.memory_space<vmem>>)
      tpu.yield
    }) : () -> ()
    "tpu.region"() ({
      %run_scoped3A = tpu.sem_alloc : memref<!tpu.dma_semaphore, #tpu.memory_space<semaphore_mem>>
      %dma_start3A_557 = tpu.memref_slice %arg4[%mul3A_2] : memref<16384xi32, #tpu.memory_space<hbm>> -> memref<512xi32, #tpu.memory_space<hbm>>
      %dma_start3A_558 = tpu.memref_slice %arg4[%mul3A_2] : memref<16384xi32, #tpu.memory_space<hbm>> -> memref<512xi32, #tpu.memory_space<hbm>>
      tpu.enqueue_dma source(%dma_start3A_558 : memref<512xi32, #tpu.memory_space<hbm>>) target(%arg8 : memref<512xi32, #tpu.memory_space<vmem>>) target_semaphore(%run_scoped3A : memref<!tpu.dma_semaphore, #tpu.memory_space<semaphore_mem>>)
      %dma_wait3A_559 = tpu.memref_slice %arg4[%mul3A_2] : memref<16384xi32, #tpu.memory_space<hbm>> -> memref<512xi32, #tpu.memory_space<hbm>>
      %dma_wait3A_560 = tpu.memref_slice %arg4[%mul3A_2] : memref<16384xi32, #tpu.memory_space<hbm>> -> memref<512xi32, #tpu.memory_space<hbm>>
      tpu.wait_dma2 semaphore(%run_scoped3A : memref<!tpu.dma_semaphore, #tpu.memory_space<semaphore_mem>>) src(%dma_wait3A_560 : memref<512xi32, #tpu.memory_space<hbm>>) dst(%arg8 : memref<512xi32, #tpu.memory_space<vmem>>)
      tpu.yield
    }) : () -> ()
    "tpu.region"() ({
      %run_scoped3A = tpu.sem_alloc : memref<!tpu.dma_semaphore, #tpu.memory_space<semaphore_mem>>
      %dma_start3A_557 = tpu.memref_slice %arg5[%mul3A_2] : memref<16384xf32, #tpu.memory_space<hbm>> -> memref<512xf32, #tpu.memory_space<hbm>>
      %dma_start3A_558 = tpu.memref_slice %arg5[%mul3A_2] : memref<16384xf32, #tpu.memory_space<hbm>> -> memref<512xf32, #tpu.memory_space<hbm>>
      tpu.enqueue_dma source(%dma_start3A_558 : memref<512xf32, #tpu.memory_space<hbm>>) target(%arg13 : memref<512xf32, #tpu.memory_space<vmem>>) target_semaphore(%run_scoped3A : memref<!tpu.dma_semaphore, #tpu.memory_space<semaphore_mem>>)
      %dma_wait3A_559 = tpu.memref_slice %arg5[%mul3A_2] : memref<16384xf32, #tpu.memory_space<hbm>> -> memref<512xf32, #tpu.memory_space<hbm>>
      %dma_wait3A_560 = tpu.memref_slice %arg5[%mul3A_2] : memref<16384xf32, #tpu.memory_space<hbm>> -> memref<512xf32, #tpu.memory_space<hbm>>
      tpu.wait_dma2 semaphore(%run_scoped3A : memref<!tpu.dma_semaphore, #tpu.memory_space<semaphore_mem>>) src(%dma_wait3A_560 : memref<512xf32, #tpu.memory_space<hbm>>) dst(%arg13 : memref<512xf32, #tpu.memory_space<vmem>>)
      tpu.yield
    }) : () -> ()
    %iota3A = tpu.iota {dimensions = array<i32: 0>} : vector<16xi32>
    %dma_start3A = arith.constant 0 : i32
    %dma_start3A_3 = tpu.memref_slice %arg7[%dma_start3A] : memref<512xi32, #tpu.memory_space<vmem>> -> memref<128xi32, #tpu.memory_space<vmem>>
    %dma_start3A_4 = arith.constant 0 : i32
    %dma_start3A_5 = arith.constant 0 : i32
    %dma_start3A_6 = tpu.memref_slice %arg2[%dma_start3A_4, %dma_start3A_5] : memref<100000x128xf32, #tpu.memory_space<hbm>> -> memref<100000x128xf32, #tpu.memory_space<hbm>>
    tpu.enqueue_indirect_dma source(%dma_start3A_6 : memref<100000x128xf32, #tpu.memory_space<hbm>>) target(%arg9 : memref<128x128xf32, #tpu.memory_space<vmem>>) offsets(%dma_start3A_3 : memref<128xi32, #tpu.memory_space<vmem>>) semaphore(%arg15 : memref<!tpu.dma_semaphore, #tpu.memory_space<semaphore_mem>>)
    %dma_start3A_7 = arith.constant 0 : i32
    %dma_start3A_8 = tpu.memref_slice %arg8[%dma_start3A_7] : memref<512xi32, #tpu.memory_space<vmem>> -> memref<128xi32, #tpu.memory_space<vmem>>
    %dma_start3A_9 = arith.constant 0 : i32
    %dma_start3A_10 = arith.constant 0 : i32
    %dma_start3A_11 = tpu.memref_slice %arg2[%dma_start3A_9, %dma_start3A_10] : memref<100000x128xf32, #tpu.memory_space<hbm>> -> memref<100000x128xf32, #tpu.memory_space<hbm>>
    tpu.enqueue_indirect_dma source(%dma_start3A_11 : memref<100000x128xf32, #tpu.memory_space<hbm>>) target(%arg10 : memref<128x128xf32, #tpu.memory_space<vmem>>) offsets(%dma_start3A_8 : memref<128xi32, #tpu.memory_space<vmem>>) semaphore(%arg15 : memref<!tpu.dma_semaphore, #tpu.memory_space<semaphore_mem>>)
    %dma_wait3A = arith.constant 0 : i32
    %dma_wait3A_12 = tpu.memref_slice %arg7[%dma_wait3A] : memref<512xi32, #tpu.memory_space<vmem>> -> memref<128xi32, #tpu.memory_space<vmem>>
    %dma_wait3A_13 = arith.constant 0 : i32
    %dma_wait3A_14 = arith.constant 0 : i32
    %dma_wait3A_15 = tpu.memref_slice %arg2[%dma_wait3A_13, %dma_wait3A_14] : memref<100000x128xf32, #tpu.memory_space<hbm>> -> memref<100000x128xf32, #tpu.memory_space<hbm>>
    tpu.wait_indirect_dma semaphore(%arg15 : memref<!tpu.dma_semaphore, #tpu.memory_space<semaphore_mem>>) src(%dma_wait3A_15 : memref<100000x128xf32, #tpu.memory_space<hbm>>) dst(%arg9 : memref<128x128xf32, #tpu.memory_space<vmem>>)
    %dma_wait3A_16 = arith.constant 0 : i32
    %dma_wait3A_17 = tpu.memref_slice %arg8[%dma_wait3A_16] : memref<512xi32, #tpu.memory_space<vmem>> -> memref<128xi32, #tpu.memory_space<vmem>>
    %dma_wait3A_18 = arith.constant 0 : i32
    %dma_wait3A_19 = arith.constant 0 : i32
    %dma_wait3A_20 = tpu.memref_slice %arg2[%dma_wait3A_18, %dma_wait3A_19] : memref<100000x128xf32, #tpu.memory_space<hbm>> -> memref<100000x128xf32, #tpu.memory_space<hbm>>
    tpu.wait_indirect_dma semaphore(%arg15 : memref<!tpu.dma_semaphore, #tpu.memory_space<semaphore_mem>>) src(%dma_wait3A_20 : memref<100000x128xf32, #tpu.memory_space<hbm>>) dst(%arg10 : memref<128x128xf32, #tpu.memory_space<vmem>>)
    %dma_start3A_21 = arith.constant 128 : i32
    %dma_start3A_22 = tpu.memref_slice %arg7[%dma_start3A_21] : memref<512xi32, #tpu.memory_space<vmem>> -> memref<128xi32, #tpu.memory_space<vmem>>
    %dma_start3A_23 = arith.constant 0 : i32
    %dma_start3A_24 = arith.constant 0 : i32
    %dma_start3A_25 = tpu.memref_slice %arg2[%dma_start3A_23, %dma_start3A_24] : memref<100000x128xf32, #tpu.memory_space<hbm>> -> memref<100000x128xf32, #tpu.memory_space<hbm>>
    tpu.enqueue_indirect_dma source(%dma_start3A_25 : memref<100000x128xf32, #tpu.memory_space<hbm>>) target(%arg11 : memref<128x128xf32, #tpu.memory_space<vmem>>) offsets(%dma_start3A_22 : memref<128xi32, #tpu.memory_space<vmem>>) semaphore(%arg16 : memref<!tpu.dma_semaphore, #tpu.memory_space<semaphore_mem>>)
    %dma_start3A_26 = arith.constant 128 : i32
    %dma_start3A_27 = tpu.memref_slice %arg8[%dma_start3A_26] : memref<512xi32, #tpu.memory_space<vmem>> -> memref<128xi32, #tpu.memory_space<vmem>>
    %dma_start3A_28 = arith.constant 0 : i32
    %dma_start3A_29 = arith.constant 0 : i32
    %dma_start3A_30 = tpu.memref_slice %arg2[%dma_start3A_28, %dma_start3A_29] : memref<100000x128xf32, #tpu.memory_space<hbm>> -> memref<100000x128xf32, #tpu.memory_space<hbm>>
    tpu.enqueue_indirect_dma source(%dma_start3A_30 : memref<100000x128xf32, #tpu.memory_space<hbm>>) target(%arg12 : memref<128x128xf32, #tpu.memory_space<vmem>>) offsets(%dma_start3A_27 : memref<128xi32, #tpu.memory_space<vmem>>) semaphore(%arg16 : memref<!tpu.dma_semaphore, #tpu.memory_space<semaphore_mem>>)
    %add3A_31 = arith.constant 0 : i32
    %add3A_32 = vector.broadcast %add3A_31 : i32 to vector<16xi32>
    %add3A_33 = arith.addi %iota3A, %add3A_32 : vector<16xi32>
    %broadcast_in_dim3A = arith.constant 0.000000e+00 : f32
    %broadcast_in_dim3A_34 = vector.broadcast %broadcast_in_dim3A : f32 to vector<16xf32>
    %parallel_loop3A = arith.constant 0 : i32
    %parallel_loop3A_35 = arith.constant 128 : i32
    %parallel_loop3A_36 = arith.constant 2 : i32
    %parallel_loop3A_37:2 = scf.for %parallel_loop3A_557 = %parallel_loop3A to %parallel_loop3A_35 step %parallel_loop3A_36 iter_args(%parallel_loop3A_558 = %broadcast_in_dim3A_34, %parallel_loop3A_559 = %broadcast_in_dim3A_34) -> (vector<16xf32>, vector<16xf32>)  : i32 {
      %parallel_loop3A_560 = vector.broadcast %parallel_loop3A_557 : i32 to vector<16xi32>
      %parallel_loop3A_561 = arith.addi %iota3A, %parallel_loop3A_560 : vector<16xi32>
      %parallel_loop3A_562 = arith.constant 127 : i32
      %parallel_loop3A_563 = vector.broadcast %parallel_loop3A_562 : i32 to vector<16xi32>
      %parallel_loop3A_564 = arith.andi %parallel_loop3A_561, %parallel_loop3A_563 : vector<16xi32>
      %parallel_loop3A_565 = vector.broadcast %parallel_loop3A_557 : i32 to vector<16xi32>
      %parallel_loop3A_566 = arith.addi %iota3A, %parallel_loop3A_565 : vector<16xi32>
      %parallel_loop3A_567 = arith.constant 1 : i32
      %parallel_loop3A_568 = vector.broadcast %parallel_loop3A_567 : i32 to vector<16xi32>
      %parallel_loop3A_569 = arith.addi %parallel_loop3A_566, %parallel_loop3A_568 : vector<16xi32>
      %parallel_loop3A_570 = arith.constant 127 : i32
      %parallel_loop3A_571 = vector.broadcast %parallel_loop3A_570 : i32 to vector<16xi32>
      %parallel_loop3A_572 = arith.andi %parallel_loop3A_569, %parallel_loop3A_571 : vector<16xi32>
      %parallel_loop3A_573 = tpu.vector_load_idx %arg9[%add3A_33, %parallel_loop3A_564] : memref<128x128xf32, #tpu.memory_space<vmem>>[vector<16xi32>, vector<16xi32>], vector<16xf32>,
      %parallel_loop3A_574 = tpu.vector_load_idx %arg10[%add3A_33, %parallel_loop3A_564] : memref<128x128xf32, #tpu.memory_space<vmem>>[vector<16xi32>, vector<16xi32>], vector<16xf32>,
      %parallel_loop3A_575 = arith.mulf %parallel_loop3A_573, %parallel_loop3A_574 : vector<16xf32>
      %parallel_loop3A_576 = arith.addf %parallel_loop3A_558, %parallel_loop3A_575 : vector<16xf32>
      %parallel_loop3A_577 = tpu.vector_load_idx %arg9[%add3A_33, %parallel_loop3A_572] : memref<128x128xf32, #tpu.memory_space<vmem>>[vector<16xi32>, vector<16xi32>], vector<16xf32>,
      %parallel_loop3A_578 = tpu.vector_load_idx %arg10[%add3A_33, %parallel_loop3A_572] : memref<128x128xf32, #tpu.memory_space<vmem>>[vector<16xi32>, vector<16xi32>], vector<16xf32>,
      %parallel_loop3A_579 = arith.mulf %parallel_loop3A_577, %parallel_loop3A_578 : vector<16xf32>
      %parallel_loop3A_580 = arith.addf %parallel_loop3A_559, %parallel_loop3A_579 : vector<16xf32>
      scf.yield %parallel_loop3A_576, %parallel_loop3A_580 : vector<16xf32>, vector<16xf32>
    } {sc.loop_unroll_factor = 4 : i64, sc.parallel_access}
    %add3A_38 = arith.addf %parallel_loop3A_37#0, %parallel_loop3A_37#1 : vector<16xf32>
    %get3A = arith.constant 0 : index
    %get3A_39 = tpu.vector_load %arg13[%get3A] {strides = array<i32>} : memref<512xf32, #tpu.memory_space<vmem>>, vector<16xf32>,
    %mul3A_40 = arith.mulf %add3A_38, %get3A_39 : vector<16xf32>
    %swap3A = arith.constant 0 : index
    %swap3A_41 = tpu.vector_load %arg14[%swap3A] {strides = array<i32>} : memref<512xf32, #tpu.memory_space<vmem>>, vector<16xf32>,
    tpu.vector_store %arg14[%swap3A], %mul3A_40 {strides = array<i32>} : memref<512xf32, #tpu.memory_space<vmem>>, vector<16xf32>,
    %add3A_42 = arith.constant 16 : i32
    %add3A_43 = vector.broadcast %add3A_42 : i32 to vector<16xi32>
    %add3A_44 = arith.addi %iota3A, %add3A_43 : vector<16xi32>
    %broadcast_in_dim3A_45 = arith.constant 0.000000e+00 : f32
    %broadcast_in_dim3A_46 = vector.broadcast %broadcast_in_dim3A_45 : f32 to vector<16xf32>
    %parallel_loop3A_47 = arith.constant 0 : i32
    %parallel_loop3A_48 = arith.constant 128 : i32
    %parallel_loop3A_49 = arith.constant 2 : i32
    %parallel_loop3A_50:2 = scf.for %parallel_loop3A_557 = %parallel_loop3A_47 to %parallel_loop3A_48 step %parallel_loop3A_49 iter_args(%parallel_loop3A_558 = %broadcast_in_dim3A_46, %parallel_loop3A_559 = %broadcast_in_dim3A_46) -> (vector<16xf32>, vector<16xf32>)  : i32 {
      %parallel_loop3A_560 = vector.broadcast %parallel_loop3A_557 : i32 to vector<16xi32>
      %parallel_loop3A_561 = arith.addi %iota3A, %parallel_loop3A_560 : vector<16xi32>
      %parallel_loop3A_562 = arith.constant 127 : i32
      %parallel_loop3A_563 = vector.broadcast %parallel_loop3A_562 : i32 to vector<16xi32>
      %parallel_loop3A_564 = arith.andi %parallel_loop3A_561, %parallel_loop3A_563 : vector<16xi32>
      %parallel_loop3A_565 = vector.broadcast %parallel_loop3A_557 : i32 to vector<16xi32>
      %parallel_loop3A_566 = arith.addi %iota3A, %parallel_loop3A_565 : vector<16xi32>
      %parallel_loop3A_567 = arith.constant 1 : i32
      %parallel_loop3A_568 = vector.broadcast %parallel_loop3A_567 : i32 to vector<16xi32>
      %parallel_loop3A_569 = arith.addi %parallel_loop3A_566, %parallel_loop3A_568 : vector<16xi32>
      %parallel_loop3A_570 = arith.constant 127 : i32
      %parallel_loop3A_571 = vector.broadcast %parallel_loop3A_570 : i32 to vector<16xi32>
      %parallel_loop3A_572 = arith.andi %parallel_loop3A_569, %parallel_loop3A_571 : vector<16xi32>
      %parallel_loop3A_573 = tpu.vector_load_idx %arg9[%add3A_44, %parallel_loop3A_564] : memref<128x128xf32, #tpu.memory_space<vmem>>[vector<16xi32>, vector<16xi32>], vector<16xf32>,
      %parallel_loop3A_574 = tpu.vector_load_idx %arg10[%add3A_44, %parallel_loop3A_564] : memref<128x128xf32, #tpu.memory_space<vmem>>[vector<16xi32>, vector<16xi32>], vector<16xf32>,
      %parallel_loop3A_575 = arith.mulf %parallel_loop3A_573, %parallel_loop3A_574 : vector<16xf32>
      %parallel_loop3A_576 = arith.addf %parallel_loop3A_558, %parallel_loop3A_575 : vector<16xf32>
      %parallel_loop3A_577 = tpu.vector_load_idx %arg9[%add3A_44, %parallel_loop3A_572] : memref<128x128xf32, #tpu.memory_space<vmem>>[vector<16xi32>, vector<16xi32>], vector<16xf32>,
      %parallel_loop3A_578 = tpu.vector_load_idx %arg10[%add3A_44, %parallel_loop3A_572] : memref<128x128xf32, #tpu.memory_space<vmem>>[vector<16xi32>, vector<16xi32>], vector<16xf32>,
      %parallel_loop3A_579 = arith.mulf %parallel_loop3A_577, %parallel_loop3A_578 : vector<16xf32>
      %parallel_loop3A_580 = arith.addf %parallel_loop3A_559, %parallel_loop3A_579 : vector<16xf32>
      scf.yield %parallel_loop3A_576, %parallel_loop3A_580 : vector<16xf32>, vector<16xf32>
    } {sc.loop_unroll_factor = 4 : i64, sc.parallel_access}
    %add3A_51 = arith.addf %parallel_loop3A_50#0, %parallel_loop3A_50#1 : vector<16xf32>
    %get3A_52 = arith.constant 16 : index
    %get3A_53 = tpu.vector_load %arg13[%get3A_52] {strides = array<i32>} : memref<512xf32, #tpu.memory_space<vmem>>, vector<16xf32>,
    %mul3A_54 = arith.mulf %add3A_51, %get3A_53 : vector<16xf32>
    %swap3A_55 = arith.constant 16 : index
    %swap3A_56 = tpu.vector_load %arg14[%swap3A_55] {strides = array<i32>} : memref<512xf32, #tpu.memory_space<vmem>>, vector<16xf32>,
    tpu.vector_store %arg14[%swap3A_55], %mul3A_54 {strides = array<i32>} : memref<512xf32, #tpu.memory_space<vmem>>, vector<16xf32>,
    %add3A_57 = arith.constant 32 : i32
    %add3A_58 = vector.broadcast %add3A_57 : i32 to vector<16xi32>
    %add3A_59 = arith.addi %iota3A, %add3A_58 : vector<16xi32>
    %broadcast_in_dim3A_60 = arith.constant 0.000000e+00 : f32
    %broadcast_in_dim3A_61 = vector.broadcast %broadcast_in_dim3A_60 : f32 to vector<16xf32>
    %parallel_loop3A_62 = arith.constant 0 : i32
    %parallel_loop3A_63 = arith.constant 128 : i32
    %parallel_loop3A_64 = arith.constant 2 : i32
    %parallel_loop3A_65:2 = scf.for %parallel_loop3A_557 = %parallel_loop3A_62 to %parallel_loop3A_63 step %parallel_loop3A_64 iter_args(%parallel_loop3A_558 = %broadcast_in_dim3A_61, %parallel_loop3A_559 = %broadcast_in_dim3A_61) -> (vector<16xf32>, vector<16xf32>)  : i32 {
      %parallel_loop3A_560 = vector.broadcast %parallel_loop3A_557 : i32 to vector<16xi32>
      %parallel_loop3A_561 = arith.addi %iota3A, %parallel_loop3A_560 : vector<16xi32>
      %parallel_loop3A_562 = arith.constant 127 : i32
      %parallel_loop3A_563 = vector.broadcast %parallel_loop3A_562 : i32 to vector<16xi32>
      %parallel_loop3A_564 = arith.andi %parallel_loop3A_561, %parallel_loop3A_563 : vector<16xi32>
      %parallel_loop3A_565 = vector.broadcast %parallel_loop3A_557 : i32 to vector<16xi32>
      %parallel_loop3A_566 = arith.addi %iota3A, %parallel_loop3A_565 : vector<16xi32>
      %parallel_loop3A_567 = arith.constant 1 : i32
      %parallel_loop3A_568 = vector.broadcast %parallel_loop3A_567 : i32 to vector<16xi32>
      %parallel_loop3A_569 = arith.addi %parallel_loop3A_566, %parallel_loop3A_568 : vector<16xi32>
      %parallel_loop3A_570 = arith.constant 127 : i32
      %parallel_loop3A_571 = vector.broadcast %parallel_loop3A_570 : i32 to vector<16xi32>
      %parallel_loop3A_572 = arith.andi %parallel_loop3A_569, %parallel_loop3A_571 : vector<16xi32>
      %parallel_loop3A_573 = tpu.vector_load_idx %arg9[%add3A_59, %parallel_loop3A_564] : memref<128x128xf32, #tpu.memory_space<vmem>>[vector<16xi32>, vector<16xi32>], vector<16xf32>,
      %parallel_loop3A_574 = tpu.vector_load_idx %arg10[%add3A_59, %parallel_loop3A_564] : memref<128x128xf32, #tpu.memory_space<vmem>>[vector<16xi32>, vector<16xi32>], vector<16xf32>,
      %parallel_loop3A_575 = arith.mulf %parallel_loop3A_573, %parallel_loop3A_574 : vector<16xf32>
      %parallel_loop3A_576 = arith.addf %parallel_loop3A_558, %parallel_loop3A_575 : vector<16xf32>
      %parallel_loop3A_577 = tpu.vector_load_idx %arg9[%add3A_59, %parallel_loop3A_572] : memref<128x128xf32, #tpu.memory_space<vmem>>[vector<16xi32>, vector<16xi32>], vector<16xf32>,
      %parallel_loop3A_578 = tpu.vector_load_idx %arg10[%add3A_59, %parallel_loop3A_572] : memref<128x128xf32, #tpu.memory_space<vmem>>[vector<16xi32>, vector<16xi32>], vector<16xf32>,
      %parallel_loop3A_579 = arith.mulf %parallel_loop3A_577, %parallel_loop3A_578 : vector<16xf32>
      %parallel_loop3A_580 = arith.addf %parallel_loop3A_559, %parallel_loop3A_579 : vector<16xf32>
      scf.yield %parallel_loop3A_576, %parallel_loop3A_580 : vector<16xf32>, vector<16xf32>
    } {sc.loop_unroll_factor = 4 : i64, sc.parallel_access}
    %add3A_66 = arith.addf %parallel_loop3A_65#0, %parallel_loop3A_65#1 : vector<16xf32>
    %get3A_67 = arith.constant 32 : index
    %get3A_68 = tpu.vector_load %arg13[%get3A_67] {strides = array<i32>} : memref<512xf32, #tpu.memory_space<vmem>>, vector<16xf32>,
    %mul3A_69 = arith.mulf %add3A_66, %get3A_68 : vector<16xf32>
    %swap3A_70 = arith.constant 32 : index
    %swap3A_71 = tpu.vector_load %arg14[%swap3A_70] {strides = array<i32>} : memref<512xf32, #tpu.memory_space<vmem>>, vector<16xf32>,
    tpu.vector_store %arg14[%swap3A_70], %mul3A_69 {strides = array<i32>} : memref<512xf32, #tpu.memory_space<vmem>>, vector<16xf32>,
    %add3A_72 = arith.constant 48 : i32
    %add3A_73 = vector.broadcast %add3A_72 : i32 to vector<16xi32>
    %add3A_74 = arith.addi %iota3A, %add3A_73 : vector<16xi32>
    %broadcast_in_dim3A_75 = arith.constant 0.000000e+00 : f32
    %broadcast_in_dim3A_76 = vector.broadcast %broadcast_in_dim3A_75 : f32 to vector<16xf32>
    %parallel_loop3A_77 = arith.constant 0 : i32
    %parallel_loop3A_78 = arith.constant 128 : i32
    %parallel_loop3A_79 = arith.constant 2 : i32
    %parallel_loop3A_80:2 = scf.for %parallel_loop3A_557 = %parallel_loop3A_77 to %parallel_loop3A_78 step %parallel_loop3A_79 iter_args(%parallel_loop3A_558 = %broadcast_in_dim3A_76, %parallel_loop3A_559 = %broadcast_in_dim3A_76) -> (vector<16xf32>, vector<16xf32>)  : i32 {
      %parallel_loop3A_560 = vector.broadcast %parallel_loop3A_557 : i32 to vector<16xi32>
      %parallel_loop3A_561 = arith.addi %iota3A, %parallel_loop3A_560 : vector<16xi32>
      %parallel_loop3A_562 = arith.constant 127 : i32
      %parallel_loop3A_563 = vector.broadcast %parallel_loop3A_562 : i32 to vector<16xi32>
      %parallel_loop3A_564 = arith.andi %parallel_loop3A_561, %parallel_loop3A_563 : vector<16xi32>
      %parallel_loop3A_565 = vector.broadcast %parallel_loop3A_557 : i32 to vector<16xi32>
      %parallel_loop3A_566 = arith.addi %iota3A, %parallel_loop3A_565 : vector<16xi32>
      %parallel_loop3A_567 = arith.constant 1 : i32
      %parallel_loop3A_568 = vector.broadcast %parallel_loop3A_567 : i32 to vector<16xi32>
      %parallel_loop3A_569 = arith.addi %parallel_loop3A_566, %parallel_loop3A_568 : vector<16xi32>
      %parallel_loop3A_570 = arith.constant 127 : i32
      %parallel_loop3A_571 = vector.broadcast %parallel_loop3A_570 : i32 to vector<16xi32>
      %parallel_loop3A_572 = arith.andi %parallel_loop3A_569, %parallel_loop3A_571 : vector<16xi32>
      %parallel_loop3A_573 = tpu.vector_load_idx %arg9[%add3A_74, %parallel_loop3A_564] : memref<128x128xf32, #tpu.memory_space<vmem>>[vector<16xi32>, vector<16xi32>], vector<16xf32>,
      %parallel_loop3A_574 = tpu.vector_load_idx %arg10[%add3A_74, %parallel_loop3A_564] : memref<128x128xf32, #tpu.memory_space<vmem>>[vector<16xi32>, vector<16xi32>], vector<16xf32>,
      %parallel_loop3A_575 = arith.mulf %parallel_loop3A_573, %parallel_loop3A_574 : vector<16xf32>
      %parallel_loop3A_576 = arith.addf %parallel_loop3A_558, %parallel_loop3A_575 : vector<16xf32>
      %parallel_loop3A_577 = tpu.vector_load_idx %arg9[%add3A_74, %parallel_loop3A_572] : memref<128x128xf32, #tpu.memory_space<vmem>>[vector<16xi32>, vector<16xi32>], vector<16xf32>,
      %parallel_loop3A_578 = tpu.vector_load_idx %arg10[%add3A_74, %parallel_loop3A_572] : memref<128x128xf32, #tpu.memory_space<vmem>>[vector<16xi32>, vector<16xi32>], vector<16xf32>,
      %parallel_loop3A_579 = arith.mulf %parallel_loop3A_577, %parallel_loop3A_578 : vector<16xf32>
      %parallel_loop3A_580 = arith.addf %parallel_loop3A_559, %parallel_loop3A_579 : vector<16xf32>
      scf.yield %parallel_loop3A_576, %parallel_loop3A_580 : vector<16xf32>, vector<16xf32>
    } {sc.loop_unroll_factor = 4 : i64, sc.parallel_access}
    %add3A_81 = arith.addf %parallel_loop3A_80#0, %parallel_loop3A_80#1 : vector<16xf32>
    %get3A_82 = arith.constant 48 : index
    %get3A_83 = tpu.vector_load %arg13[%get3A_82] {strides = array<i32>} : memref<512xf32, #tpu.memory_space<vmem>>, vector<16xf32>,
    %mul3A_84 = arith.mulf %add3A_81, %get3A_83 : vector<16xf32>
    %swap3A_85 = arith.constant 48 : index
    %swap3A_86 = tpu.vector_load %arg14[%swap3A_85] {strides = array<i32>} : memref<512xf32, #tpu.memory_space<vmem>>, vector<16xf32>,
    tpu.vector_store %arg14[%swap3A_85], %mul3A_84 {strides = array<i32>} : memref<512xf32, #tpu.memory_space<vmem>>, vector<16xf32>,
    %add3A_87 = arith.constant 64 : i32
    %add3A_88 = vector.broadcast %add3A_87 : i32 to vector<16xi32>
    %add3A_89 = arith.addi %iota3A, %add3A_88 : vector<16xi32>
    %broadcast_in_dim3A_90 = arith.constant 0.000000e+00 : f32
    %broadcast_in_dim3A_91 = vector.broadcast %broadcast_in_dim3A_90 : f32 to vector<16xf32>
    %parallel_loop3A_92 = arith.constant 0 : i32
    %parallel_loop3A_93 = arith.constant 128 : i32
    %parallel_loop3A_94 = arith.constant 2 : i32
    %parallel_loop3A_95:2 = scf.for %parallel_loop3A_557 = %parallel_loop3A_92 to %parallel_loop3A_93 step %parallel_loop3A_94 iter_args(%parallel_loop3A_558 = %broadcast_in_dim3A_91, %parallel_loop3A_559 = %broadcast_in_dim3A_91) -> (vector<16xf32>, vector<16xf32>)  : i32 {
      %parallel_loop3A_560 = vector.broadcast %parallel_loop3A_557 : i32 to vector<16xi32>
      %parallel_loop3A_561 = arith.addi %iota3A, %parallel_loop3A_560 : vector<16xi32>
      %parallel_loop3A_562 = arith.constant 127 : i32
      %parallel_loop3A_563 = vector.broadcast %parallel_loop3A_562 : i32 to vector<16xi32>
      %parallel_loop3A_564 = arith.andi %parallel_loop3A_561, %parallel_loop3A_563 : vector<16xi32>
      %parallel_loop3A_565 = vector.broadcast %parallel_loop3A_557 : i32 to vector<16xi32>
      %parallel_loop3A_566 = arith.addi %iota3A, %parallel_loop3A_565 : vector<16xi32>
      %parallel_loop3A_567 = arith.constant 1 : i32
      %parallel_loop3A_568 = vector.broadcast %parallel_loop3A_567 : i32 to vector<16xi32>
      %parallel_loop3A_569 = arith.addi %parallel_loop3A_566, %parallel_loop3A_568 : vector<16xi32>
      %parallel_loop3A_570 = arith.constant 127 : i32
      %parallel_loop3A_571 = vector.broadcast %parallel_loop3A_570 : i32 to vector<16xi32>
      %parallel_loop3A_572 = arith.andi %parallel_loop3A_569, %parallel_loop3A_571 : vector<16xi32>
      %parallel_loop3A_573 = tpu.vector_load_idx %arg9[%add3A_89, %parallel_loop3A_564] : memref<128x128xf32, #tpu.memory_space<vmem>>[vector<16xi32>, vector<16xi32>], vector<16xf32>,
      %parallel_loop3A_574 = tpu.vector_load_idx %arg10[%add3A_89, %parallel_loop3A_564] : memref<128x128xf32, #tpu.memory_space<vmem>>[vector<16xi32>, vector<16xi32>], vector<16xf32>,
      %parallel_loop3A_575 = arith.mulf %parallel_loop3A_573, %parallel_loop3A_574 : vector<16xf32>
      %parallel_loop3A_576 = arith.addf %parallel_loop3A_558, %parallel_loop3A_575 : vector<16xf32>
      %parallel_loop3A_577 = tpu.vector_load_idx %arg9[%add3A_89, %parallel_loop3A_572] : memref<128x128xf32, #tpu.memory_space<vmem>>[vector<16xi32>, vector<16xi32>], vector<16xf32>,
      %parallel_loop3A_578 = tpu.vector_load_idx %arg10[%add3A_89, %parallel_loop3A_572] : memref<128x128xf32, #tpu.memory_space<vmem>>[vector<16xi32>, vector<16xi32>], vector<16xf32>,
      %parallel_loop3A_579 = arith.mulf %parallel_loop3A_577, %parallel_loop3A_578 : vector<16xf32>
      %parallel_loop3A_580 = arith.addf %parallel_loop3A_559, %parallel_loop3A_579 : vector<16xf32>
      scf.yield %parallel_loop3A_576, %parallel_loop3A_580 : vector<16xf32>, vector<16xf32>
    } {sc.loop_unroll_factor = 4 : i64, sc.parallel_access}
    %add3A_96 = arith.addf %parallel_loop3A_95#0, %parallel_loop3A_95#1 : vector<16xf32>
    %get3A_97 = arith.constant 64 : index
    %get3A_98 = tpu.vector_load %arg13[%get3A_97] {strides = array<i32>} : memref<512xf32, #tpu.memory_space<vmem>>, vector<16xf32>,
    %mul3A_99 = arith.mulf %add3A_96, %get3A_98 : vector<16xf32>
    %swap3A_100 = arith.constant 64 : index
    %swap3A_101 = tpu.vector_load %arg14[%swap3A_100] {strides = array<i32>} : memref<512xf32, #tpu.memory_space<vmem>>, vector<16xf32>,
    tpu.vector_store %arg14[%swap3A_100], %mul3A_99 {strides = array<i32>} : memref<512xf32, #tpu.memory_space<vmem>>, vector<16xf32>,
    %add3A_102 = arith.constant 80 : i32
    %add3A_103 = vector.broadcast %add3A_102 : i32 to vector<16xi32>
    %add3A_104 = arith.addi %iota3A, %add3A_103 : vector<16xi32>
    %broadcast_in_dim3A_105 = arith.constant 0.000000e+00 : f32
    %broadcast_in_dim3A_106 = vector.broadcast %broadcast_in_dim3A_105 : f32 to vector<16xf32>
    %parallel_loop3A_107 = arith.constant 0 : i32
    %parallel_loop3A_108 = arith.constant 128 : i32
    %parallel_loop3A_109 = arith.constant 2 : i32
    %parallel_loop3A_110:2 = scf.for %parallel_loop3A_557 = %parallel_loop3A_107 to %parallel_loop3A_108 step %parallel_loop3A_109 iter_args(%parallel_loop3A_558 = %broadcast_in_dim3A_106, %parallel_loop3A_559 = %broadcast_in_dim3A_106) -> (vector<16xf32>, vector<16xf32>)  : i32 {
      %parallel_loop3A_560 = vector.broadcast %parallel_loop3A_557 : i32 to vector<16xi32>
      %parallel_loop3A_561 = arith.addi %iota3A, %parallel_loop3A_560 : vector<16xi32>
      %parallel_loop3A_562 = arith.constant 127 : i32
      %parallel_loop3A_563 = vector.broadcast %parallel_loop3A_562 : i32 to vector<16xi32>
      %parallel_loop3A_564 = arith.andi %parallel_loop3A_561, %parallel_loop3A_563 : vector<16xi32>
      %parallel_loop3A_565 = vector.broadcast %parallel_loop3A_557 : i32 to vector<16xi32>
      %parallel_loop3A_566 = arith.addi %iota3A, %parallel_loop3A_565 : vector<16xi32>
      %parallel_loop3A_567 = arith.constant 1 : i32
      %parallel_loop3A_568 = vector.broadcast %parallel_loop3A_567 : i32 to vector<16xi32>
      %parallel_loop3A_569 = arith.addi %parallel_loop3A_566, %parallel_loop3A_568 : vector<16xi32>
      %parallel_loop3A_570 = arith.constant 127 : i32
      %parallel_loop3A_571 = vector.broadcast %parallel_loop3A_570 : i32 to vector<16xi32>
      %parallel_loop3A_572 = arith.andi %parallel_loop3A_569, %parallel_loop3A_571 : vector<16xi32>
      %parallel_loop3A_573 = tpu.vector_load_idx %arg9[%add3A_104, %parallel_loop3A_564] : memref<128x128xf32, #tpu.memory_space<vmem>>[vector<16xi32>, vector<16xi32>], vector<16xf32>,
      %parallel_loop3A_574 = tpu.vector_load_idx %arg10[%add3A_104, %parallel_loop3A_564] : memref<128x128xf32, #tpu.memory_space<vmem>>[vector<16xi32>, vector<16xi32>], vector<16xf32>,
      %parallel_loop3A_575 = arith.mulf %parallel_loop3A_573, %parallel_loop3A_574 : vector<16xf32>
      %parallel_loop3A_576 = arith.addf %parallel_loop3A_558, %parallel_loop3A_575 : vector<16xf32>
      %parallel_loop3A_577 = tpu.vector_load_idx %arg9[%add3A_104, %parallel_loop3A_572] : memref<128x128xf32, #tpu.memory_space<vmem>>[vector<16xi32>, vector<16xi32>], vector<16xf32>,
      %parallel_loop3A_578 = tpu.vector_load_idx %arg10[%add3A_104, %parallel_loop3A_572] : memref<128x128xf32, #tpu.memory_space<vmem>>[vector<16xi32>, vector<16xi32>], vector<16xf32>,
      %parallel_loop3A_579 = arith.mulf %parallel_loop3A_577, %parallel_loop3A_578 : vector<16xf32>
      %parallel_loop3A_580 = arith.addf %parallel_loop3A_559, %parallel_loop3A_579 : vector<16xf32>
      scf.yield %parallel_loop3A_576, %parallel_loop3A_580 : vector<16xf32>, vector<16xf32>
    } {sc.loop_unroll_factor = 4 : i64, sc.parallel_access}
    %add3A_111 = arith.addf %parallel_loop3A_110#0, %parallel_loop3A_110#1 : vector<16xf32>
    %get3A_112 = arith.constant 80 : index
    %get3A_113 = tpu.vector_load %arg13[%get3A_112] {strides = array<i32>} : memref<512xf32, #tpu.memory_space<vmem>>, vector<16xf32>,
    %mul3A_114 = arith.mulf %add3A_111, %get3A_113 : vector<16xf32>
    %swap3A_115 = arith.constant 80 : index
    %swap3A_116 = tpu.vector_load %arg14[%swap3A_115] {strides = array<i32>} : memref<512xf32, #tpu.memory_space<vmem>>, vector<16xf32>,
    tpu.vector_store %arg14[%swap3A_115], %mul3A_114 {strides = array<i32>} : memref<512xf32, #tpu.memory_space<vmem>>, vector<16xf32>,
    %add3A_117 = arith.constant 96 : i32
    %add3A_118 = vector.broadcast %add3A_117 : i32 to vector<16xi32>
    %add3A_119 = arith.addi %iota3A, %add3A_118 : vector<16xi32>
    %broadcast_in_dim3A_120 = arith.constant 0.000000e+00 : f32
    %broadcast_in_dim3A_121 = vector.broadcast %broadcast_in_dim3A_120 : f32 to vector<16xf32>
    %parallel_loop3A_122 = arith.constant 0 : i32
    %parallel_loop3A_123 = arith.constant 128 : i32
    %parallel_loop3A_124 = arith.constant 2 : i32
    %parallel_loop3A_125:2 = scf.for %parallel_loop3A_557 = %parallel_loop3A_122 to %parallel_loop3A_123 step %parallel_loop3A_124 iter_args(%parallel_loop3A_558 = %broadcast_in_dim3A_121, %parallel_loop3A_559 = %broadcast_in_dim3A_121) -> (vector<16xf32>, vector<16xf32>)  : i32 {
      %parallel_loop3A_560 = vector.broadcast %parallel_loop3A_557 : i32 to vector<16xi32>
      %parallel_loop3A_561 = arith.addi %iota3A, %parallel_loop3A_560 : vector<16xi32>
      %parallel_loop3A_562 = arith.constant 127 : i32
      %parallel_loop3A_563 = vector.broadcast %parallel_loop3A_562 : i32 to vector<16xi32>
      %parallel_loop3A_564 = arith.andi %parallel_loop3A_561, %parallel_loop3A_563 : vector<16xi32>
      %parallel_loop3A_565 = vector.broadcast %parallel_loop3A_557 : i32 to vector<16xi32>
      %parallel_loop3A_566 = arith.addi %iota3A, %parallel_loop3A_565 : vector<16xi32>
      %parallel_loop3A_567 = arith.constant 1 : i32
      %parallel_loop3A_568 = vector.broadcast %parallel_loop3A_567 : i32 to vector<16xi32>
      %parallel_loop3A_569 = arith.addi %parallel_loop3A_566, %parallel_loop3A_568 : vector<16xi32>
      %parallel_loop3A_570 = arith.constant 127 : i32
      %parallel_loop3A_571 = vector.broadcast %parallel_loop3A_570 : i32 to vector<16xi32>
      %parallel_loop3A_572 = arith.andi %parallel_loop3A_569, %parallel_loop3A_571 : vector<16xi32>
      %parallel_loop3A_573 = tpu.vector_load_idx %arg9[%add3A_119, %parallel_loop3A_564] : memref<128x128xf32, #tpu.memory_space<vmem>>[vector<16xi32>, vector<16xi32>], vector<16xf32>,
      %parallel_loop3A_574 = tpu.vector_load_idx %arg10[%add3A_119, %parallel_loop3A_564] : memref<128x128xf32, #tpu.memory_space<vmem>>[vector<16xi32>, vector<16xi32>], vector<16xf32>,
      %parallel_loop3A_575 = arith.mulf %parallel_loop3A_573, %parallel_loop3A_574 : vector<16xf32>
      %parallel_loop3A_576 = arith.addf %parallel_loop3A_558, %parallel_loop3A_575 : vector<16xf32>
      %parallel_loop3A_577 = tpu.vector_load_idx %arg9[%add3A_119, %parallel_loop3A_572] : memref<128x128xf32, #tpu.memory_space<vmem>>[vector<16xi32>, vector<16xi32>], vector<16xf32>,
      %parallel_loop3A_578 = tpu.vector_load_idx %arg10[%add3A_119, %parallel_loop3A_572] : memref<128x128xf32, #tpu.memory_space<vmem>>[vector<16xi32>, vector<16xi32>], vector<16xf32>,
      %parallel_loop3A_579 = arith.mulf %parallel_loop3A_577, %parallel_loop3A_578 : vector<16xf32>
      %parallel_loop3A_580 = arith.addf %parallel_loop3A_559, %parallel_loop3A_579 : vector<16xf32>
      scf.yield %parallel_loop3A_576, %parallel_loop3A_580 : vector<16xf32>, vector<16xf32>
    } {sc.loop_unroll_factor = 4 : i64, sc.parallel_access}
    %add3A_126 = arith.addf %parallel_loop3A_125#0, %parallel_loop3A_125#1 : vector<16xf32>
    %get3A_127 = arith.constant 96 : index
    %get3A_128 = tpu.vector_load %arg13[%get3A_127] {strides = array<i32>} : memref<512xf32, #tpu.memory_space<vmem>>, vector<16xf32>,
    %mul3A_129 = arith.mulf %add3A_126, %get3A_128 : vector<16xf32>
    %swap3A_130 = arith.constant 96 : index
    %swap3A_131 = tpu.vector_load %arg14[%swap3A_130] {strides = array<i32>} : memref<512xf32, #tpu.memory_space<vmem>>, vector<16xf32>,
    tpu.vector_store %arg14[%swap3A_130], %mul3A_129 {strides = array<i32>} : memref<512xf32, #tpu.memory_space<vmem>>, vector<16xf32>,
    %add3A_132 = arith.constant 112 : i32
    %add3A_133 = vector.broadcast %add3A_132 : i32 to vector<16xi32>
    %add3A_134 = arith.addi %iota3A, %add3A_133 : vector<16xi32>
    %broadcast_in_dim3A_135 = arith.constant 0.000000e+00 : f32
    %broadcast_in_dim3A_136 = vector.broadcast %broadcast_in_dim3A_135 : f32 to vector<16xf32>
    %parallel_loop3A_137 = arith.constant 0 : i32
    %parallel_loop3A_138 = arith.constant 128 : i32
    %parallel_loop3A_139 = arith.constant 2 : i32
    %parallel_loop3A_140:2 = scf.for %parallel_loop3A_557 = %parallel_loop3A_137 to %parallel_loop3A_138 step %parallel_loop3A_139 iter_args(%parallel_loop3A_558 = %broadcast_in_dim3A_136, %parallel_loop3A_559 = %broadcast_in_dim3A_136) -> (vector<16xf32>, vector<16xf32>)  : i32 {
      %parallel_loop3A_560 = vector.broadcast %parallel_loop3A_557 : i32 to vector<16xi32>
      %parallel_loop3A_561 = arith.addi %iota3A, %parallel_loop3A_560 : vector<16xi32>
      %parallel_loop3A_562 = arith.constant 127 : i32
      %parallel_loop3A_563 = vector.broadcast %parallel_loop3A_562 : i32 to vector<16xi32>
      %parallel_loop3A_564 = arith.andi %parallel_loop3A_561, %parallel_loop3A_563 : vector<16xi32>
      %parallel_loop3A_565 = vector.broadcast %parallel_loop3A_557 : i32 to vector<16xi32>
      %parallel_loop3A_566 = arith.addi %iota3A, %parallel_loop3A_565 : vector<16xi32>
      %parallel_loop3A_567 = arith.constant 1 : i32
      %parallel_loop3A_568 = vector.broadcast %parallel_loop3A_567 : i32 to vector<16xi32>
      %parallel_loop3A_569 = arith.addi %parallel_loop3A_566, %parallel_loop3A_568 : vector<16xi32>
      %parallel_loop3A_570 = arith.constant 127 : i32
      %parallel_loop3A_571 = vector.broadcast %parallel_loop3A_570 : i32 to vector<16xi32>
      %parallel_loop3A_572 = arith.andi %parallel_loop3A_569, %parallel_loop3A_571 : vector<16xi32>
      %parallel_loop3A_573 = tpu.vector_load_idx %arg9[%add3A_134, %parallel_loop3A_564] : memref<128x128xf32, #tpu.memory_space<vmem>>[vector<16xi32>, vector<16xi32>], vector<16xf32>,
      %parallel_loop3A_574 = tpu.vector_load_idx %arg10[%add3A_134, %parallel_loop3A_564] : memref<128x128xf32, #tpu.memory_space<vmem>>[vector<16xi32>, vector<16xi32>], vector<16xf32>,
      %parallel_loop3A_575 = arith.mulf %parallel_loop3A_573, %parallel_loop3A_574 : vector<16xf32>
      %parallel_loop3A_576 = arith.addf %parallel_loop3A_558, %parallel_loop3A_575 : vector<16xf32>
      %parallel_loop3A_577 = tpu.vector_load_idx %arg9[%add3A_134, %parallel_loop3A_572] : memref<128x128xf32, #tpu.memory_space<vmem>>[vector<16xi32>, vector<16xi32>], vector<16xf32>,
      %parallel_loop3A_578 = tpu.vector_load_idx %arg10[%add3A_134, %parallel_loop3A_572] : memref<128x128xf32, #tpu.memory_space<vmem>>[vector<16xi32>, vector<16xi32>], vector<16xf32>,
      %parallel_loop3A_579 = arith.mulf %parallel_loop3A_577, %parallel_loop3A_578 : vector<16xf32>
      %parallel_loop3A_580 = arith.addf %parallel_loop3A_559, %parallel_loop3A_579 : vector<16xf32>
      scf.yield %parallel_loop3A_576, %parallel_loop3A_580 : vector<16xf32>, vector<16xf32>
    } {sc.loop_unroll_factor = 4 : i64, sc.parallel_access}
    %add3A_141 = arith.addf %parallel_loop3A_140#0, %parallel_loop3A_140#1 : vector<16xf32>
    %get3A_142 = arith.constant 112 : index
    %get3A_143 = tpu.vector_load %arg13[%get3A_142] {strides = array<i32>} : memref<512xf32, #tpu.memory_space<vmem>>, vector<16xf32>,
    %mul3A_144 = arith.mulf %add3A_141, %get3A_143 : vector<16xf32>
    %swap3A_145 = arith.constant 112 : index
    %swap3A_146 = tpu.vector_load %arg14[%swap3A_145] {strides = array<i32>} : memref<512xf32, #tpu.memory_space<vmem>>, vector<16xf32>,
    tpu.vector_store %arg14[%swap3A_145], %mul3A_144 {strides = array<i32>} : memref<512xf32, #tpu.memory_space<vmem>>, vector<16xf32>,
    %dma_wait3A_147 = arith.constant 128 : i32
    %dma_wait3A_148 = tpu.memref_slice %arg7[%dma_wait3A_147] : memref<512xi32, #tpu.memory_space<vmem>> -> memref<128xi32, #tpu.memory_space<vmem>>
    %dma_wait3A_149 = arith.constant 0 : i32
    %dma_wait3A_150 = arith.constant 0 : i32
    %dma_wait3A_151 = tpu.memref_slice %arg2[%dma_wait3A_149, %dma_wait3A_150] : memref<100000x128xf32, #tpu.memory_space<hbm>> -> memref<100000x128xf32, #tpu.memory_space<hbm>>
    tpu.wait_indirect_dma semaphore(%arg16 : memref<!tpu.dma_semaphore, #tpu.memory_space<semaphore_mem>>) src(%dma_wait3A_151 : memref<100000x128xf32, #tpu.memory_space<hbm>>) dst(%arg11 : memref<128x128xf32, #tpu.memory_space<vmem>>)
    %dma_wait3A_152 = arith.constant 128 : i32
    %dma_wait3A_153 = tpu.memref_slice %arg8[%dma_wait3A_152] : memref<512xi32, #tpu.memory_space<vmem>> -> memref<128xi32, #tpu.memory_space<vmem>>
    %dma_wait3A_154 = arith.constant 0 : i32
    %dma_wait3A_155 = arith.constant 0 : i32
    %dma_wait3A_156 = tpu.memref_slice %arg2[%dma_wait3A_154, %dma_wait3A_155] : memref<100000x128xf32, #tpu.memory_space<hbm>> -> memref<100000x128xf32, #tpu.memory_space<hbm>>
    tpu.wait_indirect_dma semaphore(%arg16 : memref<!tpu.dma_semaphore, #tpu.memory_space<semaphore_mem>>) src(%dma_wait3A_156 : memref<100000x128xf32, #tpu.memory_space<hbm>>) dst(%arg12 : memref<128x128xf32, #tpu.memory_space<vmem>>)
    %dma_start3A_157 = arith.constant 256 : i32
    %dma_start3A_158 = tpu.memref_slice %arg7[%dma_start3A_157] : memref<512xi32, #tpu.memory_space<vmem>> -> memref<128xi32, #tpu.memory_space<vmem>>
    %dma_start3A_159 = arith.constant 0 : i32
    %dma_start3A_160 = arith.constant 0 : i32
    %dma_start3A_161 = tpu.memref_slice %arg2[%dma_start3A_159, %dma_start3A_160] : memref<100000x128xf32, #tpu.memory_space<hbm>> -> memref<100000x128xf32, #tpu.memory_space<hbm>>
    tpu.enqueue_indirect_dma source(%dma_start3A_161 : memref<100000x128xf32, #tpu.memory_space<hbm>>) target(%arg9 : memref<128x128xf32, #tpu.memory_space<vmem>>) offsets(%dma_start3A_158 : memref<128xi32, #tpu.memory_space<vmem>>) semaphore(%arg15 : memref<!tpu.dma_semaphore, #tpu.memory_space<semaphore_mem>>)
    %dma_start3A_162 = arith.constant 256 : i32
    %dma_start3A_163 = tpu.memref_slice %arg8[%dma_start3A_162] : memref<512xi32, #tpu.memory_space<vmem>> -> memref<128xi32, #tpu.memory_space<vmem>>
    %dma_start3A_164 = arith.constant 0 : i32
    %dma_start3A_165 = arith.constant 0 : i32
    %dma_start3A_166 = tpu.memref_slice %arg2[%dma_start3A_164, %dma_start3A_165] : memref<100000x128xf32, #tpu.memory_space<hbm>> -> memref<100000x128xf32, #tpu.memory_space<hbm>>
    tpu.enqueue_indirect_dma source(%dma_start3A_166 : memref<100000x128xf32, #tpu.memory_space<hbm>>) target(%arg10 : memref<128x128xf32, #tpu.memory_space<vmem>>) offsets(%dma_start3A_163 : memref<128xi32, #tpu.memory_space<vmem>>) semaphore(%arg15 : memref<!tpu.dma_semaphore, #tpu.memory_space<semaphore_mem>>)
    %add3A_167 = arith.constant 0 : i32
    %add3A_168 = vector.broadcast %add3A_167 : i32 to vector<16xi32>
    %add3A_169 = arith.addi %iota3A, %add3A_168 : vector<16xi32>
    %broadcast_in_dim3A_170 = arith.constant 0.000000e+00 : f32
    %broadcast_in_dim3A_171 = vector.broadcast %broadcast_in_dim3A_170 : f32 to vector<16xf32>
    %parallel_loop3A_172 = arith.constant 0 : i32
    %parallel_loop3A_173 = arith.constant 128 : i32
    %parallel_loop3A_174 = arith.constant 2 : i32
    %parallel_loop3A_175:2 = scf.for %parallel_loop3A_557 = %parallel_loop3A_172 to %parallel_loop3A_173 step %parallel_loop3A_174 iter_args(%parallel_loop3A_558 = %broadcast_in_dim3A_171, %parallel_loop3A_559 = %broadcast_in_dim3A_171) -> (vector<16xf32>, vector<16xf32>)  : i32 {
      %parallel_loop3A_560 = vector.broadcast %parallel_loop3A_557 : i32 to vector<16xi32>
      %parallel_loop3A_561 = arith.addi %iota3A, %parallel_loop3A_560 : vector<16xi32>
      %parallel_loop3A_562 = arith.constant 127 : i32
      %parallel_loop3A_563 = vector.broadcast %parallel_loop3A_562 : i32 to vector<16xi32>
      %parallel_loop3A_564 = arith.andi %parallel_loop3A_561, %parallel_loop3A_563 : vector<16xi32>
      %parallel_loop3A_565 = vector.broadcast %parallel_loop3A_557 : i32 to vector<16xi32>
      %parallel_loop3A_566 = arith.addi %iota3A, %parallel_loop3A_565 : vector<16xi32>
      %parallel_loop3A_567 = arith.constant 1 : i32
      %parallel_loop3A_568 = vector.broadcast %parallel_loop3A_567 : i32 to vector<16xi32>
      %parallel_loop3A_569 = arith.addi %parallel_loop3A_566, %parallel_loop3A_568 : vector<16xi32>
      %parallel_loop3A_570 = arith.constant 127 : i32
      %parallel_loop3A_571 = vector.broadcast %parallel_loop3A_570 : i32 to vector<16xi32>
      %parallel_loop3A_572 = arith.andi %parallel_loop3A_569, %parallel_loop3A_571 : vector<16xi32>
      %parallel_loop3A_573 = tpu.vector_load_idx %arg11[%add3A_169, %parallel_loop3A_564] : memref<128x128xf32, #tpu.memory_space<vmem>>[vector<16xi32>, vector<16xi32>], vector<16xf32>,
      %parallel_loop3A_574 = tpu.vector_load_idx %arg12[%add3A_169, %parallel_loop3A_564] : memref<128x128xf32, #tpu.memory_space<vmem>>[vector<16xi32>, vector<16xi32>], vector<16xf32>,
      %parallel_loop3A_575 = arith.mulf %parallel_loop3A_573, %parallel_loop3A_574 : vector<16xf32>
      %parallel_loop3A_576 = arith.addf %parallel_loop3A_558, %parallel_loop3A_575 : vector<16xf32>
      %parallel_loop3A_577 = tpu.vector_load_idx %arg11[%add3A_169, %parallel_loop3A_572] : memref<128x128xf32, #tpu.memory_space<vmem>>[vector<16xi32>, vector<16xi32>], vector<16xf32>,
      %parallel_loop3A_578 = tpu.vector_load_idx %arg12[%add3A_169, %parallel_loop3A_572] : memref<128x128xf32, #tpu.memory_space<vmem>>[vector<16xi32>, vector<16xi32>], vector<16xf32>,
      %parallel_loop3A_579 = arith.mulf %parallel_loop3A_577, %parallel_loop3A_578 : vector<16xf32>
      %parallel_loop3A_580 = arith.addf %parallel_loop3A_559, %parallel_loop3A_579 : vector<16xf32>
      scf.yield %parallel_loop3A_576, %parallel_loop3A_580 : vector<16xf32>, vector<16xf32>
    } {sc.loop_unroll_factor = 4 : i64, sc.parallel_access}
    %add3A_176 = arith.addf %parallel_loop3A_175#0, %parallel_loop3A_175#1 : vector<16xf32>
    %get3A_177 = arith.constant 128 : index
    %get3A_178 = tpu.vector_load %arg13[%get3A_177] {strides = array<i32>} : memref<512xf32, #tpu.memory_space<vmem>>, vector<16xf32>,
    %mul3A_179 = arith.mulf %add3A_176, %get3A_178 : vector<16xf32>
    %swap3A_180 = arith.constant 128 : index
    %swap3A_181 = tpu.vector_load %arg14[%swap3A_180] {strides = array<i32>} : memref<512xf32, #tpu.memory_space<vmem>>, vector<16xf32>,
    tpu.vector_store %arg14[%swap3A_180], %mul3A_179 {strides = array<i32>} : memref<512xf32, #tpu.memory_space<vmem>>, vector<16xf32>,
    %add3A_182 = arith.constant 16 : i32
    %add3A_183 = vector.broadcast %add3A_182 : i32 to vector<16xi32>
    %add3A_184 = arith.addi %iota3A, %add3A_183 : vector<16xi32>
    %broadcast_in_dim3A_185 = arith.constant 0.000000e+00 : f32
    %broadcast_in_dim3A_186 = vector.broadcast %broadcast_in_dim3A_185 : f32 to vector<16xf32>
    %parallel_loop3A_187 = arith.constant 0 : i32
    %parallel_loop3A_188 = arith.constant 128 : i32
    %parallel_loop3A_189 = arith.constant 2 : i32
    %parallel_loop3A_190:2 = scf.for %parallel_loop3A_557 = %parallel_loop3A_187 to %parallel_loop3A_188 step %parallel_loop3A_189 iter_args(%parallel_loop3A_558 = %broadcast_in_dim3A_186, %parallel_loop3A_559 = %broadcast_in_dim3A_186) -> (vector<16xf32>, vector<16xf32>)  : i32 {
      %parallel_loop3A_560 = vector.broadcast %parallel_loop3A_557 : i32 to vector<16xi32>
      %parallel_loop3A_561 = arith.addi %iota3A, %parallel_loop3A_560 : vector<16xi32>
      %parallel_loop3A_562 = arith.constant 127 : i32
      %parallel_loop3A_563 = vector.broadcast %parallel_loop3A_562 : i32 to vector<16xi32>
      %parallel_loop3A_564 = arith.andi %parallel_loop3A_561, %parallel_loop3A_563 : vector<16xi32>
      %parallel_loop3A_565 = vector.broadcast %parallel_loop3A_557 : i32 to vector<16xi32>
      %parallel_loop3A_566 = arith.addi %iota3A, %parallel_loop3A_565 : vector<16xi32>
      %parallel_loop3A_567 = arith.constant 1 : i32
      %parallel_loop3A_568 = vector.broadcast %parallel_loop3A_567 : i32 to vector<16xi32>
      %parallel_loop3A_569 = arith.addi %parallel_loop3A_566, %parallel_loop3A_568 : vector<16xi32>
      %parallel_loop3A_570 = arith.constant 127 : i32
      %parallel_loop3A_571 = vector.broadcast %parallel_loop3A_570 : i32 to vector<16xi32>
      %parallel_loop3A_572 = arith.andi %parallel_loop3A_569, %parallel_loop3A_571 : vector<16xi32>
      %parallel_loop3A_573 = tpu.vector_load_idx %arg11[%add3A_184, %parallel_loop3A_564] : memref<128x128xf32, #tpu.memory_space<vmem>>[vector<16xi32>, vector<16xi32>], vector<16xf32>,
      %parallel_loop3A_574 = tpu.vector_load_idx %arg12[%add3A_184, %parallel_loop3A_564] : memref<128x128xf32, #tpu.memory_space<vmem>>[vector<16xi32>, vector<16xi32>], vector<16xf32>,
      %parallel_loop3A_575 = arith.mulf %parallel_loop3A_573, %parallel_loop3A_574 : vector<16xf32>
      %parallel_loop3A_576 = arith.addf %parallel_loop3A_558, %parallel_loop3A_575 : vector<16xf32>
      %parallel_loop3A_577 = tpu.vector_load_idx %arg11[%add3A_184, %parallel_loop3A_572] : memref<128x128xf32, #tpu.memory_space<vmem>>[vector<16xi32>, vector<16xi32>], vector<16xf32>,
      %parallel_loop3A_578 = tpu.vector_load_idx %arg12[%add3A_184, %parallel_loop3A_572] : memref<128x128xf32, #tpu.memory_space<vmem>>[vector<16xi32>, vector<16xi32>], vector<16xf32>,
      %parallel_loop3A_579 = arith.mulf %parallel_loop3A_577, %parallel_loop3A_578 : vector<16xf32>
      %parallel_loop3A_580 = arith.addf %parallel_loop3A_559, %parallel_loop3A_579 : vector<16xf32>
      scf.yield %parallel_loop3A_576, %parallel_loop3A_580 : vector<16xf32>, vector<16xf32>
    } {sc.loop_unroll_factor = 4 : i64, sc.parallel_access}
    %add3A_191 = arith.addf %parallel_loop3A_190#0, %parallel_loop3A_190#1 : vector<16xf32>
    %get3A_192 = arith.constant 144 : index
    %get3A_193 = tpu.vector_load %arg13[%get3A_192] {strides = array<i32>} : memref<512xf32, #tpu.memory_space<vmem>>, vector<16xf32>,
    %mul3A_194 = arith.mulf %add3A_191, %get3A_193 : vector<16xf32>
    %swap3A_195 = arith.constant 144 : index
    %swap3A_196 = tpu.vector_load %arg14[%swap3A_195] {strides = array<i32>} : memref<512xf32, #tpu.memory_space<vmem>>, vector<16xf32>,
    tpu.vector_store %arg14[%swap3A_195], %mul3A_194 {strides = array<i32>} : memref<512xf32, #tpu.memory_space<vmem>>, vector<16xf32>,
    %add3A_197 = arith.constant 32 : i32
    %add3A_198 = vector.broadcast %add3A_197 : i32 to vector<16xi32>
    %add3A_199 = arith.addi %iota3A, %add3A_198 : vector<16xi32>
    %broadcast_in_dim3A_200 = arith.constant 0.000000e+00 : f32
    %broadcast_in_dim3A_201 = vector.broadcast %broadcast_in_dim3A_200 : f32 to vector<16xf32>
    %parallel_loop3A_202 = arith.constant 0 : i32
    %parallel_loop3A_203 = arith.constant 128 : i32
    %parallel_loop3A_204 = arith.constant 2 : i32
    %parallel_loop3A_205:2 = scf.for %parallel_loop3A_557 = %parallel_loop3A_202 to %parallel_loop3A_203 step %parallel_loop3A_204 iter_args(%parallel_loop3A_558 = %broadcast_in_dim3A_201, %parallel_loop3A_559 = %broadcast_in_dim3A_201) -> (vector<16xf32>, vector<16xf32>)  : i32 {
      %parallel_loop3A_560 = vector.broadcast %parallel_loop3A_557 : i32 to vector<16xi32>
      %parallel_loop3A_561 = arith.addi %iota3A, %parallel_loop3A_560 : vector<16xi32>
      %parallel_loop3A_562 = arith.constant 127 : i32
      %parallel_loop3A_563 = vector.broadcast %parallel_loop3A_562 : i32 to vector<16xi32>
      %parallel_loop3A_564 = arith.andi %parallel_loop3A_561, %parallel_loop3A_563 : vector<16xi32>
      %parallel_loop3A_565 = vector.broadcast %parallel_loop3A_557 : i32 to vector<16xi32>
      %parallel_loop3A_566 = arith.addi %iota3A, %parallel_loop3A_565 : vector<16xi32>
      %parallel_loop3A_567 = arith.constant 1 : i32
      %parallel_loop3A_568 = vector.broadcast %parallel_loop3A_567 : i32 to vector<16xi32>
      %parallel_loop3A_569 = arith.addi %parallel_loop3A_566, %parallel_loop3A_568 : vector<16xi32>
      %parallel_loop3A_570 = arith.constant 127 : i32
      %parallel_loop3A_571 = vector.broadcast %parallel_loop3A_570 : i32 to vector<16xi32>
      %parallel_loop3A_572 = arith.andi %parallel_loop3A_569, %parallel_loop3A_571 : vector<16xi32>
      %parallel_loop3A_573 = tpu.vector_load_idx %arg11[%add3A_199, %parallel_loop3A_564] : memref<128x128xf32, #tpu.memory_space<vmem>>[vector<16xi32>, vector<16xi32>], vector<16xf32>,
      %parallel_loop3A_574 = tpu.vector_load_idx %arg12[%add3A_199, %parallel_loop3A_564] : memref<128x128xf32, #tpu.memory_space<vmem>>[vector<16xi32>, vector<16xi32>], vector<16xf32>,
      %parallel_loop3A_575 = arith.mulf %parallel_loop3A_573, %parallel_loop3A_574 : vector<16xf32>
      %parallel_loop3A_576 = arith.addf %parallel_loop3A_558, %parallel_loop3A_575 : vector<16xf32>
      %parallel_loop3A_577 = tpu.vector_load_idx %arg11[%add3A_199, %parallel_loop3A_572] : memref<128x128xf32, #tpu.memory_space<vmem>>[vector<16xi32>, vector<16xi32>], vector<16xf32>,
      %parallel_loop3A_578 = tpu.vector_load_idx %arg12[%add3A_199, %parallel_loop3A_572] : memref<128x128xf32, #tpu.memory_space<vmem>>[vector<16xi32>, vector<16xi32>], vector<16xf32>,
      %parallel_loop3A_579 = arith.mulf %parallel_loop3A_577, %parallel_loop3A_578 : vector<16xf32>
      %parallel_loop3A_580 = arith.addf %parallel_loop3A_559, %parallel_loop3A_579 : vector<16xf32>
      scf.yield %parallel_loop3A_576, %parallel_loop3A_580 : vector<16xf32>, vector<16xf32>
    } {sc.loop_unroll_factor = 4 : i64, sc.parallel_access}
    %add3A_206 = arith.addf %parallel_loop3A_205#0, %parallel_loop3A_205#1 : vector<16xf32>
    %get3A_207 = arith.constant 160 : index
    %get3A_208 = tpu.vector_load %arg13[%get3A_207] {strides = array<i32>} : memref<512xf32, #tpu.memory_space<vmem>>, vector<16xf32>,
    %mul3A_209 = arith.mulf %add3A_206, %get3A_208 : vector<16xf32>
    %swap3A_210 = arith.constant 160 : index
    %swap3A_211 = tpu.vector_load %arg14[%swap3A_210] {strides = array<i32>} : memref<512xf32, #tpu.memory_space<vmem>>, vector<16xf32>,
    tpu.vector_store %arg14[%swap3A_210], %mul3A_209 {strides = array<i32>} : memref<512xf32, #tpu.memory_space<vmem>>, vector<16xf32>,
    %add3A_212 = arith.constant 48 : i32
    %add3A_213 = vector.broadcast %add3A_212 : i32 to vector<16xi32>
    %add3A_214 = arith.addi %iota3A, %add3A_213 : vector<16xi32>
    %broadcast_in_dim3A_215 = arith.constant 0.000000e+00 : f32
    %broadcast_in_dim3A_216 = vector.broadcast %broadcast_in_dim3A_215 : f32 to vector<16xf32>
    %parallel_loop3A_217 = arith.constant 0 : i32
    %parallel_loop3A_218 = arith.constant 128 : i32
    %parallel_loop3A_219 = arith.constant 2 : i32
    %parallel_loop3A_220:2 = scf.for %parallel_loop3A_557 = %parallel_loop3A_217 to %parallel_loop3A_218 step %parallel_loop3A_219 iter_args(%parallel_loop3A_558 = %broadcast_in_dim3A_216, %parallel_loop3A_559 = %broadcast_in_dim3A_216) -> (vector<16xf32>, vector<16xf32>)  : i32 {
      %parallel_loop3A_560 = vector.broadcast %parallel_loop3A_557 : i32 to vector<16xi32>
      %parallel_loop3A_561 = arith.addi %iota3A, %parallel_loop3A_560 : vector<16xi32>
      %parallel_loop3A_562 = arith.constant 127 : i32
      %parallel_loop3A_563 = vector.broadcast %parallel_loop3A_562 : i32 to vector<16xi32>
      %parallel_loop3A_564 = arith.andi %parallel_loop3A_561, %parallel_loop3A_563 : vector<16xi32>
      %parallel_loop3A_565 = vector.broadcast %parallel_loop3A_557 : i32 to vector<16xi32>
      %parallel_loop3A_566 = arith.addi %iota3A, %parallel_loop3A_565 : vector<16xi32>
      %parallel_loop3A_567 = arith.constant 1 : i32
      %parallel_loop3A_568 = vector.broadcast %parallel_loop3A_567 : i32 to vector<16xi32>
      %parallel_loop3A_569 = arith.addi %parallel_loop3A_566, %parallel_loop3A_568 : vector<16xi32>
      %parallel_loop3A_570 = arith.constant 127 : i32
      %parallel_loop3A_571 = vector.broadcast %parallel_loop3A_570 : i32 to vector<16xi32>
      %parallel_loop3A_572 = arith.andi %parallel_loop3A_569, %parallel_loop3A_571 : vector<16xi32>
      %parallel_loop3A_573 = tpu.vector_load_idx %arg11[%add3A_214, %parallel_loop3A_564] : memref<128x128xf32, #tpu.memory_space<vmem>>[vector<16xi32>, vector<16xi32>], vector<16xf32>,
      %parallel_loop3A_574 = tpu.vector_load_idx %arg12[%add3A_214, %parallel_loop3A_564] : memref<128x128xf32, #tpu.memory_space<vmem>>[vector<16xi32>, vector<16xi32>], vector<16xf32>,
      %parallel_loop3A_575 = arith.mulf %parallel_loop3A_573, %parallel_loop3A_574 : vector<16xf32>
      %parallel_loop3A_576 = arith.addf %parallel_loop3A_558, %parallel_loop3A_575 : vector<16xf32>
      %parallel_loop3A_577 = tpu.vector_load_idx %arg11[%add3A_214, %parallel_loop3A_572] : memref<128x128xf32, #tpu.memory_space<vmem>>[vector<16xi32>, vector<16xi32>], vector<16xf32>,
      %parallel_loop3A_578 = tpu.vector_load_idx %arg12[%add3A_214, %parallel_loop3A_572] : memref<128x128xf32, #tpu.memory_space<vmem>>[vector<16xi32>, vector<16xi32>], vector<16xf32>,
      %parallel_loop3A_579 = arith.mulf %parallel_loop3A_577, %parallel_loop3A_578 : vector<16xf32>
      %parallel_loop3A_580 = arith.addf %parallel_loop3A_559, %parallel_loop3A_579 : vector<16xf32>
      scf.yield %parallel_loop3A_576, %parallel_loop3A_580 : vector<16xf32>, vector<16xf32>
    } {sc.loop_unroll_factor = 4 : i64, sc.parallel_access}
    %add3A_221 = arith.addf %parallel_loop3A_220#0, %parallel_loop3A_220#1 : vector<16xf32>
    %get3A_222 = arith.constant 176 : index
    %get3A_223 = tpu.vector_load %arg13[%get3A_222] {strides = array<i32>} : memref<512xf32, #tpu.memory_space<vmem>>, vector<16xf32>,
    %mul3A_224 = arith.mulf %add3A_221, %get3A_223 : vector<16xf32>
    %swap3A_225 = arith.constant 176 : index
    %swap3A_226 = tpu.vector_load %arg14[%swap3A_225] {strides = array<i32>} : memref<512xf32, #tpu.memory_space<vmem>>, vector<16xf32>,
    tpu.vector_store %arg14[%swap3A_225], %mul3A_224 {strides = array<i32>} : memref<512xf32, #tpu.memory_space<vmem>>, vector<16xf32>,
    %add3A_227 = arith.constant 64 : i32
    %add3A_228 = vector.broadcast %add3A_227 : i32 to vector<16xi32>
    %add3A_229 = arith.addi %iota3A, %add3A_228 : vector<16xi32>
    %broadcast_in_dim3A_230 = arith.constant 0.000000e+00 : f32
    %broadcast_in_dim3A_231 = vector.broadcast %broadcast_in_dim3A_230 : f32 to vector<16xf32>
    %parallel_loop3A_232 = arith.constant 0 : i32
    %parallel_loop3A_233 = arith.constant 128 : i32
    %parallel_loop3A_234 = arith.constant 2 : i32
    %parallel_loop3A_235:2 = scf.for %parallel_loop3A_557 = %parallel_loop3A_232 to %parallel_loop3A_233 step %parallel_loop3A_234 iter_args(%parallel_loop3A_558 = %broadcast_in_dim3A_231, %parallel_loop3A_559 = %broadcast_in_dim3A_231) -> (vector<16xf32>, vector<16xf32>)  : i32 {
      %parallel_loop3A_560 = vector.broadcast %parallel_loop3A_557 : i32 to vector<16xi32>
      %parallel_loop3A_561 = arith.addi %iota3A, %parallel_loop3A_560 : vector<16xi32>
      %parallel_loop3A_562 = arith.constant 127 : i32
      %parallel_loop3A_563 = vector.broadcast %parallel_loop3A_562 : i32 to vector<16xi32>
      %parallel_loop3A_564 = arith.andi %parallel_loop3A_561, %parallel_loop3A_563 : vector<16xi32>
      %parallel_loop3A_565 = vector.broadcast %parallel_loop3A_557 : i32 to vector<16xi32>
      %parallel_loop3A_566 = arith.addi %iota3A, %parallel_loop3A_565 : vector<16xi32>
      %parallel_loop3A_567 = arith.constant 1 : i32
      %parallel_loop3A_568 = vector.broadcast %parallel_loop3A_567 : i32 to vector<16xi32>
      %parallel_loop3A_569 = arith.addi %parallel_loop3A_566, %parallel_loop3A_568 : vector<16xi32>
      %parallel_loop3A_570 = arith.constant 127 : i32
      %parallel_loop3A_571 = vector.broadcast %parallel_loop3A_570 : i32 to vector<16xi32>
      %parallel_loop3A_572 = arith.andi %parallel_loop3A_569, %parallel_loop3A_571 : vector<16xi32>
      %parallel_loop3A_573 = tpu.vector_load_idx %arg11[%add3A_229, %parallel_loop3A_564] : memref<128x128xf32, #tpu.memory_space<vmem>>[vector<16xi32>, vector<16xi32>], vector<16xf32>,
      %parallel_loop3A_574 = tpu.vector_load_idx %arg12[%add3A_229, %parallel_loop3A_564] : memref<128x128xf32, #tpu.memory_space<vmem>>[vector<16xi32>, vector<16xi32>], vector<16xf32>,
      %parallel_loop3A_575 = arith.mulf %parallel_loop3A_573, %parallel_loop3A_574 : vector<16xf32>
      %parallel_loop3A_576 = arith.addf %parallel_loop3A_558, %parallel_loop3A_575 : vector<16xf32>
      %parallel_loop3A_577 = tpu.vector_load_idx %arg11[%add3A_229, %parallel_loop3A_572] : memref<128x128xf32, #tpu.memory_space<vmem>>[vector<16xi32>, vector<16xi32>], vector<16xf32>,
      %parallel_loop3A_578 = tpu.vector_load_idx %arg12[%add3A_229, %parallel_loop3A_572] : memref<128x128xf32, #tpu.memory_space<vmem>>[vector<16xi32>, vector<16xi32>], vector<16xf32>,
      %parallel_loop3A_579 = arith.mulf %parallel_loop3A_577, %parallel_loop3A_578 : vector<16xf32>
      %parallel_loop3A_580 = arith.addf %parallel_loop3A_559, %parallel_loop3A_579 : vector<16xf32>
      scf.yield %parallel_loop3A_576, %parallel_loop3A_580 : vector<16xf32>, vector<16xf32>
    } {sc.loop_unroll_factor = 4 : i64, sc.parallel_access}
    %add3A_236 = arith.addf %parallel_loop3A_235#0, %parallel_loop3A_235#1 : vector<16xf32>
    %get3A_237 = arith.constant 192 : index
    %get3A_238 = tpu.vector_load %arg13[%get3A_237] {strides = array<i32>} : memref<512xf32, #tpu.memory_space<vmem>>, vector<16xf32>,
    %mul3A_239 = arith.mulf %add3A_236, %get3A_238 : vector<16xf32>
    %swap3A_240 = arith.constant 192 : index
    %swap3A_241 = tpu.vector_load %arg14[%swap3A_240] {strides = array<i32>} : memref<512xf32, #tpu.memory_space<vmem>>, vector<16xf32>,
    tpu.vector_store %arg14[%swap3A_240], %mul3A_239 {strides = array<i32>} : memref<512xf32, #tpu.memory_space<vmem>>, vector<16xf32>,
    %add3A_242 = arith.constant 80 : i32
    %add3A_243 = vector.broadcast %add3A_242 : i32 to vector<16xi32>
    %add3A_244 = arith.addi %iota3A, %add3A_243 : vector<16xi32>
    %broadcast_in_dim3A_245 = arith.constant 0.000000e+00 : f32
    %broadcast_in_dim3A_246 = vector.broadcast %broadcast_in_dim3A_245 : f32 to vector<16xf32>
    %parallel_loop3A_247 = arith.constant 0 : i32
    %parallel_loop3A_248 = arith.constant 128 : i32
    %parallel_loop3A_249 = arith.constant 2 : i32
    %parallel_loop3A_250:2 = scf.for %parallel_loop3A_557 = %parallel_loop3A_247 to %parallel_loop3A_248 step %parallel_loop3A_249 iter_args(%parallel_loop3A_558 = %broadcast_in_dim3A_246, %parallel_loop3A_559 = %broadcast_in_dim3A_246) -> (vector<16xf32>, vector<16xf32>)  : i32 {
      %parallel_loop3A_560 = vector.broadcast %parallel_loop3A_557 : i32 to vector<16xi32>
      %parallel_loop3A_561 = arith.addi %iota3A, %parallel_loop3A_560 : vector<16xi32>
      %parallel_loop3A_562 = arith.constant 127 : i32
      %parallel_loop3A_563 = vector.broadcast %parallel_loop3A_562 : i32 to vector<16xi32>
      %parallel_loop3A_564 = arith.andi %parallel_loop3A_561, %parallel_loop3A_563 : vector<16xi32>
      %parallel_loop3A_565 = vector.broadcast %parallel_loop3A_557 : i32 to vector<16xi32>
      %parallel_loop3A_566 = arith.addi %iota3A, %parallel_loop3A_565 : vector<16xi32>
      %parallel_loop3A_567 = arith.constant 1 : i32
      %parallel_loop3A_568 = vector.broadcast %parallel_loop3A_567 : i32 to vector<16xi32>
      %parallel_loop3A_569 = arith.addi %parallel_loop3A_566, %parallel_loop3A_568 : vector<16xi32>
      %parallel_loop3A_570 = arith.constant 127 : i32
      %parallel_loop3A_571 = vector.broadcast %parallel_loop3A_570 : i32 to vector<16xi32>
      %parallel_loop3A_572 = arith.andi %parallel_loop3A_569, %parallel_loop3A_571 : vector<16xi32>
      %parallel_loop3A_573 = tpu.vector_load_idx %arg11[%add3A_244, %parallel_loop3A_564] : memref<128x128xf32, #tpu.memory_space<vmem>>[vector<16xi32>, vector<16xi32>], vector<16xf32>,
      %parallel_loop3A_574 = tpu.vector_load_idx %arg12[%add3A_244, %parallel_loop3A_564] : memref<128x128xf32, #tpu.memory_space<vmem>>[vector<16xi32>, vector<16xi32>], vector<16xf32>,
      %parallel_loop3A_575 = arith.mulf %parallel_loop3A_573, %parallel_loop3A_574 : vector<16xf32>
      %parallel_loop3A_576 = arith.addf %parallel_loop3A_558, %parallel_loop3A_575 : vector<16xf32>
      %parallel_loop3A_577 = tpu.vector_load_idx %arg11[%add3A_244, %parallel_loop3A_572] : memref<128x128xf32, #tpu.memory_space<vmem>>[vector<16xi32>, vector<16xi32>], vector<16xf32>,
      %parallel_loop3A_578 = tpu.vector_load_idx %arg12[%add3A_244, %parallel_loop3A_572] : memref<128x128xf32, #tpu.memory_space<vmem>>[vector<16xi32>, vector<16xi32>], vector<16xf32>,
      %parallel_loop3A_579 = arith.mulf %parallel_loop3A_577, %parallel_loop3A_578 : vector<16xf32>
      %parallel_loop3A_580 = arith.addf %parallel_loop3A_559, %parallel_loop3A_579 : vector<16xf32>
      scf.yield %parallel_loop3A_576, %parallel_loop3A_580 : vector<16xf32>, vector<16xf32>
    } {sc.loop_unroll_factor = 4 : i64, sc.parallel_access}
    %add3A_251 = arith.addf %parallel_loop3A_250#0, %parallel_loop3A_250#1 : vector<16xf32>
    %get3A_252 = arith.constant 208 : index
    %get3A_253 = tpu.vector_load %arg13[%get3A_252] {strides = array<i32>} : memref<512xf32, #tpu.memory_space<vmem>>, vector<16xf32>,
    %mul3A_254 = arith.mulf %add3A_251, %get3A_253 : vector<16xf32>
    %swap3A_255 = arith.constant 208 : index
    %swap3A_256 = tpu.vector_load %arg14[%swap3A_255] {strides = array<i32>} : memref<512xf32, #tpu.memory_space<vmem>>, vector<16xf32>,
    tpu.vector_store %arg14[%swap3A_255], %mul3A_254 {strides = array<i32>} : memref<512xf32, #tpu.memory_space<vmem>>, vector<16xf32>,
    %add3A_257 = arith.constant 96 : i32
    %add3A_258 = vector.broadcast %add3A_257 : i32 to vector<16xi32>
    %add3A_259 = arith.addi %iota3A, %add3A_258 : vector<16xi32>
    %broadcast_in_dim3A_260 = arith.constant 0.000000e+00 : f32
    %broadcast_in_dim3A_261 = vector.broadcast %broadcast_in_dim3A_260 : f32 to vector<16xf32>
    %parallel_loop3A_262 = arith.constant 0 : i32
    %parallel_loop3A_263 = arith.constant 128 : i32
    %parallel_loop3A_264 = arith.constant 2 : i32
    %parallel_loop3A_265:2 = scf.for %parallel_loop3A_557 = %parallel_loop3A_262 to %parallel_loop3A_263 step %parallel_loop3A_264 iter_args(%parallel_loop3A_558 = %broadcast_in_dim3A_261, %parallel_loop3A_559 = %broadcast_in_dim3A_261) -> (vector<16xf32>, vector<16xf32>)  : i32 {
      %parallel_loop3A_560 = vector.broadcast %parallel_loop3A_557 : i32 to vector<16xi32>
      %parallel_loop3A_561 = arith.addi %iota3A, %parallel_loop3A_560 : vector<16xi32>
      %parallel_loop3A_562 = arith.constant 127 : i32
      %parallel_loop3A_563 = vector.broadcast %parallel_loop3A_562 : i32 to vector<16xi32>
      %parallel_loop3A_564 = arith.andi %parallel_loop3A_561, %parallel_loop3A_563 : vector<16xi32>
      %parallel_loop3A_565 = vector.broadcast %parallel_loop3A_557 : i32 to vector<16xi32>
      %parallel_loop3A_566 = arith.addi %iota3A, %parallel_loop3A_565 : vector<16xi32>
      %parallel_loop3A_567 = arith.constant 1 : i32
      %parallel_loop3A_568 = vector.broadcast %parallel_loop3A_567 : i32 to vector<16xi32>
      %parallel_loop3A_569 = arith.addi %parallel_loop3A_566, %parallel_loop3A_568 : vector<16xi32>
      %parallel_loop3A_570 = arith.constant 127 : i32
      %parallel_loop3A_571 = vector.broadcast %parallel_loop3A_570 : i32 to vector<16xi32>
      %parallel_loop3A_572 = arith.andi %parallel_loop3A_569, %parallel_loop3A_571 : vector<16xi32>
      %parallel_loop3A_573 = tpu.vector_load_idx %arg11[%add3A_259, %parallel_loop3A_564] : memref<128x128xf32, #tpu.memory_space<vmem>>[vector<16xi32>, vector<16xi32>], vector<16xf32>,
      %parallel_loop3A_574 = tpu.vector_load_idx %arg12[%add3A_259, %parallel_loop3A_564] : memref<128x128xf32, #tpu.memory_space<vmem>>[vector<16xi32>, vector<16xi32>], vector<16xf32>,
      %parallel_loop3A_575 = arith.mulf %parallel_loop3A_573, %parallel_loop3A_574 : vector<16xf32>
      %parallel_loop3A_576 = arith.addf %parallel_loop3A_558, %parallel_loop3A_575 : vector<16xf32>
      %parallel_loop3A_577 = tpu.vector_load_idx %arg11[%add3A_259, %parallel_loop3A_572] : memref<128x128xf32, #tpu.memory_space<vmem>>[vector<16xi32>, vector<16xi32>], vector<16xf32>,
      %parallel_loop3A_578 = tpu.vector_load_idx %arg12[%add3A_259, %parallel_loop3A_572] : memref<128x128xf32, #tpu.memory_space<vmem>>[vector<16xi32>, vector<16xi32>], vector<16xf32>,
      %parallel_loop3A_579 = arith.mulf %parallel_loop3A_577, %parallel_loop3A_578 : vector<16xf32>
      %parallel_loop3A_580 = arith.addf %parallel_loop3A_559, %parallel_loop3A_579 : vector<16xf32>
      scf.yield %parallel_loop3A_576, %parallel_loop3A_580 : vector<16xf32>, vector<16xf32>
    } {sc.loop_unroll_factor = 4 : i64, sc.parallel_access}
    %add3A_266 = arith.addf %parallel_loop3A_265#0, %parallel_loop3A_265#1 : vector<16xf32>
    %get3A_267 = arith.constant 224 : index
    %get3A_268 = tpu.vector_load %arg13[%get3A_267] {strides = array<i32>} : memref<512xf32, #tpu.memory_space<vmem>>, vector<16xf32>,
    %mul3A_269 = arith.mulf %add3A_266, %get3A_268 : vector<16xf32>
    %swap3A_270 = arith.constant 224 : index
    %swap3A_271 = tpu.vector_load %arg14[%swap3A_270] {strides = array<i32>} : memref<512xf32, #tpu.memory_space<vmem>>, vector<16xf32>,
    tpu.vector_store %arg14[%swap3A_270], %mul3A_269 {strides = array<i32>} : memref<512xf32, #tpu.memory_space<vmem>>, vector<16xf32>,
    %add3A_272 = arith.constant 112 : i32
    %add3A_273 = vector.broadcast %add3A_272 : i32 to vector<16xi32>
    %add3A_274 = arith.addi %iota3A, %add3A_273 : vector<16xi32>
    %broadcast_in_dim3A_275 = arith.constant 0.000000e+00 : f32
    %broadcast_in_dim3A_276 = vector.broadcast %broadcast_in_dim3A_275 : f32 to vector<16xf32>
    %parallel_loop3A_277 = arith.constant 0 : i32
    %parallel_loop3A_278 = arith.constant 128 : i32
    %parallel_loop3A_279 = arith.constant 2 : i32
    %parallel_loop3A_280:2 = scf.for %parallel_loop3A_557 = %parallel_loop3A_277 to %parallel_loop3A_278 step %parallel_loop3A_279 iter_args(%parallel_loop3A_558 = %broadcast_in_dim3A_276, %parallel_loop3A_559 = %broadcast_in_dim3A_276) -> (vector<16xf32>, vector<16xf32>)  : i32 {
      %parallel_loop3A_560 = vector.broadcast %parallel_loop3A_557 : i32 to vector<16xi32>
      %parallel_loop3A_561 = arith.addi %iota3A, %parallel_loop3A_560 : vector<16xi32>
      %parallel_loop3A_562 = arith.constant 127 : i32
      %parallel_loop3A_563 = vector.broadcast %parallel_loop3A_562 : i32 to vector<16xi32>
      %parallel_loop3A_564 = arith.andi %parallel_loop3A_561, %parallel_loop3A_563 : vector<16xi32>
      %parallel_loop3A_565 = vector.broadcast %parallel_loop3A_557 : i32 to vector<16xi32>
      %parallel_loop3A_566 = arith.addi %iota3A, %parallel_loop3A_565 : vector<16xi32>
      %parallel_loop3A_567 = arith.constant 1 : i32
      %parallel_loop3A_568 = vector.broadcast %parallel_loop3A_567 : i32 to vector<16xi32>
      %parallel_loop3A_569 = arith.addi %parallel_loop3A_566, %parallel_loop3A_568 : vector<16xi32>
      %parallel_loop3A_570 = arith.constant 127 : i32
      %parallel_loop3A_571 = vector.broadcast %parallel_loop3A_570 : i32 to vector<16xi32>
      %parallel_loop3A_572 = arith.andi %parallel_loop3A_569, %parallel_loop3A_571 : vector<16xi32>
      %parallel_loop3A_573 = tpu.vector_load_idx %arg11[%add3A_274, %parallel_loop3A_564] : memref<128x128xf32, #tpu.memory_space<vmem>>[vector<16xi32>, vector<16xi32>], vector<16xf32>,
      %parallel_loop3A_574 = tpu.vector_load_idx %arg12[%add3A_274, %parallel_loop3A_564] : memref<128x128xf32, #tpu.memory_space<vmem>>[vector<16xi32>, vector<16xi32>], vector<16xf32>,
      %parallel_loop3A_575 = arith.mulf %parallel_loop3A_573, %parallel_loop3A_574 : vector<16xf32>
      %parallel_loop3A_576 = arith.addf %parallel_loop3A_558, %parallel_loop3A_575 : vector<16xf32>
      %parallel_loop3A_577 = tpu.vector_load_idx %arg11[%add3A_274, %parallel_loop3A_572] : memref<128x128xf32, #tpu.memory_space<vmem>>[vector<16xi32>, vector<16xi32>], vector<16xf32>,
      %parallel_loop3A_578 = tpu.vector_load_idx %arg12[%add3A_274, %parallel_loop3A_572] : memref<128x128xf32, #tpu.memory_space<vmem>>[vector<16xi32>, vector<16xi32>], vector<16xf32>,
      %parallel_loop3A_579 = arith.mulf %parallel_loop3A_577, %parallel_loop3A_578 : vector<16xf32>
      %parallel_loop3A_580 = arith.addf %parallel_loop3A_559, %parallel_loop3A_579 : vector<16xf32>
      scf.yield %parallel_loop3A_576, %parallel_loop3A_580 : vector<16xf32>, vector<16xf32>
    } {sc.loop_unroll_factor = 4 : i64, sc.parallel_access}
    %add3A_281 = arith.addf %parallel_loop3A_280#0, %parallel_loop3A_280#1 : vector<16xf32>
    %get3A_282 = arith.constant 240 : index
    %get3A_283 = tpu.vector_load %arg13[%get3A_282] {strides = array<i32>} : memref<512xf32, #tpu.memory_space<vmem>>, vector<16xf32>,
    %mul3A_284 = arith.mulf %add3A_281, %get3A_283 : vector<16xf32>
    %swap3A_285 = arith.constant 240 : index
    %swap3A_286 = tpu.vector_load %arg14[%swap3A_285] {strides = array<i32>} : memref<512xf32, #tpu.memory_space<vmem>>, vector<16xf32>,
    tpu.vector_store %arg14[%swap3A_285], %mul3A_284 {strides = array<i32>} : memref<512xf32, #tpu.memory_space<vmem>>, vector<16xf32>,
    %dma_wait3A_287 = arith.constant 256 : i32
    %dma_wait3A_288 = tpu.memref_slice %arg7[%dma_wait3A_287] : memref<512xi32, #tpu.memory_space<vmem>> -> memref<128xi32, #tpu.memory_space<vmem>>
    %dma_wait3A_289 = arith.constant 0 : i32
    %dma_wait3A_290 = arith.constant 0 : i32
    %dma_wait3A_291 = tpu.memref_slice %arg2[%dma_wait3A_289, %dma_wait3A_290] : memref<100000x128xf32, #tpu.memory_space<hbm>> -> memref<100000x128xf32, #tpu.memory_space<hbm>>
    tpu.wait_indirect_dma semaphore(%arg15 : memref<!tpu.dma_semaphore, #tpu.memory_space<semaphore_mem>>) src(%dma_wait3A_291 : memref<100000x128xf32, #tpu.memory_space<hbm>>) dst(%arg9 : memref<128x128xf32, #tpu.memory_space<vmem>>)
    %dma_wait3A_292 = arith.constant 256 : i32
    %dma_wait3A_293 = tpu.memref_slice %arg8[%dma_wait3A_292] : memref<512xi32, #tpu.memory_space<vmem>> -> memref<128xi32, #tpu.memory_space<vmem>>
    %dma_wait3A_294 = arith.constant 0 : i32
    %dma_wait3A_295 = arith.constant 0 : i32
    %dma_wait3A_296 = tpu.memref_slice %arg2[%dma_wait3A_294, %dma_wait3A_295] : memref<100000x128xf32, #tpu.memory_space<hbm>> -> memref<100000x128xf32, #tpu.memory_space<hbm>>
    tpu.wait_indirect_dma semaphore(%arg15 : memref<!tpu.dma_semaphore, #tpu.memory_space<semaphore_mem>>) src(%dma_wait3A_296 : memref<100000x128xf32, #tpu.memory_space<hbm>>) dst(%arg10 : memref<128x128xf32, #tpu.memory_space<vmem>>)
    %dma_start3A_297 = arith.constant 384 : i32
    %dma_start3A_298 = tpu.memref_slice %arg7[%dma_start3A_297] : memref<512xi32, #tpu.memory_space<vmem>> -> memref<128xi32, #tpu.memory_space<vmem>>
    %dma_start3A_299 = arith.constant 0 : i32
    %dma_start3A_300 = arith.constant 0 : i32
    %dma_start3A_301 = tpu.memref_slice %arg2[%dma_start3A_299, %dma_start3A_300] : memref<100000x128xf32, #tpu.memory_space<hbm>> -> memref<100000x128xf32, #tpu.memory_space<hbm>>
    tpu.enqueue_indirect_dma source(%dma_start3A_301 : memref<100000x128xf32, #tpu.memory_space<hbm>>) target(%arg11 : memref<128x128xf32, #tpu.memory_space<vmem>>) offsets(%dma_start3A_298 : memref<128xi32, #tpu.memory_space<vmem>>) semaphore(%arg16 : memref<!tpu.dma_semaphore, #tpu.memory_space<semaphore_mem>>)
    %dma_start3A_302 = arith.constant 384 : i32
    %dma_start3A_303 = tpu.memref_slice %arg8[%dma_start3A_302] : memref<512xi32, #tpu.memory_space<vmem>> -> memref<128xi32, #tpu.memory_space<vmem>>
    %dma_start3A_304 = arith.constant 0 : i32
    %dma_start3A_305 = arith.constant 0 : i32
    %dma_start3A_306 = tpu.memref_slice %arg2[%dma_start3A_304, %dma_start3A_305] : memref<100000x128xf32, #tpu.memory_space<hbm>> -> memref<100000x128xf32, #tpu.memory_space<hbm>>
    tpu.enqueue_indirect_dma source(%dma_start3A_306 : memref<100000x128xf32, #tpu.memory_space<hbm>>) target(%arg12 : memref<128x128xf32, #tpu.memory_space<vmem>>) offsets(%dma_start3A_303 : memref<128xi32, #tpu.memory_space<vmem>>) semaphore(%arg16 : memref<!tpu.dma_semaphore, #tpu.memory_space<semaphore_mem>>)
    %add3A_307 = arith.constant 0 : i32
    %add3A_308 = vector.broadcast %add3A_307 : i32 to vector<16xi32>
    %add3A_309 = arith.addi %iota3A, %add3A_308 : vector<16xi32>
    %broadcast_in_dim3A_310 = arith.constant 0.000000e+00 : f32
    %broadcast_in_dim3A_311 = vector.broadcast %broadcast_in_dim3A_310 : f32 to vector<16xf32>
    %parallel_loop3A_312 = arith.constant 0 : i32
    %parallel_loop3A_313 = arith.constant 128 : i32
    %parallel_loop3A_314 = arith.constant 2 : i32
    %parallel_loop3A_315:2 = scf.for %parallel_loop3A_557 = %parallel_loop3A_312 to %parallel_loop3A_313 step %parallel_loop3A_314 iter_args(%parallel_loop3A_558 = %broadcast_in_dim3A_311, %parallel_loop3A_559 = %broadcast_in_dim3A_311) -> (vector<16xf32>, vector<16xf32>)  : i32 {
      %parallel_loop3A_560 = vector.broadcast %parallel_loop3A_557 : i32 to vector<16xi32>
      %parallel_loop3A_561 = arith.addi %iota3A, %parallel_loop3A_560 : vector<16xi32>
      %parallel_loop3A_562 = arith.constant 127 : i32
      %parallel_loop3A_563 = vector.broadcast %parallel_loop3A_562 : i32 to vector<16xi32>
      %parallel_loop3A_564 = arith.andi %parallel_loop3A_561, %parallel_loop3A_563 : vector<16xi32>
      %parallel_loop3A_565 = vector.broadcast %parallel_loop3A_557 : i32 to vector<16xi32>
      %parallel_loop3A_566 = arith.addi %iota3A, %parallel_loop3A_565 : vector<16xi32>
      %parallel_loop3A_567 = arith.constant 1 : i32
      %parallel_loop3A_568 = vector.broadcast %parallel_loop3A_567 : i32 to vector<16xi32>
      %parallel_loop3A_569 = arith.addi %parallel_loop3A_566, %parallel_loop3A_568 : vector<16xi32>
      %parallel_loop3A_570 = arith.constant 127 : i32
      %parallel_loop3A_571 = vector.broadcast %parallel_loop3A_570 : i32 to vector<16xi32>
      %parallel_loop3A_572 = arith.andi %parallel_loop3A_569, %parallel_loop3A_571 : vector<16xi32>
      %parallel_loop3A_573 = tpu.vector_load_idx %arg9[%add3A_309, %parallel_loop3A_564] : memref<128x128xf32, #tpu.memory_space<vmem>>[vector<16xi32>, vector<16xi32>], vector<16xf32>,
      %parallel_loop3A_574 = tpu.vector_load_idx %arg10[%add3A_309, %parallel_loop3A_564] : memref<128x128xf32, #tpu.memory_space<vmem>>[vector<16xi32>, vector<16xi32>], vector<16xf32>,
      %parallel_loop3A_575 = arith.mulf %parallel_loop3A_573, %parallel_loop3A_574 : vector<16xf32>
      %parallel_loop3A_576 = arith.addf %parallel_loop3A_558, %parallel_loop3A_575 : vector<16xf32>
      %parallel_loop3A_577 = tpu.vector_load_idx %arg9[%add3A_309, %parallel_loop3A_572] : memref<128x128xf32, #tpu.memory_space<vmem>>[vector<16xi32>, vector<16xi32>], vector<16xf32>,
      %parallel_loop3A_578 = tpu.vector_load_idx %arg10[%add3A_309, %parallel_loop3A_572] : memref<128x128xf32, #tpu.memory_space<vmem>>[vector<16xi32>, vector<16xi32>], vector<16xf32>,
      %parallel_loop3A_579 = arith.mulf %parallel_loop3A_577, %parallel_loop3A_578 : vector<16xf32>
      %parallel_loop3A_580 = arith.addf %parallel_loop3A_559, %parallel_loop3A_579 : vector<16xf32>
      scf.yield %parallel_loop3A_576, %parallel_loop3A_580 : vector<16xf32>, vector<16xf32>
    } {sc.loop_unroll_factor = 4 : i64, sc.parallel_access}
    %add3A_316 = arith.addf %parallel_loop3A_315#0, %parallel_loop3A_315#1 : vector<16xf32>
    %get3A_317 = arith.constant 256 : index
    %get3A_318 = tpu.vector_load %arg13[%get3A_317] {strides = array<i32>} : memref<512xf32, #tpu.memory_space<vmem>>, vector<16xf32>,
    %mul3A_319 = arith.mulf %add3A_316, %get3A_318 : vector<16xf32>
    %swap3A_320 = arith.constant 256 : index
    %swap3A_321 = tpu.vector_load %arg14[%swap3A_320] {strides = array<i32>} : memref<512xf32, #tpu.memory_space<vmem>>, vector<16xf32>,
    tpu.vector_store %arg14[%swap3A_320], %mul3A_319 {strides = array<i32>} : memref<512xf32, #tpu.memory_space<vmem>>, vector<16xf32>,
    %add3A_322 = arith.constant 16 : i32
    %add3A_323 = vector.broadcast %add3A_322 : i32 to vector<16xi32>
    %add3A_324 = arith.addi %iota3A, %add3A_323 : vector<16xi32>
    %broadcast_in_dim3A_325 = arith.constant 0.000000e+00 : f32
    %broadcast_in_dim3A_326 = vector.broadcast %broadcast_in_dim3A_325 : f32 to vector<16xf32>
    %parallel_loop3A_327 = arith.constant 0 : i32
    %parallel_loop3A_328 = arith.constant 128 : i32
    %parallel_loop3A_329 = arith.constant 2 : i32
    %parallel_loop3A_330:2 = scf.for %parallel_loop3A_557 = %parallel_loop3A_327 to %parallel_loop3A_328 step %parallel_loop3A_329 iter_args(%parallel_loop3A_558 = %broadcast_in_dim3A_326, %parallel_loop3A_559 = %broadcast_in_dim3A_326) -> (vector<16xf32>, vector<16xf32>)  : i32 {
      %parallel_loop3A_560 = vector.broadcast %parallel_loop3A_557 : i32 to vector<16xi32>
      %parallel_loop3A_561 = arith.addi %iota3A, %parallel_loop3A_560 : vector<16xi32>
      %parallel_loop3A_562 = arith.constant 127 : i32
      %parallel_loop3A_563 = vector.broadcast %parallel_loop3A_562 : i32 to vector<16xi32>
      %parallel_loop3A_564 = arith.andi %parallel_loop3A_561, %parallel_loop3A_563 : vector<16xi32>
      %parallel_loop3A_565 = vector.broadcast %parallel_loop3A_557 : i32 to vector<16xi32>
      %parallel_loop3A_566 = arith.addi %iota3A, %parallel_loop3A_565 : vector<16xi32>
      %parallel_loop3A_567 = arith.constant 1 : i32
      %parallel_loop3A_568 = vector.broadcast %parallel_loop3A_567 : i32 to vector<16xi32>
      %parallel_loop3A_569 = arith.addi %parallel_loop3A_566, %parallel_loop3A_568 : vector<16xi32>
      %parallel_loop3A_570 = arith.constant 127 : i32
      %parallel_loop3A_571 = vector.broadcast %parallel_loop3A_570 : i32 to vector<16xi32>
      %parallel_loop3A_572 = arith.andi %parallel_loop3A_569, %parallel_loop3A_571 : vector<16xi32>
      %parallel_loop3A_573 = tpu.vector_load_idx %arg9[%add3A_324, %parallel_loop3A_564] : memref<128x128xf32, #tpu.memory_space<vmem>>[vector<16xi32>, vector<16xi32>], vector<16xf32>,
      %parallel_loop3A_574 = tpu.vector_load_idx %arg10[%add3A_324, %parallel_loop3A_564] : memref<128x128xf32, #tpu.memory_space<vmem>>[vector<16xi32>, vector<16xi32>], vector<16xf32>,
      %parallel_loop3A_575 = arith.mulf %parallel_loop3A_573, %parallel_loop3A_574 : vector<16xf32>
      %parallel_loop3A_576 = arith.addf %parallel_loop3A_558, %parallel_loop3A_575 : vector<16xf32>
      %parallel_loop3A_577 = tpu.vector_load_idx %arg9[%add3A_324, %parallel_loop3A_572] : memref<128x128xf32, #tpu.memory_space<vmem>>[vector<16xi32>, vector<16xi32>], vector<16xf32>,
      %parallel_loop3A_578 = tpu.vector_load_idx %arg10[%add3A_324, %parallel_loop3A_572] : memref<128x128xf32, #tpu.memory_space<vmem>>[vector<16xi32>, vector<16xi32>], vector<16xf32>,
      %parallel_loop3A_579 = arith.mulf %parallel_loop3A_577, %parallel_loop3A_578 : vector<16xf32>
      %parallel_loop3A_580 = arith.addf %parallel_loop3A_559, %parallel_loop3A_579 : vector<16xf32>
      scf.yield %parallel_loop3A_576, %parallel_loop3A_580 : vector<16xf32>, vector<16xf32>
    } {sc.loop_unroll_factor = 4 : i64, sc.parallel_access}
    %add3A_331 = arith.addf %parallel_loop3A_330#0, %parallel_loop3A_330#1 : vector<16xf32>
    %get3A_332 = arith.constant 272 : index
    %get3A_333 = tpu.vector_load %arg13[%get3A_332] {strides = array<i32>} : memref<512xf32, #tpu.memory_space<vmem>>, vector<16xf32>,
    %mul3A_334 = arith.mulf %add3A_331, %get3A_333 : vector<16xf32>
    %swap3A_335 = arith.constant 272 : index
    %swap3A_336 = tpu.vector_load %arg14[%swap3A_335] {strides = array<i32>} : memref<512xf32, #tpu.memory_space<vmem>>, vector<16xf32>,
    tpu.vector_store %arg14[%swap3A_335], %mul3A_334 {strides = array<i32>} : memref<512xf32, #tpu.memory_space<vmem>>, vector<16xf32>,
    %add3A_337 = arith.constant 32 : i32
    %add3A_338 = vector.broadcast %add3A_337 : i32 to vector<16xi32>
    %add3A_339 = arith.addi %iota3A, %add3A_338 : vector<16xi32>
    %broadcast_in_dim3A_340 = arith.constant 0.000000e+00 : f32
    %broadcast_in_dim3A_341 = vector.broadcast %broadcast_in_dim3A_340 : f32 to vector<16xf32>
    %parallel_loop3A_342 = arith.constant 0 : i32
    %parallel_loop3A_343 = arith.constant 128 : i32
    %parallel_loop3A_344 = arith.constant 2 : i32
    %parallel_loop3A_345:2 = scf.for %parallel_loop3A_557 = %parallel_loop3A_342 to %parallel_loop3A_343 step %parallel_loop3A_344 iter_args(%parallel_loop3A_558 = %broadcast_in_dim3A_341, %parallel_loop3A_559 = %broadcast_in_dim3A_341) -> (vector<16xf32>, vector<16xf32>)  : i32 {
      %parallel_loop3A_560 = vector.broadcast %parallel_loop3A_557 : i32 to vector<16xi32>
      %parallel_loop3A_561 = arith.addi %iota3A, %parallel_loop3A_560 : vector<16xi32>
      %parallel_loop3A_562 = arith.constant 127 : i32
      %parallel_loop3A_563 = vector.broadcast %parallel_loop3A_562 : i32 to vector<16xi32>
      %parallel_loop3A_564 = arith.andi %parallel_loop3A_561, %parallel_loop3A_563 : vector<16xi32>
      %parallel_loop3A_565 = vector.broadcast %parallel_loop3A_557 : i32 to vector<16xi32>
      %parallel_loop3A_566 = arith.addi %iota3A, %parallel_loop3A_565 : vector<16xi32>
      %parallel_loop3A_567 = arith.constant 1 : i32
      %parallel_loop3A_568 = vector.broadcast %parallel_loop3A_567 : i32 to vector<16xi32>
      %parallel_loop3A_569 = arith.addi %parallel_loop3A_566, %parallel_loop3A_568 : vector<16xi32>
      %parallel_loop3A_570 = arith.constant 127 : i32
      %parallel_loop3A_571 = vector.broadcast %parallel_loop3A_570 : i32 to vector<16xi32>
      %parallel_loop3A_572 = arith.andi %parallel_loop3A_569, %parallel_loop3A_571 : vector<16xi32>
      %parallel_loop3A_573 = tpu.vector_load_idx %arg9[%add3A_339, %parallel_loop3A_564] : memref<128x128xf32, #tpu.memory_space<vmem>>[vector<16xi32>, vector<16xi32>], vector<16xf32>,
      %parallel_loop3A_574 = tpu.vector_load_idx %arg10[%add3A_339, %parallel_loop3A_564] : memref<128x128xf32, #tpu.memory_space<vmem>>[vector<16xi32>, vector<16xi32>], vector<16xf32>,
      %parallel_loop3A_575 = arith.mulf %parallel_loop3A_573, %parallel_loop3A_574 : vector<16xf32>
      %parallel_loop3A_576 = arith.addf %parallel_loop3A_558, %parallel_loop3A_575 : vector<16xf32>
      %parallel_loop3A_577 = tpu.vector_load_idx %arg9[%add3A_339, %parallel_loop3A_572] : memref<128x128xf32, #tpu.memory_space<vmem>>[vector<16xi32>, vector<16xi32>], vector<16xf32>,
      %parallel_loop3A_578 = tpu.vector_load_idx %arg10[%add3A_339, %parallel_loop3A_572] : memref<128x128xf32, #tpu.memory_space<vmem>>[vector<16xi32>, vector<16xi32>], vector<16xf32>,
      %parallel_loop3A_579 = arith.mulf %parallel_loop3A_577, %parallel_loop3A_578 : vector<16xf32>
      %parallel_loop3A_580 = arith.addf %parallel_loop3A_559, %parallel_loop3A_579 : vector<16xf32>
      scf.yield %parallel_loop3A_576, %parallel_loop3A_580 : vector<16xf32>, vector<16xf32>
    } {sc.loop_unroll_factor = 4 : i64, sc.parallel_access}
    %add3A_346 = arith.addf %parallel_loop3A_345#0, %parallel_loop3A_345#1 : vector<16xf32>
    %get3A_347 = arith.constant 288 : index
    %get3A_348 = tpu.vector_load %arg13[%get3A_347] {strides = array<i32>} : memref<512xf32, #tpu.memory_space<vmem>>, vector<16xf32>,
    %mul3A_349 = arith.mulf %add3A_346, %get3A_348 : vector<16xf32>
    %swap3A_350 = arith.constant 288 : index
    %swap3A_351 = tpu.vector_load %arg14[%swap3A_350] {strides = array<i32>} : memref<512xf32, #tpu.memory_space<vmem>>, vector<16xf32>,
    tpu.vector_store %arg14[%swap3A_350], %mul3A_349 {strides = array<i32>} : memref<512xf32, #tpu.memory_space<vmem>>, vector<16xf32>,
    %add3A_352 = arith.constant 48 : i32
    %add3A_353 = vector.broadcast %add3A_352 : i32 to vector<16xi32>
    %add3A_354 = arith.addi %iota3A, %add3A_353 : vector<16xi32>
    %broadcast_in_dim3A_355 = arith.constant 0.000000e+00 : f32
    %broadcast_in_dim3A_356 = vector.broadcast %broadcast_in_dim3A_355 : f32 to vector<16xf32>
    %parallel_loop3A_357 = arith.constant 0 : i32
    %parallel_loop3A_358 = arith.constant 128 : i32
    %parallel_loop3A_359 = arith.constant 2 : i32
    %parallel_loop3A_360:2 = scf.for %parallel_loop3A_557 = %parallel_loop3A_357 to %parallel_loop3A_358 step %parallel_loop3A_359 iter_args(%parallel_loop3A_558 = %broadcast_in_dim3A_356, %parallel_loop3A_559 = %broadcast_in_dim3A_356) -> (vector<16xf32>, vector<16xf32>)  : i32 {
      %parallel_loop3A_560 = vector.broadcast %parallel_loop3A_557 : i32 to vector<16xi32>
      %parallel_loop3A_561 = arith.addi %iota3A, %parallel_loop3A_560 : vector<16xi32>
      %parallel_loop3A_562 = arith.constant 127 : i32
      %parallel_loop3A_563 = vector.broadcast %parallel_loop3A_562 : i32 to vector<16xi32>
      %parallel_loop3A_564 = arith.andi %parallel_loop3A_561, %parallel_loop3A_563 : vector<16xi32>
      %parallel_loop3A_565 = vector.broadcast %parallel_loop3A_557 : i32 to vector<16xi32>
      %parallel_loop3A_566 = arith.addi %iota3A, %parallel_loop3A_565 : vector<16xi32>
      %parallel_loop3A_567 = arith.constant 1 : i32
      %parallel_loop3A_568 = vector.broadcast %parallel_loop3A_567 : i32 to vector<16xi32>
      %parallel_loop3A_569 = arith.addi %parallel_loop3A_566, %parallel_loop3A_568 : vector<16xi32>
      %parallel_loop3A_570 = arith.constant 127 : i32
      %parallel_loop3A_571 = vector.broadcast %parallel_loop3A_570 : i32 to vector<16xi32>
      %parallel_loop3A_572 = arith.andi %parallel_loop3A_569, %parallel_loop3A_571 : vector<16xi32>
      %parallel_loop3A_573 = tpu.vector_load_idx %arg9[%add3A_354, %parallel_loop3A_564] : memref<128x128xf32, #tpu.memory_space<vmem>>[vector<16xi32>, vector<16xi32>], vector<16xf32>,
      %parallel_loop3A_574 = tpu.vector_load_idx %arg10[%add3A_354, %parallel_loop3A_564] : memref<128x128xf32, #tpu.memory_space<vmem>>[vector<16xi32>, vector<16xi32>], vector<16xf32>,
      %parallel_loop3A_575 = arith.mulf %parallel_loop3A_573, %parallel_loop3A_574 : vector<16xf32>
      %parallel_loop3A_576 = arith.addf %parallel_loop3A_558, %parallel_loop3A_575 : vector<16xf32>
      %parallel_loop3A_577 = tpu.vector_load_idx %arg9[%add3A_354, %parallel_loop3A_572] : memref<128x128xf32, #tpu.memory_space<vmem>>[vector<16xi32>, vector<16xi32>], vector<16xf32>,
      %parallel_loop3A_578 = tpu.vector_load_idx %arg10[%add3A_354, %parallel_loop3A_572] : memref<128x128xf32, #tpu.memory_space<vmem>>[vector<16xi32>, vector<16xi32>], vector<16xf32>,
      %parallel_loop3A_579 = arith.mulf %parallel_loop3A_577, %parallel_loop3A_578 : vector<16xf32>
      %parallel_loop3A_580 = arith.addf %parallel_loop3A_559, %parallel_loop3A_579 : vector<16xf32>
      scf.yield %parallel_loop3A_576, %parallel_loop3A_580 : vector<16xf32>, vector<16xf32>
    } {sc.loop_unroll_factor = 4 : i64, sc.parallel_access}
    %add3A_361 = arith.addf %parallel_loop3A_360#0, %parallel_loop3A_360#1 : vector<16xf32>
    %get3A_362 = arith.constant 304 : index
    %get3A_363 = tpu.vector_load %arg13[%get3A_362] {strides = array<i32>} : memref<512xf32, #tpu.memory_space<vmem>>, vector<16xf32>,
    %mul3A_364 = arith.mulf %add3A_361, %get3A_363 : vector<16xf32>
    %swap3A_365 = arith.constant 304 : index
    %swap3A_366 = tpu.vector_load %arg14[%swap3A_365] {strides = array<i32>} : memref<512xf32, #tpu.memory_space<vmem>>, vector<16xf32>,
    tpu.vector_store %arg14[%swap3A_365], %mul3A_364 {strides = array<i32>} : memref<512xf32, #tpu.memory_space<vmem>>, vector<16xf32>,
    %add3A_367 = arith.constant 64 : i32
    %add3A_368 = vector.broadcast %add3A_367 : i32 to vector<16xi32>
    %add3A_369 = arith.addi %iota3A, %add3A_368 : vector<16xi32>
    %broadcast_in_dim3A_370 = arith.constant 0.000000e+00 : f32
    %broadcast_in_dim3A_371 = vector.broadcast %broadcast_in_dim3A_370 : f32 to vector<16xf32>
    %parallel_loop3A_372 = arith.constant 0 : i32
    %parallel_loop3A_373 = arith.constant 128 : i32
    %parallel_loop3A_374 = arith.constant 2 : i32
    %parallel_loop3A_375:2 = scf.for %parallel_loop3A_557 = %parallel_loop3A_372 to %parallel_loop3A_373 step %parallel_loop3A_374 iter_args(%parallel_loop3A_558 = %broadcast_in_dim3A_371, %parallel_loop3A_559 = %broadcast_in_dim3A_371) -> (vector<16xf32>, vector<16xf32>)  : i32 {
      %parallel_loop3A_560 = vector.broadcast %parallel_loop3A_557 : i32 to vector<16xi32>
      %parallel_loop3A_561 = arith.addi %iota3A, %parallel_loop3A_560 : vector<16xi32>
      %parallel_loop3A_562 = arith.constant 127 : i32
      %parallel_loop3A_563 = vector.broadcast %parallel_loop3A_562 : i32 to vector<16xi32>
      %parallel_loop3A_564 = arith.andi %parallel_loop3A_561, %parallel_loop3A_563 : vector<16xi32>
      %parallel_loop3A_565 = vector.broadcast %parallel_loop3A_557 : i32 to vector<16xi32>
      %parallel_loop3A_566 = arith.addi %iota3A, %parallel_loop3A_565 : vector<16xi32>
      %parallel_loop3A_567 = arith.constant 1 : i32
      %parallel_loop3A_568 = vector.broadcast %parallel_loop3A_567 : i32 to vector<16xi32>
      %parallel_loop3A_569 = arith.addi %parallel_loop3A_566, %parallel_loop3A_568 : vector<16xi32>
      %parallel_loop3A_570 = arith.constant 127 : i32
      %parallel_loop3A_571 = vector.broadcast %parallel_loop3A_570 : i32 to vector<16xi32>
      %parallel_loop3A_572 = arith.andi %parallel_loop3A_569, %parallel_loop3A_571 : vector<16xi32>
      %parallel_loop3A_573 = tpu.vector_load_idx %arg9[%add3A_369, %parallel_loop3A_564] : memref<128x128xf32, #tpu.memory_space<vmem>>[vector<16xi32>, vector<16xi32>], vector<16xf32>,
      %parallel_loop3A_574 = tpu.vector_load_idx %arg10[%add3A_369, %parallel_loop3A_564] : memref<128x128xf32, #tpu.memory_space<vmem>>[vector<16xi32>, vector<16xi32>], vector<16xf32>,
      %parallel_loop3A_575 = arith.mulf %parallel_loop3A_573, %parallel_loop3A_574 : vector<16xf32>
      %parallel_loop3A_576 = arith.addf %parallel_loop3A_558, %parallel_loop3A_575 : vector<16xf32>
      %parallel_loop3A_577 = tpu.vector_load_idx %arg9[%add3A_369, %parallel_loop3A_572] : memref<128x128xf32, #tpu.memory_space<vmem>>[vector<16xi32>, vector<16xi32>], vector<16xf32>,
      %parallel_loop3A_578 = tpu.vector_load_idx %arg10[%add3A_369, %parallel_loop3A_572] : memref<128x128xf32, #tpu.memory_space<vmem>>[vector<16xi32>, vector<16xi32>], vector<16xf32>,
      %parallel_loop3A_579 = arith.mulf %parallel_loop3A_577, %parallel_loop3A_578 : vector<16xf32>
      %parallel_loop3A_580 = arith.addf %parallel_loop3A_559, %parallel_loop3A_579 : vector<16xf32>
      scf.yield %parallel_loop3A_576, %parallel_loop3A_580 : vector<16xf32>, vector<16xf32>
    } {sc.loop_unroll_factor = 4 : i64, sc.parallel_access}
    %add3A_376 = arith.addf %parallel_loop3A_375#0, %parallel_loop3A_375#1 : vector<16xf32>
    %get3A_377 = arith.constant 320 : index
    %get3A_378 = tpu.vector_load %arg13[%get3A_377] {strides = array<i32>} : memref<512xf32, #tpu.memory_space<vmem>>, vector<16xf32>,
    %mul3A_379 = arith.mulf %add3A_376, %get3A_378 : vector<16xf32>
    %swap3A_380 = arith.constant 320 : index
    %swap3A_381 = tpu.vector_load %arg14[%swap3A_380] {strides = array<i32>} : memref<512xf32, #tpu.memory_space<vmem>>, vector<16xf32>,
    tpu.vector_store %arg14[%swap3A_380], %mul3A_379 {strides = array<i32>} : memref<512xf32, #tpu.memory_space<vmem>>, vector<16xf32>,
    %add3A_382 = arith.constant 80 : i32
    %add3A_383 = vector.broadcast %add3A_382 : i32 to vector<16xi32>
    %add3A_384 = arith.addi %iota3A, %add3A_383 : vector<16xi32>
    %broadcast_in_dim3A_385 = arith.constant 0.000000e+00 : f32
    %broadcast_in_dim3A_386 = vector.broadcast %broadcast_in_dim3A_385 : f32 to vector<16xf32>
    %parallel_loop3A_387 = arith.constant 0 : i32
    %parallel_loop3A_388 = arith.constant 128 : i32
    %parallel_loop3A_389 = arith.constant 2 : i32
    %parallel_loop3A_390:2 = scf.for %parallel_loop3A_557 = %parallel_loop3A_387 to %parallel_loop3A_388 step %parallel_loop3A_389 iter_args(%parallel_loop3A_558 = %broadcast_in_dim3A_386, %parallel_loop3A_559 = %broadcast_in_dim3A_386) -> (vector<16xf32>, vector<16xf32>)  : i32 {
      %parallel_loop3A_560 = vector.broadcast %parallel_loop3A_557 : i32 to vector<16xi32>
      %parallel_loop3A_561 = arith.addi %iota3A, %parallel_loop3A_560 : vector<16xi32>
      %parallel_loop3A_562 = arith.constant 127 : i32
      %parallel_loop3A_563 = vector.broadcast %parallel_loop3A_562 : i32 to vector<16xi32>
      %parallel_loop3A_564 = arith.andi %parallel_loop3A_561, %parallel_loop3A_563 : vector<16xi32>
      %parallel_loop3A_565 = vector.broadcast %parallel_loop3A_557 : i32 to vector<16xi32>
      %parallel_loop3A_566 = arith.addi %iota3A, %parallel_loop3A_565 : vector<16xi32>
      %parallel_loop3A_567 = arith.constant 1 : i32
      %parallel_loop3A_568 = vector.broadcast %parallel_loop3A_567 : i32 to vector<16xi32>
      %parallel_loop3A_569 = arith.addi %parallel_loop3A_566, %parallel_loop3A_568 : vector<16xi32>
      %parallel_loop3A_570 = arith.constant 127 : i32
      %parallel_loop3A_571 = vector.broadcast %parallel_loop3A_570 : i32 to vector<16xi32>
      %parallel_loop3A_572 = arith.andi %parallel_loop3A_569, %parallel_loop3A_571 : vector<16xi32>
      %parallel_loop3A_573 = tpu.vector_load_idx %arg9[%add3A_384, %parallel_loop3A_564] : memref<128x128xf32, #tpu.memory_space<vmem>>[vector<16xi32>, vector<16xi32>], vector<16xf32>,
      %parallel_loop3A_574 = tpu.vector_load_idx %arg10[%add3A_384, %parallel_loop3A_564] : memref<128x128xf32, #tpu.memory_space<vmem>>[vector<16xi32>, vector<16xi32>], vector<16xf32>,
      %parallel_loop3A_575 = arith.mulf %parallel_loop3A_573, %parallel_loop3A_574 : vector<16xf32>
      %parallel_loop3A_576 = arith.addf %parallel_loop3A_558, %parallel_loop3A_575 : vector<16xf32>
      %parallel_loop3A_577 = tpu.vector_load_idx %arg9[%add3A_384, %parallel_loop3A_572] : memref<128x128xf32, #tpu.memory_space<vmem>>[vector<16xi32>, vector<16xi32>], vector<16xf32>,
      %parallel_loop3A_578 = tpu.vector_load_idx %arg10[%add3A_384, %parallel_loop3A_572] : memref<128x128xf32, #tpu.memory_space<vmem>>[vector<16xi32>, vector<16xi32>], vector<16xf32>,
      %parallel_loop3A_579 = arith.mulf %parallel_loop3A_577, %parallel_loop3A_578 : vector<16xf32>
      %parallel_loop3A_580 = arith.addf %parallel_loop3A_559, %parallel_loop3A_579 : vector<16xf32>
      scf.yield %parallel_loop3A_576, %parallel_loop3A_580 : vector<16xf32>, vector<16xf32>
    } {sc.loop_unroll_factor = 4 : i64, sc.parallel_access}
    %add3A_391 = arith.addf %parallel_loop3A_390#0, %parallel_loop3A_390#1 : vector<16xf32>
    %get3A_392 = arith.constant 336 : index
    %get3A_393 = tpu.vector_load %arg13[%get3A_392] {strides = array<i32>} : memref<512xf32, #tpu.memory_space<vmem>>, vector<16xf32>,
    %mul3A_394 = arith.mulf %add3A_391, %get3A_393 : vector<16xf32>
    %swap3A_395 = arith.constant 336 : index
    %swap3A_396 = tpu.vector_load %arg14[%swap3A_395] {strides = array<i32>} : memref<512xf32, #tpu.memory_space<vmem>>, vector<16xf32>,
    tpu.vector_store %arg14[%swap3A_395], %mul3A_394 {strides = array<i32>} : memref<512xf32, #tpu.memory_space<vmem>>, vector<16xf32>,
    %add3A_397 = arith.constant 96 : i32
    %add3A_398 = vector.broadcast %add3A_397 : i32 to vector<16xi32>
    %add3A_399 = arith.addi %iota3A, %add3A_398 : vector<16xi32>
    %broadcast_in_dim3A_400 = arith.constant 0.000000e+00 : f32
    %broadcast_in_dim3A_401 = vector.broadcast %broadcast_in_dim3A_400 : f32 to vector<16xf32>
    %parallel_loop3A_402 = arith.constant 0 : i32
    %parallel_loop3A_403 = arith.constant 128 : i32
    %parallel_loop3A_404 = arith.constant 2 : i32
    %parallel_loop3A_405:2 = scf.for %parallel_loop3A_557 = %parallel_loop3A_402 to %parallel_loop3A_403 step %parallel_loop3A_404 iter_args(%parallel_loop3A_558 = %broadcast_in_dim3A_401, %parallel_loop3A_559 = %broadcast_in_dim3A_401) -> (vector<16xf32>, vector<16xf32>)  : i32 {
      %parallel_loop3A_560 = vector.broadcast %parallel_loop3A_557 : i32 to vector<16xi32>
      %parallel_loop3A_561 = arith.addi %iota3A, %parallel_loop3A_560 : vector<16xi32>
      %parallel_loop3A_562 = arith.constant 127 : i32
      %parallel_loop3A_563 = vector.broadcast %parallel_loop3A_562 : i32 to vector<16xi32>
      %parallel_loop3A_564 = arith.andi %parallel_loop3A_561, %parallel_loop3A_563 : vector<16xi32>
      %parallel_loop3A_565 = vector.broadcast %parallel_loop3A_557 : i32 to vector<16xi32>
      %parallel_loop3A_566 = arith.addi %iota3A, %parallel_loop3A_565 : vector<16xi32>
      %parallel_loop3A_567 = arith.constant 1 : i32
      %parallel_loop3A_568 = vector.broadcast %parallel_loop3A_567 : i32 to vector<16xi32>
      %parallel_loop3A_569 = arith.addi %parallel_loop3A_566, %parallel_loop3A_568 : vector<16xi32>
      %parallel_loop3A_570 = arith.constant 127 : i32
      %parallel_loop3A_571 = vector.broadcast %parallel_loop3A_570 : i32 to vector<16xi32>
      %parallel_loop3A_572 = arith.andi %parallel_loop3A_569, %parallel_loop3A_571 : vector<16xi32>
      %parallel_loop3A_573 = tpu.vector_load_idx %arg9[%add3A_399, %parallel_loop3A_564] : memref<128x128xf32, #tpu.memory_space<vmem>>[vector<16xi32>, vector<16xi32>], vector<16xf32>,
      %parallel_loop3A_574 = tpu.vector_load_idx %arg10[%add3A_399, %parallel_loop3A_564] : memref<128x128xf32, #tpu.memory_space<vmem>>[vector<16xi32>, vector<16xi32>], vector<16xf32>,
      %parallel_loop3A_575 = arith.mulf %parallel_loop3A_573, %parallel_loop3A_574 : vector<16xf32>
      %parallel_loop3A_576 = arith.addf %parallel_loop3A_558, %parallel_loop3A_575 : vector<16xf32>
      %parallel_loop3A_577 = tpu.vector_load_idx %arg9[%add3A_399, %parallel_loop3A_572] : memref<128x128xf32, #tpu.memory_space<vmem>>[vector<16xi32>, vector<16xi32>], vector<16xf32>,
      %parallel_loop3A_578 = tpu.vector_load_idx %arg10[%add3A_399, %parallel_loop3A_572] : memref<128x128xf32, #tpu.memory_space<vmem>>[vector<16xi32>, vector<16xi32>], vector<16xf32>,
      %parallel_loop3A_579 = arith.mulf %parallel_loop3A_577, %parallel_loop3A_578 : vector<16xf32>
      %parallel_loop3A_580 = arith.addf %parallel_loop3A_559, %parallel_loop3A_579 : vector<16xf32>
      scf.yield %parallel_loop3A_576, %parallel_loop3A_580 : vector<16xf32>, vector<16xf32>
    } {sc.loop_unroll_factor = 4 : i64, sc.parallel_access}
    %add3A_406 = arith.addf %parallel_loop3A_405#0, %parallel_loop3A_405#1 : vector<16xf32>
    %get3A_407 = arith.constant 352 : index
    %get3A_408 = tpu.vector_load %arg13[%get3A_407] {strides = array<i32>} : memref<512xf32, #tpu.memory_space<vmem>>, vector<16xf32>,
    %mul3A_409 = arith.mulf %add3A_406, %get3A_408 : vector<16xf32>
    %swap3A_410 = arith.constant 352 : index
    %swap3A_411 = tpu.vector_load %arg14[%swap3A_410] {strides = array<i32>} : memref<512xf32, #tpu.memory_space<vmem>>, vector<16xf32>,
    tpu.vector_store %arg14[%swap3A_410], %mul3A_409 {strides = array<i32>} : memref<512xf32, #tpu.memory_space<vmem>>, vector<16xf32>,
    %add3A_412 = arith.constant 112 : i32
    %add3A_413 = vector.broadcast %add3A_412 : i32 to vector<16xi32>
    %add3A_414 = arith.addi %iota3A, %add3A_413 : vector<16xi32>
    %broadcast_in_dim3A_415 = arith.constant 0.000000e+00 : f32
    %broadcast_in_dim3A_416 = vector.broadcast %broadcast_in_dim3A_415 : f32 to vector<16xf32>
    %parallel_loop3A_417 = arith.constant 0 : i32
    %parallel_loop3A_418 = arith.constant 128 : i32
    %parallel_loop3A_419 = arith.constant 2 : i32
    %parallel_loop3A_420:2 = scf.for %parallel_loop3A_557 = %parallel_loop3A_417 to %parallel_loop3A_418 step %parallel_loop3A_419 iter_args(%parallel_loop3A_558 = %broadcast_in_dim3A_416, %parallel_loop3A_559 = %broadcast_in_dim3A_416) -> (vector<16xf32>, vector<16xf32>)  : i32 {
      %parallel_loop3A_560 = vector.broadcast %parallel_loop3A_557 : i32 to vector<16xi32>
      %parallel_loop3A_561 = arith.addi %iota3A, %parallel_loop3A_560 : vector<16xi32>
      %parallel_loop3A_562 = arith.constant 127 : i32
      %parallel_loop3A_563 = vector.broadcast %parallel_loop3A_562 : i32 to vector<16xi32>
      %parallel_loop3A_564 = arith.andi %parallel_loop3A_561, %parallel_loop3A_563 : vector<16xi32>
      %parallel_loop3A_565 = vector.broadcast %parallel_loop3A_557 : i32 to vector<16xi32>
      %parallel_loop3A_566 = arith.addi %iota3A, %parallel_loop3A_565 : vector<16xi32>
      %parallel_loop3A_567 = arith.constant 1 : i32
      %parallel_loop3A_568 = vector.broadcast %parallel_loop3A_567 : i32 to vector<16xi32>
      %parallel_loop3A_569 = arith.addi %parallel_loop3A_566, %parallel_loop3A_568 : vector<16xi32>
      %parallel_loop3A_570 = arith.constant 127 : i32
      %parallel_loop3A_571 = vector.broadcast %parallel_loop3A_570 : i32 to vector<16xi32>
      %parallel_loop3A_572 = arith.andi %parallel_loop3A_569, %parallel_loop3A_571 : vector<16xi32>
      %parallel_loop3A_573 = tpu.vector_load_idx %arg9[%add3A_414, %parallel_loop3A_564] : memref<128x128xf32, #tpu.memory_space<vmem>>[vector<16xi32>, vector<16xi32>], vector<16xf32>,
      %parallel_loop3A_574 = tpu.vector_load_idx %arg10[%add3A_414, %parallel_loop3A_564] : memref<128x128xf32, #tpu.memory_space<vmem>>[vector<16xi32>, vector<16xi32>], vector<16xf32>,
      %parallel_loop3A_575 = arith.mulf %parallel_loop3A_573, %parallel_loop3A_574 : vector<16xf32>
      %parallel_loop3A_576 = arith.addf %parallel_loop3A_558, %parallel_loop3A_575 : vector<16xf32>
      %parallel_loop3A_577 = tpu.vector_load_idx %arg9[%add3A_414, %parallel_loop3A_572] : memref<128x128xf32, #tpu.memory_space<vmem>>[vector<16xi32>, vector<16xi32>], vector<16xf32>,
      %parallel_loop3A_578 = tpu.vector_load_idx %arg10[%add3A_414, %parallel_loop3A_572] : memref<128x128xf32, #tpu.memory_space<vmem>>[vector<16xi32>, vector<16xi32>], vector<16xf32>,
      %parallel_loop3A_579 = arith.mulf %parallel_loop3A_577, %parallel_loop3A_578 : vector<16xf32>
      %parallel_loop3A_580 = arith.addf %parallel_loop3A_559, %parallel_loop3A_579 : vector<16xf32>
      scf.yield %parallel_loop3A_576, %parallel_loop3A_580 : vector<16xf32>, vector<16xf32>
    } {sc.loop_unroll_factor = 4 : i64, sc.parallel_access}
    %add3A_421 = arith.addf %parallel_loop3A_420#0, %parallel_loop3A_420#1 : vector<16xf32>
    %get3A_422 = arith.constant 368 : index
    %get3A_423 = tpu.vector_load %arg13[%get3A_422] {strides = array<i32>} : memref<512xf32, #tpu.memory_space<vmem>>, vector<16xf32>,
    %mul3A_424 = arith.mulf %add3A_421, %get3A_423 : vector<16xf32>
    %swap3A_425 = arith.constant 368 : index
    %swap3A_426 = tpu.vector_load %arg14[%swap3A_425] {strides = array<i32>} : memref<512xf32, #tpu.memory_space<vmem>>, vector<16xf32>,
    tpu.vector_store %arg14[%swap3A_425], %mul3A_424 {strides = array<i32>} : memref<512xf32, #tpu.memory_space<vmem>>, vector<16xf32>,
    %dma_wait3A_427 = arith.constant 384 : i32
    %dma_wait3A_428 = tpu.memref_slice %arg7[%dma_wait3A_427] : memref<512xi32, #tpu.memory_space<vmem>> -> memref<128xi32, #tpu.memory_space<vmem>>
    %dma_wait3A_429 = arith.constant 0 : i32
    %dma_wait3A_430 = arith.constant 0 : i32
    %dma_wait3A_431 = tpu.memref_slice %arg2[%dma_wait3A_429, %dma_wait3A_430] : memref<100000x128xf32, #tpu.memory_space<hbm>> -> memref<100000x128xf32, #tpu.memory_space<hbm>>
    tpu.wait_indirect_dma semaphore(%arg16 : memref<!tpu.dma_semaphore, #tpu.memory_space<semaphore_mem>>) src(%dma_wait3A_431 : memref<100000x128xf32, #tpu.memory_space<hbm>>) dst(%arg11 : memref<128x128xf32, #tpu.memory_space<vmem>>)
    %dma_wait3A_432 = arith.constant 384 : i32
    %dma_wait3A_433 = tpu.memref_slice %arg8[%dma_wait3A_432] : memref<512xi32, #tpu.memory_space<vmem>> -> memref<128xi32, #tpu.memory_space<vmem>>
    %dma_wait3A_434 = arith.constant 0 : i32
    %dma_wait3A_435 = arith.constant 0 : i32
    %dma_wait3A_436 = tpu.memref_slice %arg2[%dma_wait3A_434, %dma_wait3A_435] : memref<100000x128xf32, #tpu.memory_space<hbm>> -> memref<100000x128xf32, #tpu.memory_space<hbm>>
    tpu.wait_indirect_dma semaphore(%arg16 : memref<!tpu.dma_semaphore, #tpu.memory_space<semaphore_mem>>) src(%dma_wait3A_436 : memref<100000x128xf32, #tpu.memory_space<hbm>>) dst(%arg12 : memref<128x128xf32, #tpu.memory_space<vmem>>)
    %add3A_437 = arith.constant 0 : i32
    %add3A_438 = vector.broadcast %add3A_437 : i32 to vector<16xi32>
    %add3A_439 = arith.addi %iota3A, %add3A_438 : vector<16xi32>
    %broadcast_in_dim3A_440 = arith.constant 0.000000e+00 : f32
    %broadcast_in_dim3A_441 = vector.broadcast %broadcast_in_dim3A_440 : f32 to vector<16xf32>
    %parallel_loop3A_442 = arith.constant 0 : i32
    %parallel_loop3A_443 = arith.constant 128 : i32
    %parallel_loop3A_444 = arith.constant 2 : i32
    %parallel_loop3A_445:2 = scf.for %parallel_loop3A_557 = %parallel_loop3A_442 to %parallel_loop3A_443 step %parallel_loop3A_444 iter_args(%parallel_loop3A_558 = %broadcast_in_dim3A_441, %parallel_loop3A_559 = %broadcast_in_dim3A_441) -> (vector<16xf32>, vector<16xf32>)  : i32 {
      %parallel_loop3A_560 = vector.broadcast %parallel_loop3A_557 : i32 to vector<16xi32>
      %parallel_loop3A_561 = arith.addi %iota3A, %parallel_loop3A_560 : vector<16xi32>
      %parallel_loop3A_562 = arith.constant 127 : i32
      %parallel_loop3A_563 = vector.broadcast %parallel_loop3A_562 : i32 to vector<16xi32>
      %parallel_loop3A_564 = arith.andi %parallel_loop3A_561, %parallel_loop3A_563 : vector<16xi32>
      %parallel_loop3A_565 = vector.broadcast %parallel_loop3A_557 : i32 to vector<16xi32>
      %parallel_loop3A_566 = arith.addi %iota3A, %parallel_loop3A_565 : vector<16xi32>
      %parallel_loop3A_567 = arith.constant 1 : i32
      %parallel_loop3A_568 = vector.broadcast %parallel_loop3A_567 : i32 to vector<16xi32>
      %parallel_loop3A_569 = arith.addi %parallel_loop3A_566, %parallel_loop3A_568 : vector<16xi32>
      %parallel_loop3A_570 = arith.constant 127 : i32
      %parallel_loop3A_571 = vector.broadcast %parallel_loop3A_570 : i32 to vector<16xi32>
      %parallel_loop3A_572 = arith.andi %parallel_loop3A_569, %parallel_loop3A_571 : vector<16xi32>
      %parallel_loop3A_573 = tpu.vector_load_idx %arg11[%add3A_439, %parallel_loop3A_564] : memref<128x128xf32, #tpu.memory_space<vmem>>[vector<16xi32>, vector<16xi32>], vector<16xf32>,
      %parallel_loop3A_574 = tpu.vector_load_idx %arg12[%add3A_439, %parallel_loop3A_564] : memref<128x128xf32, #tpu.memory_space<vmem>>[vector<16xi32>, vector<16xi32>], vector<16xf32>,
      %parallel_loop3A_575 = arith.mulf %parallel_loop3A_573, %parallel_loop3A_574 : vector<16xf32>
      %parallel_loop3A_576 = arith.addf %parallel_loop3A_558, %parallel_loop3A_575 : vector<16xf32>
      %parallel_loop3A_577 = tpu.vector_load_idx %arg11[%add3A_439, %parallel_loop3A_572] : memref<128x128xf32, #tpu.memory_space<vmem>>[vector<16xi32>, vector<16xi32>], vector<16xf32>,
      %parallel_loop3A_578 = tpu.vector_load_idx %arg12[%add3A_439, %parallel_loop3A_572] : memref<128x128xf32, #tpu.memory_space<vmem>>[vector<16xi32>, vector<16xi32>], vector<16xf32>,
      %parallel_loop3A_579 = arith.mulf %parallel_loop3A_577, %parallel_loop3A_578 : vector<16xf32>
      %parallel_loop3A_580 = arith.addf %parallel_loop3A_559, %parallel_loop3A_579 : vector<16xf32>
      scf.yield %parallel_loop3A_576, %parallel_loop3A_580 : vector<16xf32>, vector<16xf32>
    } {sc.loop_unroll_factor = 4 : i64, sc.parallel_access}
    %add3A_446 = arith.addf %parallel_loop3A_445#0, %parallel_loop3A_445#1 : vector<16xf32>
    %get3A_447 = arith.constant 384 : index
    %get3A_448 = tpu.vector_load %arg13[%get3A_447] {strides = array<i32>} : memref<512xf32, #tpu.memory_space<vmem>>, vector<16xf32>,
    %mul3A_449 = arith.mulf %add3A_446, %get3A_448 : vector<16xf32>
    %swap3A_450 = arith.constant 384 : index
    %swap3A_451 = tpu.vector_load %arg14[%swap3A_450] {strides = array<i32>} : memref<512xf32, #tpu.memory_space<vmem>>, vector<16xf32>,
    tpu.vector_store %arg14[%swap3A_450], %mul3A_449 {strides = array<i32>} : memref<512xf32, #tpu.memory_space<vmem>>, vector<16xf32>,
    %add3A_452 = arith.constant 16 : i32
    %add3A_453 = vector.broadcast %add3A_452 : i32 to vector<16xi32>
    %add3A_454 = arith.addi %iota3A, %add3A_453 : vector<16xi32>
    %broadcast_in_dim3A_455 = arith.constant 0.000000e+00 : f32
    %broadcast_in_dim3A_456 = vector.broadcast %broadcast_in_dim3A_455 : f32 to vector<16xf32>
    %parallel_loop3A_457 = arith.constant 0 : i32
    %parallel_loop3A_458 = arith.constant 128 : i32
    %parallel_loop3A_459 = arith.constant 2 : i32
    %parallel_loop3A_460:2 = scf.for %parallel_loop3A_557 = %parallel_loop3A_457 to %parallel_loop3A_458 step %parallel_loop3A_459 iter_args(%parallel_loop3A_558 = %broadcast_in_dim3A_456, %parallel_loop3A_559 = %broadcast_in_dim3A_456) -> (vector<16xf32>, vector<16xf32>)  : i32 {
      %parallel_loop3A_560 = vector.broadcast %parallel_loop3A_557 : i32 to vector<16xi32>
      %parallel_loop3A_561 = arith.addi %iota3A, %parallel_loop3A_560 : vector<16xi32>
      %parallel_loop3A_562 = arith.constant 127 : i32
      %parallel_loop3A_563 = vector.broadcast %parallel_loop3A_562 : i32 to vector<16xi32>
      %parallel_loop3A_564 = arith.andi %parallel_loop3A_561, %parallel_loop3A_563 : vector<16xi32>
      %parallel_loop3A_565 = vector.broadcast %parallel_loop3A_557 : i32 to vector<16xi32>
      %parallel_loop3A_566 = arith.addi %iota3A, %parallel_loop3A_565 : vector<16xi32>
      %parallel_loop3A_567 = arith.constant 1 : i32
      %parallel_loop3A_568 = vector.broadcast %parallel_loop3A_567 : i32 to vector<16xi32>
      %parallel_loop3A_569 = arith.addi %parallel_loop3A_566, %parallel_loop3A_568 : vector<16xi32>
      %parallel_loop3A_570 = arith.constant 127 : i32
      %parallel_loop3A_571 = vector.broadcast %parallel_loop3A_570 : i32 to vector<16xi32>
      %parallel_loop3A_572 = arith.andi %parallel_loop3A_569, %parallel_loop3A_571 : vector<16xi32>
      %parallel_loop3A_573 = tpu.vector_load_idx %arg11[%add3A_454, %parallel_loop3A_564] : memref<128x128xf32, #tpu.memory_space<vmem>>[vector<16xi32>, vector<16xi32>], vector<16xf32>,
      %parallel_loop3A_574 = tpu.vector_load_idx %arg12[%add3A_454, %parallel_loop3A_564] : memref<128x128xf32, #tpu.memory_space<vmem>>[vector<16xi32>, vector<16xi32>], vector<16xf32>,
      %parallel_loop3A_575 = arith.mulf %parallel_loop3A_573, %parallel_loop3A_574 : vector<16xf32>
      %parallel_loop3A_576 = arith.addf %parallel_loop3A_558, %parallel_loop3A_575 : vector<16xf32>
      %parallel_loop3A_577 = tpu.vector_load_idx %arg11[%add3A_454, %parallel_loop3A_572] : memref<128x128xf32, #tpu.memory_space<vmem>>[vector<16xi32>, vector<16xi32>], vector<16xf32>,
      %parallel_loop3A_578 = tpu.vector_load_idx %arg12[%add3A_454, %parallel_loop3A_572] : memref<128x128xf32, #tpu.memory_space<vmem>>[vector<16xi32>, vector<16xi32>], vector<16xf32>,
      %parallel_loop3A_579 = arith.mulf %parallel_loop3A_577, %parallel_loop3A_578 : vector<16xf32>
      %parallel_loop3A_580 = arith.addf %parallel_loop3A_559, %parallel_loop3A_579 : vector<16xf32>
      scf.yield %parallel_loop3A_576, %parallel_loop3A_580 : vector<16xf32>, vector<16xf32>
    } {sc.loop_unroll_factor = 4 : i64, sc.parallel_access}
    %add3A_461 = arith.addf %parallel_loop3A_460#0, %parallel_loop3A_460#1 : vector<16xf32>
    %get3A_462 = arith.constant 400 : index
    %get3A_463 = tpu.vector_load %arg13[%get3A_462] {strides = array<i32>} : memref<512xf32, #tpu.memory_space<vmem>>, vector<16xf32>,
    %mul3A_464 = arith.mulf %add3A_461, %get3A_463 : vector<16xf32>
    %swap3A_465 = arith.constant 400 : index
    %swap3A_466 = tpu.vector_load %arg14[%swap3A_465] {strides = array<i32>} : memref<512xf32, #tpu.memory_space<vmem>>, vector<16xf32>,
    tpu.vector_store %arg14[%swap3A_465], %mul3A_464 {strides = array<i32>} : memref<512xf32, #tpu.memory_space<vmem>>, vector<16xf32>,
    %add3A_467 = arith.constant 32 : i32
    %add3A_468 = vector.broadcast %add3A_467 : i32 to vector<16xi32>
    %add3A_469 = arith.addi %iota3A, %add3A_468 : vector<16xi32>
    %broadcast_in_dim3A_470 = arith.constant 0.000000e+00 : f32
    %broadcast_in_dim3A_471 = vector.broadcast %broadcast_in_dim3A_470 : f32 to vector<16xf32>
    %parallel_loop3A_472 = arith.constant 0 : i32
    %parallel_loop3A_473 = arith.constant 128 : i32
    %parallel_loop3A_474 = arith.constant 2 : i32
    %parallel_loop3A_475:2 = scf.for %parallel_loop3A_557 = %parallel_loop3A_472 to %parallel_loop3A_473 step %parallel_loop3A_474 iter_args(%parallel_loop3A_558 = %broadcast_in_dim3A_471, %parallel_loop3A_559 = %broadcast_in_dim3A_471) -> (vector<16xf32>, vector<16xf32>)  : i32 {
      %parallel_loop3A_560 = vector.broadcast %parallel_loop3A_557 : i32 to vector<16xi32>
      %parallel_loop3A_561 = arith.addi %iota3A, %parallel_loop3A_560 : vector<16xi32>
      %parallel_loop3A_562 = arith.constant 127 : i32
      %parallel_loop3A_563 = vector.broadcast %parallel_loop3A_562 : i32 to vector<16xi32>
      %parallel_loop3A_564 = arith.andi %parallel_loop3A_561, %parallel_loop3A_563 : vector<16xi32>
      %parallel_loop3A_565 = vector.broadcast %parallel_loop3A_557 : i32 to vector<16xi32>
      %parallel_loop3A_566 = arith.addi %iota3A, %parallel_loop3A_565 : vector<16xi32>
      %parallel_loop3A_567 = arith.constant 1 : i32
      %parallel_loop3A_568 = vector.broadcast %parallel_loop3A_567 : i32 to vector<16xi32>
      %parallel_loop3A_569 = arith.addi %parallel_loop3A_566, %parallel_loop3A_568 : vector<16xi32>
      %parallel_loop3A_570 = arith.constant 127 : i32
      %parallel_loop3A_571 = vector.broadcast %parallel_loop3A_570 : i32 to vector<16xi32>
      %parallel_loop3A_572 = arith.andi %parallel_loop3A_569, %parallel_loop3A_571 : vector<16xi32>
      %parallel_loop3A_573 = tpu.vector_load_idx %arg11[%add3A_469, %parallel_loop3A_564] : memref<128x128xf32, #tpu.memory_space<vmem>>[vector<16xi32>, vector<16xi32>], vector<16xf32>,
      %parallel_loop3A_574 = tpu.vector_load_idx %arg12[%add3A_469, %parallel_loop3A_564] : memref<128x128xf32, #tpu.memory_space<vmem>>[vector<16xi32>, vector<16xi32>], vector<16xf32>,
      %parallel_loop3A_575 = arith.mulf %parallel_loop3A_573, %parallel_loop3A_574 : vector<16xf32>
      %parallel_loop3A_576 = arith.addf %parallel_loop3A_558, %parallel_loop3A_575 : vector<16xf32>
      %parallel_loop3A_577 = tpu.vector_load_idx %arg11[%add3A_469, %parallel_loop3A_572] : memref<128x128xf32, #tpu.memory_space<vmem>>[vector<16xi32>, vector<16xi32>], vector<16xf32>,
      %parallel_loop3A_578 = tpu.vector_load_idx %arg12[%add3A_469, %parallel_loop3A_572] : memref<128x128xf32, #tpu.memory_space<vmem>>[vector<16xi32>, vector<16xi32>], vector<16xf32>,
      %parallel_loop3A_579 = arith.mulf %parallel_loop3A_577, %parallel_loop3A_578 : vector<16xf32>
      %parallel_loop3A_580 = arith.addf %parallel_loop3A_559, %parallel_loop3A_579 : vector<16xf32>
      scf.yield %parallel_loop3A_576, %parallel_loop3A_580 : vector<16xf32>, vector<16xf32>
    } {sc.loop_unroll_factor = 4 : i64, sc.parallel_access}
    %add3A_476 = arith.addf %parallel_loop3A_475#0, %parallel_loop3A_475#1 : vector<16xf32>
    %get3A_477 = arith.constant 416 : index
    %get3A_478 = tpu.vector_load %arg13[%get3A_477] {strides = array<i32>} : memref<512xf32, #tpu.memory_space<vmem>>, vector<16xf32>,
    %mul3A_479 = arith.mulf %add3A_476, %get3A_478 : vector<16xf32>
    %swap3A_480 = arith.constant 416 : index
    %swap3A_481 = tpu.vector_load %arg14[%swap3A_480] {strides = array<i32>} : memref<512xf32, #tpu.memory_space<vmem>>, vector<16xf32>,
    tpu.vector_store %arg14[%swap3A_480], %mul3A_479 {strides = array<i32>} : memref<512xf32, #tpu.memory_space<vmem>>, vector<16xf32>,
    %add3A_482 = arith.constant 48 : i32
    %add3A_483 = vector.broadcast %add3A_482 : i32 to vector<16xi32>
    %add3A_484 = arith.addi %iota3A, %add3A_483 : vector<16xi32>
    %broadcast_in_dim3A_485 = arith.constant 0.000000e+00 : f32
    %broadcast_in_dim3A_486 = vector.broadcast %broadcast_in_dim3A_485 : f32 to vector<16xf32>
    %parallel_loop3A_487 = arith.constant 0 : i32
    %parallel_loop3A_488 = arith.constant 128 : i32
    %parallel_loop3A_489 = arith.constant 2 : i32
    %parallel_loop3A_490:2 = scf.for %parallel_loop3A_557 = %parallel_loop3A_487 to %parallel_loop3A_488 step %parallel_loop3A_489 iter_args(%parallel_loop3A_558 = %broadcast_in_dim3A_486, %parallel_loop3A_559 = %broadcast_in_dim3A_486) -> (vector<16xf32>, vector<16xf32>)  : i32 {
      %parallel_loop3A_560 = vector.broadcast %parallel_loop3A_557 : i32 to vector<16xi32>
      %parallel_loop3A_561 = arith.addi %iota3A, %parallel_loop3A_560 : vector<16xi32>
      %parallel_loop3A_562 = arith.constant 127 : i32
      %parallel_loop3A_563 = vector.broadcast %parallel_loop3A_562 : i32 to vector<16xi32>
      %parallel_loop3A_564 = arith.andi %parallel_loop3A_561, %parallel_loop3A_563 : vector<16xi32>
      %parallel_loop3A_565 = vector.broadcast %parallel_loop3A_557 : i32 to vector<16xi32>
      %parallel_loop3A_566 = arith.addi %iota3A, %parallel_loop3A_565 : vector<16xi32>
      %parallel_loop3A_567 = arith.constant 1 : i32
      %parallel_loop3A_568 = vector.broadcast %parallel_loop3A_567 : i32 to vector<16xi32>
      %parallel_loop3A_569 = arith.addi %parallel_loop3A_566, %parallel_loop3A_568 : vector<16xi32>
      %parallel_loop3A_570 = arith.constant 127 : i32
      %parallel_loop3A_571 = vector.broadcast %parallel_loop3A_570 : i32 to vector<16xi32>
      %parallel_loop3A_572 = arith.andi %parallel_loop3A_569, %parallel_loop3A_571 : vector<16xi32>
      %parallel_loop3A_573 = tpu.vector_load_idx %arg11[%add3A_484, %parallel_loop3A_564] : memref<128x128xf32, #tpu.memory_space<vmem>>[vector<16xi32>, vector<16xi32>], vector<16xf32>,
      %parallel_loop3A_574 = tpu.vector_load_idx %arg12[%add3A_484, %parallel_loop3A_564] : memref<128x128xf32, #tpu.memory_space<vmem>>[vector<16xi32>, vector<16xi32>], vector<16xf32>,
      %parallel_loop3A_575 = arith.mulf %parallel_loop3A_573, %parallel_loop3A_574 : vector<16xf32>
      %parallel_loop3A_576 = arith.addf %parallel_loop3A_558, %parallel_loop3A_575 : vector<16xf32>
      %parallel_loop3A_577 = tpu.vector_load_idx %arg11[%add3A_484, %parallel_loop3A_572] : memref<128x128xf32, #tpu.memory_space<vmem>>[vector<16xi32>, vector<16xi32>], vector<16xf32>,
      %parallel_loop3A_578 = tpu.vector_load_idx %arg12[%add3A_484, %parallel_loop3A_572] : memref<128x128xf32, #tpu.memory_space<vmem>>[vector<16xi32>, vector<16xi32>], vector<16xf32>,
      %parallel_loop3A_579 = arith.mulf %parallel_loop3A_577, %parallel_loop3A_578 : vector<16xf32>
      %parallel_loop3A_580 = arith.addf %parallel_loop3A_559, %parallel_loop3A_579 : vector<16xf32>
      scf.yield %parallel_loop3A_576, %parallel_loop3A_580 : vector<16xf32>, vector<16xf32>
    } {sc.loop_unroll_factor = 4 : i64, sc.parallel_access}
    %add3A_491 = arith.addf %parallel_loop3A_490#0, %parallel_loop3A_490#1 : vector<16xf32>
    %get3A_492 = arith.constant 432 : index
    %get3A_493 = tpu.vector_load %arg13[%get3A_492] {strides = array<i32>} : memref<512xf32, #tpu.memory_space<vmem>>, vector<16xf32>,
    %mul3A_494 = arith.mulf %add3A_491, %get3A_493 : vector<16xf32>
    %swap3A_495 = arith.constant 432 : index
    %swap3A_496 = tpu.vector_load %arg14[%swap3A_495] {strides = array<i32>} : memref<512xf32, #tpu.memory_space<vmem>>, vector<16xf32>,
    tpu.vector_store %arg14[%swap3A_495], %mul3A_494 {strides = array<i32>} : memref<512xf32, #tpu.memory_space<vmem>>, vector<16xf32>,
    %add3A_497 = arith.constant 64 : i32
    %add3A_498 = vector.broadcast %add3A_497 : i32 to vector<16xi32>
    %add3A_499 = arith.addi %iota3A, %add3A_498 : vector<16xi32>
    %broadcast_in_dim3A_500 = arith.constant 0.000000e+00 : f32
    %broadcast_in_dim3A_501 = vector.broadcast %broadcast_in_dim3A_500 : f32 to vector<16xf32>
    %parallel_loop3A_502 = arith.constant 0 : i32
    %parallel_loop3A_503 = arith.constant 128 : i32
    %parallel_loop3A_504 = arith.constant 2 : i32
    %parallel_loop3A_505:2 = scf.for %parallel_loop3A_557 = %parallel_loop3A_502 to %parallel_loop3A_503 step %parallel_loop3A_504 iter_args(%parallel_loop3A_558 = %broadcast_in_dim3A_501, %parallel_loop3A_559 = %broadcast_in_dim3A_501) -> (vector<16xf32>, vector<16xf32>)  : i32 {
      %parallel_loop3A_560 = vector.broadcast %parallel_loop3A_557 : i32 to vector<16xi32>
      %parallel_loop3A_561 = arith.addi %iota3A, %parallel_loop3A_560 : vector<16xi32>
      %parallel_loop3A_562 = arith.constant 127 : i32
      %parallel_loop3A_563 = vector.broadcast %parallel_loop3A_562 : i32 to vector<16xi32>
      %parallel_loop3A_564 = arith.andi %parallel_loop3A_561, %parallel_loop3A_563 : vector<16xi32>
      %parallel_loop3A_565 = vector.broadcast %parallel_loop3A_557 : i32 to vector<16xi32>
      %parallel_loop3A_566 = arith.addi %iota3A, %parallel_loop3A_565 : vector<16xi32>
      %parallel_loop3A_567 = arith.constant 1 : i32
      %parallel_loop3A_568 = vector.broadcast %parallel_loop3A_567 : i32 to vector<16xi32>
      %parallel_loop3A_569 = arith.addi %parallel_loop3A_566, %parallel_loop3A_568 : vector<16xi32>
      %parallel_loop3A_570 = arith.constant 127 : i32
      %parallel_loop3A_571 = vector.broadcast %parallel_loop3A_570 : i32 to vector<16xi32>
      %parallel_loop3A_572 = arith.andi %parallel_loop3A_569, %parallel_loop3A_571 : vector<16xi32>
      %parallel_loop3A_573 = tpu.vector_load_idx %arg11[%add3A_499, %parallel_loop3A_564] : memref<128x128xf32, #tpu.memory_space<vmem>>[vector<16xi32>, vector<16xi32>], vector<16xf32>,
      %parallel_loop3A_574 = tpu.vector_load_idx %arg12[%add3A_499, %parallel_loop3A_564] : memref<128x128xf32, #tpu.memory_space<vmem>>[vector<16xi32>, vector<16xi32>], vector<16xf32>,
      %parallel_loop3A_575 = arith.mulf %parallel_loop3A_573, %parallel_loop3A_574 : vector<16xf32>
      %parallel_loop3A_576 = arith.addf %parallel_loop3A_558, %parallel_loop3A_575 : vector<16xf32>
      %parallel_loop3A_577 = tpu.vector_load_idx %arg11[%add3A_499, %parallel_loop3A_572] : memref<128x128xf32, #tpu.memory_space<vmem>>[vector<16xi32>, vector<16xi32>], vector<16xf32>,
      %parallel_loop3A_578 = tpu.vector_load_idx %arg12[%add3A_499, %parallel_loop3A_572] : memref<128x128xf32, #tpu.memory_space<vmem>>[vector<16xi32>, vector<16xi32>], vector<16xf32>,
      %parallel_loop3A_579 = arith.mulf %parallel_loop3A_577, %parallel_loop3A_578 : vector<16xf32>
      %parallel_loop3A_580 = arith.addf %parallel_loop3A_559, %parallel_loop3A_579 : vector<16xf32>
      scf.yield %parallel_loop3A_576, %parallel_loop3A_580 : vector<16xf32>, vector<16xf32>
    } {sc.loop_unroll_factor = 4 : i64, sc.parallel_access}
    %add3A_506 = arith.addf %parallel_loop3A_505#0, %parallel_loop3A_505#1 : vector<16xf32>
    %get3A_507 = arith.constant 448 : index
    %get3A_508 = tpu.vector_load %arg13[%get3A_507] {strides = array<i32>} : memref<512xf32, #tpu.memory_space<vmem>>, vector<16xf32>,
    %mul3A_509 = arith.mulf %add3A_506, %get3A_508 : vector<16xf32>
    %swap3A_510 = arith.constant 448 : index
    %swap3A_511 = tpu.vector_load %arg14[%swap3A_510] {strides = array<i32>} : memref<512xf32, #tpu.memory_space<vmem>>, vector<16xf32>,
    tpu.vector_store %arg14[%swap3A_510], %mul3A_509 {strides = array<i32>} : memref<512xf32, #tpu.memory_space<vmem>>, vector<16xf32>,
    %add3A_512 = arith.constant 80 : i32
    %add3A_513 = vector.broadcast %add3A_512 : i32 to vector<16xi32>
    %add3A_514 = arith.addi %iota3A, %add3A_513 : vector<16xi32>
    %broadcast_in_dim3A_515 = arith.constant 0.000000e+00 : f32
    %broadcast_in_dim3A_516 = vector.broadcast %broadcast_in_dim3A_515 : f32 to vector<16xf32>
    %parallel_loop3A_517 = arith.constant 0 : i32
    %parallel_loop3A_518 = arith.constant 128 : i32
    %parallel_loop3A_519 = arith.constant 2 : i32
    %parallel_loop3A_520:2 = scf.for %parallel_loop3A_557 = %parallel_loop3A_517 to %parallel_loop3A_518 step %parallel_loop3A_519 iter_args(%parallel_loop3A_558 = %broadcast_in_dim3A_516, %parallel_loop3A_559 = %broadcast_in_dim3A_516) -> (vector<16xf32>, vector<16xf32>)  : i32 {
      %parallel_loop3A_560 = vector.broadcast %parallel_loop3A_557 : i32 to vector<16xi32>
      %parallel_loop3A_561 = arith.addi %iota3A, %parallel_loop3A_560 : vector<16xi32>
      %parallel_loop3A_562 = arith.constant 127 : i32
      %parallel_loop3A_563 = vector.broadcast %parallel_loop3A_562 : i32 to vector<16xi32>
      %parallel_loop3A_564 = arith.andi %parallel_loop3A_561, %parallel_loop3A_563 : vector<16xi32>
      %parallel_loop3A_565 = vector.broadcast %parallel_loop3A_557 : i32 to vector<16xi32>
      %parallel_loop3A_566 = arith.addi %iota3A, %parallel_loop3A_565 : vector<16xi32>
      %parallel_loop3A_567 = arith.constant 1 : i32
      %parallel_loop3A_568 = vector.broadcast %parallel_loop3A_567 : i32 to vector<16xi32>
      %parallel_loop3A_569 = arith.addi %parallel_loop3A_566, %parallel_loop3A_568 : vector<16xi32>
      %parallel_loop3A_570 = arith.constant 127 : i32
      %parallel_loop3A_571 = vector.broadcast %parallel_loop3A_570 : i32 to vector<16xi32>
      %parallel_loop3A_572 = arith.andi %parallel_loop3A_569, %parallel_loop3A_571 : vector<16xi32>
      %parallel_loop3A_573 = tpu.vector_load_idx %arg11[%add3A_514, %parallel_loop3A_564] : memref<128x128xf32, #tpu.memory_space<vmem>>[vector<16xi32>, vector<16xi32>], vector<16xf32>,
      %parallel_loop3A_574 = tpu.vector_load_idx %arg12[%add3A_514, %parallel_loop3A_564] : memref<128x128xf32, #tpu.memory_space<vmem>>[vector<16xi32>, vector<16xi32>], vector<16xf32>,
      %parallel_loop3A_575 = arith.mulf %parallel_loop3A_573, %parallel_loop3A_574 : vector<16xf32>
      %parallel_loop3A_576 = arith.addf %parallel_loop3A_558, %parallel_loop3A_575 : vector<16xf32>
      %parallel_loop3A_577 = tpu.vector_load_idx %arg11[%add3A_514, %parallel_loop3A_572] : memref<128x128xf32, #tpu.memory_space<vmem>>[vector<16xi32>, vector<16xi32>], vector<16xf32>,
      %parallel_loop3A_578 = tpu.vector_load_idx %arg12[%add3A_514, %parallel_loop3A_572] : memref<128x128xf32, #tpu.memory_space<vmem>>[vector<16xi32>, vector<16xi32>], vector<16xf32>,
      %parallel_loop3A_579 = arith.mulf %parallel_loop3A_577, %parallel_loop3A_578 : vector<16xf32>
      %parallel_loop3A_580 = arith.addf %parallel_loop3A_559, %parallel_loop3A_579 : vector<16xf32>
      scf.yield %parallel_loop3A_576, %parallel_loop3A_580 : vector<16xf32>, vector<16xf32>
    } {sc.loop_unroll_factor = 4 : i64, sc.parallel_access}
    %add3A_521 = arith.addf %parallel_loop3A_520#0, %parallel_loop3A_520#1 : vector<16xf32>
    %get3A_522 = arith.constant 464 : index
    %get3A_523 = tpu.vector_load %arg13[%get3A_522] {strides = array<i32>} : memref<512xf32, #tpu.memory_space<vmem>>, vector<16xf32>,
    %mul3A_524 = arith.mulf %add3A_521, %get3A_523 : vector<16xf32>
    %swap3A_525 = arith.constant 464 : index
    %swap3A_526 = tpu.vector_load %arg14[%swap3A_525] {strides = array<i32>} : memref<512xf32, #tpu.memory_space<vmem>>, vector<16xf32>,
    tpu.vector_store %arg14[%swap3A_525], %mul3A_524 {strides = array<i32>} : memref<512xf32, #tpu.memory_space<vmem>>, vector<16xf32>,
    %add3A_527 = arith.constant 96 : i32
    %add3A_528 = vector.broadcast %add3A_527 : i32 to vector<16xi32>
    %add3A_529 = arith.addi %iota3A, %add3A_528 : vector<16xi32>
    %broadcast_in_dim3A_530 = arith.constant 0.000000e+00 : f32
    %broadcast_in_dim3A_531 = vector.broadcast %broadcast_in_dim3A_530 : f32 to vector<16xf32>
    %parallel_loop3A_532 = arith.constant 0 : i32
    %parallel_loop3A_533 = arith.constant 128 : i32
    %parallel_loop3A_534 = arith.constant 2 : i32
    %parallel_loop3A_535:2 = scf.for %parallel_loop3A_557 = %parallel_loop3A_532 to %parallel_loop3A_533 step %parallel_loop3A_534 iter_args(%parallel_loop3A_558 = %broadcast_in_dim3A_531, %parallel_loop3A_559 = %broadcast_in_dim3A_531) -> (vector<16xf32>, vector<16xf32>)  : i32 {
      %parallel_loop3A_560 = vector.broadcast %parallel_loop3A_557 : i32 to vector<16xi32>
      %parallel_loop3A_561 = arith.addi %iota3A, %parallel_loop3A_560 : vector<16xi32>
      %parallel_loop3A_562 = arith.constant 127 : i32
      %parallel_loop3A_563 = vector.broadcast %parallel_loop3A_562 : i32 to vector<16xi32>
      %parallel_loop3A_564 = arith.andi %parallel_loop3A_561, %parallel_loop3A_563 : vector<16xi32>
      %parallel_loop3A_565 = vector.broadcast %parallel_loop3A_557 : i32 to vector<16xi32>
      %parallel_loop3A_566 = arith.addi %iota3A, %parallel_loop3A_565 : vector<16xi32>
      %parallel_loop3A_567 = arith.constant 1 : i32
      %parallel_loop3A_568 = vector.broadcast %parallel_loop3A_567 : i32 to vector<16xi32>
      %parallel_loop3A_569 = arith.addi %parallel_loop3A_566, %parallel_loop3A_568 : vector<16xi32>
      %parallel_loop3A_570 = arith.constant 127 : i32
      %parallel_loop3A_571 = vector.broadcast %parallel_loop3A_570 : i32 to vector<16xi32>
      %parallel_loop3A_572 = arith.andi %parallel_loop3A_569, %parallel_loop3A_571 : vector<16xi32>
      %parallel_loop3A_573 = tpu.vector_load_idx %arg11[%add3A_529, %parallel_loop3A_564] : memref<128x128xf32, #tpu.memory_space<vmem>>[vector<16xi32>, vector<16xi32>], vector<16xf32>,
      %parallel_loop3A_574 = tpu.vector_load_idx %arg12[%add3A_529, %parallel_loop3A_564] : memref<128x128xf32, #tpu.memory_space<vmem>>[vector<16xi32>, vector<16xi32>], vector<16xf32>,
      %parallel_loop3A_575 = arith.mulf %parallel_loop3A_573, %parallel_loop3A_574 : vector<16xf32>
      %parallel_loop3A_576 = arith.addf %parallel_loop3A_558, %parallel_loop3A_575 : vector<16xf32>
      %parallel_loop3A_577 = tpu.vector_load_idx %arg11[%add3A_529, %parallel_loop3A_572] : memref<128x128xf32, #tpu.memory_space<vmem>>[vector<16xi32>, vector<16xi32>], vector<16xf32>,
      %parallel_loop3A_578 = tpu.vector_load_idx %arg12[%add3A_529, %parallel_loop3A_572] : memref<128x128xf32, #tpu.memory_space<vmem>>[vector<16xi32>, vector<16xi32>], vector<16xf32>,
      %parallel_loop3A_579 = arith.mulf %parallel_loop3A_577, %parallel_loop3A_578 : vector<16xf32>
      %parallel_loop3A_580 = arith.addf %parallel_loop3A_559, %parallel_loop3A_579 : vector<16xf32>
      scf.yield %parallel_loop3A_576, %parallel_loop3A_580 : vector<16xf32>, vector<16xf32>
    } {sc.loop_unroll_factor = 4 : i64, sc.parallel_access}
    %add3A_536 = arith.addf %parallel_loop3A_535#0, %parallel_loop3A_535#1 : vector<16xf32>
    %get3A_537 = arith.constant 480 : index
    %get3A_538 = tpu.vector_load %arg13[%get3A_537] {strides = array<i32>} : memref<512xf32, #tpu.memory_space<vmem>>, vector<16xf32>,
    %mul3A_539 = arith.mulf %add3A_536, %get3A_538 : vector<16xf32>
    %swap3A_540 = arith.constant 480 : index
    %swap3A_541 = tpu.vector_load %arg14[%swap3A_540] {strides = array<i32>} : memref<512xf32, #tpu.memory_space<vmem>>, vector<16xf32>,
    tpu.vector_store %arg14[%swap3A_540], %mul3A_539 {strides = array<i32>} : memref<512xf32, #tpu.memory_space<vmem>>, vector<16xf32>,
    %add3A_542 = arith.constant 112 : i32
    %add3A_543 = vector.broadcast %add3A_542 : i32 to vector<16xi32>
    %add3A_544 = arith.addi %iota3A, %add3A_543 : vector<16xi32>
    %broadcast_in_dim3A_545 = arith.constant 0.000000e+00 : f32
    %broadcast_in_dim3A_546 = vector.broadcast %broadcast_in_dim3A_545 : f32 to vector<16xf32>
    %parallel_loop3A_547 = arith.constant 0 : i32
    %parallel_loop3A_548 = arith.constant 128 : i32
    %parallel_loop3A_549 = arith.constant 2 : i32
    %parallel_loop3A_550:2 = scf.for %parallel_loop3A_557 = %parallel_loop3A_547 to %parallel_loop3A_548 step %parallel_loop3A_549 iter_args(%parallel_loop3A_558 = %broadcast_in_dim3A_546, %parallel_loop3A_559 = %broadcast_in_dim3A_546) -> (vector<16xf32>, vector<16xf32>)  : i32 {
      %parallel_loop3A_560 = vector.broadcast %parallel_loop3A_557 : i32 to vector<16xi32>
      %parallel_loop3A_561 = arith.addi %iota3A, %parallel_loop3A_560 : vector<16xi32>
      %parallel_loop3A_562 = arith.constant 127 : i32
      %parallel_loop3A_563 = vector.broadcast %parallel_loop3A_562 : i32 to vector<16xi32>
      %parallel_loop3A_564 = arith.andi %parallel_loop3A_561, %parallel_loop3A_563 : vector<16xi32>
      %parallel_loop3A_565 = vector.broadcast %parallel_loop3A_557 : i32 to vector<16xi32>
      %parallel_loop3A_566 = arith.addi %iota3A, %parallel_loop3A_565 : vector<16xi32>
      %parallel_loop3A_567 = arith.constant 1 : i32
      %parallel_loop3A_568 = vector.broadcast %parallel_loop3A_567 : i32 to vector<16xi32>
      %parallel_loop3A_569 = arith.addi %parallel_loop3A_566, %parallel_loop3A_568 : vector<16xi32>
      %parallel_loop3A_570 = arith.constant 127 : i32
      %parallel_loop3A_571 = vector.broadcast %parallel_loop3A_570 : i32 to vector<16xi32>
      %parallel_loop3A_572 = arith.andi %parallel_loop3A_569, %parallel_loop3A_571 : vector<16xi32>
      %parallel_loop3A_573 = tpu.vector_load_idx %arg11[%add3A_544, %parallel_loop3A_564] : memref<128x128xf32, #tpu.memory_space<vmem>>[vector<16xi32>, vector<16xi32>], vector<16xf32>,
      %parallel_loop3A_574 = tpu.vector_load_idx %arg12[%add3A_544, %parallel_loop3A_564] : memref<128x128xf32, #tpu.memory_space<vmem>>[vector<16xi32>, vector<16xi32>], vector<16xf32>,
      %parallel_loop3A_575 = arith.mulf %parallel_loop3A_573, %parallel_loop3A_574 : vector<16xf32>
      %parallel_loop3A_576 = arith.addf %parallel_loop3A_558, %parallel_loop3A_575 : vector<16xf32>
      %parallel_loop3A_577 = tpu.vector_load_idx %arg11[%add3A_544, %parallel_loop3A_572] : memref<128x128xf32, #tpu.memory_space<vmem>>[vector<16xi32>, vector<16xi32>], vector<16xf32>,
      %parallel_loop3A_578 = tpu.vector_load_idx %arg12[%add3A_544, %parallel_loop3A_572] : memref<128x128xf32, #tpu.memory_space<vmem>>[vector<16xi32>, vector<16xi32>], vector<16xf32>,
      %parallel_loop3A_579 = arith.mulf %parallel_loop3A_577, %parallel_loop3A_578 : vector<16xf32>
      %parallel_loop3A_580 = arith.addf %parallel_loop3A_559, %parallel_loop3A_579 : vector<16xf32>
      scf.yield %parallel_loop3A_576, %parallel_loop3A_580 : vector<16xf32>, vector<16xf32>
    } {sc.loop_unroll_factor = 4 : i64, sc.parallel_access}
    %add3A_551 = arith.addf %parallel_loop3A_550#0, %parallel_loop3A_550#1 : vector<16xf32>
    %get3A_552 = arith.constant 496 : index
    %get3A_553 = tpu.vector_load %arg13[%get3A_552] {strides = array<i32>} : memref<512xf32, #tpu.memory_space<vmem>>, vector<16xf32>,
    %mul3A_554 = arith.mulf %add3A_551, %get3A_553 : vector<16xf32>
    %swap3A_555 = arith.constant 496 : index
    %swap3A_556 = tpu.vector_load %arg14[%swap3A_555] {strides = array<i32>} : memref<512xf32, #tpu.memory_space<vmem>>, vector<16xf32>,
    tpu.vector_store %arg14[%swap3A_555], %mul3A_554 {strides = array<i32>} : memref<512xf32, #tpu.memory_space<vmem>>, vector<16xf32>,
    "tpu.region"() ({
      %run_scoped3A = tpu.sem_alloc : memref<!tpu.dma_semaphore, #tpu.memory_space<semaphore_mem>>
      %dma_start3A_557 = tpu.memref_slice %arg6[%mul3A_2] : memref<16384xf32, #tpu.memory_space<hbm>> -> memref<512xf32, #tpu.memory_space<hbm>>
      %dma_start3A_558 = tpu.memref_slice %arg6[%mul3A_2] : memref<16384xf32, #tpu.memory_space<hbm>> -> memref<512xf32, #tpu.memory_space<hbm>>
      tpu.enqueue_dma source(%arg14 : memref<512xf32, #tpu.memory_space<vmem>>) target(%dma_start3A_558 : memref<512xf32, #tpu.memory_space<hbm>>) target_semaphore(%run_scoped3A : memref<!tpu.dma_semaphore, #tpu.memory_space<semaphore_mem>>)
      %dma_wait3A_559 = tpu.memref_slice %arg6[%mul3A_2] : memref<16384xf32, #tpu.memory_space<hbm>> -> memref<512xf32, #tpu.memory_space<hbm>>
      %dma_wait3A_560 = tpu.memref_slice %arg6[%mul3A_2] : memref<16384xf32, #tpu.memory_space<hbm>> -> memref<512xf32, #tpu.memory_space<hbm>>
      tpu.wait_dma2 semaphore(%run_scoped3A : memref<!tpu.dma_semaphore, #tpu.memory_space<semaphore_mem>>) src(%arg14 : memref<512xf32, #tpu.memory_space<vmem>>) dst(%dma_wait3A_560 : memref<512xf32, #tpu.memory_space<hbm>>)
      tpu.yield
    }) : () -> ()
    return
  }
}

module attributes {stable_mosaic.version = 14 : i64} {
  func.func @_tc_loss_body(%arg0: memref<128x128xf32, #tpu.memory_space<vmem>>, %arg1: memref<1x1xf32, #tpu.memory_space<smem>>) attributes {dimension_semantics = [], scalar_prefetch = 0 : i64, scratch_operands = 0 : i64, tpu.core_type = #tpu.core_type<tc>} {
    %get3A = arith.constant 0 : index
    %get3A_0 = arith.constant 0 : index
    %get3A_1 = vector.load %arg0[%get3A, %get3A_0] : memref<128x128xf32, #tpu.memory_space<vmem>>, vector<128x128xf32>
    %min3A = arith.constant 0.000000e+00 : f32
    %min3A_2 = vector.broadcast %min3A : f32 to vector<128x128xf32>
    %min3A_3 = arith.minimumf %get3A_1, %min3A_2 : vector<128x128xf32>
    %abs3A = math.absf %get3A_1 : vector<128x128xf32>
    %neg3A = arith.constant 0.000000e+00 : f32
    %neg3A_4 = vector.broadcast %neg3A : f32 to vector<128x128xf32>
    %neg3A_5 = arith.subf %neg3A_4, %abs3A : vector<128x128xf32>
    %exp3A = math.exp %neg3A_5 : vector<128x128xf32>
    %log1p3A = math.log1p %exp3A : vector<128x128xf32>
    %sub3A = arith.subf %min3A_3, %log1p3A : vector<128x128xf32>
    %reduce_sum3A = vector.shape_cast %sub3A : vector<128x128xf32> to vector<1x128x128xf32>
    %reduce_sum3A_6 = arith.constant dense<0.000000e+00> : vector<1xf32>
    %reduce_sum3A_7 = vector.multi_reduction <add>, %reduce_sum3A, %reduce_sum3A_6 [1, 2] : vector<1x128x128xf32> to vector<1xf32>
    %reduce_sum3A_8 = vector.shape_cast %reduce_sum3A_7 : vector<1xf32> to vector<1x1x1xf32>
    %reduce_sum3A_9 = vector.extract %reduce_sum3A_8[0, 0, 0] : f32 from vector<1x1x1xf32>
    %neg3A_10 = arith.constant 0.000000e+00 : f32
    %neg3A_11 = arith.subf %neg3A_10, %reduce_sum3A_9 : f32
    %mul3A = arith.constant 6.10351563E-5 : f32
    %mul3A_12 = arith.mulf %neg3A_11, %mul3A : f32
    %swap3A = arith.constant 0 : index
    %swap3A_13 = arith.constant 0 : index
    %swap3A_14 = memref.load %arg1[%swap3A, %swap3A_13] : memref<1x1xf32, #tpu.memory_space<smem>>
    memref.store %mul3A_12, %arg1[%swap3A, %swap3A_13] : memref<1x1xf32, #tpu.memory_space<smem>>
    return
  }
}

</mosaic_0001>

<sc_bundles>
// kernel: kernel.4.cloned.1.call-start
scs
__scs_entry_jumppad:
0x0: {  	(pc) =	sbr.rel $0x88, $3  }
0x1: {  	(tag) =	ssettag $0x0;
	lr =	simm.s32 $0x1  }
0x2: {  	[smem:$0x3F9D] =	sst lr;
	_ =	strace $0xD0000000  }
0x3: {  	_ = 	snop  }
0x4: {  	_ = 	snop  }
0x5: {  	_ = 	snop  }
0x6: {  	_ = 	snop  }
0x7: {  	_ = 	snop  }
__scs_overlays_trampoline_lowered:
0x8: {  	[smem:$0x3FAC] =	sst s0  }
0x9: {  	[smem:$0x3FAD] =	sst s1  }
0xa: {  	[smem:$0x3FAE] =	sst s2  }
0xb: {  	[smem:$0x3FAF] =	sst s3  }
0xc: {  	[smem:$0x3FB0] =	sst s4  }
0xd: {  	[smem:$0x3FB1] =	sst s5  }
0xe: {  	[smem:$0x3FB2] =	sst s6  }
0xf: {  	[smem:$0x3FB3] =	sst s7  }
0x10: {  	[smem:$0x3FB4] =	sst s8  }
0x11: {  	[smem:$0x3FB5] =	sst s9;
	s0 =	simm.s32 @!p0 $0x0  }
0x12: {  	s1 =	sld [smem:$0x3F9B];
	s0 =	simm.s32 @p0 $0x1  }
0x13: {  	[smem:$0x3FB6] =	sst s0;
	s0 =	simm.s32 @!p1 $0x0  }
0x14: {  	s2 =	sld [smem:$0x3F9A];
	s0 =	simm.s32 @p1 $0x1  }
0x15: {  	[smem:$0x3FB7] =	sst s0;
	s0 =	simm.s32 @!p2 $0x0  }
0x16: {  	s3 =	sld [smem:$0x3FDB];
	s0 =	simm.s32 @p2 $0x1  }
0x17: {  	s4 =	simm.s32 $0x1BF5;
	[smem:$0x3FB9] =	sst s0  }
0x18: {  	s0 =	sld [smem:$0x3F9C];
	_ =	swait.ge [sflag:s4], $0x0  }
0x19: {  	s7 =	sld [smem:$0x3F9D]  }
0x1a: {  	s8 =	sadd.s32 $0xFFFFE003, lr  }
0x1b: {  	s9 =	sadd.s32 $0xFFFFFEF7, lr;
	s5 =	simm.s32 $0xFFFFFFFF;
	p2 =	slt.u32 s8, $0xFFFFF086  }
0x1c: {  	p1 =	slt.u32 s9, $0xF7A;
	s5 =	simm.s32 @!p2 $0x0  }
0x1d: {  	s5 =	simm.s32 @p1 $0x1;
	p0 =	seq.s32 s7, s2  }
0x1e: {  	s7 =	smul.u32 @!p0 $0xF7A, s2;
	p2 =	seq.s32 @!p0 s5, $0x0  }
0x1f: {  	s9 =	smul.u32 $0xF7A, s1;
	s8 =	simm.s32 @!p0 $0x1BF5;
	p2 =	por !p2, p0  }
0x20: {  	[sflag:s8] =	ssyncset.s32 @!p0 $0xFFFFF086;
	s6 =	sadd.s32 @!p0 s3, s7;
	s7 =	simm.s32 @!p0 $0x108  }
0x21: {  	s3 =	sadd.s32 s3, s9;
	s6 =	sadd.s32 @!p0 $0x88, s6;
	s7 =	simm.s32 @p2 $0x1082  }
0x22: {  	[simem:s7], [sflag:s8] =	dma.local @!p0 [hbm:s6], $0xF7A  }
0x23: {  	s9 =	sor.u32 $0xD0000000, s2;
	s6 =	simm.s32 $0x108;
	_ =	swait.ge @!p0 [sflag:s8], $0x0  }
0x24: {  	s3 =	sadd.s32 $0x88, s3;
	s6 =	simm.s32 @!p1 $0x1082;
	[sflag:s4] =	ssyncset.s32 $0xFFFFF086  }
0x25: {  	[simem:s6], [sflag:s4] =	dma.local [hbm:s3], $0xF7A  }
0x26: {  	[smem:$0x3F9D] =	sst s1;
	(tag) =	ssettag s2;
	_ =	strace s9  }
0x27: {  	s1 =	sld [smem:$0x3FAD]  }
0x28: {  	s2 =	sld [smem:$0x3FAE]  }
0x29: {  	s4 =	sld [smem:$0x3FB0]  }
0x2a: {  	p0 =	seq.s32 s5, $0x0;
	s5 =	sld [smem:$0x3FB1]  }
0x2b: {  	s6 =	sld [smem:$0x3FB2]  }
0x2c: {  	s7 =	sld [smem:$0x3FB3]  }
0x2d: {  	s3 =	simm.s32 $0x108;
	s8 =	sld [smem:$0x3FB4]  }
0x2e: {  	s3 =	simm.s32 @!p0 $0x1082;
	s9 =	sld [smem:$0x3FB5]  }
0x2f: {  	lr =	sadd.s32 s0, s3;
	s0 =	sld [smem:$0x3FAC]  }
0x30: {  	s3 =	sld [smem:$0x3FAF]  }
0x31: {  	[smem:$0x3FB8] =	sst s10  }
0x32: {  	s10 =	sld [smem:$0x3FB6];
	_ =	sdelay $0x3  }
0x33: {  	p0 =	seq.s32 s10, $0x1;
	s10 =	sld [smem:$0x3FB8];
	_ =	sdelay $0x3  }
0x34: {  	[smem:$0x3FB8] =	sst s10  }
0x35: {  	s10 =	sld [smem:$0x3FB7];
	_ =	sdelay $0x3  }
0x36: {  	p1 =	seq.s32 s10, $0x1;
	s10 =	sld [smem:$0x3FB8];
	_ =	sdelay $0x3  }
0x37: {  	[smem:$0x3FB8] =	sst s10  }
0x38: {  	s10 =	sld [smem:$0x3FB9]  }
0x39: {  	_ = 	snop;
	(pc) =	sbr.ind lr, $3  }
0x3a: {  	_ = 	snop  }
0x3b: {  	_ = 	snop  }
0x3c: {  	p2 =	seq.s32 s10, $0x1;
	s10 =	sld [smem:$0x3FB8]  }
0x3d: {  	_ =	shalt  }
0x3e: {  	_ =	shalt  }
0x3f: {  	_ =	shalt  }
0x40: {  	_ =	shalt  }
0x41: {  	_ =	shalt  }
0x42: {  	_ =	shalt  }
0x43: {  	_ =	shalt  }
0x44: {  	_ =	shalt  }
0x45: {  	_ =	shalt  }
0x46: {  	_ =	shalt  }
0x47: {  	_ =	shalt  }
0x48: {  	_ =	shalt  }
0x49: {  	_ =	shalt  }
0x4a: {  	_ =	shalt  }
0x4b: {  	_ =	shalt  }
0x4c: {  	_ =	shalt  }
0x4d: {  	_ =	shalt  }
0x4e: {  	_ =	shalt  }
0x4f: {  	_ =	shalt  }
0x50: {  	_ =	shalt  }
0x51: {  	_ =	shalt  }
0x52: {  	_ =	shalt  }
0x53: {  	_ =	shalt  }
0x54: {  	_ =	shalt  }
0x55: {  	_ =	shalt  }
0x56: {  	_ =	shalt  }
0x57: {  	_ =	shalt  }
0x58: {  	_ =	shalt  }
0x59: {  	_ =	shalt  }
0x5a: {  	_ =	shalt  }
0x5b: {  	_ =	shalt  }
0x5c: {  	_ =	shalt  }
0x5d: {  	_ =	shalt  }
0x5e: {  	_ =	shalt  }
0x5f: {  	_ =	shalt  }
0x60: {  	_ =	shalt  }
0x61: {  	_ =	shalt  }
0x62: {  	_ =	shalt  }
0x63: {  	_ =	shalt  }
0x64: {  	_ =	shalt  }
0x65: {  	_ =	shalt  }
0x66: {  	_ =	shalt  }
0x67: {  	_ =	shalt  }
0x68: {  	_ =	shalt  }
0x69: {  	_ =	shalt  }
0x6a: {  	_ =	shalt  }
0x6b: {  	_ =	shalt  }
0x6c: {  	_ =	shalt  }
0x6d: {  	_ =	shalt  }
0x6e: {  	_ =	shalt  }
0x6f: {  	_ =	shalt  }
0x70: {  	_ =	shalt  }
0x71: {  	_ =	shalt  }
0x72: {  	_ =	shalt  }
0x73: {  	_ =	shalt  }
0x74: {  	_ =	shalt  }
0x75: {  	_ =	shalt  }
0x76: {  	_ =	shalt  }
0x77: {  	_ =	shalt  }
0x78: {  	_ =	shalt  }
0x79: {  	_ =	shalt  }
0x7a: {  	_ =	shalt  }
0x7b: {  	_ =	shalt  }
0x7c: {  	_ =	shalt  }
0x7d: {  	_ =	shalt  }
0x7e: {  	_ =	shalt  }
0x7f: {  	_ =	shalt  }
0x80: {  	_ =	shalt  }
0x81: {  	_ =	shalt  }
0x82: {  	_ =	shalt  }
0x83: {  	_ =	shalt  }
0x84: {  	_ =	shalt  }
0x85: {  	_ =	shalt  }
0x86: {  	_ =	shalt  }
0x87: {  	_ =	shalt  }
.Lfunc_end0:
.L_simem_size_0:
called_computation_lowered:
.L_overlay_start_0:
0x88: {  	s2 =	sld [smem:$0x3FD9]  }
0x89: {  	s3 =	sld [smem:$0x3FFE];
	_ =	sdelay $0x1  }
0x8a: {  	s1 =	srdreg.scid  }
0x8b: {  	s0 =	sand.u32 $0x1, s1  }
0x8c: {  	s17 =	sshll.u32 s0, $0xA;
	s2 =	sadd.s32 s3, s2  }
0x8d: {  	s2 =	sadd.s32 s2, s17  }
0x8e: {  	[smem:$0x3FC4] =	sst s2  }
0x8f: {  	_ = 	snop  }
0x90: {  	s2 =	sld [smem:$0x3FC9]  }
0x91: {  	s18 =	sld [smem:$0x3FC8]  }
0x92: {  	s4 =	sld [smem:$0x3FC7]  }
0x93: {  	s5 =	sld [smem:$0x3FC6];
	(tm) =	ssettm $0x1  }
0x94: {  	s6 =	sld [smem:$0x3FFB];
	_ =	sdelay $0x3  }
0x95: {  	_ =	strace s6  }
0x96: {  	s6 =	sld [smem:$0x3FFC];
	_ =	sdelay $0x3  }
0x97: {  	_ =	strace s6  }
0x98: {  	s6 =	sld [smem:$0x3FFD];
	_ =	sdelay $0x3  }
0x99: {  	_ =	strace s6  }
0x9a: {  	_ =	strace $0x8FFFFFFF  }
0x9b: {  	s19 =	sld [smem:$0x3FDB];
	_ =	sdelay $0x1  }
0x9c: {  	s7 =	simm.s32 $_scs_section_size  }
0x9d: {  	s8 =	simm.s32 $_size__tile_overlayer_lowered;
	s9 =	simm.s32 $_tile_overlayer_lowered  }
0x9e: {  	s22 =	simm.s32 $0x1BFF;
	s21 =	sshll.u32 s9, $0x1;
	s6 =	sadd.s32 s7, s19  }
0x9f: {  	s10 =	simm.s32 $0x0;
	s20 =	sshll.u32 s8, $0x1;
	s8 =	sadd.s32 s21, s6  }
0xa0: {  	[timem:s10], [sflag:s22] =	dma.local [hbm:s8], s20  }
0xa1: {  	_ =	swait.ge [sflag:s22], s20  }
0xa2: {  	s7 =	ssub.s32 $0x0, s20;
	[sflag:s22] =	ssyncset.done $0x0  }
0xa3: {  	[sflag:s22] =	ssyncadd.s32 s7;
	_ =	sdelay $0x1  }
0xa4: {  	s23 =	simm.s32 $0x1B8B  }
0xa5: {  	_ =	swait.ge [sflag:s23], $0x1  }
0xa6: {  	[sflag:s23] =	ssyncset.done $0x0  }
0xa7: {  	s25 =	simm.s32 $0x1B8E;
	s24 =	sld [smem:$0x3FFE];
	[sflag:s23] =	ssyncadd.s32 $0xFFFFFFFF  }
0xa8: {  	s26 =	simm.s32 $execute0_lowered;
	[smem:$0x3FD2] =	sst s25  }
0xa9: {  	s8 =	sshll.u32 s26, $0x1;
	_ =	strace $0x80000046;
	[dreg:$0x1] =	wrdreg $0xFFFFFFFF  }
0xaa: {  	s28 =	simm.s32 $_size_execute0_lowered;
	s6 =	sadd.s32 s6, s8;
	[dreg:$0x0] =	wrdreg $0x0  }
0xab: {  	s8 =	sshll.u32 s28, $0x1;
	[dreg:$0x2] =	wrdreg s6  }
0xac: {  	[dreg:$0x3] =	wrdreg s8  }
0xad: {  	[dreg:$0x4] =	wrdreg $0xC0  }
0xae: {  	_ =	task [dreg:s10], $0x5FFFF  }
0xaf: {  	[dreg:$0x1] =	wrdreg $0xFFFFFFFF  }
0xb0: {  	[dreg:$0x0] =	wrdreg $0x60  }
0xb1: {  	[dreg:$0x2] =	wrdreg s5  }
0xb2: {  	[dreg:$0x3] =	wrdreg s2  }
0xb3: {  	[dreg:$0x4] =	wrdreg s18  }
0xb4: {  	[dreg:$0x5] =	wrdreg s4  }
0xb5: {  	[dreg:$0x6] =	wrdreg s24  }
0xb6: {  	[dreg:$0x7] =	wrdreg $0x9  }
0xb7: {  	_ =	task.clear_ibuf [dreg:s10], $0x8FFFF;
	_ =	strace $0x90000046  }
0xb8: {  	s29 =	simm.s32 $0x9;
	_ =	strace $0x80000048  }
0xb9: {  	_ =	swait.ge [sflag:s29], $0x1  }
0xba: {  	[sflag:s29] =	ssyncadd.s32 $0xFFFFFFFF  }
0xbb: {  	_ =	strace $0x90000048  }
0xbc: {  	_ =	sfence  }
0xbd: {  	s30 =	sld [smem:$0x0];
	_ =	sdelay $0x2  }
0xbe: {  	s31 =	sshll.u32 s1, $0xD;
	s1 =	sshrl.u32 s1, $0x2  }
0xbf: {  	s3 =	sand.u32 $0x4000, s31;
	s1 =	sadd.s32 s1, s30  }
0xc0: {  	s0 =	sor.u32 s3, s0;
	s1 =	sshll.u32 s1, $0x11  }
0xc1: {  	s0 =	sor.u32 s1, s0  }
0xc2: {  	s0 =	sadd.s32 $0x8F2B, s0  }
0xc3: {  	[sflag:s0] =	ssyncadd.remote.s32 $0x1  }
0xc4: {  	_ =	sfence.sel $0xFFFF  }
0xc5: {  	[dreg:$0x0] =	wrdreg $0xFFFFFFFF;
	(pc) =	sbr.abs _section_cstart, $3  }
0xc6: {  	[dreg:$0x1] =	wrdreg $0xFFFFFFFF  }
0xc7: {  	_ =	task.clear_ibuf [dreg:s10], $0x2FFFF;
	_ =	strace $0x9FFFFFFF  }
0xc8: {  	(tm) =	ssettm $0x7FFFFFFF  }
0xc9: {  	_ =	shalt  }
tec
execute0_lowered:
.L_overlay_start_1:
0x0: {  	(tag) =	ssettag $0x1  }
0x1: {  	s1 =	rddreg [dreg:$0x0]  }
0x2: {  	s4 =	rddreg [dreg:$0x1]  }
0x3: {  	s5 =	rddreg [dreg:$0x2]  }
0x4: {  	s6 =	rddreg [dreg:$0x3]  }
0x5: {  	s7 =	rddreg [dreg:$0x4]  }
0x6: {  	s0 =	rddreg [dreg:$0x5];
	s3 =	simm.s32 $0x0;
	s8 =	srdreg.scid  }
0x7: {  	s2 =	stileid.u32;
	s11 =	simm.s32 $0x10400;
	s12 =	simm.s32 $0x80  }
0x8: {  	s13 =	simm.s32 $0x400;
	s14 =	simm.s32 $0x4400;
	s15 =	simm.s32 $0x1  }
0x9: {  	s16 =	simm.s32 $0x8400;
	s17 =	simm.s32 $0x280;
	s18 =	simm.s32 $0xC400  }
0xa: {  	s19 =	simm.s32 $0x2;
	s20 =	simm.s32 $0x100;
	s21 =	simm.s32 $0x300  }
0xb: {  	s22 =	simm.s32 $0x180;
	s23 =	simm.s32 $0x380;
	s24 =	simm.s32 $0x10600  }
0xc: {  	s25 =	simm.s32 $0x0;
	[smem:$0x7FF] =	sst s3;
	s8 =	sand.u32 $0x1, s8  }
0xd: {  	v0 =	vlaneseq.u32;
	s9 =	sshll.u32 s2, $0x7;
	s10 =	sshll.u32 s8, $0x6;
	s8 =	ssub.s32 $0x2, s8  }
0xe: {  	v1 =	vmul.u32 $0x80, v0;
	_ =	strace $0x80000047;
	s9 =	sor.u32 s10, s9;
	s31 =	sshrl.u32 s8, $0x1  }
0xf: {  	s10 =	simm.s32 $0x200;
	s7 =	sadd.s32 s9, s7;
	s8 =	ssub.s32 s8, s31  }
0x10: {  	v2 =	vadd.s32 $0x1, v0;
	v3 =	vor.u32 $0x800, v1;
	v4 =	vor.u32 $0x1000, v1;
	s4 =	sadd.s32 s4, s9;
	s5 =	sadd.s32 s5, s9;
	s6 =	sadd.s32 s6, s9  }
0x11: {  	v5 =	vor.u32 $0x1800, v1;
	v6 =	vor.u32 $0x2000, v1;
	v7 =	vor.u32 $0x2800, v1;
	s9 =	simm.s32 $0x3;
	s7 =	sadd.s32 $0x600, s7;
	s8 =	smax.u32 s8, $0x1  }
.LBB2_1:
0x12: {  	[tilespmem:s3], [sflag:$0x3] =	stream.linear.gather [hbm4b:s4+s3], $0x200, $0x38;
	[tilespmem:$0x10800] =	vst v63  }
0x13: {  	_ =	swait.ge [sflag:s9], $0x200  }
0x14: {  	[sflag:s9] =	ssyncset.done $0x0  }
0x15: {  	[sflag:s9] =	ssyncadd.s32 $0xFFFFFE00  }
0x16: {  	[tilespmem:s10], [sflag:$0x3] =	stream.linear.gather [hbm4b:s5+s3], $0x200, $0x38;
	[tilespmem:$0x10800] =	vst v63  }
0x17: {  	_ =	swait.ge [sflag:s9], $0x200  }
0x18: {  	[sflag:s9] =	ssyncset.done $0x0  }
0x19: {  	[sflag:s9] =	ssyncadd.s32 $0xFFFFFE00  }
0x1a: {  	[tilespmem:s11], [sflag:$0x3] =	stream.linear.gather [hbm4b:s6+s3], $0x200, $0x38;
	[tilespmem:$0x10800] =	vst v63  }
0x1b: {  	_ =	swait.ge [sflag:s9], $0x200  }
0x1c: {  	[sflag:s9] =	ssyncset.done $0x0  }
0x1d: {  	[sflag:s9] =	ssyncadd.s32 $0xFFFFFE00  }
0x1e: {  	[tilespmem:s13], [sflag:$0x1] =	stream.indirect.gather [hbm4b:s1+s12], $0x80, s3, s12, $0xb8;
	[tilespmem:$0x10800] =	vst v63  }
0x1f: {  	_ = 	snop  }
0x20: {  	[tilespmem:s14], [sflag:$0x1] =	stream.indirect.gather [hbm4b:s1+s12], $0x80, s10, s12, $0xb8;
	[tilespmem:$0x10800] =	vst v63  }
0x21: {  	_ =	swait.ge [sflag:s15], $0x4000  }
0x22: {  	[sflag:s15] =	ssyncset.done $0x0  }
0x23: {  	v8 =	vadd.s32 s3, v0;
	[sflag:s15] =	ssyncadd.s32 $0xFFFFC000  }
0x24: {  	v8 =	vand.u32 $0x7F, v8;
	_ =	swait.ge [sflag:s15], $0x4000  }
0x25: {  	v9 =	vadd.s32 s3, v2;
	v8 =	vor.u32 v1, v8;
	[sflag:s15] =	ssyncset.done $0x0  }
0x26: {  	s26 =	simm.s32 $0x6;
	s28 =	simm.s32 $0x4;
	v9 =	vand.u32 $0x7F, v9;
	[sflag:s15] =	ssyncadd.s32 $0xFFFFC000  }
0x27: {  	v11 =	vadd.s32 s28, v0;
	v9 =	vor.u32 v1, v9;
	[tilespmem:s16], [sflag:$0x2] =	stream.indirect.gather [hbm4b:s1+s12], $0x80, s12, s12, $0xb8;
	[tilespmem:$0x10800] =	vst v63  }
0x28: {  	v10 =	vadd.s32 s26, v0;
	v11 =	vand.u32 $0x7F, v11  }
0x29: {  	v10 =	vand.u32 $0x7F, v10;
	v11 =	vor.u32 v1, v11;
	[tilespmem:s18], [sflag:$0x2] =	stream.indirect.gather [hbm4b:s1+s12], $0x80, s17, s12, $0xb8;
	[tilespmem:$0x10800] =	vst v63  }
0x2a: {  	s29 =	simm.s32 $0x2;
	v10 =	vor.u32 v1, v10;
	v12 =	vld.idx.msk [tilespmem:v8+s13+$0x0], $0xffff  }
0x2b: {  	v13 =	vadd.s32 s29, v0;
	v16 =	vld.idx.msk [tilespmem:v8+s14+$0x0], $0xffff  }
0x2c: {  	v8 =	vand.u32 $0x7F, v13;
	v19 =	vld.idx.msk [tilespmem:v9+s13+$0x0], $0xffff  }
0x2d: {  	v13 =	vadd.s32 s29, v2;
	v20 =	vld.idx.msk [tilespmem:v9+s14+$0x0], $0xffff;
	v14 =	vor.u32 v1, v8  }
0x2e: {  	v23 =	vld.idx.msk [tilespmem:v11+s13+$0x0], $0xffff;
	v9 =	vand.u32 $0x7F, v13  }
0x2f: {  	v15 =	vadd.s32 s28, v2;
	v8 =	vld.idx.msk [tilespmem:v10+s13+$0x0], $0xffff;
	v13 =	vor.u32 v1, v9  }
0x30: {  	v9 =	vld.idx.msk [tilespmem:v10+s14+$0x0], $0xffff;
	v10 =	vand.u32 $0x7F, v15  }
0x31: {  	v27 =	vld.idx.msk [tilespmem:v11+s14+$0x0], $0xffff;
	v15 =	vadd.s32 s26, v2;
	v10 =	vor.u32 v1, v10  }
0x32: {  	s31 =	simm.s32 $0x8;
	v15 =	vand.u32 $0x7F, v15;
	v11 =	vld.idx.msk [tilespmem:v14+s13+$0x0], $0xffff  }
0x33: {  	v17 =	vadd.s32 s31, v0;
	v22 =	vor.u32 v1, v15;
	v21 =	vld.idx.msk [tilespmem:v14+s14+$0x0], $0xffff  }
0x34: {  	v14 =	vand.u32 $0x7F, v17;
	v25 =	vld.idx.msk [tilespmem:v13+s13+$0x0], $0xffff  }
0x35: {  	s28 =	simm.s32 $0xA;
	v15 =	vadd.s32 s31, v2;
	v24 =	vor.u32 v1, v14;
	v26 =	vld.idx.msk [tilespmem:v13+s14+$0x0], $0xffff  }
0x36: {  	v28 =	vimm.f32 $0.0e+00;
	v29 =	vadd.s32 s28, v0;
	s29 =	simm.s32 $0xC;
	s26 =	simm.s32 $0xE;
	v14 =	vand.u32 $0x7F, v15;
	v13 =	vld.idx.msk [tilespmem:v10+s13+$0x0], $0xffff  }
0x37: {  	v18 =	vadd.s32 s26, v0;
	v17 =	vor.u32 v1, v14;
	v14 =	vadd.s32 s29, v0;
	v15 =	vld.idx.msk [tilespmem:v10+s14+$0x0], $0xffff  }
0x38: {  	v20 =	vmul.f32 v20, v19;
	v10 =	vand.u32 $0x7F, v18;
	v31 =	vand.u32 $0x7F, v14;
	v14 =	vld.idx.msk [tilespmem:v22+s13+$0x0], $0xffff  }
0x39: {  	v30 =	vadd.s32 s28, v2;
	v12 =	vmul.f32 v16, v12;
	v18 =	vor.u32 v1, v10;
	v16 =	vld.idx.msk [tilespmem:v22+s14+$0x0], $0xffff  }
0x3a: {  	v29 =	vand.u32 $0x7F, v29;
	v22 =	vadd.f32 v20, v28;
	v19 =	vor.u32 v1, v31;
	v10 =	vld.idx.msk [tilespmem:v24+s13+$0x0], $0xffff  }
0x3b: {  	v21 =	vmul.f32 v21, v11;
	v11 =	vld.idx.msk [tilespmem:v24+s14+$0x0], $0xffff;
	v24 =	vadd.f32 v12, v28;
	v25 =	vmul.f32 v26, v25  }
0x3c: {  	s28 =	simm.s32 $0x10;
	v23 =	vmul.f32 v27, v23;
	v20 =	vor.u32 v1, v29;
	v26 =	vand.u32 $0x7F, v30;
	v12 =	vld.idx.msk [tilespmem:v17+s13+$0x0], $0xffff  }
.LBB2_2:
0x3d: {  	p0 =	slt.u32 s28, $0x78;
	v27 =	vld.idx.msk [tilespmem:v17+s14+$0x0], $0xffff;
	v17 =	vadd.f32 v21, v24;
	v21 =	vadd.f32 v25, v22;
	v13 =	vmul.f32 v15, v13  }
0x3e: {  	v15 =	vor.u32 v1, v26;
	v22 =	vadd.s32 s29, v2;
	v24 =	vmul.f32 v9, v8;
	v8 =	vld.idx.msk [tilespmem:v18+s13+$0x0], $0xffff  }
0x3f: {  	v14 =	vmul.f32 v16, v14;
	v9 =	vld.idx.msk [tilespmem:v18+s14+$0x0], $0xffff;
	v17 =	vadd.f32 v23, v17;
	v13 =	vadd.f32 v13, v21  }
0x40: {  	v16 =	vand.u32 $0x7F, v22;
	v18 =	vadd.s32 s26, v2;
	v23 =	vld.idx.msk [tilespmem:v19+s13+$0x0], $0xffff  }
0x41: {  	v16 =	vor.u32 v1, v16;
	v28 =	vld.idx.msk [tilespmem:v19+s14+$0x0], $0xffff;
	v22 =	vadd.f32 v24, v17;
	v25 =	vadd.f32 v14, v13  }
0x42: {  	v13 =	vand.u32 $0x7F, v18;
	v21 =	vld.idx.msk [tilespmem:v20+s13+$0x0], $0xffff  }
0x43: {  	v14 =	vadd.s32 s28, v0;
	v19 =	vor.u32 v1, v13;
	v20 =	vld.idx.msk [tilespmem:v20+s14+$0x0], $0xffff  }
0x44: {  	v13 =	vand.u32 $0x7F, v14;
	v26 =	vld.idx.msk [tilespmem:v15+s13+$0x0], $0xffff  }
0x45: {  	s26 =	sadd.s32 $0x6, s28;
	v14 =	vadd.s32 s28, v2;
	v24 =	vor.u32 v1, v13;
	v29 =	vld.idx.msk [tilespmem:v15+s14+$0x0], $0xffff  }
0x46: {  	s30 =	sadd.s32 $0x2, s28;
	s29 =	sadd.s32 $0x4, s28;
	v18 =	vadd.s32 s26, v0;
	v14 =	vand.u32 $0x7F, v14;
	v13 =	vld.idx.msk [tilespmem:v16+s13+$0x0], $0xffff  }
0x47: {  	v30 =	vadd.s32 s30, v0;
	v17 =	vor.u32 v1, v14;
	v14 =	vadd.s32 s29, v0;
	v15 =	vld.idx.msk [tilespmem:v16+s14+$0x0], $0xffff  }
.Ltmp0:
0x48: {  	v31 =	vadd.s32 s30, v2;
	v32 =	vand.u32 $0x7F, v14;
	v16 =	vand.u32 $0x7F, v18;
	v14 =	vld.idx.msk [tilespmem:v19+s13+$0x0], $0xffff;
	(pc) =	sbr.rel @p0 .LBB2_2-.Ltmp0, $4  }
0x49: {  	v33 =	vmul.f32 v11, v10;
	v12 =	vmul.f32 v27, v12;
	v18 =	vor.u32 v1, v16;
	v16 =	vld.idx.msk [tilespmem:v19+s14+$0x0], $0xffff  }
0x4a: {  	v27 =	vand.u32 $0x7F, v30;
	v21 =	vmul.f32 v20, v21;
	v19 =	vor.u32 v1, v32;
	v10 =	vld.idx.msk [tilespmem:v24+s13+$0x0], $0xffff  }
0x4b: {  	v11 =	vld.idx.msk [tilespmem:v24+s14+$0x0], $0xffff;
	v24 =	vadd.f32 v33, v22;
	v22 =	vadd.f32 v12, v25;
	v25 =	vmul.f32 v29, v26  }
0x4c: {  	s28 =	sadd.s32 $0x8, s28;
	v23 =	vmul.f32 v28, v23;
	v20 =	vor.u32 v1, v27;
	v26 =	vand.u32 $0x7F, v31;
	v12 =	vld.idx.msk [tilespmem:v17+s13+$0x0], $0xffff  }
0x4d: {  	_ =	sdelay $0x3  }
0x4e: {  	v17 =	vld.idx.msk [tilespmem:v17+s14+$0x0], $0xffff  }
0x4f: {  	v27 =	vld.idx.msk [tilespmem:v18+s13+$0x0], $0xffff  }
0x50: {  	v26 =	vor.u32 v1, v26;
	v28 =	vadd.s32 s29, v2;
	v18 =	vld.idx.msk [tilespmem:v18+s14+$0x0], $0xffff  }
0x51: {  	v29 =	vld.idx.msk [tilespmem:v19+s13+$0x0], $0xffff;
	v28 =	vand.u32 $0x7F, v28  }
0x52: {  	v30 =	vadd.s32 s26, v2;
	v19 =	vld.idx.msk [tilespmem:v19+s14+$0x0], $0xffff;
	v28 =	vor.u32 v1, v28  }
0x53: {  	v31 =	vld.idx.msk [tilespmem:v20+s13+$0x0], $0xffff;
	v30 =	vand.u32 $0x7F, v30  }
0x54: {  	v21 =	vadd.f32 v21, v24;
	v20 =	vld.idx.msk [tilespmem:v20+s14+$0x0], $0xffff;
	v24 =	vor.u32 v1, v30  }
0x55: {  	v22 =	vadd.f32 v25, v22;
	v13 =	vmul.f32 v15, v13;
	v15 =	vld.idx.msk [tilespmem:v26+s13+$0x0], $0xffff  }
0x56: {  	v8 =	vmul.f32 v9, v8;
	v9 =	vadd.f32 v23, v21;
	v21 =	vld.idx.msk [tilespmem:v26+s14+$0x0], $0xffff  }
0x57: {  	v14 =	vmul.f32 v16, v14;
	v13 =	vadd.f32 v13, v22;
	v16 =	vld.idx.msk [tilespmem:v28+s13+$0x0], $0xffff  }
0x58: {  	v10 =	vmul.f32 v11, v10;
	v8 =	vadd.f32 v8, v9;
	v9 =	vld.idx.msk [tilespmem:v28+s14+$0x0], $0xffff  }
0x59: {  	v13 =	vadd.f32 v14, v13;
	v11 =	vmul.f32 v17, v12;
	v14 =	vld.idx.msk [tilespmem:v24+s13+$0x0], $0xffff  }
0x5a: {  	v17 =	vmul.f32 v20, v31;
	v8 =	vadd.f32 v10, v8;
	v12 =	vld.idx.msk [tilespmem:v24+s14+$0x0], $0xffff  }
0x5b: {  	v10 =	vadd.f32 v11, v13;
	v11 =	vmul.f32 v21, v15  }
0x5c: {  	v13 =	vmul.f32 v19, v29;
	v8 =	vadd.f32 v17, v8  }
0x5d: {  	v10 =	vadd.f32 v11, v10;
	v9 =	vmul.f32 v9, v16  }
0x5e: {  	v8 =	vadd.f32 v13, v8  }
0x5f: {  	v11 =	vmul.f32 v18, v27;
	v9 =	vadd.f32 v9, v10;
	v10 =	vmul.f32 v12, v14  }
0x60: {  	s31 =	simm.s32 $0x0;
	v12 =	vld [tilespmem:$0x10400]  }
0x61: {  	v8 =	vadd.f32 v11, v8;
	v9 =	vadd.f32 v10, v9;
	v10 =	vadd.s32 s31, v0  }
0x62: {  	v10 =	vand.u32 $0x7F, v10  }
0x63: {  	v8 =	vadd.f32 v9, v8;
	v9 =	vadd.s32 s31, v2;
	v10 =	vor.u32 v3, v10  }
0x64: {  	s30 =	simm.s32 $0x6;
	v9 =	vand.u32 $0x7F, v9  }
0x65: {  	v11 =	vadd.s32 s30, v0;
	v8 =	vmul.f32 v12, v8;
	v9 =	vor.u32 v3, v9  }
0x66: {  	s28 =	simm.s32 $0x4;
	v11 =	vand.u32 $0x7F, v11  }
0x67: {  	v11 =	vor.u32 v3, v11;
	[tilespmem:$0x10600] =	vst v8;
	v8 =	vadd.s32 s28, v0  }
0x68: {  	s29 =	simm.s32 $0x2;
	v8 =	vand.u32 $0x7F, v8;
	v12 =	vld.idx.msk [tilespmem:v10+s13+$0x0], $0xffff  }
0x69: {  	v13 =	vadd.s32 s29, v0;
	v10 =	vld.idx.msk [tilespmem:v10+s14+$0x0], $0xffff;
	v14 =	vor.u32 v3, v8  }
0x6a: {  	v8 =	vand.u32 $0x7F, v13;
	v16 =	vld.idx.msk [tilespmem:v9+s13+$0x0], $0xffff  }
0x6b: {  	v13 =	vadd.s32 s29, v2;
	v15 =	vor.u32 v3, v8;
	v19 =	vld.idx.msk [tilespmem:v9+s14+$0x0], $0xffff  }
0x6c: {  	v9 =	vand.u32 $0x7F, v13;
	v8 =	vld.idx.msk [tilespmem:v11+s13+$0x0], $0xffff  }
0x6d: {  	v17 =	vadd.s32 s28, v2;
	v13 =	vor.u32 v3, v9;
	v9 =	vld.idx.msk [tilespmem:v11+s14+$0x0], $0xffff  }
0x6e: {  	v11 =	vand.u32 $0x7F, v17;
	v23 =	vld.idx.msk [tilespmem:v14+s13+$0x0], $0xffff  }
0x6f: {  	v17 =	vadd.s32 s30, v2;
	v11 =	vor.u32 v3, v11;
	v27 =	vld.idx.msk [tilespmem:v14+s14+$0x0], $0xffff  }
0x70: {  	s31 =	simm.s32 $0x8;
	v14 =	vand.u32 $0x7F, v17;
	v20 =	vld.idx.msk [tilespmem:v15+s13+$0x0], $0xffff  }
0x71: {  	v17 =	vadd.s32 s31, v0;
	v21 =	vld.idx.msk [tilespmem:v15+s14+$0x0], $0xffff;
	v22 =	vor.u32 v3, v14  }
0x72: {  	v14 =	vand.u32 $0x7F, v17;
	v25 =	vld.idx.msk [tilespmem:v13+s13+$0x0], $0xffff  }
0x73: {  	s26 =	simm.s32 $0xE;
	v15 =	vadd.s32 s31, v2;
	v24 =	vor.u32 v3, v14;
	v26 =	vld.idx.msk [tilespmem:v13+s14+$0x0], $0xffff  }
0x74: {  	v60 =	vimm.f32 $0.0e+00;
	v18 =	vadd.s32 s26, v0;
	s29 =	simm.s32 $0xC;
	v14 =	vand.u32 $0x7F, v15;
	v13 =	vld.idx.msk [tilespmem:v11+s13+$0x0], $0xffff  }
0x75: {  	v18 =	vand.u32 $0x7F, v18;
	s28 =	simm.s32 $0xA;
	v17 =	vor.u32 v3, v14;
	v14 =	vadd.s32 s29, v0;
	v15 =	vld.idx.msk [tilespmem:v11+s14+$0x0], $0xffff  }
0x76: {  	v18 =	vor.u32 v3, v18;
	v61 =	vadd.s32 s28, v0;
	v11 =	vand.u32 $0x7F, v14;
	v14 =	vld.idx.msk [tilespmem:v22+s13+$0x0], $0xffff  }
0x77: {  	v62 =	vadd.s32 s28, v2;
	v12 =	vmul.f32 v10, v12;
	v63 =	vmul.f32 v19, v16;
	v16 =	vld.idx.msk [tilespmem:v22+s14+$0x0], $0xffff  }
0x78: {  	v29 =	vand.u32 $0x7F, v61;
	v19 =	vor.u32 v3, v11;
	v21 =	vmul.f32 v21, v20;
	v10 =	vld.idx.msk [tilespmem:v24+s13+$0x0], $0xffff  }
0x79: {  	v22 =	vadd.f32 v63, v60;
	v11 =	vld.idx.msk [tilespmem:v24+s14+$0x0], $0xffff;
	v24 =	vadd.f32 v12, v60;
	v25 =	vmul.f32 v26, v25  }
0x7a: {  	s28 =	simm.s32 $0x10;
	v23 =	vmul.f32 v27, v23;
	v20 =	vor.u32 v3, v29;
	v26 =	vand.u32 $0x7F, v62;
	v12 =	vld.idx.msk [tilespmem:v17+s13+$0x0], $0xffff  }
.LBB2_4:
0x7b: {  	p0 =	slt.u32 s28, $0x78;
	v27 =	vld.idx.msk [tilespmem:v17+s14+$0x0], $0xffff;
	v17 =	vadd.f32 v21, v24;
	v21 =	vadd.f32 v25, v22;
	v13 =	vmul.f32 v15, v13  }
0x7c: {  	v15 =	vor.u32 v3, v26;
	v22 =	vadd.s32 s29, v2;
	v24 =	vmul.f32 v9, v8;
	v8 =	vld.idx.msk [tilespmem:v18+s13+$0x0], $0xffff  }
0x7d: {  	v14 =	vmul.f32 v16, v14;
	v9 =	vld.idx.msk [tilespmem:v18+s14+$0x0], $0xffff;
	v17 =	vadd.f32 v23, v17;
	v13 =	vadd.f32 v13, v21  }
0x7e: {  	v16 =	vand.u32 $0x7F, v22;
	v18 =	vadd.s32 s26, v2;
	v23 =	vld.idx.msk [tilespmem:v19+s13+$0x0], $0xffff  }
0x7f: {  	v16 =	vor.u32 v3, v16;
	v28 =	vld.idx.msk [tilespmem:v19+s14+$0x0], $0xffff;
	v22 =	vadd.f32 v24, v17;
	v25 =	vadd.f32 v14, v13  }
0x80: {  	v13 =	vand.u32 $0x7F, v18;
	v21 =	vld.idx.msk [tilespmem:v20+s13+$0x0], $0xffff  }
0x81: {  	v14 =	vadd.s32 s28, v0;
	v19 =	vor.u32 v3, v13;
	v20 =	vld.idx.msk [tilespmem:v20+s14+$0x0], $0xffff  }
0x82: {  	v13 =	vand.u32 $0x7F, v14;
	v26 =	vld.idx.msk [tilespmem:v15+s13+$0x0], $0xffff  }
0x83: {  	s26 =	sadd.s32 $0x6, s28;
	v14 =	vadd.s32 s28, v2;
	v24 =	vor.u32 v3, v13;
	v29 =	vld.idx.msk [tilespmem:v15+s14+$0x0], $0xffff  }
0x84: {  	s30 =	sadd.s32 $0x2, s28;
	s29 =	sadd.s32 $0x4, s28;
	v18 =	vadd.s32 s26, v0;
	v14 =	vand.u32 $0x7F, v14;
	v13 =	vld.idx.msk [tilespmem:v16+s13+$0x0], $0xffff  }
0x85: {  	v30 =	vadd.s32 s30, v0;
	v17 =	vor.u32 v3, v14;
	v14 =	vadd.s32 s29, v0;
	v15 =	vld.idx.msk [tilespmem:v16+s14+$0x0], $0xffff  }
.Ltmp1:
0x86: {  	v31 =	vadd.s32 s30, v2;
	v32 =	vand.u32 $0x7F, v14;
	v16 =	vand.u32 $0x7F, v18;
	v14 =	vld.idx.msk [tilespmem:v19+s13+$0x0], $0xffff;
	(pc) =	sbr.rel @p0 .LBB2_4-.Ltmp1, $4  }
0x87: {  	v33 =	vmul.f32 v11, v10;
	v12 =	vmul.f32 v27, v12;
	v18 =	vor.u32 v3, v16;
	v16 =	vld.idx.msk [tilespmem:v19+s14+$0x0], $0xffff  }
0x88: {  	v27 =	vand.u32 $0x7F, v30;
	v21 =	vmul.f32 v20, v21;
	v19 =	vor.u32 v3, v32;
	v10 =	vld.idx.msk [tilespmem:v24+s13+$0x0], $0xffff  }
0x89: {  	v11 =	vld.idx.msk [tilespmem:v24+s14+$0x0], $0xffff;
	v24 =	vadd.f32 v33, v22;
	v22 =	vadd.f32 v12, v25;
	v25 =	vmul.f32 v29, v26  }
0x8a: {  	s28 =	sadd.s32 $0x8, s28;
	v23 =	vmul.f32 v28, v23;
	v20 =	vor.u32 v3, v27;
	v26 =	vand.u32 $0x7F, v31;
	v12 =	vld.idx.msk [tilespmem:v17+s13+$0x0], $0xffff  }
0x8b: {  	_ =	sdelay $0x3  }
0x8c: {  	v17 =	vld.idx.msk [tilespmem:v17+s14+$0x0], $0xffff  }
0x8d: {  	v27 =	vld.idx.msk [tilespmem:v18+s13+$0x0], $0xffff  }
0x8e: {  	v26 =	vor.u32 v3, v26;
	v28 =	vadd.s32 s29, v2;
	v18 =	vld.idx.msk [tilespmem:v18+s14+$0x0], $0xffff  }
0x8f: {  	v29 =	vld.idx.msk [tilespmem:v19+s13+$0x0], $0xffff;
	v28 =	vand.u32 $0x7F, v28  }
0x90: {  	v30 =	vadd.s32 s26, v2;
	v19 =	vld.idx.msk [tilespmem:v19+s14+$0x0], $0xffff;
	v28 =	vor.u32 v3, v28  }
0x91: {  	v31 =	vld.idx.msk [tilespmem:v20+s13+$0x0], $0xffff;
	v30 =	vand.u32 $0x7F, v30  }
0x92: {  	v21 =	vadd.f32 v21, v24;
	v20 =	vld.idx.msk [tilespmem:v20+s14+$0x0], $0xffff;
	v24 =	vor.u32 v3, v30  }
0x93: {  	v22 =	vadd.f32 v25, v22;
	v13 =	vmul.f32 v15, v13;
	v15 =	vld.idx.msk [tilespmem:v26+s13+$0x0], $0xffff  }
0x94: {  	v8 =	vmul.f32 v9, v8;
	v9 =	vadd.f32 v23, v21;
	v21 =	vld.idx.msk [tilespmem:v26+s14+$0x0], $0xffff  }
0x95: {  	v14 =	vmul.f32 v16, v14;
	v13 =	vadd.f32 v13, v22;
	v16 =	vld.idx.msk [tilespmem:v28+s13+$0x0], $0xffff  }
0x96: {  	v10 =	vmul.f32 v11, v10;
	v8 =	vadd.f32 v8, v9;
	v9 =	vld.idx.msk [tilespmem:v28+s14+$0x0], $0xffff  }
0x97: {  	v13 =	vadd.f32 v14, v13;
	v11 =	vmul.f32 v17, v12;
	v14 =	vld.idx.msk [tilespmem:v24+s13+$0x0], $0xffff  }
0x98: {  	v17 =	vmul.f32 v20, v31;
	v8 =	vadd.f32 v10, v8;
	v12 =	vld.idx.msk [tilespmem:v24+s14+$0x0], $0xffff  }
0x99: {  	v10 =	vadd.f32 v11, v13;
	v11 =	vmul.f32 v21, v15  }
0x9a: {  	v13 =	vmul.f32 v19, v29;
	v8 =	vadd.f32 v17, v8  }
0x9b: {  	v10 =	vadd.f32 v11, v10;
	v9 =	vmul.f32 v9, v16  }
0x9c: {  	v8 =	vadd.f32 v13, v8  }
0x9d: {  	v11 =	vmul.f32 v18, v27;
	v9 =	vadd.f32 v9, v10;
	v10 =	vmul.f32 v12, v14  }
0x9e: {  	s31 =	simm.s32 $0x0;
	v12 =	vld [tilespmem:$0x10410]  }
0x9f: {  	v8 =	vadd.f32 v11, v8;
	v9 =	vadd.f32 v10, v9;
	v10 =	vadd.s32 s31, v0  }
0xa0: {  	v10 =	vand.u32 $0x7F, v10  }
0xa1: {  	v8 =	vadd.f32 v9, v8;
	v9 =	vadd.s32 s31, v2;
	v10 =	vor.u32 v4, v10  }
0xa2: {  	s30 =	simm.s32 $0x6;
	v9 =	vand.u32 $0x7F, v9  }
0xa3: {  	v11 =	vadd.s32 s30, v0;
	v8 =	vmul.f32 v12, v8;
	v9 =	vor.u32 v4, v9  }
0xa4: {  	s28 =	simm.s32 $0x4;
	v11 =	vand.u32 $0x7F, v11  }
0xa5: {  	v11 =	vor.u32 v4, v11;
	[tilespmem:$0x10610] =	vst v8;
	v8 =	vadd.s32 s28, v0  }
0xa6: {  	s29 =	simm.s32 $0x2;
	v8 =	vand.u32 $0x7F, v8;
	v12 =	vld.idx.msk [tilespmem:v10+s13+$0x0], $0xffff  }
0xa7: {  	v13 =	vadd.s32 s29, v0;
	v10 =	vld.idx.msk [tilespmem:v10+s14+$0x0], $0xffff;
	v14 =	vor.u32 v4, v8  }
0xa8: {  	v8 =	vand.u32 $0x7F, v13;
	v16 =	vld.idx.msk [tilespmem:v9+s13+$0x0], $0xffff  }
0xa9: {  	v13 =	vadd.s32 s29, v2;
	v15 =	vor.u32 v4, v8;
	v19 =	vld.idx.msk [tilespmem:v9+s14+$0x0], $0xffff  }
0xaa: {  	v9 =	vand.u32 $0x7F, v13;
	v8 =	vld.idx.msk [tilespmem:v11+s13+$0x0], $0xffff  }
0xab: {  	v17 =	vadd.s32 s28, v2;
	v13 =	vor.u32 v4, v9;
	v9 =	vld.idx.msk [tilespmem:v11+s14+$0x0], $0xffff  }
0xac: {  	v11 =	vand.u32 $0x7F, v17;
	v23 =	vld.idx.msk [tilespmem:v14+s13+$0x0], $0xffff  }
0xad: {  	v17 =	vadd.s32 s30, v2;
	v11 =	vor.u32 v4, v11;
	v27 =	vld.idx.msk [tilespmem:v14+s14+$0x0], $0xffff  }
0xae: {  	s31 =	simm.s32 $0x8;
	v14 =	vand.u32 $0x7F, v17;
	v20 =	vld.idx.msk [tilespmem:v15+s13+$0x0], $0xffff  }
0xaf: {  	v17 =	vadd.s32 s31, v0;
	v21 =	vld.idx.msk [tilespmem:v15+s14+$0x0], $0xffff;
	v22 =	vor.u32 v4, v14  }
0xb0: {  	v14 =	vand.u32 $0x7F, v17;
	v25 =	vld.idx.msk [tilespmem:v13+s13+$0x0], $0xffff  }
0xb1: {  	s26 =	simm.s32 $0xE;
	v15 =	vadd.s32 s31, v2;
	v24 =	vor.u32 v4, v14;
	v26 =	vld.idx.msk [tilespmem:v13+s14+$0x0], $0xffff  }
0xb2: {  	v60 =	vimm.f32 $0.0e+00;
	v18 =	vadd.s32 s26, v0;
	s29 =	simm.s32 $0xC;
	v14 =	vand.u32 $0x7F, v15;
	v13 =	vld.idx.msk [tilespmem:v11+s13+$0x0], $0xffff  }
0xb3: {  	v18 =	vand.u32 $0x7F, v18;
	s28 =	simm.s32 $0xA;
	v17 =	vor.u32 v4, v14;
	v14 =	vadd.s32 s29, v0;
	v15 =	vld.idx.msk [tilespmem:v11+s14+$0x0], $0xffff  }
0xb4: {  	v18 =	vor.u32 v4, v18;
	v61 =	vadd.s32 s28, v0;
	v11 =	vand.u32 $0x7F, v14;
	v14 =	vld.idx.msk [tilespmem:v22+s13+$0x0], $0xffff  }
0xb5: {  	v62 =	vadd.s32 s28, v2;
	v12 =	vmul.f32 v10, v12;
	v63 =	vmul.f32 v19, v16;
	v16 =	vld.idx.msk [tilespmem:v22+s14+$0x0], $0xffff  }
0xb6: {  	v29 =	vand.u32 $0x7F, v61;
	v19 =	vor.u32 v4, v11;
	v21 =	vmul.f32 v21, v20;
	v10 =	vld.idx.msk [tilespmem:v24+s13+$0x0], $0xffff  }
0xb7: {  	v22 =	vadd.f32 v63, v60;
	v11 =	vld.idx.msk [tilespmem:v24+s14+$0x0], $0xffff;
	v24 =	vadd.f32 v12, v60;
	v25 =	vmul.f32 v26, v25  }
0xb8: {  	s28 =	simm.s32 $0x10;
	v23 =	vmul.f32 v27, v23;
	v20 =	vor.u32 v4, v29;
	v26 =	vand.u32 $0x7F, v62;
	v12 =	vld.idx.msk [tilespmem:v17+s13+$0x0], $0xffff  }
.LBB2_6:
0xb9: {  	p0 =	slt.u32 s28, $0x78;
	v27 =	vld.idx.msk [tilespmem:v17+s14+$0x0], $0xffff;
	v17 =	vadd.f32 v21, v24;
	v21 =	vadd.f32 v25, v22;
	v13 =	vmul.f32 v15, v13  }
0xba: {  	v15 =	vor.u32 v4, v26;
	v22 =	vadd.s32 s29, v2;
	v24 =	vmul.f32 v9, v8;
	v8 =	vld.idx.msk [tilespmem:v18+s13+$0x0], $0xffff  }
0xbb: {  	v14 =	vmul.f32 v16, v14;
	v9 =	vld.idx.msk [tilespmem:v18+s14+$0x0], $0xffff;
	v17 =	vadd.f32 v23, v17;
	v13 =	vadd.f32 v13, v21  }
0xbc: {  	v16 =	vand.u32 $0x7F, v22;
	v18 =	vadd.s32 s26, v2;
	v23 =	vld.idx.msk [tilespmem:v19+s13+$0x0], $0xffff  }
0xbd: {  	v16 =	vor.u32 v4, v16;
	v28 =	vld.idx.msk [tilespmem:v19+s14+$0x0], $0xffff;
	v22 =	vadd.f32 v24, v17;
	v25 =	vadd.f32 v14, v13  }
0xbe: {  	v13 =	vand.u32 $0x7F, v18;
	v21 =	vld.idx.msk [tilespmem:v20+s13+$0x0], $0xffff  }
0xbf: {  	v14 =	vadd.s32 s28, v0;
	v19 =	vor.u32 v4, v13;
	v20 =	vld.idx.msk [tilespmem:v20+s14+$0x0], $0xffff  }
0xc0: {  	v13 =	vand.u32 $0x7F, v14;
	v26 =	vld.idx.msk [tilespmem:v15+s13+$0x0], $0xffff  }
0xc1: {  	s26 =	sadd.s32 $0x6, s28;
	v14 =	vadd.s32 s28, v2;
	v24 =	vor.u32 v4, v13;
	v29 =	vld.idx.msk [tilespmem:v15+s14+$0x0], $0xffff  }
0xc2: {  	s30 =	sadd.s32 $0x2, s28;
	s29 =	sadd.s32 $0x4, s28;
	v18 =	vadd.s32 s26, v0;
	v14 =	vand.u32 $0x7F, v14;
	v13 =	vld.idx.msk [tilespmem:v16+s13+$0x0], $0xffff  }
0xc3: {  	v30 =	vadd.s32 s30, v0;
	v17 =	vor.u32 v4, v14;
	v14 =	vadd.s32 s29, v0;
	v15 =	vld.idx.msk [tilespmem:v16+s14+$0x0], $0xffff  }
.Ltmp2:
0xc4: {  	v31 =	vadd.s32 s30, v2;
	v32 =	vand.u32 $0x7F, v14;
	v16 =	vand.u32 $0x7F, v18;
	v14 =	vld.idx.msk [tilespmem:v19+s13+$0x0], $0xffff;
	(pc) =	sbr.rel @p0 .LBB2_6-.Ltmp2, $4  }
0xc5: {  	v33 =	vmul.f32 v11, v10;
	v12 =	vmul.f32 v27, v12;
	v18 =	vor.u32 v4, v16;
	v16 =	vld.idx.msk [tilespmem:v19+s14+$0x0], $0xffff  }
0xc6: {  	v27 =	vand.u32 $0x7F, v30;
	v21 =	vmul.f32 v20, v21;
	v19 =	vor.u32 v4, v32;
	v10 =	vld.idx.msk [tilespmem:v24+s13+$0x0], $0xffff  }
0xc7: {  	v11 =	vld.idx.msk [tilespmem:v24+s14+$0x0], $0xffff;
	v24 =	vadd.f32 v33, v22;
	v22 =	vadd.f32 v12, v25;
	v25 =	vmul.f32 v29, v26  }
0xc8: {  	s28 =	sadd.s32 $0x8, s28;
	v23 =	vmul.f32 v28, v23;
	v20 =	vor.u32 v4, v27;
	v26 =	vand.u32 $0x7F, v31;
	v12 =	vld.idx.msk [tilespmem:v17+s13+$0x0], $0xffff  }
0xc9: {  	_ =	sdelay $0x3  }
0xca: {  	v17 =	vld.idx.msk [tilespmem:v17+s14+$0x0], $0xffff  }
0xcb: {  	v27 =	vld.idx.msk [tilespmem:v18+s13+$0x0], $0xffff  }
0xcc: {  	v26 =	vor.u32 v4, v26;
	v28 =	vadd.s32 s29, v2;
	v18 =	vld.idx.msk [tilespmem:v18+s14+$0x0], $0xffff  }
0xcd: {  	v29 =	vld.idx.msk [tilespmem:v19+s13+$0x0], $0xffff;
	v28 =	vand.u32 $0x7F, v28  }
0xce: {  	v30 =	vadd.s32 s26, v2;
	v19 =	vld.idx.msk [tilespmem:v19+s14+$0x0], $0xffff;
	v28 =	vor.u32 v4, v28  }
0xcf: {  	v31 =	vld.idx.msk [tilespmem:v20+s13+$0x0], $0xffff;
	v30 =	vand.u32 $0x7F, v30  }
0xd0: {  	v21 =	vadd.f32 v21, v24;
	v20 =	vld.idx.msk [tilespmem:v20+s14+$0x0], $0xffff;
	v24 =	vor.u32 v4, v30  }
0xd1: {  	v22 =	vadd.f32 v25, v22;
	v13 =	vmul.f32 v15, v13;
	v15 =	vld.idx.msk [tilespmem:v26+s13+$0x0], $0xffff  }
0xd2: {  	v8 =	vmul.f32 v9, v8;
	v9 =	vadd.f32 v23, v21;
	v21 =	vld.idx.msk [tilespmem:v26+s14+$0x0], $0xffff  }
0xd3: {  	v14 =	vmul.f32 v16, v14;
	v13 =	vadd.f32 v13, v22;
	v16 =	vld.idx.msk [tilespmem:v28+s13+$0x0], $0xffff  }
0xd4: {  	v10 =	vmul.f32 v11, v10;
	v8 =	vadd.f32 v8, v9;
	v9 =	vld.idx.msk [tilespmem:v28+s14+$0x0], $0xffff  }
0xd5: {  	v13 =	vadd.f32 v14, v13;
	v11 =	vmul.f32 v17, v12;
	v14 =	vld.idx.msk [tilespmem:v24+s13+$0x0], $0xffff  }
0xd6: {  	v17 =	vmul.f32 v20, v31;
	v8 =	vadd.f32 v10, v8;
	v12 =	vld.idx.msk [tilespmem:v24+s14+$0x0], $0xffff  }
0xd7: {  	v10 =	vadd.f32 v11, v13;
	v11 =	vmul.f32 v21, v15  }
0xd8: {  	v13 =	vmul.f32 v19, v29;
	v8 =	vadd.f32 v17, v8  }
0xd9: {  	v10 =	vadd.f32 v11, v10;
	v9 =	vmul.f32 v9, v16  }
0xda: {  	v8 =	vadd.f32 v13, v8  }
0xdb: {  	v11 =	vmul.f32 v18, v27;
	v9 =	vadd.f32 v9, v10;
	v10 =	vmul.f32 v12, v14  }
0xdc: {  	s31 =	simm.s32 $0x0;
	v12 =	vld [tilespmem:$0x10420]  }
0xdd: {  	v8 =	vadd.f32 v11, v8;
	v9 =	vadd.f32 v10, v9;
	v10 =	vadd.s32 s31, v0  }
0xde: {  	v10 =	vand.u32 $0x7F, v10  }
0xdf: {  	v8 =	vadd.f32 v9, v8;
	v9 =	vadd.s32 s31, v2;
	v10 =	vor.u32 v5, v10  }
0xe0: {  	s30 =	simm.s32 $0x6;
	v9 =	vand.u32 $0x7F, v9  }
0xe1: {  	v11 =	vadd.s32 s30, v0;
	v8 =	vmul.f32 v12, v8;
	v9 =	vor.u32 v5, v9  }
0xe2: {  	s28 =	simm.s32 $0x4;
	v11 =	vand.u32 $0x7F, v11  }
0xe3: {  	v11 =	vor.u32 v5, v11;
	[tilespmem:$0x10620] =	vst v8;
	v8 =	vadd.s32 s28, v0  }
0xe4: {  	s29 =	simm.s32 $0x2;
	v8 =	vand.u32 $0x7F, v8;
	v12 =	vld.idx.msk [tilespmem:v10+s13+$0x0], $0xffff  }
0xe5: {  	v13 =	vadd.s32 s29, v0;
	v10 =	vld.idx.msk [tilespmem:v10+s14+$0x0], $0xffff;
	v14 =	vor.u32 v5, v8  }
0xe6: {  	v8 =	vand.u32 $0x7F, v13;
	v16 =	vld.idx.msk [tilespmem:v9+s13+$0x0], $0xffff  }
0xe7: {  	v13 =	vadd.s32 s29, v2;
	v15 =	vor.u32 v5, v8;
	v19 =	vld.idx.msk [tilespmem:v9+s14+$0x0], $0xffff  }
0xe8: {  	v9 =	vand.u32 $0x7F, v13;
	v8 =	vld.idx.msk [tilespmem:v11+s13+$0x0], $0xffff  }
0xe9: {  	v17 =	vadd.s32 s28, v2;
	v13 =	vor.u32 v5, v9;
	v9 =	vld.idx.msk [tilespmem:v11+s14+$0x0], $0xffff  }
0xea: {  	v11 =	vand.u32 $0x7F, v17;
	v23 =	vld.idx.msk [tilespmem:v14+s13+$0x0], $0xffff  }
0xeb: {  	v17 =	vadd.s32 s30, v2;
	v11 =	vor.u32 v5, v11;
	v27 =	vld.idx.msk [tilespmem:v14+s14+$0x0], $0xffff  }
0xec: {  	s31 =	simm.s32 $0x8;
	v14 =	vand.u32 $0x7F, v17;
	v20 =	vld.idx.msk [tilespmem:v15+s13+$0x0], $0xffff  }
0xed: {  	v17 =	vadd.s32 s31, v0;
	v21 =	vld.idx.msk [tilespmem:v15+s14+$0x0], $0xffff;
	v22 =	vor.u32 v5, v14  }
0xee: {  	v14 =	vand.u32 $0x7F, v17;
	v25 =	vld.idx.msk [tilespmem:v13+s13+$0x0], $0xffff  }
0xef: {  	s26 =	simm.s32 $0xE;
	v15 =	vadd.s32 s31, v2;
	v24 =	vor.u32 v5, v14;
	v26 =	vld.idx.msk [tilespmem:v13+s14+$0x0], $0xffff  }
0xf0: {  	v60 =	vimm.f32 $0.0e+00;
	v18 =	vadd.s32 s26, v0;
	s29 =	simm.s32 $0xC;
	v14 =	vand.u32 $0x7F, v15;
	v13 =	vld.idx.msk [tilespmem:v11+s13+$0x0], $0xffff  }
0xf1: {  	v18 =	vand.u32 $0x7F, v18;
	s28 =	simm.s32 $0xA;
	v17 =	vor.u32 v5, v14;
	v14 =	vadd.s32 s29, v0;
	v15 =	vld.idx.msk [tilespmem:v11+s14+$0x0], $0xffff  }
0xf2: {  	v18 =	vor.u32 v5, v18;
	v61 =	vadd.s32 s28, v0;
	v11 =	vand.u32 $0x7F, v14;
	v14 =	vld.idx.msk [tilespmem:v22+s13+$0x0], $0xffff  }
0xf3: {  	v62 =	vadd.s32 s28, v2;
	v12 =	vmul.f32 v10, v12;
	v63 =	vmul.f32 v19, v16;
	v16 =	vld.idx.msk [tilespmem:v22+s14+$0x0], $0xffff  }
0xf4: {  	v29 =	vand.u32 $0x7F, v61;
	v19 =	vor.u32 v5, v11;
	v21 =	vmul.f32 v21, v20;
	v10 =	vld.idx.msk [tilespmem:v24+s13+$0x0], $0xffff  }
0xf5: {  	v22 =	vadd.f32 v63, v60;
	v11 =	vld.idx.msk [tilespmem:v24+s14+$0x0], $0xffff;
	v24 =	vadd.f32 v12, v60;
	v25 =	vmul.f32 v26, v25  }
0xf6: {  	s28 =	simm.s32 $0x10;
	v23 =	vmul.f32 v27, v23;
	v20 =	vor.u32 v5, v29;
	v26 =	vand.u32 $0x7F, v62;
	v12 =	vld.idx.msk [tilespmem:v17+s13+$0x0], $0xffff  }
.LBB2_8:
0xf7: {  	p0 =	slt.u32 s28, $0x78;
	v27 =	vld.idx.msk [tilespmem:v17+s14+$0x0], $0xffff;
	v17 =	vadd.f32 v21, v24;
	v21 =	vadd.f32 v25, v22;
	v13 =	vmul.f32 v15, v13  }
0xf8: {  	v15 =	vor.u32 v5, v26;
	v22 =	vadd.s32 s29, v2;
	v24 =	vmul.f32 v9, v8;
	v8 =	vld.idx.msk [tilespmem:v18+s13+$0x0], $0xffff  }
0xf9: {  	v14 =	vmul.f32 v16, v14;
	v9 =	vld.idx.msk [tilespmem:v18+s14+$0x0], $0xffff;
	v17 =	vadd.f32 v23, v17;
	v13 =	vadd.f32 v13, v21  }
0xfa: {  	v16 =	vand.u32 $0x7F, v22;
	v18 =	vadd.s32 s26, v2;
	v23 =	vld.idx.msk [tilespmem:v19+s13+$0x0], $0xffff  }
0xfb: {  	v16 =	vor.u32 v5, v16;
	v28 =	vld.idx.msk [tilespmem:v19+s14+$0x0], $0xffff;
	v22 =	vadd.f32 v24, v17;
	v25 =	vadd.f32 v14, v13  }
0xfc: {  	v13 =	vand.u32 $0x7F, v18;
	v21 =	vld.idx.msk [tilespmem:v20+s13+$0x0], $0xffff  }
0xfd: {  	v14 =	vadd.s32 s28, v0;
	v19 =	vor.u32 v5, v13;
	v20 =	vld.idx.msk [tilespmem:v20+s14+$0x0], $0xffff  }
0xfe: {  	v13 =	vand.u32 $0x7F, v14;
	v26 =	vld.idx.msk [tilespmem:v15+s13+$0x0], $0xffff  }
0xff: {  	s26 =	sadd.s32 $0x6, s28;
	v14 =	vadd.s32 s28, v2;
	v24 =	vor.u32 v5, v13;
	v29 =	vld.idx.msk [tilespmem:v15+s14+$0x0], $0xffff  }
0x100: {  	s30 =	sadd.s32 $0x2, s28;
	s29 =	sadd.s32 $0x4, s28;
	v18 =	vadd.s32 s26, v0;
	v14 =	vand.u32 $0x7F, v14;
	v13 =	vld.idx.msk [tilespmem:v16+s13+$0x0], $0xffff  }
0x101: {  	v30 =	vadd.s32 s30, v0;
	v17 =	vor.u32 v5, v14;
	v14 =	vadd.s32 s29, v0;
	v15 =	vld.idx.msk [tilespmem:v16+s14+$0x0], $0xffff  }
.Ltmp3:
0x102: {  	v31 =	vadd.s32 s30, v2;
	v32 =	vand.u32 $0x7F, v14;
	v16 =	vand.u32 $0x7F, v18;
	v14 =	vld.idx.msk [tilespmem:v19+s13+$0x0], $0xffff;
	(pc) =	sbr.rel @p0 .LBB2_8-.Ltmp3, $4  }
0x103: {  	v33 =	vmul.f32 v11, v10;
	v12 =	vmul.f32 v27, v12;
	v18 =	vor.u32 v5, v16;
	v16 =	vld.idx.msk [tilespmem:v19+s14+$0x0], $0xffff  }
0x104: {  	v27 =	vand.u32 $0x7F, v30;
	v21 =	vmul.f32 v20, v21;
	v19 =	vor.u32 v5, v32;
	v10 =	vld.idx.msk [tilespmem:v24+s13+$0x0], $0xffff  }
0x105: {  	v11 =	vld.idx.msk [tilespmem:v24+s14+$0x0], $0xffff;
	v24 =	vadd.f32 v33, v22;
	v22 =	vadd.f32 v12, v25;
	v25 =	vmul.f32 v29, v26  }
0x106: {  	s28 =	sadd.s32 $0x8, s28;
	v23 =	vmul.f32 v28, v23;
	v20 =	vor.u32 v5, v27;
	v26 =	vand.u32 $0x7F, v31;
	v12 =	vld.idx.msk [tilespmem:v17+s13+$0x0], $0xffff  }
0x107: {  	_ =	sdelay $0x3  }
0x108: {  	v17 =	vld.idx.msk [tilespmem:v17+s14+$0x0], $0xffff  }
0x109: {  	v27 =	vld.idx.msk [tilespmem:v18+s13+$0x0], $0xffff  }
0x10a: {  	v26 =	vor.u32 v5, v26;
	v28 =	vadd.s32 s29, v2;
	v18 =	vld.idx.msk [tilespmem:v18+s14+$0x0], $0xffff  }
0x10b: {  	v29 =	vld.idx.msk [tilespmem:v19+s13+$0x0], $0xffff;
	v28 =	vand.u32 $0x7F, v28  }
0x10c: {  	v30 =	vadd.s32 s26, v2;
	v19 =	vld.idx.msk [tilespmem:v19+s14+$0x0], $0xffff;
	v28 =	vor.u32 v5, v28  }
0x10d: {  	v31 =	vld.idx.msk [tilespmem:v20+s13+$0x0], $0xffff;
	v30 =	vand.u32 $0x7F, v30  }
0x10e: {  	v21 =	vadd.f32 v21, v24;
	v20 =	vld.idx.msk [tilespmem:v20+s14+$0x0], $0xffff;
	v24 =	vor.u32 v5, v30  }
0x10f: {  	v22 =	vadd.f32 v25, v22;
	v13 =	vmul.f32 v15, v13;
	v15 =	vld.idx.msk [tilespmem:v26+s13+$0x0], $0xffff  }
0x110: {  	v8 =	vmul.f32 v9, v8;
	v9 =	vadd.f32 v23, v21;
	v21 =	vld.idx.msk [tilespmem:v26+s14+$0x0], $0xffff  }
0x111: {  	v14 =	vmul.f32 v16, v14;
	v13 =	vadd.f32 v13, v22;
	v16 =	vld.idx.msk [tilespmem:v28+s13+$0x0], $0xffff  }
0x112: {  	v10 =	vmul.f32 v11, v10;
	v8 =	vadd.f32 v8, v9;
	v9 =	vld.idx.msk [tilespmem:v28+s14+$0x0], $0xffff  }
0x113: {  	v13 =	vadd.f32 v14, v13;
	v11 =	vmul.f32 v17, v12;
	v14 =	vld.idx.msk [tilespmem:v24+s13+$0x0], $0xffff  }
0x114: {  	v17 =	vmul.f32 v20, v31;
	v8 =	vadd.f32 v10, v8;
	v12 =	vld.idx.msk [tilespmem:v24+s14+$0x0], $0xffff  }
0x115: {  	v10 =	vadd.f32 v11, v13;
	v11 =	vmul.f32 v21, v15  }
0x116: {  	v13 =	vmul.f32 v19, v29;
	v8 =	vadd.f32 v17, v8  }
0x117: {  	v10 =	vadd.f32 v11, v10;
	v9 =	vmul.f32 v9, v16  }
0x118: {  	v8 =	vadd.f32 v13, v8  }
0x119: {  	v11 =	vmul.f32 v18, v27;
	v9 =	vadd.f32 v9, v10;
	v10 =	vmul.f32 v12, v14  }
0x11a: {  	s31 =	simm.s32 $0x0;
	v12 =	vld [tilespmem:$0x10430]  }
0x11b: {  	v8 =	vadd.f32 v11, v8;
	v9 =	vadd.f32 v10, v9;
	v10 =	vadd.s32 s31, v0  }
0x11c: {  	v10 =	vand.u32 $0x7F, v10  }
0x11d: {  	v8 =	vadd.f32 v9, v8;
	v9 =	vadd.s32 s31, v2;
	v10 =	vor.u32 v6, v10  }
0x11e: {  	s30 =	simm.s32 $0x6;
	v9 =	vand.u32 $0x7F, v9  }
0x11f: {  	v11 =	vadd.s32 s30, v0;
	v8 =	vmul.f32 v12, v8;
	v9 =	vor.u32 v6, v9  }
0x120: {  	s28 =	simm.s32 $0x4;
	v11 =	vand.u32 $0x7F, v11  }
0x121: {  	v11 =	vor.u32 v6, v11;
	[tilespmem:$0x10630] =	vst v8;
	v8 =	vadd.s32 s28, v0  }
0x122: {  	s29 =	simm.s32 $0x2;
	v8 =	vand.u32 $0x7F, v8;
	v12 =	vld.idx.msk [tilespmem:v10+s13+$0x0], $0xffff  }
0x123: {  	v13 =	vadd.s32 s29, v0;
	v10 =	vld.idx.msk [tilespmem:v10+s14+$0x0], $0xffff;
	v14 =	vor.u32 v6, v8  }
0x124: {  	v8 =	vand.u32 $0x7F, v13;
	v16 =	vld.idx.msk [tilespmem:v9+s13+$0x0], $0xffff  }
0x125: {  	v13 =	vadd.s32 s29, v2;
	v15 =	vor.u32 v6, v8;
	v19 =	vld.idx.msk [tilespmem:v9+s14+$0x0], $0xffff  }
0x126: {  	v9 =	vand.u32 $0x7F, v13;
	v8 =	vld.idx.msk [tilespmem:v11+s13+$0x0], $0xffff  }
0x127: {  	v17 =	vadd.s32 s28, v2;
	v13 =	vor.u32 v6, v9;
	v9 =	vld.idx.msk [tilespmem:v11+s14+$0x0], $0xffff  }
0x128: {  	v11 =	vand.u32 $0x7F, v17;
	v23 =	vld.idx.msk [tilespmem:v14+s13+$0x0], $0xffff  }
0x129: {  	v17 =	vadd.s32 s30, v2;
	v11 =	vor.u32 v6, v11;
	v27 =	vld.idx.msk [tilespmem:v14+s14+$0x0], $0xffff  }
0x12a: {  	s31 =	simm.s32 $0x8;
	v14 =	vand.u32 $0x7F, v17;
	v20 =	vld.idx.msk [tilespmem:v15+s13+$0x0], $0xffff  }
0x12b: {  	v17 =	vadd.s32 s31, v0;
	v21 =	vld.idx.msk [tilespmem:v15+s14+$0x0], $0xffff;
	v22 =	vor.u32 v6, v14  }
0x12c: {  	v14 =	vand.u32 $0x7F, v17;
	v25 =	vld.idx.msk [tilespmem:v13+s13+$0x0], $0xffff  }
0x12d: {  	s26 =	simm.s32 $0xE;
	v15 =	vadd.s32 s31, v2;
	v24 =	vor.u32 v6, v14;
	v26 =	vld.idx.msk [tilespmem:v13+s14+$0x0], $0xffff  }
0x12e: {  	v60 =	vimm.f32 $0.0e+00;
	v18 =	vadd.s32 s26, v0;
	s29 =	simm.s32 $0xC;
	v14 =	vand.u32 $0x7F, v15;
	v13 =	vld.idx.msk [tilespmem:v11+s13+$0x0], $0xffff  }
0x12f: {  	v18 =	vand.u32 $0x7F, v18;
	s28 =	simm.s32 $0xA;
	v17 =	vor.u32 v6, v14;
	v14 =	vadd.s32 s29, v0;
	v15 =	vld.idx.msk [tilespmem:v11+s14+$0x0], $0xffff  }
0x130: {  	v18 =	vor.u32 v6, v18;
	v61 =	vadd.s32 s28, v0;
	v11 =	vand.u32 $0x7F, v14;
	v14 =	vld.idx.msk [tilespmem:v22+s13+$0x0], $0xffff  }
0x131: {  	v62 =	vadd.s32 s28, v2;
	v12 =	vmul.f32 v10, v12;
	v63 =	vmul.f32 v19, v16;
	v16 =	vld.idx.msk [tilespmem:v22+s14+$0x0], $0xffff  }
0x132: {  	v29 =	vand.u32 $0x7F, v61;
	v19 =	vor.u32 v6, v11;
	v21 =	vmul.f32 v21, v20;
	v10 =	vld.idx.msk [tilespmem:v24+s13+$0x0], $0xffff  }
0x133: {  	v22 =	vadd.f32 v63, v60;
	v11 =	vld.idx.msk [tilespmem:v24+s14+$0x0], $0xffff;
	v24 =	vadd.f32 v12, v60;
	v25 =	vmul.f32 v26, v25  }
0x134: {  	s28 =	simm.s32 $0x10;
	v23 =	vmul.f32 v27, v23;
	v20 =	vor.u32 v6, v29;
	v26 =	vand.u32 $0x7F, v62;
	v12 =	vld.idx.msk [tilespmem:v17+s13+$0x0], $0xffff  }
.LBB2_10:
0x135: {  	p0 =	slt.u32 s28, $0x78;
	v27 =	vld.idx.msk [tilespmem:v17+s14+$0x0], $0xffff;
	v17 =	vadd.f32 v21, v24;
	v21 =	vadd.f32 v25, v22;
	v13 =	vmul.f32 v15, v13  }
0x136: {  	v15 =	vor.u32 v6, v26;
	v22 =	vadd.s32 s29, v2;
	v24 =	vmul.f32 v9, v8;
	v8 =	vld.idx.msk [tilespmem:v18+s13+$0x0], $0xffff  }
0x137: {  	v14 =	vmul.f32 v16, v14;
	v9 =	vld.idx.msk [tilespmem:v18+s14+$0x0], $0xffff;
	v17 =	vadd.f32 v23, v17;
	v13 =	vadd.f32 v13, v21  }
0x138: {  	v16 =	vand.u32 $0x7F, v22;
	v18 =	vadd.s32 s26, v2;
	v23 =	vld.idx.msk [tilespmem:v19+s13+$0x0], $0xffff  }
0x139: {  	v16 =	vor.u32 v6, v16;
	v28 =	vld.idx.msk [tilespmem:v19+s14+$0x0], $0xffff;
	v22 =	vadd.f32 v24, v17;
	v25 =	vadd.f32 v14, v13  }
0x13a: {  	v13 =	vand.u32 $0x7F, v18;
	v21 =	vld.idx.msk [tilespmem:v20+s13+$0x0], $0xffff  }
0x13b: {  	v14 =	vadd.s32 s28, v0;
	v19 =	vor.u32 v6, v13;
	v20 =	vld.idx.msk [tilespmem:v20+s14+$0x0], $0xffff  }
0x13c: {  	v13 =	vand.u32 $0x7F, v14;
	v26 =	vld.idx.msk [tilespmem:v15+s13+$0x0], $0xffff  }
0x13d: {  	s26 =	sadd.s32 $0x6, s28;
	v14 =	vadd.s32 s28, v2;
	v24 =	vor.u32 v6, v13;
	v29 =	vld.idx.msk [tilespmem:v15+s14+$0x0], $0xffff  }
0x13e: {  	s30 =	sadd.s32 $0x2, s28;
	s29 =	sadd.s32 $0x4, s28;
	v18 =	vadd.s32 s26, v0;
	v14 =	vand.u32 $0x7F, v14;
	v13 =	vld.idx.msk [tilespmem:v16+s13+$0x0], $0xffff  }
0x13f: {  	v30 =	vadd.s32 s30, v0;
	v17 =	vor.u32 v6, v14;
	v14 =	vadd.s32 s29, v0;
	v15 =	vld.idx.msk [tilespmem:v16+s14+$0x0], $0xffff  }
.Ltmp4:
0x140: {  	v31 =	vadd.s32 s30, v2;
	v32 =	vand.u32 $0x7F, v14;
	v16 =	vand.u32 $0x7F, v18;
	v14 =	vld.idx.msk [tilespmem:v19+s13+$0x0], $0xffff;
	(pc) =	sbr.rel @p0 .LBB2_10-.Ltmp4, $4  }
0x141: {  	v33 =	vmul.f32 v11, v10;
	v12 =	vmul.f32 v27, v12;
	v18 =	vor.u32 v6, v16;
	v16 =	vld.idx.msk [tilespmem:v19+s14+$0x0], $0xffff  }
0x142: {  	v27 =	vand.u32 $0x7F, v30;
	v21 =	vmul.f32 v20, v21;
	v19 =	vor.u32 v6, v32;
	v10 =	vld.idx.msk [tilespmem:v24+s13+$0x0], $0xffff  }
0x143: {  	v11 =	vld.idx.msk [tilespmem:v24+s14+$0x0], $0xffff;
	v24 =	vadd.f32 v33, v22;
	v22 =	vadd.f32 v12, v25;
	v25 =	vmul.f32 v29, v26  }
0x144: {  	s28 =	sadd.s32 $0x8, s28;
	v23 =	vmul.f32 v28, v23;
	v20 =	vor.u32 v6, v27;
	v26 =	vand.u32 $0x7F, v31;
	v12 =	vld.idx.msk [tilespmem:v17+s13+$0x0], $0xffff  }
0x145: {  	_ =	sdelay $0x3  }
0x146: {  	v17 =	vld.idx.msk [tilespmem:v17+s14+$0x0], $0xffff  }
0x147: {  	v27 =	vld.idx.msk [tilespmem:v18+s13+$0x0], $0xffff  }
0x148: {  	v26 =	vor.u32 v6, v26;
	v28 =	vadd.s32 s29, v2;
	v18 =	vld.idx.msk [tilespmem:v18+s14+$0x0], $0xffff  }
0x149: {  	v29 =	vld.idx.msk [tilespmem:v19+s13+$0x0], $0xffff;
	v28 =	vand.u32 $0x7F, v28  }
0x14a: {  	v30 =	vadd.s32 s26, v2;
	v19 =	vld.idx.msk [tilespmem:v19+s14+$0x0], $0xffff;
	v28 =	vor.u32 v6, v28  }
0x14b: {  	v31 =	vld.idx.msk [tilespmem:v20+s13+$0x0], $0xffff;
	v30 =	vand.u32 $0x7F, v30  }
0x14c: {  	v21 =	vadd.f32 v21, v24;
	v20 =	vld.idx.msk [tilespmem:v20+s14+$0x0], $0xffff;
	v24 =	vor.u32 v6, v30  }
0x14d: {  	v22 =	vadd.f32 v25, v22;
	v13 =	vmul.f32 v15, v13;
	v15 =	vld.idx.msk [tilespmem:v26+s13+$0x0], $0xffff  }
0x14e: {  	v8 =	vmul.f32 v9, v8;
	v9 =	vadd.f32 v23, v21;
	v21 =	vld.idx.msk [tilespmem:v26+s14+$0x0], $0xffff  }
0x14f: {  	v14 =	vmul.f32 v16, v14;
	v13 =	vadd.f32 v13, v22;
	v16 =	vld.idx.msk [tilespmem:v28+s13+$0x0], $0xffff  }
0x150: {  	v10 =	vmul.f32 v11, v10;
	v8 =	vadd.f32 v8, v9;
	v9 =	vld.idx.msk [tilespmem:v28+s14+$0x0], $0xffff  }
0x151: {  	v13 =	vadd.f32 v14, v13;
	v11 =	vmul.f32 v17, v12;
	v14 =	vld.idx.msk [tilespmem:v24+s13+$0x0], $0xffff  }
0x152: {  	v17 =	vmul.f32 v20, v31;
	v8 =	vadd.f32 v10, v8;
	v12 =	vld.idx.msk [tilespmem:v24+s14+$0x0], $0xffff  }
0x153: {  	v10 =	vadd.f32 v11, v13;
	v11 =	vmul.f32 v21, v15  }
0x154: {  	v13 =	vmul.f32 v19, v29;
	v8 =	vadd.f32 v17, v8  }
0x155: {  	v10 =	vadd.f32 v11, v10;
	v9 =	vmul.f32 v9, v16  }
0x156: {  	v8 =	vadd.f32 v13, v8  }
0x157: {  	v11 =	vmul.f32 v18, v27;
	v9 =	vadd.f32 v9, v10;
	v10 =	vmul.f32 v12, v14  }
0x158: {  	s31 =	simm.s32 $0x0;
	v12 =	vld [tilespmem:$0x10440]  }
0x159: {  	v8 =	vadd.f32 v11, v8;
	v9 =	vadd.f32 v10, v9;
	v10 =	vadd.s32 s31, v0  }
0x15a: {  	v10 =	vand.u32 $0x7F, v10  }
0x15b: {  	v8 =	vadd.f32 v9, v8;
	v9 =	vadd.s32 s31, v2;
	v10 =	vor.u32 v7, v10  }
0x15c: {  	s30 =	simm.s32 $0x6;
	v9 =	vand.u32 $0x7F, v9  }
0x15d: {  	v11 =	vadd.s32 s30, v0;
	v8 =	vmul.f32 v12, v8;
	v9 =	vor.u32 v7, v9  }
0x15e: {  	s28 =	simm.s32 $0x4;
	v11 =	vand.u32 $0x7F, v11  }
0x15f: {  	v11 =	vor.u32 v7, v11;
	[tilespmem:$0x10640] =	vst v8;
	v8 =	vadd.s32 s28, v0  }
0x160: {  	s29 =	simm.s32 $0x2;
	v8 =	vand.u32 $0x7F, v8;
	v12 =	vld.idx.msk [tilespmem:v10+s13+$0x0], $0xffff  }
0x161: {  	v13 =	vadd.s32 s29, v0;
	v10 =	vld.idx.msk [tilespmem:v10+s14+$0x0], $0xffff;
	v14 =	vor.u32 v7, v8  }
0x162: {  	v8 =	vand.u32 $0x7F, v13;
	v16 =	vld.idx.msk [tilespmem:v9+s13+$0x0], $0xffff  }
0x163: {  	v13 =	vadd.s32 s29, v2;
	v15 =	vor.u32 v7, v8;
	v19 =	vld.idx.msk [tilespmem:v9+s14+$0x0], $0xffff  }
0x164: {  	v9 =	vand.u32 $0x7F, v13;
	v8 =	vld.idx.msk [tilespmem:v11+s13+$0x0], $0xffff  }
0x165: {  	v17 =	vadd.s32 s28, v2;
	v13 =	vor.u32 v7, v9;
	v9 =	vld.idx.msk [tilespmem:v11+s14+$0x0], $0xffff  }
0x166: {  	v11 =	vand.u32 $0x7F, v17;
	v23 =	vld.idx.msk [tilespmem:v14+s13+$0x0], $0xffff  }
0x167: {  	v17 =	vadd.s32 s30, v2;
	v11 =	vor.u32 v7, v11;
	v27 =	vld.idx.msk [tilespmem:v14+s14+$0x0], $0xffff  }
0x168: {  	s31 =	simm.s32 $0x8;
	v14 =	vand.u32 $0x7F, v17;
	v20 =	vld.idx.msk [tilespmem:v15+s13+$0x0], $0xffff  }
0x169: {  	v17 =	vadd.s32 s31, v0;
	v21 =	vld.idx.msk [tilespmem:v15+s14+$0x0], $0xffff;
	v22 =	vor.u32 v7, v14  }
0x16a: {  	v14 =	vand.u32 $0x7F, v17;
	v25 =	vld.idx.msk [tilespmem:v13+s13+$0x0], $0xffff  }
0x16b: {  	s26 =	simm.s32 $0xE;
	v15 =	vadd.s32 s31, v2;
	v24 =	vor.u32 v7, v14;
	v26 =	vld.idx.msk [tilespmem:v13+s14+$0x0], $0xffff  }
0x16c: {  	v60 =	vimm.f32 $0.0e+00;
	v18 =	vadd.s32 s26, v0;
	s29 =	simm.s32 $0xC;
	v14 =	vand.u32 $0x7F, v15;
	v13 =	vld.idx.msk [tilespmem:v11+s13+$0x0], $0xffff  }
0x16d: {  	v18 =	vand.u32 $0x7F, v18;
	s28 =	simm.s32 $0xA;
	v17 =	vor.u32 v7, v14;
	v14 =	vadd.s32 s29, v0;
	v15 =	vld.idx.msk [tilespmem:v11+s14+$0x0], $0xffff  }
0x16e: {  	v18 =	vor.u32 v7, v18;
	v61 =	vadd.s32 s28, v0;
	v11 =	vand.u32 $0x7F, v14;
	v14 =	vld.idx.msk [tilespmem:v22+s13+$0x0], $0xffff  }
0x16f: {  	v62 =	vadd.s32 s28, v2;
	v12 =	vmul.f32 v10, v12;
	v63 =	vmul.f32 v19, v16;
	v16 =	vld.idx.msk [tilespmem:v22+s14+$0x0], $0xffff  }
0x170: {  	v29 =	vand.u32 $0x7F, v61;
	v19 =	vor.u32 v7, v11;
	v21 =	vmul.f32 v21, v20;
	v10 =	vld.idx.msk [tilespmem:v24+s13+$0x0], $0xffff  }
0x171: {  	v22 =	vadd.f32 v63, v60;
	v11 =	vld.idx.msk [tilespmem:v24+s14+$0x0], $0xffff;
	v24 =	vadd.f32 v12, v60;
	v25 =	vmul.f32 v26, v25  }
0x172: {  	s28 =	simm.s32 $0x10;
	v23 =	vmul.f32 v27, v23;
	v20 =	vor.u32 v7, v29;
	v26 =	vand.u32 $0x7F, v62;
	v12 =	vld.idx.msk [tilespmem:v17+s13+$0x0], $0xffff  }
.LBB2_12:
0x173: {  	p0 =	slt.u32 s28, $0x78;
	v27 =	vld.idx.msk [tilespmem:v17+s14+$0x0], $0xffff;
	v17 =	vadd.f32 v21, v24;
	v21 =	vadd.f32 v25, v22;
	v13 =	vmul.f32 v15, v13  }
0x174: {  	v15 =	vor.u32 v7, v26;
	v22 =	vadd.s32 s29, v2;
	v24 =	vmul.f32 v9, v8;
	v8 =	vld.idx.msk [tilespmem:v18+s13+$0x0], $0xffff  }
0x175: {  	v14 =	vmul.f32 v16, v14;
	v9 =	vld.idx.msk [tilespmem:v18+s14+$0x0], $0xffff;
	v17 =	vadd.f32 v23, v17;
	v13 =	vadd.f32 v13, v21  }
0x176: {  	v16 =	vand.u32 $0x7F, v22;
	v18 =	vadd.s32 s26, v2;
	v23 =	vld.idx.msk [tilespmem:v19+s13+$0x0], $0xffff  }
0x177: {  	v16 =	vor.u32 v7, v16;
	v28 =	vld.idx.msk [tilespmem:v19+s14+$0x0], $0xffff;
	v22 =	vadd.f32 v24, v17;
	v25 =	vadd.f32 v14, v13  }
0x178: {  	v13 =	vand.u32 $0x7F, v18;
	v21 =	vld.idx.msk [tilespmem:v20+s13+$0x0], $0xffff  }
0x179: {  	v14 =	vadd.s32 s28, v0;
	v19 =	vor.u32 v7, v13;
	v20 =	vld.idx.msk [tilespmem:v20+s14+$0x0], $0xffff  }
0x17a: {  	v13 =	vand.u32 $0x7F, v14;
	v26 =	vld.idx.msk [tilespmem:v15+s13+$0x0], $0xffff  }
0x17b: {  	s26 =	sadd.s32 $0x6, s28;
	v14 =	vadd.s32 s28, v2;
	v24 =	vor.u32 v7, v13;
	v29 =	vld.idx.msk [tilespmem:v15+s14+$0x0], $0xffff  }
0x17c: {  	s30 =	sadd.s32 $0x2, s28;
	s29 =	sadd.s32 $0x4, s28;
	v18 =	vadd.s32 s26, v0;
	v14 =	vand.u32 $0x7F, v14;
	v13 =	vld.idx.msk [tilespmem:v16+s13+$0x0], $0xffff  }
0x17d: {  	v30 =	vadd.s32 s30, v0;
	v17 =	vor.u32 v7, v14;
	v14 =	vadd.s32 s29, v0;
	v15 =	vld.idx.msk [tilespmem:v16+s14+$0x0], $0xffff  }
.Ltmp5:
0x17e: {  	v31 =	vadd.s32 s30, v2;
	v32 =	vand.u32 $0x7F, v14;
	v16 =	vand.u32 $0x7F, v18;
	v14 =	vld.idx.msk [tilespmem:v19+s13+$0x0], $0xffff;
	(pc) =	sbr.rel @p0 .LBB2_12-.Ltmp5, $4  }
0x17f: {  	v33 =	vmul.f32 v11, v10;
	v12 =	vmul.f32 v27, v12;
	v18 =	vor.u32 v7, v16;
	v16 =	vld.idx.msk [tilespmem:v19+s14+$0x0], $0xffff  }
0x180: {  	v27 =	vand.u32 $0x7F, v30;
	v21 =	vmul.f32 v20, v21;
	v19 =	vor.u32 v7, v32;
	v10 =	vld.idx.msk [tilespmem:v24+s13+$0x0], $0xffff  }
0x181: {  	v11 =	vld.idx.msk [tilespmem:v24+s14+$0x0], $0xffff;
	v24 =	vadd.f32 v33, v22;
	v22 =	vadd.f32 v12, v25;
	v25 =	vmul.f32 v29, v26  }
0x182: {  	s28 =	sadd.s32 $0x8, s28;
	v23 =	vmul.f32 v28, v23;
	v20 =	vor.u32 v7, v27;
	v26 =	vand.u32 $0x7F, v31;
	v12 =	vld.idx.msk [tilespmem:v17+s13+$0x0], $0xffff  }
0x183: {  	_ =	sdelay $0x3  }
0x184: {  	v17 =	vld.idx.msk [tilespmem:v17+s14+$0x0], $0xffff  }
0x185: {  	v27 =	vld.idx.msk [tilespmem:v18+s13+$0x0], $0xffff  }
0x186: {  	v26 =	vor.u32 v7, v26;
	v28 =	vadd.s32 s29, v2;
	v18 =	vld.idx.msk [tilespmem:v18+s14+$0x0], $0xffff  }
0x187: {  	v29 =	vld.idx.msk [tilespmem:v19+s13+$0x0], $0xffff;
	v28 =	vand.u32 $0x7F, v28  }
0x188: {  	v30 =	vadd.s32 s26, v2;
	v19 =	vld.idx.msk [tilespmem:v19+s14+$0x0], $0xffff;
	v28 =	vor.u32 v7, v28  }
0x189: {  	v31 =	vld.idx.msk [tilespmem:v20+s13+$0x0], $0xffff;
	v30 =	vand.u32 $0x7F, v30  }
0x18a: {  	v21 =	vadd.f32 v21, v24;
	v20 =	vld.idx.msk [tilespmem:v20+s14+$0x0], $0xffff;
	v24 =	vor.u32 v7, v30  }
0x18b: {  	v22 =	vadd.f32 v25, v22;
	v13 =	vmul.f32 v15, v13;
	v15 =	vld.idx.msk [tilespmem:v26+s13+$0x0], $0xffff  }
0x18c: {  	v8 =	vmul.f32 v9, v8;
	v9 =	vadd.f32 v23, v21;
	v21 =	vld.idx.msk [tilespmem:v26+s14+$0x0], $0xffff  }
0x18d: {  	v14 =	vmul.f32 v16, v14;
	v13 =	vadd.f32 v13, v22;
	v16 =	vld.idx.msk [tilespmem:v28+s13+$0x0], $0xffff  }
0x18e: {  	v10 =	vmul.f32 v11, v10;
	v8 =	vadd.f32 v8, v9;
	v9 =	vld.idx.msk [tilespmem:v28+s14+$0x0], $0xffff  }
0x18f: {  	v13 =	vadd.f32 v14, v13;
	v11 =	vmul.f32 v17, v12;
	v14 =	vld.idx.msk [tilespmem:v24+s13+$0x0], $0xffff  }
0x190: {  	v17 =	vmul.f32 v20, v31;
	v8 =	vadd.f32 v10, v8;
	v12 =	vld.idx.msk [tilespmem:v24+s14+$0x0], $0xffff  }
0x191: {  	v10 =	vadd.f32 v11, v13;
	v11 =	vmul.f32 v21, v15  }
0x192: {  	v13 =	vmul.f32 v19, v29;
	v8 =	vadd.f32 v17, v8  }
0x193: {  	v10 =	vadd.f32 v11, v10;
	v9 =	vmul.f32 v9, v16  }
0x194: {  	v8 =	vadd.f32 v13, v8  }
0x195: {  	v11 =	vmul.f32 v18, v27;
	v9 =	vadd.f32 v9, v10;
	v10 =	vmul.f32 v12, v14  }
0x196: {  	s31 =	simm.s32 $0x0;
	v12 =	vld [tilespmem:$0x10450]  }
0x197: {  	v11 =	vadd.f32 v11, v8;
	v8 =	vadd.s32 s31, v0;
	v9 =	vadd.f32 v10, v9  }
0x198: {  	v10 =	vand.u32 $0x7F, v8;
	v8 =	vor.u32 $0x3000, v1  }
0x199: {  	v10 =	vor.u32 v8, v10;
	v9 =	vadd.f32 v9, v11;
	v11 =	vadd.s32 s31, v2  }
0x19a: {  	s30 =	simm.s32 $0x6;
	v11 =	vand.u32 $0x7F, v11  }
0x19b: {  	v9 =	vmul.f32 v12, v9;
	v12 =	vadd.s32 s30, v0;
	v11 =	vor.u32 v8, v11  }
0x19c: {  	s28 =	simm.s32 $0x4;
	v12 =	vand.u32 $0x7F, v12  }
0x19d: {  	[tilespmem:$0x10650] =	vst v9;
	v9 =	vadd.s32 s28, v0;
	v12 =	vor.u32 v8, v12  }
0x19e: {  	s29 =	simm.s32 $0x2;
	v9 =	vand.u32 $0x7F, v9;
	v13 =	vld.idx.msk [tilespmem:v10+s13+$0x0], $0xffff  }
0x19f: {  	v14 =	vadd.s32 s29, v0;
	v17 =	vld.idx.msk [tilespmem:v10+s14+$0x0], $0xffff;
	v15 =	vor.u32 v8, v9  }
0x1a0: {  	v9 =	vand.u32 $0x7F, v14;
	v20 =	vld.idx.msk [tilespmem:v11+s13+$0x0], $0xffff  }
0x1a1: {  	v10 =	vadd.s32 s29, v2;
	v14 =	vor.u32 v8, v9;
	v11 =	vld.idx.msk [tilespmem:v11+s14+$0x0], $0xffff  }
0x1a2: {  	v10 =	vand.u32 $0x7F, v10;
	v9 =	vld.idx.msk [tilespmem:v12+s13+$0x0], $0xffff  }
0x1a3: {  	v18 =	vadd.s32 s28, v2;
	v16 =	vor.u32 v8, v10;
	v10 =	vld.idx.msk [tilespmem:v12+s14+$0x0], $0xffff  }
0x1a4: {  	v12 =	vand.u32 $0x7F, v18;
	v24 =	vld.idx.msk [tilespmem:v15+s13+$0x0], $0xffff  }
0x1a5: {  	v18 =	vadd.s32 s30, v2;
	v12 =	vor.u32 v8, v12;
	v28 =	vld.idx.msk [tilespmem:v15+s14+$0x0], $0xffff  }
0x1a6: {  	s31 =	simm.s32 $0x8;
	v15 =	vand.u32 $0x7F, v18;
	v21 =	vld.idx.msk [tilespmem:v14+s13+$0x0], $0xffff  }
0x1a7: {  	v18 =	vadd.s32 s31, v0;
	v22 =	vld.idx.msk [tilespmem:v14+s14+$0x0], $0xffff;
	v23 =	vor.u32 v8, v15  }
0x1a8: {  	v14 =	vand.u32 $0x7F, v18;
	v26 =	vld.idx.msk [tilespmem:v16+s13+$0x0], $0xffff  }
0x1a9: {  	s26 =	simm.s32 $0xE;
	v15 =	vadd.s32 s31, v2;
	v27 =	vld.idx.msk [tilespmem:v16+s14+$0x0], $0xffff;
	v25 =	vor.u32 v8, v14  }
0x1aa: {  	v29 =	vimm.f32 $0.0e+00;
	v19 =	vadd.s32 s26, v0;
	s29 =	simm.s32 $0xC;
	v15 =	vand.u32 $0x7F, v15;
	v14 =	vld.idx.msk [tilespmem:v12+s13+$0x0], $0xffff  }
0x1ab: {  	v19 =	vand.u32 $0x7F, v19;
	s28 =	simm.s32 $0xA;
	v18 =	vor.u32 v8, v15;
	v15 =	vadd.s32 s29, v0;
	v16 =	vld.idx.msk [tilespmem:v12+s14+$0x0], $0xffff  }
0x1ac: {  	v19 =	vor.u32 v8, v19;
	v62 =	vadd.s32 s28, v0;
	v12 =	vand.u32 $0x7F, v15;
	v15 =	vld.idx.msk [tilespmem:v23+s13+$0x0], $0xffff  }
0x1ad: {  	v63 =	vadd.s32 s28, v2;
	v13 =	vmul.f32 v17, v13;
	v32 =	vmul.f32 v11, v20;
	v17 =	vld.idx.msk [tilespmem:v23+s14+$0x0], $0xffff  }
0x1ae: {  	v30 =	vand.u32 $0x7F, v62;
	v20 =	vor.u32 v8, v12;
	v22 =	vmul.f32 v22, v21;
	v11 =	vld.idx.msk [tilespmem:v25+s13+$0x0], $0xffff  }
0x1af: {  	v23 =	vadd.f32 v32, v29;
	v26 =	vmul.f32 v27, v26;
	v12 =	vld.idx.msk [tilespmem:v25+s14+$0x0], $0xffff;
	v25 =	vadd.f32 v13, v29  }
0x1b0: {  	s28 =	simm.s32 $0x10;
	v24 =	vmul.f32 v28, v24;
	v27 =	vand.u32 $0x7F, v63;
	v21 =	vor.u32 v8, v30;
	v13 =	vld.idx.msk [tilespmem:v18+s13+$0x0], $0xffff  }
.LBB2_14:
0x1b1: {  	p0 =	slt.u32 s28, $0x78;
	v28 =	vld.idx.msk [tilespmem:v18+s14+$0x0], $0xffff;
	v18 =	vadd.f32 v22, v25;
	v22 =	vadd.f32 v26, v23;
	v14 =	vmul.f32 v16, v14  }
0x1b2: {  	v16 =	vor.u32 v8, v27;
	v23 =	vadd.s32 s29, v2;
	v25 =	vmul.f32 v10, v9;
	v9 =	vld.idx.msk [tilespmem:v19+s13+$0x0], $0xffff  }
0x1b3: {  	v15 =	vmul.f32 v17, v15;
	v10 =	vld.idx.msk [tilespmem:v19+s14+$0x0], $0xffff;
	v18 =	vadd.f32 v24, v18;
	v14 =	vadd.f32 v14, v22  }
0x1b4: {  	v17 =	vand.u32 $0x7F, v23;
	v19 =	vadd.s32 s26, v2;
	v24 =	vld.idx.msk [tilespmem:v20+s13+$0x0], $0xffff  }
0x1b5: {  	v17 =	vor.u32 v8, v17;
	v29 =	vld.idx.msk [tilespmem:v20+s14+$0x0], $0xffff;
	v23 =	vadd.f32 v25, v18;
	v26 =	vadd.f32 v15, v14  }
0x1b6: {  	v14 =	vand.u32 $0x7F, v19;
	v22 =	vld.idx.msk [tilespmem:v21+s13+$0x0], $0xffff  }
0x1b7: {  	v15 =	vadd.s32 s28, v0;
	v20 =	vor.u32 v8, v14;
	v21 =	vld.idx.msk [tilespmem:v21+s14+$0x0], $0xffff  }
0x1b8: {  	v14 =	vand.u32 $0x7F, v15;
	v27 =	vld.idx.msk [tilespmem:v16+s13+$0x0], $0xffff  }
0x1b9: {  	s26 =	sadd.s32 $0x6, s28;
	v15 =	vadd.s32 s28, v2;
	v25 =	vor.u32 v8, v14;
	v30 =	vld.idx.msk [tilespmem:v16+s14+$0x0], $0xffff  }
0x1ba: {  	s30 =	sadd.s32 $0x2, s28;
	s29 =	sadd.s32 $0x4, s28;
	v19 =	vadd.s32 s26, v0;
	v15 =	vand.u32 $0x7F, v15;
	v14 =	vld.idx.msk [tilespmem:v17+s13+$0x0], $0xffff  }
0x1bb: {  	v31 =	vadd.s32 s30, v0;
	v18 =	vor.u32 v8, v15;
	v15 =	vadd.s32 s29, v0;
	v16 =	vld.idx.msk [tilespmem:v17+s14+$0x0], $0xffff  }
.Ltmp6:
0x1bc: {  	v32 =	vadd.s32 s30, v2;
	v33 =	vand.u32 $0x7F, v15;
	v17 =	vand.u32 $0x7F, v19;
	v15 =	vld.idx.msk [tilespmem:v20+s13+$0x0], $0xffff;
	(pc) =	sbr.rel @p0 .LBB2_14-.Ltmp6, $4  }
0x1bd: {  	v34 =	vmul.f32 v12, v11;
	v13 =	vmul.f32 v28, v13;
	v19 =	vor.u32 v8, v17;
	v17 =	vld.idx.msk [tilespmem:v20+s14+$0x0], $0xffff  }
0x1be: {  	v28 =	vand.u32 $0x7F, v31;
	v22 =	vmul.f32 v21, v22;
	v20 =	vor.u32 v8, v33;
	v11 =	vld.idx.msk [tilespmem:v25+s13+$0x0], $0xffff  }
0x1bf: {  	v12 =	vld.idx.msk [tilespmem:v25+s14+$0x0], $0xffff;
	v25 =	vadd.f32 v34, v23;
	v23 =	vadd.f32 v13, v26;
	v26 =	vmul.f32 v30, v27  }
0x1c0: {  	s28 =	sadd.s32 $0x8, s28;
	v24 =	vmul.f32 v29, v24;
	v21 =	vor.u32 v8, v28;
	v27 =	vand.u32 $0x7F, v32;
	v13 =	vld.idx.msk [tilespmem:v18+s13+$0x0], $0xffff  }
0x1c1: {  	_ =	sdelay $0x3  }
0x1c2: {  	v18 =	vld.idx.msk [tilespmem:v18+s14+$0x0], $0xffff  }
0x1c3: {  	v28 =	vld.idx.msk [tilespmem:v19+s13+$0x0], $0xffff  }
0x1c4: {  	v27 =	vor.u32 v8, v27;
	v29 =	vadd.s32 s29, v2;
	v19 =	vld.idx.msk [tilespmem:v19+s14+$0x0], $0xffff  }
0x1c5: {  	v30 =	vld.idx.msk [tilespmem:v20+s13+$0x0], $0xffff;
	v29 =	vand.u32 $0x7F, v29  }
0x1c6: {  	v31 =	vadd.s32 s26, v2;
	v20 =	vld.idx.msk [tilespmem:v20+s14+$0x0], $0xffff;
	v29 =	vor.u32 v8, v29  }
0x1c7: {  	v32 =	vld.idx.msk [tilespmem:v21+s13+$0x0], $0xffff;
	v31 =	vand.u32 $0x7F, v31  }
0x1c8: {  	v22 =	vadd.f32 v22, v25;
	v21 =	vld.idx.msk [tilespmem:v21+s14+$0x0], $0xffff;
	v25 =	vor.u32 v8, v31  }
0x1c9: {  	v23 =	vadd.f32 v26, v23;
	v14 =	vmul.f32 v16, v14;
	v16 =	vld.idx.msk [tilespmem:v27+s13+$0x0], $0xffff  }
0x1ca: {  	v9 =	vmul.f32 v10, v9;
	v10 =	vadd.f32 v24, v22;
	v22 =	vld.idx.msk [tilespmem:v27+s14+$0x0], $0xffff  }
0x1cb: {  	v15 =	vmul.f32 v17, v15;
	v14 =	vadd.f32 v14, v23;
	v17 =	vld.idx.msk [tilespmem:v29+s13+$0x0], $0xffff  }
0x1cc: {  	v11 =	vmul.f32 v12, v11;
	v9 =	vadd.f32 v9, v10;
	v10 =	vld.idx.msk [tilespmem:v29+s14+$0x0], $0xffff  }
0x1cd: {  	v14 =	vadd.f32 v15, v14;
	v12 =	vmul.f32 v18, v13;
	v15 =	vld.idx.msk [tilespmem:v25+s13+$0x0], $0xffff  }
0x1ce: {  	v18 =	vmul.f32 v21, v32;
	v9 =	vadd.f32 v11, v9;
	v13 =	vld.idx.msk [tilespmem:v25+s14+$0x0], $0xffff  }
0x1cf: {  	v11 =	vadd.f32 v12, v14;
	v12 =	vmul.f32 v22, v16  }
0x1d0: {  	v14 =	vmul.f32 v20, v30;
	v9 =	vadd.f32 v18, v9  }
0x1d1: {  	v11 =	vadd.f32 v12, v11;
	v10 =	vmul.f32 v10, v17  }
0x1d2: {  	v9 =	vadd.f32 v14, v9  }
0x1d3: {  	v12 =	vmul.f32 v19, v28;
	v10 =	vadd.f32 v10, v11;
	v11 =	vmul.f32 v13, v15  }
0x1d4: {  	s31 =	simm.s32 $0x0;
	v13 =	vld [tilespmem:$0x10460]  }
0x1d5: {  	v12 =	vadd.f32 v12, v9;
	v9 =	vadd.s32 s31, v0;
	v10 =	vadd.f32 v11, v10  }
0x1d6: {  	v11 =	vand.u32 $0x7F, v9;
	v9 =	vor.u32 $0x3800, v1  }
0x1d7: {  	v11 =	vor.u32 v9, v11;
	v10 =	vadd.f32 v10, v12;
	v12 =	vadd.s32 s31, v2  }
0x1d8: {  	s30 =	simm.s32 $0x6;
	v12 =	vand.u32 $0x7F, v12  }
0x1d9: {  	v10 =	vmul.f32 v13, v10;
	v13 =	vadd.s32 s30, v0;
	v12 =	vor.u32 v9, v12  }
0x1da: {  	s28 =	simm.s32 $0x4;
	v13 =	vand.u32 $0x7F, v13  }
0x1db: {  	[tilespmem:$0x10660] =	vst v10;
	v10 =	vadd.s32 s28, v0;
	v13 =	vor.u32 v9, v13  }
0x1dc: {  	s29 =	simm.s32 $0x2;
	v10 =	vand.u32 $0x7F, v10;
	v14 =	vld.idx.msk [tilespmem:v11+s13+$0x0], $0xffff  }
0x1dd: {  	v15 =	vadd.s32 s29, v0;
	v18 =	vld.idx.msk [tilespmem:v11+s14+$0x0], $0xffff;
	v16 =	vor.u32 v9, v10  }
0x1de: {  	v10 =	vand.u32 $0x7F, v15;
	v21 =	vld.idx.msk [tilespmem:v12+s13+$0x0], $0xffff  }
0x1df: {  	v11 =	vadd.s32 s29, v2;
	v15 =	vor.u32 v9, v10;
	v12 =	vld.idx.msk [tilespmem:v12+s14+$0x0], $0xffff  }
0x1e0: {  	v11 =	vand.u32 $0x7F, v11;
	v10 =	vld.idx.msk [tilespmem:v13+s13+$0x0], $0xffff  }
0x1e1: {  	v19 =	vadd.s32 s28, v2;
	v17 =	vor.u32 v9, v11;
	v11 =	vld.idx.msk [tilespmem:v13+s14+$0x0], $0xffff  }
0x1e2: {  	v13 =	vand.u32 $0x7F, v19;
	v25 =	vld.idx.msk [tilespmem:v16+s13+$0x0], $0xffff  }
0x1e3: {  	v19 =	vadd.s32 s30, v2;
	v13 =	vor.u32 v9, v13;
	v29 =	vld.idx.msk [tilespmem:v16+s14+$0x0], $0xffff  }
0x1e4: {  	s31 =	simm.s32 $0x8;
	v16 =	vand.u32 $0x7F, v19;
	v22 =	vld.idx.msk [tilespmem:v15+s13+$0x0], $0xffff  }
0x1e5: {  	v19 =	vadd.s32 s31, v0;
	v23 =	vld.idx.msk [tilespmem:v15+s14+$0x0], $0xffff;
	v24 =	vor.u32 v9, v16  }
0x1e6: {  	v15 =	vand.u32 $0x7F, v19;
	v27 =	vld.idx.msk [tilespmem:v17+s13+$0x0], $0xffff  }
0x1e7: {  	s26 =	simm.s32 $0xE;
	v16 =	vadd.s32 s31, v2;
	v28 =	vld.idx.msk [tilespmem:v17+s14+$0x0], $0xffff;
	v26 =	vor.u32 v9, v15  }
0x1e8: {  	v30 =	vimm.f32 $0.0e+00;
	v20 =	vadd.s32 s26, v0;
	s29 =	simm.s32 $0xC;
	v16 =	vand.u32 $0x7F, v16;
	v15 =	vld.idx.msk [tilespmem:v13+s13+$0x0], $0xffff  }
0x1e9: {  	v20 =	vand.u32 $0x7F, v20;
	s28 =	simm.s32 $0xA;
	v19 =	vor.u32 v9, v16;
	v16 =	vadd.s32 s29, v0;
	v17 =	vld.idx.msk [tilespmem:v13+s14+$0x0], $0xffff  }
0x1ea: {  	v20 =	vor.u32 v9, v20;
	v31 =	vadd.s32 s28, v0;
	v13 =	vand.u32 $0x7F, v16;
	v16 =	vld.idx.msk [tilespmem:v24+s13+$0x0], $0xffff  }
0x1eb: {  	v63 =	vadd.s32 s28, v2;
	v14 =	vmul.f32 v18, v14;
	v33 =	vmul.f32 v12, v21;
	v18 =	vld.idx.msk [tilespmem:v24+s14+$0x0], $0xffff  }
0x1ec: {  	v31 =	vand.u32 $0x7F, v31;
	v21 =	vor.u32 v9, v13;
	v23 =	vmul.f32 v23, v22;
	v12 =	vld.idx.msk [tilespmem:v26+s13+$0x0], $0xffff  }
0x1ed: {  	v24 =	vadd.f32 v33, v30;
	v27 =	vmul.f32 v28, v27;
	v13 =	vld.idx.msk [tilespmem:v26+s14+$0x0], $0xffff;
	v26 =	vadd.f32 v14, v30  }
0x1ee: {  	s28 =	simm.s32 $0x10;
	v25 =	vmul.f32 v29, v25;
	v28 =	vand.u32 $0x7F, v63;
	v22 =	vor.u32 v9, v31;
	v14 =	vld.idx.msk [tilespmem:v19+s13+$0x0], $0xffff  }
.LBB2_16:
0x1ef: {  	p0 =	slt.u32 s28, $0x78;
	v29 =	vld.idx.msk [tilespmem:v19+s14+$0x0], $0xffff;
	v19 =	vadd.f32 v23, v26;
	v23 =	vadd.f32 v27, v24;
	v15 =	vmul.f32 v17, v15  }
0x1f0: {  	v17 =	vor.u32 v9, v28;
	v24 =	vadd.s32 s29, v2;
	v26 =	vmul.f32 v11, v10;
	v10 =	vld.idx.msk [tilespmem:v20+s13+$0x0], $0xffff  }
0x1f1: {  	v16 =	vmul.f32 v18, v16;
	v11 =	vld.idx.msk [tilespmem:v20+s14+$0x0], $0xffff;
	v19 =	vadd.f32 v25, v19;
	v15 =	vadd.f32 v15, v23  }
0x1f2: {  	v18 =	vand.u32 $0x7F, v24;
	v20 =	vadd.s32 s26, v2;
	v25 =	vld.idx.msk [tilespmem:v21+s13+$0x0], $0xffff  }
0x1f3: {  	v18 =	vor.u32 v9, v18;
	v30 =	vld.idx.msk [tilespmem:v21+s14+$0x0], $0xffff;
	v24 =	vadd.f32 v26, v19;
	v27 =	vadd.f32 v16, v15  }
0x1f4: {  	v15 =	vand.u32 $0x7F, v20;
	v23 =	vld.idx.msk [tilespmem:v22+s13+$0x0], $0xffff  }
0x1f5: {  	v16 =	vadd.s32 s28, v0;
	v21 =	vor.u32 v9, v15;
	v22 =	vld.idx.msk [tilespmem:v22+s14+$0x0], $0xffff  }
0x1f6: {  	v15 =	vand.u32 $0x7F, v16;
	v28 =	vld.idx.msk [tilespmem:v17+s13+$0x0], $0xffff  }
0x1f7: {  	s26 =	sadd.s32 $0x6, s28;
	v16 =	vadd.s32 s28, v2;
	v26 =	vor.u32 v9, v15;
	v31 =	vld.idx.msk [tilespmem:v17+s14+$0x0], $0xffff  }
0x1f8: {  	s30 =	sadd.s32 $0x2, s28;
	s29 =	sadd.s32 $0x4, s28;
	v20 =	vadd.s32 s26, v0;
	v16 =	vand.u32 $0x7F, v16;
	v15 =	vld.idx.msk [tilespmem:v18+s13+$0x0], $0xffff  }
0x1f9: {  	v32 =	vadd.s32 s30, v0;
	v19 =	vor.u32 v9, v16;
	v16 =	vadd.s32 s29, v0;
	v17 =	vld.idx.msk [tilespmem:v18+s14+$0x0], $0xffff  }
.Ltmp7:
0x1fa: {  	v33 =	vadd.s32 s30, v2;
	v34 =	vand.u32 $0x7F, v16;
	v18 =	vand.u32 $0x7F, v20;
	v16 =	vld.idx.msk [tilespmem:v21+s13+$0x0], $0xffff;
	(pc) =	sbr.rel @p0 .LBB2_16-.Ltmp7, $4  }
0x1fb: {  	v35 =	vmul.f32 v13, v12;
	v14 =	vmul.f32 v29, v14;
	v20 =	vor.u32 v9, v18;
	v18 =	vld.idx.msk [tilespmem:v21+s14+$0x0], $0xffff  }
0x1fc: {  	v29 =	vand.u32 $0x7F, v32;
	v23 =	vmul.f32 v22, v23;
	v21 =	vor.u32 v9, v34;
	v12 =	vld.idx.msk [tilespmem:v26+s13+$0x0], $0xffff  }
0x1fd: {  	v13 =	vld.idx.msk [tilespmem:v26+s14+$0x0], $0xffff;
	v26 =	vadd.f32 v35, v24;
	v24 =	vadd.f32 v14, v27;
	v27 =	vmul.f32 v31, v28  }
0x1fe: {  	s28 =	sadd.s32 $0x8, s28;
	v25 =	vmul.f32 v30, v25;
	v22 =	vor.u32 v9, v29;
	v28 =	vand.u32 $0x7F, v33;
	v14 =	vld.idx.msk [tilespmem:v19+s13+$0x0], $0xffff  }
0x1ff: {  	_ =	sdelay $0x3  }
0x200: {  	v19 =	vld.idx.msk [tilespmem:v19+s14+$0x0], $0xffff  }
0x201: {  	v29 =	vld.idx.msk [tilespmem:v20+s13+$0x0], $0xffff  }
0x202: {  	v28 =	vor.u32 v9, v28;
	v30 =	vadd.s32 s29, v2;
	v20 =	vld.idx.msk [tilespmem:v20+s14+$0x0], $0xffff  }
0x203: {  	v31 =	vld.idx.msk [tilespmem:v21+s13+$0x0], $0xffff;
	v30 =	vand.u32 $0x7F, v30  }
0x204: {  	v32 =	vadd.s32 s26, v2;
	v21 =	vld.idx.msk [tilespmem:v21+s14+$0x0], $0xffff;
	v30 =	vor.u32 v9, v30  }
0x205: {  	v33 =	vld.idx.msk [tilespmem:v22+s13+$0x0], $0xffff;
	v32 =	vand.u32 $0x7F, v32  }
0x206: {  	v23 =	vadd.f32 v23, v26;
	v22 =	vld.idx.msk [tilespmem:v22+s14+$0x0], $0xffff;
	v26 =	vor.u32 v9, v32  }
0x207: {  	v24 =	vadd.f32 v27, v24;
	v15 =	vmul.f32 v17, v15;
	v17 =	vld.idx.msk [tilespmem:v28+s13+$0x0], $0xffff  }
0x208: {  	v10 =	vmul.f32 v11, v10;
	v11 =	vadd.f32 v25, v23;
	v23 =	vld.idx.msk [tilespmem:v28+s14+$0x0], $0xffff  }
0x209: {  	v16 =	vmul.f32 v18, v16;
	v15 =	vadd.f32 v15, v24;
	v18 =	vld.idx.msk [tilespmem:v30+s13+$0x0], $0xffff  }
0x20a: {  	v12 =	vmul.f32 v13, v12;
	v10 =	vadd.f32 v10, v11;
	v11 =	vld.idx.msk [tilespmem:v30+s14+$0x0], $0xffff  }
0x20b: {  	v15 =	vadd.f32 v16, v15;
	v13 =	vmul.f32 v19, v14;
	v16 =	vld.idx.msk [tilespmem:v26+s13+$0x0], $0xffff  }
0x20c: {  	v19 =	vmul.f32 v22, v33;
	v10 =	vadd.f32 v12, v10;
	v14 =	vld.idx.msk [tilespmem:v26+s14+$0x0], $0xffff  }
0x20d: {  	v12 =	vadd.f32 v13, v15;
	v13 =	vmul.f32 v23, v17  }
0x20e: {  	v15 =	vmul.f32 v21, v31;
	v10 =	vadd.f32 v19, v10  }
0x20f: {  	v12 =	vadd.f32 v13, v12;
	v11 =	vmul.f32 v11, v18  }
0x210: {  	v10 =	vadd.f32 v15, v10  }
0x211: {  	v13 =	vmul.f32 v20, v29;
	v11 =	vadd.f32 v11, v12;
	v12 =	vmul.f32 v14, v16  }
0x212: {  	v14 =	vld [tilespmem:$0x10470]  }
0x213: {  	v10 =	vadd.f32 v13, v10;
	v11 =	vadd.f32 v12, v11;
	_ =	sdelay $0x1  }
0x214: {  	v10 =	vadd.f32 v11, v10;
	_ =	sdelay $0x1  }
0x215: {  	v10 =	vmul.f32 v14, v10;
	_ =	sdelay $0x1  }
0x216: {  	[tilespmem:$0x10670] =	vst v10  }
0x217: {  	_ =	swait.ge [sflag:s19], $0x4000  }
0x218: {  	s31 =	simm.s32 $0x0;
	[sflag:s19] =	ssyncset.done $0x0  }
0x219: {  	v10 =	vadd.s32 s31, v0;
	[sflag:s19] =	ssyncadd.s32 $0xFFFFC000  }
0x21a: {  	v10 =	vand.u32 $0x7F, v10;
	_ =	swait.ge [sflag:s19], $0x4000  }
0x21b: {  	v11 =	vadd.s32 s31, v2;
	v10 =	vor.u32 v1, v10;
	[sflag:s19] =	ssyncset.done $0x0  }
0x21c: {  	s30 =	simm.s32 $0x6;
	s28 =	simm.s32 $0x4;
	v11 =	vand.u32 $0x7F, v11;
	[sflag:s19] =	ssyncadd.s32 $0xFFFFC000  }
0x21d: {  	v13 =	vadd.s32 s28, v0;
	v11 =	vor.u32 v1, v11;
	[tilespmem:s13], [sflag:$0x1] =	stream.indirect.gather [hbm4b:s1+s12], $0x80, s20, s12, $0xb8;
	[tilespmem:$0x10800] =	vst v63  }
0x21e: {  	v13 =	vand.u32 $0x7F, v13;
	v12 =	vadd.s32 s30, v0  }
0x21f: {  	v13 =	vor.u32 v1, v13;
	v12 =	vand.u32 $0x7F, v12;
	[tilespmem:s14], [sflag:$0x1] =	stream.indirect.gather [hbm4b:s1+s12], $0x80, s21, s12, $0xb8;
	[tilespmem:$0x10800] =	vst v63  }
0x220: {  	s29 =	simm.s32 $0x2;
	v12 =	vor.u32 v1, v12;
	v14 =	vld.idx.msk [tilespmem:v10+s16+$0x0], $0xffff  }
0x221: {  	v15 =	vadd.s32 s29, v0;
	v18 =	vld.idx.msk [tilespmem:v10+s18+$0x0], $0xffff  }
0x222: {  	v10 =	vand.u32 $0x7F, v15;
	v21 =	vld.idx.msk [tilespmem:v11+s16+$0x0], $0xffff  }
0x223: {  	v15 =	vadd.s32 s29, v2;
	v22 =	vld.idx.msk [tilespmem:v11+s18+$0x0], $0xffff;
	v16 =	vor.u32 v1, v10  }
0x224: {  	v25 =	vld.idx.msk [tilespmem:v13+s16+$0x0], $0xffff;
	v11 =	vand.u32 $0x7F, v15  }
0x225: {  	v17 =	vadd.s32 s28, v2;
	v10 =	vld.idx.msk [tilespmem:v12+s16+$0x0], $0xffff;
	v15 =	vor.u32 v1, v11  }
0x226: {  	v11 =	vld.idx.msk [tilespmem:v12+s18+$0x0], $0xffff;
	v12 =	vand.u32 $0x7F, v17  }
0x227: {  	v29 =	vld.idx.msk [tilespmem:v13+s18+$0x0], $0xffff;
	v17 =	vadd.s32 s30, v2;
	v12 =	vor.u32 v1, v12  }
0x228: {  	s31 =	simm.s32 $0x8;
	v17 =	vand.u32 $0x7F, v17;
	v13 =	vld.idx.msk [tilespmem:v16+s16+$0x0], $0xffff  }
0x229: {  	v19 =	vadd.s32 s31, v0;
	v24 =	vor.u32 v1, v17;
	v23 =	vld.idx.msk [tilespmem:v16+s18+$0x0], $0xffff  }
0x22a: {  	v16 =	vand.u32 $0x7F, v19;
	v27 =	vld.idx.msk [tilespmem:v15+s16+$0x0], $0xffff  }
0x22b: {  	s26 =	simm.s32 $0xE;
	v17 =	vadd.s32 s31, v2;
	v26 =	vor.u32 v1, v16;
	v28 =	vld.idx.msk [tilespmem:v15+s18+$0x0], $0xffff  }
0x22c: {  	v30 =	vimm.f32 $0.0e+00;
	v20 =	vadd.s32 s26, v0;
	s28 =	simm.s32 $0xA;
	s29 =	simm.s32 $0xC;
	v16 =	vand.u32 $0x7F, v17;
	v15 =	vld.idx.msk [tilespmem:v12+s16+$0x0], $0xffff  }
0x22d: {  	v31 =	vadd.s32 s28, v0;
	v19 =	vor.u32 v1, v16;
	v16 =	vadd.s32 s29, v0;
	v17 =	vld.idx.msk [tilespmem:v12+s18+$0x0], $0xffff  }
0x22e: {  	v22 =	vmul.f32 v22, v21;
	v12 =	vand.u32 $0x7F, v20;
	v63 =	vand.u32 $0x7F, v16;
	v16 =	vld.idx.msk [tilespmem:v24+s16+$0x0], $0xffff  }
0x22f: {  	v62 =	vadd.s32 s28, v2;
	v14 =	vmul.f32 v18, v14;
	v20 =	vor.u32 v1, v12;
	v18 =	vld.idx.msk [tilespmem:v24+s18+$0x0], $0xffff  }
0x230: {  	v31 =	vand.u32 $0x7F, v31;
	v24 =	vadd.f32 v22, v30;
	v21 =	vor.u32 v1, v63;
	v12 =	vld.idx.msk [tilespmem:v26+s16+$0x0], $0xffff  }
0x231: {  	v23 =	vmul.f32 v23, v13;
	v13 =	vld.idx.msk [tilespmem:v26+s18+$0x0], $0xffff;
	v26 =	vadd.f32 v14, v30;
	v27 =	vmul.f32 v28, v27  }
0x232: {  	s28 =	simm.s32 $0x10;
	v25 =	vmul.f32 v29, v25;
	v22 =	vor.u32 v1, v31;
	v28 =	vand.u32 $0x7F, v62;
	v14 =	vld.idx.msk [tilespmem:v19+s16+$0x0], $0xffff  }
.LBB2_18:
0x233: {  	p0 =	slt.u32 s28, $0x78;
	v29 =	vld.idx.msk [tilespmem:v19+s18+$0x0], $0xffff;
	v19 =	vadd.f32 v23, v26;
	v23 =	vadd.f32 v27, v24;
	v15 =	vmul.f32 v17, v15  }
0x234: {  	v17 =	vor.u32 v1, v28;
	v24 =	vadd.s32 s29, v2;
	v26 =	vmul.f32 v11, v10;
	v10 =	vld.idx.msk [tilespmem:v20+s16+$0x0], $0xffff  }
0x235: {  	v16 =	vmul.f32 v18, v16;
	v11 =	vld.idx.msk [tilespmem:v20+s18+$0x0], $0xffff;
	v19 =	vadd.f32 v25, v19;
	v15 =	vadd.f32 v15, v23  }
0x236: {  	v18 =	vand.u32 $0x7F, v24;
	v20 =	vadd.s32 s26, v2;
	v25 =	vld.idx.msk [tilespmem:v21+s16+$0x0], $0xffff  }
0x237: {  	v18 =	vor.u32 v1, v18;
	v30 =	vld.idx.msk [tilespmem:v21+s18+$0x0], $0xffff;
	v24 =	vadd.f32 v26, v19;
	v27 =	vadd.f32 v16, v15  }
0x238: {  	v15 =	vand.u32 $0x7F, v20;
	v23 =	vld.idx.msk [tilespmem:v22+s16+$0x0], $0xffff  }
0x239: {  	v16 =	vadd.s32 s28, v0;
	v21 =	vor.u32 v1, v15;
	v22 =	vld.idx.msk [tilespmem:v22+s18+$0x0], $0xffff  }
0x23a: {  	v15 =	vand.u32 $0x7F, v16;
	v28 =	vld.idx.msk [tilespmem:v17+s16+$0x0], $0xffff  }
0x23b: {  	s26 =	sadd.s32 $0x6, s28;
	v16 =	vadd.s32 s28, v2;
	v26 =	vor.u32 v1, v15;
	v31 =	vld.idx.msk [tilespmem:v17+s18+$0x0], $0xffff  }
0x23c: {  	s30 =	sadd.s32 $0x2, s28;
	s29 =	sadd.s32 $0x4, s28;
	v20 =	vadd.s32 s26, v0;
	v16 =	vand.u32 $0x7F, v16;
	v15 =	vld.idx.msk [tilespmem:v18+s16+$0x0], $0xffff  }
0x23d: {  	v32 =	vadd.s32 s30, v0;
	v19 =	vor.u32 v1, v16;
	v16 =	vadd.s32 s29, v0;
	v17 =	vld.idx.msk [tilespmem:v18+s18+$0x0], $0xffff  }
.Ltmp8:
0x23e: {  	v33 =	vadd.s32 s30, v2;
	v34 =	vand.u32 $0x7F, v16;
	v18 =	vand.u32 $0x7F, v20;
	v16 =	vld.idx.msk [tilespmem:v21+s16+$0x0], $0xffff;
	(pc) =	sbr.rel @p0 .LBB2_18-.Ltmp8, $4  }
0x23f: {  	v35 =	vmul.f32 v13, v12;
	v14 =	vmul.f32 v29, v14;
	v20 =	vor.u32 v1, v18;
	v18 =	vld.idx.msk [tilespmem:v21+s18+$0x0], $0xffff  }
0x240: {  	v29 =	vand.u32 $0x7F, v32;
	v23 =	vmul.f32 v22, v23;
	v21 =	vor.u32 v1, v34;
	v12 =	vld.idx.msk [tilespmem:v26+s16+$0x0], $0xffff  }
0x241: {  	v13 =	vld.idx.msk [tilespmem:v26+s18+$0x0], $0xffff;
	v26 =	vadd.f32 v35, v24;
	v24 =	vadd.f32 v14, v27;
	v27 =	vmul.f32 v31, v28  }
0x242: {  	s28 =	sadd.s32 $0x8, s28;
	v25 =	vmul.f32 v30, v25;
	v22 =	vor.u32 v1, v29;
	v28 =	vand.u32 $0x7F, v33;
	v14 =	vld.idx.msk [tilespmem:v19+s16+$0x0], $0xffff  }
0x243: {  	_ =	sdelay $0x3  }
0x244: {  	v19 =	vld.idx.msk [tilespmem:v19+s18+$0x0], $0xffff  }
0x245: {  	v29 =	vld.idx.msk [tilespmem:v20+s16+$0x0], $0xffff  }
0x246: {  	v28 =	vor.u32 v1, v28;
	v30 =	vadd.s32 s29, v2;
	v20 =	vld.idx.msk [tilespmem:v20+s18+$0x0], $0xffff  }
0x247: {  	v31 =	vld.idx.msk [tilespmem:v21+s16+$0x0], $0xffff;
	v30 =	vand.u32 $0x7F, v30  }
0x248: {  	v32 =	vadd.s32 s26, v2;
	v21 =	vld.idx.msk [tilespmem:v21+s18+$0x0], $0xffff;
	v30 =	vor.u32 v1, v30  }
0x249: {  	v33 =	vld.idx.msk [tilespmem:v22+s16+$0x0], $0xffff;
	v32 =	vand.u32 $0x7F, v32  }
0x24a: {  	v23 =	vadd.f32 v23, v26;
	v22 =	vld.idx.msk [tilespmem:v22+s18+$0x0], $0xffff;
	v26 =	vor.u32 v1, v32  }
0x24b: {  	v24 =	vadd.f32 v27, v24;
	v15 =	vmul.f32 v17, v15;
	v17 =	vld.idx.msk [tilespmem:v28+s16+$0x0], $0xffff  }
0x24c: {  	v10 =	vmul.f32 v11, v10;
	v11 =	vadd.f32 v25, v23;
	v23 =	vld.idx.msk [tilespmem:v28+s18+$0x0], $0xffff  }
0x24d: {  	v16 =	vmul.f32 v18, v16;
	v15 =	vadd.f32 v15, v24;
	v18 =	vld.idx.msk [tilespmem:v30+s16+$0x0], $0xffff  }
0x24e: {  	v12 =	vmul.f32 v13, v12;
	v10 =	vadd.f32 v10, v11;
	v11 =	vld.idx.msk [tilespmem:v30+s18+$0x0], $0xffff  }
0x24f: {  	v15 =	vadd.f32 v16, v15;
	v13 =	vmul.f32 v19, v14;
	v16 =	vld.idx.msk [tilespmem:v26+s16+$0x0], $0xffff  }
0x250: {  	v19 =	vmul.f32 v22, v33;
	v10 =	vadd.f32 v12, v10;
	v14 =	vld.idx.msk [tilespmem:v26+s18+$0x0], $0xffff  }
0x251: {  	v12 =	vadd.f32 v13, v15;
	v13 =	vmul.f32 v23, v17  }
0x252: {  	v15 =	vmul.f32 v21, v31;
	v10 =	vadd.f32 v19, v10  }
0x253: {  	v12 =	vadd.f32 v13, v12;
	v11 =	vmul.f32 v11, v18  }
0x254: {  	v10 =	vadd.f32 v15, v10  }
0x255: {  	v13 =	vmul.f32 v20, v29;
	v11 =	vadd.f32 v11, v12;
	v12 =	vmul.f32 v14, v16  }
0x256: {  	s31 =	simm.s32 $0x0;
	v14 =	vld [tilespmem:$0x10480]  }
0x257: {  	v10 =	vadd.f32 v13, v10;
	v11 =	vadd.f32 v12, v11;
	v12 =	vadd.s32 s31, v0  }
0x258: {  	v12 =	vand.u32 $0x7F, v12  }
0x259: {  	v10 =	vadd.f32 v11, v10;
	v11 =	vadd.s32 s31, v2;
	v12 =	vor.u32 v3, v12  }
0x25a: {  	s30 =	simm.s32 $0x6;
	v11 =	vand.u32 $0x7F, v11  }
0x25b: {  	v13 =	vadd.s32 s30, v0;
	v10 =	vmul.f32 v14, v10;
	v11 =	vor.u32 v3, v11  }
0x25c: {  	s28 =	simm.s32 $0x4;
	v13 =	vand.u32 $0x7F, v13  }
0x25d: {  	v13 =	vor.u32 v3, v13;
	[tilespmem:$0x10680] =	vst v10;
	v10 =	vadd.s32 s28, v0  }
0x25e: {  	s29 =	simm.s32 $0x2;
	v10 =	vand.u32 $0x7F, v10;
	v14 =	vld.idx.msk [tilespmem:v12+s16+$0x0], $0xffff  }
0x25f: {  	v15 =	vadd.s32 s29, v0;
	v12 =	vld.idx.msk [tilespmem:v12+s18+$0x0], $0xffff;
	v16 =	vor.u32 v3, v10  }
0x260: {  	v10 =	vand.u32 $0x7F, v15;
	v18 =	vld.idx.msk [tilespmem:v11+s16+$0x0], $0xffff  }
0x261: {  	v15 =	vadd.s32 s29, v2;
	v17 =	vor.u32 v3, v10;
	v21 =	vld.idx.msk [tilespmem:v11+s18+$0x0], $0xffff  }
0x262: {  	v11 =	vand.u32 $0x7F, v15;
	v10 =	vld.idx.msk [tilespmem:v13+s16+$0x0], $0xffff  }
0x263: {  	v19 =	vadd.s32 s28, v2;
	v15 =	vor.u32 v3, v11;
	v11 =	vld.idx.msk [tilespmem:v13+s18+$0x0], $0xffff  }
0x264: {  	v13 =	vand.u32 $0x7F, v19;
	v25 =	vld.idx.msk [tilespmem:v16+s16+$0x0], $0xffff  }
0x265: {  	v19 =	vadd.s32 s30, v2;
	v13 =	vor.u32 v3, v13;
	v29 =	vld.idx.msk [tilespmem:v16+s18+$0x0], $0xffff  }
0x266: {  	s31 =	simm.s32 $0x8;
	v16 =	vand.u32 $0x7F, v19;
	v22 =	vld.idx.msk [tilespmem:v17+s16+$0x0], $0xffff  }
0x267: {  	v19 =	vadd.s32 s31, v0;
	v23 =	vld.idx.msk [tilespmem:v17+s18+$0x0], $0xffff;
	v24 =	vor.u32 v3, v16  }
0x268: {  	v16 =	vand.u32 $0x7F, v19;
	v27 =	vld.idx.msk [tilespmem:v15+s16+$0x0], $0xffff  }
0x269: {  	s26 =	simm.s32 $0xE;
	v17 =	vadd.s32 s31, v2;
	v26 =	vor.u32 v3, v16;
	v28 =	vld.idx.msk [tilespmem:v15+s18+$0x0], $0xffff  }
0x26a: {  	v30 =	vimm.f32 $0.0e+00;
	v20 =	vadd.s32 s26, v0;
	s29 =	simm.s32 $0xC;
	v16 =	vand.u32 $0x7F, v17;
	v15 =	vld.idx.msk [tilespmem:v13+s16+$0x0], $0xffff  }
0x26b: {  	v20 =	vand.u32 $0x7F, v20;
	s28 =	simm.s32 $0xA;
	v19 =	vor.u32 v3, v16;
	v16 =	vadd.s32 s29, v0;
	v17 =	vld.idx.msk [tilespmem:v13+s18+$0x0], $0xffff  }
0x26c: {  	v20 =	vor.u32 v3, v20;
	v31 =	vadd.s32 s28, v0;
	v13 =	vand.u32 $0x7F, v16;
	v16 =	vld.idx.msk [tilespmem:v24+s16+$0x0], $0xffff  }
0x26d: {  	v62 =	vadd.s32 s28, v2;
	v14 =	vmul.f32 v12, v14;
	v63 =	vmul.f32 v21, v18;
	v18 =	vld.idx.msk [tilespmem:v24+s18+$0x0], $0xffff  }
0x26e: {  	v31 =	vand.u32 $0x7F, v31;
	v21 =	vor.u32 v3, v13;
	v23 =	vmul.f32 v23, v22;
	v12 =	vld.idx.msk [tilespmem:v26+s16+$0x0], $0xffff  }
0x26f: {  	v24 =	vadd.f32 v63, v30;
	v13 =	vld.idx.msk [tilespmem:v26+s18+$0x0], $0xffff;
	v26 =	vadd.f32 v14, v30;
	v27 =	vmul.f32 v28, v27  }
0x270: {  	s28 =	simm.s32 $0x10;
	v25 =	vmul.f32 v29, v25;
	v22 =	vor.u32 v3, v31;
	v28 =	vand.u32 $0x7F, v62;
	v14 =	vld.idx.msk [tilespmem:v19+s16+$0x0], $0xffff  }
.LBB2_20:
0x271: {  	p0 =	slt.u32 s28, $0x78;
	v29 =	vld.idx.msk [tilespmem:v19+s18+$0x0], $0xffff;
	v19 =	vadd.f32 v23, v26;
	v23 =	vadd.f32 v27, v24;
	v15 =	vmul.f32 v17, v15  }
0x272: {  	v17 =	vor.u32 v3, v28;
	v24 =	vadd.s32 s29, v2;
	v26 =	vmul.f32 v11, v10;
	v10 =	vld.idx.msk [tilespmem:v20+s16+$0x0], $0xffff  }
0x273: {  	v16 =	vmul.f32 v18, v16;
	v11 =	vld.idx.msk [tilespmem:v20+s18+$0x0], $0xffff;
	v19 =	vadd.f32 v25, v19;
	v15 =	vadd.f32 v15, v23  }
0x274: {  	v18 =	vand.u32 $0x7F, v24;
	v20 =	vadd.s32 s26, v2;
	v25 =	vld.idx.msk [tilespmem:v21+s16+$0x0], $0xffff  }
0x275: {  	v18 =	vor.u32 v3, v18;
	v30 =	vld.idx.msk [tilespmem:v21+s18+$0x0], $0xffff;
	v24 =	vadd.f32 v26, v19;
	v27 =	vadd.f32 v16, v15  }
0x276: {  	v15 =	vand.u32 $0x7F, v20;
	v23 =	vld.idx.msk [tilespmem:v22+s16+$0x0], $0xffff  }
0x277: {  	v16 =	vadd.s32 s28, v0;
	v21 =	vor.u32 v3, v15;
	v22 =	vld.idx.msk [tilespmem:v22+s18+$0x0], $0xffff  }
0x278: {  	v15 =	vand.u32 $0x7F, v16;
	v28 =	vld.idx.msk [tilespmem:v17+s16+$0x0], $0xffff  }
0x279: {  	s26 =	sadd.s32 $0x6, s28;
	v16 =	vadd.s32 s28, v2;
	v26 =	vor.u32 v3, v15;
	v31 =	vld.idx.msk [tilespmem:v17+s18+$0x0], $0xffff  }
0x27a: {  	s30 =	sadd.s32 $0x2, s28;
	s29 =	sadd.s32 $0x4, s28;
	v20 =	vadd.s32 s26, v0;
	v16 =	vand.u32 $0x7F, v16;
	v15 =	vld.idx.msk [tilespmem:v18+s16+$0x0], $0xffff  }
0x27b: {  	v32 =	vadd.s32 s30, v0;
	v19 =	vor.u32 v3, v16;
	v16 =	vadd.s32 s29, v0;
	v17 =	vld.idx.msk [tilespmem:v18+s18+$0x0], $0xffff  }
.Ltmp9:
0x27c: {  	v33 =	vadd.s32 s30, v2;
	v34 =	vand.u32 $0x7F, v16;
	v18 =	vand.u32 $0x7F, v20;
	v16 =	vld.idx.msk [tilespmem:v21+s16+$0x0], $0xffff;
	(pc) =	sbr.rel @p0 .LBB2_20-.Ltmp9, $4  }
0x27d: {  	v35 =	vmul.f32 v13, v12;
	v14 =	vmul.f32 v29, v14;
	v20 =	vor.u32 v3, v18;
	v18 =	vld.idx.msk [tilespmem:v21+s18+$0x0], $0xffff  }
0x27e: {  	v29 =	vand.u32 $0x7F, v32;
	v23 =	vmul.f32 v22, v23;
	v21 =	vor.u32 v3, v34;
	v12 =	vld.idx.msk [tilespmem:v26+s16+$0x0], $0xffff  }
0x27f: {  	v13 =	vld.idx.msk [tilespmem:v26+s18+$0x0], $0xffff;
	v26 =	vadd.f32 v35, v24;
	v24 =	vadd.f32 v14, v27;
	v27 =	vmul.f32 v31, v28  }
0x280: {  	s28 =	sadd.s32 $0x8, s28;
	v25 =	vmul.f32 v30, v25;
	v22 =	vor.u32 v3, v29;
	v28 =	vand.u32 $0x7F, v33;
	v14 =	vld.idx.msk [tilespmem:v19+s16+$0x0], $0xffff  }
0x281: {  	_ =	sdelay $0x3  }
0x282: {  	v19 =	vld.idx.msk [tilespmem:v19+s18+$0x0], $0xffff  }
0x283: {  	v29 =	vld.idx.msk [tilespmem:v20+s16+$0x0], $0xffff  }
0x284: {  	v28 =	vor.u32 v3, v28;
	v30 =	vadd.s32 s29, v2;
	v20 =	vld.idx.msk [tilespmem:v20+s18+$0x0], $0xffff  }
0x285: {  	v31 =	vld.idx.msk [tilespmem:v21+s16+$0x0], $0xffff;
	v30 =	vand.u32 $0x7F, v30  }
0x286: {  	v32 =	vadd.s32 s26, v2;
	v21 =	vld.idx.msk [tilespmem:v21+s18+$0x0], $0xffff;
	v30 =	vor.u32 v3, v30  }
0x287: {  	v33 =	vld.idx.msk [tilespmem:v22+s16+$0x0], $0xffff;
	v32 =	vand.u32 $0x7F, v32  }
0x288: {  	v23 =	vadd.f32 v23, v26;
	v22 =	vld.idx.msk [tilespmem:v22+s18+$0x0], $0xffff;
	v26 =	vor.u32 v3, v32  }
0x289: {  	v24 =	vadd.f32 v27, v24;
	v15 =	vmul.f32 v17, v15;
	v17 =	vld.idx.msk [tilespmem:v28+s16+$0x0], $0xffff  }
0x28a: {  	v10 =	vmul.f32 v11, v10;
	v11 =	vadd.f32 v25, v23;
	v23 =	vld.idx.msk [tilespmem:v28+s18+$0x0], $0xffff  }
0x28b: {  	v16 =	vmul.f32 v18, v16;
	v15 =	vadd.f32 v15, v24;
	v18 =	vld.idx.msk [tilespmem:v30+s16+$0x0], $0xffff  }
0x28c: {  	v12 =	vmul.f32 v13, v12;
	v10 =	vadd.f32 v10, v11;
	v11 =	vld.idx.msk [tilespmem:v30+s18+$0x0], $0xffff  }
0x28d: {  	v15 =	vadd.f32 v16, v15;
	v13 =	vmul.f32 v19, v14;
	v16 =	vld.idx.msk [tilespmem:v26+s16+$0x0], $0xffff  }
0x28e: {  	v19 =	vmul.f32 v22, v33;
	v10 =	vadd.f32 v12, v10;
	v14 =	vld.idx.msk [tilespmem:v26+s18+$0x0], $0xffff  }
0x28f: {  	v12 =	vadd.f32 v13, v15;
	v13 =	vmul.f32 v23, v17  }
0x290: {  	v15 =	vmul.f32 v21, v31;
	v10 =	vadd.f32 v19, v10  }
0x291: {  	v12 =	vadd.f32 v13, v12;
	v11 =	vmul.f32 v11, v18  }
0x292: {  	v10 =	vadd.f32 v15, v10  }
0x293: {  	v13 =	vmul.f32 v20, v29;
	v11 =	vadd.f32 v11, v12;
	v12 =	vmul.f32 v14, v16  }
0x294: {  	s31 =	simm.s32 $0x0;
	v14 =	vld [tilespmem:$0x10490]  }
0x295: {  	v10 =	vadd.f32 v13, v10;
	v11 =	vadd.f32 v12, v11;
	v12 =	vadd.s32 s31, v0  }
0x296: {  	v12 =	vand.u32 $0x7F, v12  }
0x297: {  	v10 =	vadd.f32 v11, v10;
	v11 =	vadd.s32 s31, v2;
	v12 =	vor.u32 v4, v12  }
0x298: {  	s30 =	simm.s32 $0x6;
	v11 =	vand.u32 $0x7F, v11  }
0x299: {  	v13 =	vadd.s32 s30, v0;
	v10 =	vmul.f32 v14, v10;
	v11 =	vor.u32 v4, v11  }
0x29a: {  	s28 =	simm.s32 $0x4;
	v13 =	vand.u32 $0x7F, v13  }
0x29b: {  	v13 =	vor.u32 v4, v13;
	[tilespmem:$0x10690] =	vst v10;
	v10 =	vadd.s32 s28, v0  }
0x29c: {  	s29 =	simm.s32 $0x2;
	v10 =	vand.u32 $0x7F, v10;
	v14 =	vld.idx.msk [tilespmem:v12+s16+$0x0], $0xffff  }
0x29d: {  	v15 =	vadd.s32 s29, v0;
	v12 =	vld.idx.msk [tilespmem:v12+s18+$0x0], $0xffff;
	v16 =	vor.u32 v4, v10  }
0x29e: {  	v10 =	vand.u32 $0x7F, v15;
	v18 =	vld.idx.msk [tilespmem:v11+s16+$0x0], $0xffff  }
0x29f: {  	v15 =	vadd.s32 s29, v2;
	v17 =	vor.u32 v4, v10;
	v21 =	vld.idx.msk [tilespmem:v11+s18+$0x0], $0xffff  }
0x2a0: {  	v11 =	vand.u32 $0x7F, v15;
	v10 =	vld.idx.msk [tilespmem:v13+s16+$0x0], $0xffff  }
0x2a1: {  	v19 =	vadd.s32 s28, v2;
	v15 =	vor.u32 v4, v11;
	v11 =	vld.idx.msk [tilespmem:v13+s18+$0x0], $0xffff  }
0x2a2: {  	v13 =	vand.u32 $0x7F, v19;
	v25 =	vld.idx.msk [tilespmem:v16+s16+$0x0], $0xffff  }
0x2a3: {  	v19 =	vadd.s32 s30, v2;
	v13 =	vor.u32 v4, v13;
	v29 =	vld.idx.msk [tilespmem:v16+s18+$0x0], $0xffff  }
0x2a4: {  	s31 =	simm.s32 $0x8;
	v16 =	vand.u32 $0x7F, v19;
	v22 =	vld.idx.msk [tilespmem:v17+s16+$0x0], $0xffff  }
0x2a5: {  	v19 =	vadd.s32 s31, v0;
	v23 =	vld.idx.msk [tilespmem:v17+s18+$0x0], $0xffff;
	v24 =	vor.u32 v4, v16  }
0x2a6: {  	v16 =	vand.u32 $0x7F, v19;
	v27 =	vld.idx.msk [tilespmem:v15+s16+$0x0], $0xffff  }
0x2a7: {  	s26 =	simm.s32 $0xE;
	v17 =	vadd.s32 s31, v2;
	v26 =	vor.u32 v4, v16;
	v28 =	vld.idx.msk [tilespmem:v15+s18+$0x0], $0xffff  }
0x2a8: {  	v30 =	vimm.f32 $0.0e+00;
	v20 =	vadd.s32 s26, v0;
	s29 =	simm.s32 $0xC;
	v16 =	vand.u32 $0x7F, v17;
	v15 =	vld.idx.msk [tilespmem:v13+s16+$0x0], $0xffff  }
0x2a9: {  	v20 =	vand.u32 $0x7F, v20;
	s28 =	simm.s32 $0xA;
	v19 =	vor.u32 v4, v16;
	v16 =	vadd.s32 s29, v0;
	v17 =	vld.idx.msk [tilespmem:v13+s18+$0x0], $0xffff  }
0x2aa: {  	v20 =	vor.u32 v4, v20;
	v31 =	vadd.s32 s28, v0;
	v13 =	vand.u32 $0x7F, v16;
	v16 =	vld.idx.msk [tilespmem:v24+s16+$0x0], $0xffff  }
0x2ab: {  	v62 =	vadd.s32 s28, v2;
	v14 =	vmul.f32 v12, v14;
	v63 =	vmul.f32 v21, v18;
	v18 =	vld.idx.msk [tilespmem:v24+s18+$0x0], $0xffff  }
0x2ac: {  	v31 =	vand.u32 $0x7F, v31;
	v21 =	vor.u32 v4, v13;
	v23 =	vmul.f32 v23, v22;
	v12 =	vld.idx.msk [tilespmem:v26+s16+$0x0], $0xffff  }
0x2ad: {  	v24 =	vadd.f32 v63, v30;
	v13 =	vld.idx.msk [tilespmem:v26+s18+$0x0], $0xffff;
	v26 =	vadd.f32 v14, v30;
	v27 =	vmul.f32 v28, v27  }
0x2ae: {  	s28 =	simm.s32 $0x10;
	v25 =	vmul.f32 v29, v25;
	v22 =	vor.u32 v4, v31;
	v28 =	vand.u32 $0x7F, v62;
	v14 =	vld.idx.msk [tilespmem:v19+s16+$0x0], $0xffff  }
.LBB2_22:
0x2af: {  	p0 =	slt.u32 s28, $0x78;
	v29 =	vld.idx.msk [tilespmem:v19+s18+$0x0], $0xffff;
	v19 =	vadd.f32 v23, v26;
	v23 =	vadd.f32 v27, v24;
	v15 =	vmul.f32 v17, v15  }
0x2b0: {  	v17 =	vor.u32 v4, v28;
	v24 =	vadd.s32 s29, v2;
	v26 =	vmul.f32 v11, v10;
	v10 =	vld.idx.msk [tilespmem:v20+s16+$0x0], $0xffff  }
0x2b1: {  	v16 =	vmul.f32 v18, v16;
	v11 =	vld.idx.msk [tilespmem:v20+s18+$0x0], $0xffff;
	v19 =	vadd.f32 v25, v19;
	v15 =	vadd.f32 v15, v23  }
0x2b2: {  	v18 =	vand.u32 $0x7F, v24;
	v20 =	vadd.s32 s26, v2;
	v25 =	vld.idx.msk [tilespmem:v21+s16+$0x0], $0xffff  }
0x2b3: {  	v18 =	vor.u32 v4, v18;
	v30 =	vld.idx.msk [tilespmem:v21+s18+$0x0], $0xffff;
	v24 =	vadd.f32 v26, v19;
	v27 =	vadd.f32 v16, v15  }
0x2b4: {  	v15 =	vand.u32 $0x7F, v20;
	v23 =	vld.idx.msk [tilespmem:v22+s16+$0x0], $0xffff  }
0x2b5: {  	v16 =	vadd.s32 s28, v0;
	v21 =	vor.u32 v4, v15;
	v22 =	vld.idx.msk [tilespmem:v22+s18+$0x0], $0xffff  }
0x2b6: {  	v15 =	vand.u32 $0x7F, v16;
	v28 =	vld.idx.msk [tilespmem:v17+s16+$0x0], $0xffff  }
0x2b7: {  	s26 =	sadd.s32 $0x6, s28;
	v16 =	vadd.s32 s28, v2;
	v26 =	vor.u32 v4, v15;
	v31 =	vld.idx.msk [tilespmem:v17+s18+$0x0], $0xffff  }
0x2b8: {  	s30 =	sadd.s32 $0x2, s28;
	s29 =	sadd.s32 $0x4, s28;
	v20 =	vadd.s32 s26, v0;
	v16 =	vand.u32 $0x7F, v16;
	v15 =	vld.idx.msk [tilespmem:v18+s16+$0x0], $0xffff  }
0x2b9: {  	v32 =	vadd.s32 s30, v0;
	v19 =	vor.u32 v4, v16;
	v16 =	vadd.s32 s29, v0;
	v17 =	vld.idx.msk [tilespmem:v18+s18+$0x0], $0xffff  }
.Ltmp10:
0x2ba: {  	v33 =	vadd.s32 s30, v2;
	v34 =	vand.u32 $0x7F, v16;
	v18 =	vand.u32 $0x7F, v20;
	v16 =	vld.idx.msk [tilespmem:v21+s16+$0x0], $0xffff;
	(pc) =	sbr.rel @p0 .LBB2_22-.Ltmp10, $4  }
0x2bb: {  	v35 =	vmul.f32 v13, v12;
	v14 =	vmul.f32 v29, v14;
	v20 =	vor.u32 v4, v18;
	v18 =	vld.idx.msk [tilespmem:v21+s18+$0x0], $0xffff  }
0x2bc: {  	v29 =	vand.u32 $0x7F, v32;
	v23 =	vmul.f32 v22, v23;
	v21 =	vor.u32 v4, v34;
	v12 =	vld.idx.msk [tilespmem:v26+s16+$0x0], $0xffff  }
0x2bd: {  	v13 =	vld.idx.msk [tilespmem:v26+s18+$0x0], $0xffff;
	v26 =	vadd.f32 v35, v24;
	v24 =	vadd.f32 v14, v27;
	v27 =	vmul.f32 v31, v28  }
0x2be: {  	s28 =	sadd.s32 $0x8, s28;
	v25 =	vmul.f32 v30, v25;
	v22 =	vor.u32 v4, v29;
	v28 =	vand.u32 $0x7F, v33;
	v14 =	vld.idx.msk [tilespmem:v19+s16+$0x0], $0xffff  }
0x2bf: {  	_ =	sdelay $0x3  }
0x2c0: {  	v19 =	vld.idx.msk [tilespmem:v19+s18+$0x0], $0xffff  }
0x2c1: {  	v29 =	vld.idx.msk [tilespmem:v20+s16+$0x0], $0xffff  }
0x2c2: {  	v28 =	vor.u32 v4, v28;
	v30 =	vadd.s32 s29, v2;
	v20 =	vld.idx.msk [tilespmem:v20+s18+$0x0], $0xffff  }
0x2c3: {  	v31 =	vld.idx.msk [tilespmem:v21+s16+$0x0], $0xffff;
	v30 =	vand.u32 $0x7F, v30  }
0x2c4: {  	v32 =	vadd.s32 s26, v2;
	v21 =	vld.idx.msk [tilespmem:v21+s18+$0x0], $0xffff;
	v30 =	vor.u32 v4, v30  }
0x2c5: {  	v33 =	vld.idx.msk [tilespmem:v22+s16+$0x0], $0xffff;
	v32 =	vand.u32 $0x7F, v32  }
0x2c6: {  	v23 =	vadd.f32 v23, v26;
	v22 =	vld.idx.msk [tilespmem:v22+s18+$0x0], $0xffff;
	v26 =	vor.u32 v4, v32  }
0x2c7: {  	v24 =	vadd.f32 v27, v24;
	v15 =	vmul.f32 v17, v15;
	v17 =	vld.idx.msk [tilespmem:v28+s16+$0x0], $0xffff  }
0x2c8: {  	v10 =	vmul.f32 v11, v10;
	v11 =	vadd.f32 v25, v23;
	v23 =	vld.idx.msk [tilespmem:v28+s18+$0x0], $0xffff  }
0x2c9: {  	v16 =	vmul.f32 v18, v16;
	v15 =	vadd.f32 v15, v24;
	v18 =	vld.idx.msk [tilespmem:v30+s16+$0x0], $0xffff  }
0x2ca: {  	v12 =	vmul.f32 v13, v12;
	v10 =	vadd.f32 v10, v11;
	v11 =	vld.idx.msk [tilespmem:v30+s18+$0x0], $0xffff  }
0x2cb: {  	v15 =	vadd.f32 v16, v15;
	v13 =	vmul.f32 v19, v14;
	v16 =	vld.idx.msk [tilespmem:v26+s16+$0x0], $0xffff  }
0x2cc: {  	v19 =	vmul.f32 v22, v33;
	v10 =	vadd.f32 v12, v10;
	v14 =	vld.idx.msk [tilespmem:v26+s18+$0x0], $0xffff  }
0x2cd: {  	v12 =	vadd.f32 v13, v15;
	v13 =	vmul.f32 v23, v17  }
0x2ce: {  	v15 =	vmul.f32 v21, v31;
	v10 =	vadd.f32 v19, v10  }
0x2cf: {  	v12 =	vadd.f32 v13, v12;
	v11 =	vmul.f32 v11, v18  }
0x2d0: {  	v10 =	vadd.f32 v15, v10  }
0x2d1: {  	v13 =	vmul.f32 v20, v29;
	v11 =	vadd.f32 v11, v12;
	v12 =	vmul.f32 v14, v16  }
0x2d2: {  	s31 =	simm.s32 $0x0;
	v14 =	vld [tilespmem:$0x104A0]  }
0x2d3: {  	v10 =	vadd.f32 v13, v10;
	v11 =	vadd.f32 v12, v11;
	v12 =	vadd.s32 s31, v0  }
0x2d4: {  	v12 =	vand.u32 $0x7F, v12  }
0x2d5: {  	v10 =	vadd.f32 v11, v10;
	v11 =	vadd.s32 s31, v2;
	v12 =	vor.u32 v5, v12  }
0x2d6: {  	s30 =	simm.s32 $0x6;
	v11 =	vand.u32 $0x7F, v11  }
0x2d7: {  	v13 =	vadd.s32 s30, v0;
	v10 =	vmul.f32 v14, v10;
	v11 =	vor.u32 v5, v11  }
0x2d8: {  	s28 =	simm.s32 $0x4;
	v13 =	vand.u32 $0x7F, v13  }
0x2d9: {  	v13 =	vor.u32 v5, v13;
	[tilespmem:$0x106A0] =	vst v10;
	v10 =	vadd.s32 s28, v0  }
0x2da: {  	s29 =	simm.s32 $0x2;
	v10 =	vand.u32 $0x7F, v10;
	v14 =	vld.idx.msk [tilespmem:v12+s16+$0x0], $0xffff  }
0x2db: {  	v15 =	vadd.s32 s29, v0;
	v12 =	vld.idx.msk [tilespmem:v12+s18+$0x0], $0xffff;
	v16 =	vor.u32 v5, v10  }
0x2dc: {  	v10 =	vand.u32 $0x7F, v15;
	v18 =	vld.idx.msk [tilespmem:v11+s16+$0x0], $0xffff  }
0x2dd: {  	v15 =	vadd.s32 s29, v2;
	v17 =	vor.u32 v5, v10;
	v21 =	vld.idx.msk [tilespmem:v11+s18+$0x0], $0xffff  }
0x2de: {  	v11 =	vand.u32 $0x7F, v15;
	v10 =	vld.idx.msk [tilespmem:v13+s16+$0x0], $0xffff  }
0x2df: {  	v19 =	vadd.s32 s28, v2;
	v15 =	vor.u32 v5, v11;
	v11 =	vld.idx.msk [tilespmem:v13+s18+$0x0], $0xffff  }
0x2e0: {  	v13 =	vand.u32 $0x7F, v19;
	v25 =	vld.idx.msk [tilespmem:v16+s16+$0x0], $0xffff  }
0x2e1: {  	v19 =	vadd.s32 s30, v2;
	v13 =	vor.u32 v5, v13;
	v29 =	vld.idx.msk [tilespmem:v16+s18+$0x0], $0xffff  }
0x2e2: {  	s31 =	simm.s32 $0x8;
	v16 =	vand.u32 $0x7F, v19;
	v22 =	vld.idx.msk [tilespmem:v17+s16+$0x0], $0xffff  }
0x2e3: {  	v19 =	vadd.s32 s31, v0;
	v23 =	vld.idx.msk [tilespmem:v17+s18+$0x0], $0xffff;
	v24 =	vor.u32 v5, v16  }
0x2e4: {  	v16 =	vand.u32 $0x7F, v19;
	v27 =	vld.idx.msk [tilespmem:v15+s16+$0x0], $0xffff  }
0x2e5: {  	s26 =	simm.s32 $0xE;
	v17 =	vadd.s32 s31, v2;
	v26 =	vor.u32 v5, v16;
	v28 =	vld.idx.msk [tilespmem:v15+s18+$0x0], $0xffff  }
0x2e6: {  	v30 =	vimm.f32 $0.0e+00;
	v20 =	vadd.s32 s26, v0;
	s29 =	simm.s32 $0xC;
	v16 =	vand.u32 $0x7F, v17;
	v15 =	vld.idx.msk [tilespmem:v13+s16+$0x0], $0xffff  }
0x2e7: {  	v20 =	vand.u32 $0x7F, v20;
	s28 =	simm.s32 $0xA;
	v19 =	vor.u32 v5, v16;
	v16 =	vadd.s32 s29, v0;
	v17 =	vld.idx.msk [tilespmem:v13+s18+$0x0], $0xffff  }
0x2e8: {  	v20 =	vor.u32 v5, v20;
	v31 =	vadd.s32 s28, v0;
	v13 =	vand.u32 $0x7F, v16;
	v16 =	vld.idx.msk [tilespmem:v24+s16+$0x0], $0xffff  }
0x2e9: {  	v62 =	vadd.s32 s28, v2;
	v14 =	vmul.f32 v12, v14;
	v63 =	vmul.f32 v21, v18;
	v18 =	vld.idx.msk [tilespmem:v24+s18+$0x0], $0xffff  }
0x2ea: {  	v31 =	vand.u32 $0x7F, v31;
	v21 =	vor.u32 v5, v13;
	v23 =	vmul.f32 v23, v22;
	v12 =	vld.idx.msk [tilespmem:v26+s16+$0x0], $0xffff  }
0x2eb: {  	v24 =	vadd.f32 v63, v30;
	v13 =	vld.idx.msk [tilespmem:v26+s18+$0x0], $0xffff;
	v26 =	vadd.f32 v14, v30;
	v27 =	vmul.f32 v28, v27  }
0x2ec: {  	s28 =	simm.s32 $0x10;
	v25 =	vmul.f32 v29, v25;
	v22 =	vor.u32 v5, v31;
	v28 =	vand.u32 $0x7F, v62;
	v14 =	vld.idx.msk [tilespmem:v19+s16+$0x0], $0xffff  }
.LBB2_24:
0x2ed: {  	p0 =	slt.u32 s28, $0x78;
	v29 =	vld.idx.msk [tilespmem:v19+s18+$0x0], $0xffff;
	v19 =	vadd.f32 v23, v26;
	v23 =	vadd.f32 v27, v24;
	v15 =	vmul.f32 v17, v15  }
0x2ee: {  	v17 =	vor.u32 v5, v28;
	v24 =	vadd.s32 s29, v2;
	v26 =	vmul.f32 v11, v10;
	v10 =	vld.idx.msk [tilespmem:v20+s16+$0x0], $0xffff  }
0x2ef: {  	v16 =	vmul.f32 v18, v16;
	v11 =	vld.idx.msk [tilespmem:v20+s18+$0x0], $0xffff;
	v19 =	vadd.f32 v25, v19;
	v15 =	vadd.f32 v15, v23  }
0x2f0: {  	v18 =	vand.u32 $0x7F, v24;
	v20 =	vadd.s32 s26, v2;
	v25 =	vld.idx.msk [tilespmem:v21+s16+$0x0], $0xffff  }
0x2f1: {  	v18 =	vor.u32 v5, v18;
	v30 =	vld.idx.msk [tilespmem:v21+s18+$0x0], $0xffff;
	v24 =	vadd.f32 v26, v19;
	v27 =	vadd.f32 v16, v15  }
0x2f2: {  	v15 =	vand.u32 $0x7F, v20;
	v23 =	vld.idx.msk [tilespmem:v22+s16+$0x0], $0xffff  }
0x2f3: {  	v16 =	vadd.s32 s28, v0;
	v21 =	vor.u32 v5, v15;
	v22 =	vld.idx.msk [tilespmem:v22+s18+$0x0], $0xffff  }
0x2f4: {  	v15 =	vand.u32 $0x7F, v16;
	v28 =	vld.idx.msk [tilespmem:v17+s16+$0x0], $0xffff  }
0x2f5: {  	s26 =	sadd.s32 $0x6, s28;
	v16 =	vadd.s32 s28, v2;
	v26 =	vor.u32 v5, v15;
	v31 =	vld.idx.msk [tilespmem:v17+s18+$0x0], $0xffff  }
0x2f6: {  	s30 =	sadd.s32 $0x2, s28;
	s29 =	sadd.s32 $0x4, s28;
	v20 =	vadd.s32 s26, v0;
	v16 =	vand.u32 $0x7F, v16;
	v15 =	vld.idx.msk [tilespmem:v18+s16+$0x0], $0xffff  }
0x2f7: {  	v32 =	vadd.s32 s30, v0;
	v19 =	vor.u32 v5, v16;
	v16 =	vadd.s32 s29, v0;
	v17 =	vld.idx.msk [tilespmem:v18+s18+$0x0], $0xffff  }
.Ltmp11:
0x2f8: {  	v33 =	vadd.s32 s30, v2;
	v34 =	vand.u32 $0x7F, v16;
	v18 =	vand.u32 $0x7F, v20;
	v16 =	vld.idx.msk [tilespmem:v21+s16+$0x0], $0xffff;
	(pc) =	sbr.rel @p0 .LBB2_24-.Ltmp11, $4  }
0x2f9: {  	v35 =	vmul.f32 v13, v12;
	v14 =	vmul.f32 v29, v14;
	v20 =	vor.u32 v5, v18;
	v18 =	vld.idx.msk [tilespmem:v21+s18+$0x0], $0xffff  }
0x2fa: {  	v29 =	vand.u32 $0x7F, v32;
	v23 =	vmul.f32 v22, v23;
	v21 =	vor.u32 v5, v34;
	v12 =	vld.idx.msk [tilespmem:v26+s16+$0x0], $0xffff  }
0x2fb: {  	v13 =	vld.idx.msk [tilespmem:v26+s18+$0x0], $0xffff;
	v26 =	vadd.f32 v35, v24;
	v24 =	vadd.f32 v14, v27;
	v27 =	vmul.f32 v31, v28  }
0x2fc: {  	s28 =	sadd.s32 $0x8, s28;
	v25 =	vmul.f32 v30, v25;
	v22 =	vor.u32 v5, v29;
	v28 =	vand.u32 $0x7F, v33;
	v14 =	vld.idx.msk [tilespmem:v19+s16+$0x0], $0xffff  }
0x2fd: {  	_ =	sdelay $0x3  }
0x2fe: {  	v19 =	vld.idx.msk [tilespmem:v19+s18+$0x0], $0xffff  }
0x2ff: {  	v29 =	vld.idx.msk [tilespmem:v20+s16+$0x0], $0xffff  }
0x300: {  	v28 =	vor.u32 v5, v28;
	v30 =	vadd.s32 s29, v2;
	v20 =	vld.idx.msk [tilespmem:v20+s18+$0x0], $0xffff  }
0x301: {  	v31 =	vld.idx.msk [tilespmem:v21+s16+$0x0], $0xffff;
	v30 =	vand.u32 $0x7F, v30  }
0x302: {  	v32 =	vadd.s32 s26, v2;
	v21 =	vld.idx.msk [tilespmem:v21+s18+$0x0], $0xffff;
	v30 =	vor.u32 v5, v30  }
0x303: {  	v33 =	vld.idx.msk [tilespmem:v22+s16+$0x0], $0xffff;
	v32 =	vand.u32 $0x7F, v32  }
0x304: {  	v23 =	vadd.f32 v23, v26;
	v22 =	vld.idx.msk [tilespmem:v22+s18+$0x0], $0xffff;
	v26 =	vor.u32 v5, v32  }
0x305: {  	v24 =	vadd.f32 v27, v24;
	v15 =	vmul.f32 v17, v15;
	v17 =	vld.idx.msk [tilespmem:v28+s16+$0x0], $0xffff  }
0x306: {  	v10 =	vmul.f32 v11, v10;
	v11 =	vadd.f32 v25, v23;
	v23 =	vld.idx.msk [tilespmem:v28+s18+$0x0], $0xffff  }
0x307: {  	v16 =	vmul.f32 v18, v16;
	v15 =	vadd.f32 v15, v24;
	v18 =	vld.idx.msk [tilespmem:v30+s16+$0x0], $0xffff  }
0x308: {  	v12 =	vmul.f32 v13, v12;
	v10 =	vadd.f32 v10, v11;
	v11 =	vld.idx.msk [tilespmem:v30+s18+$0x0], $0xffff  }
0x309: {  	v15 =	vadd.f32 v16, v15;
	v13 =	vmul.f32 v19, v14;
	v16 =	vld.idx.msk [tilespmem:v26+s16+$0x0], $0xffff  }
0x30a: {  	v19 =	vmul.f32 v22, v33;
	v10 =	vadd.f32 v12, v10;
	v14 =	vld.idx.msk [tilespmem:v26+s18+$0x0], $0xffff  }
0x30b: {  	v12 =	vadd.f32 v13, v15;
	v13 =	vmul.f32 v23, v17  }
0x30c: {  	v15 =	vmul.f32 v21, v31;
	v10 =	vadd.f32 v19, v10  }
0x30d: {  	v12 =	vadd.f32 v13, v12;
	v11 =	vmul.f32 v11, v18  }
0x30e: {  	v10 =	vadd.f32 v15, v10  }
0x30f: {  	v13 =	vmul.f32 v20, v29;
	v11 =	vadd.f32 v11, v12;
	v12 =	vmul.f32 v14, v16  }
0x310: {  	s31 =	simm.s32 $0x0;
	v14 =	vld [tilespmem:$0x104B0]  }
0x311: {  	v10 =	vadd.f32 v13, v10;
	v11 =	vadd.f32 v12, v11;
	v12 =	vadd.s32 s31, v0  }
0x312: {  	v12 =	vand.u32 $0x7F, v12  }
0x313: {  	v10 =	vadd.f32 v11, v10;
	v11 =	vadd.s32 s31, v2;
	v12 =	vor.u32 v6, v12  }
0x314: {  	s30 =	simm.s32 $0x6;
	v11 =	vand.u32 $0x7F, v11  }
0x315: {  	v13 =	vadd.s32 s30, v0;
	v10 =	vmul.f32 v14, v10;
	v11 =	vor.u32 v6, v11  }
0x316: {  	s28 =	simm.s32 $0x4;
	v13 =	vand.u32 $0x7F, v13  }
0x317: {  	v13 =	vor.u32 v6, v13;
	[tilespmem:$0x106B0] =	vst v10;
	v10 =	vadd.s32 s28, v0  }
0x318: {  	s29 =	simm.s32 $0x2;
	v10 =	vand.u32 $0x7F, v10;
	v14 =	vld.idx.msk [tilespmem:v12+s16+$0x0], $0xffff  }
0x319: {  	v15 =	vadd.s32 s29, v0;
	v12 =	vld.idx.msk [tilespmem:v12+s18+$0x0], $0xffff;
	v16 =	vor.u32 v6, v10  }
0x31a: {  	v10 =	vand.u32 $0x7F, v15;
	v18 =	vld.idx.msk [tilespmem:v11+s16+$0x0], $0xffff  }
0x31b: {  	v15 =	vadd.s32 s29, v2;
	v17 =	vor.u32 v6, v10;
	v21 =	vld.idx.msk [tilespmem:v11+s18+$0x0], $0xffff  }
0x31c: {  	v11 =	vand.u32 $0x7F, v15;
	v10 =	vld.idx.msk [tilespmem:v13+s16+$0x0], $0xffff  }
0x31d: {  	v19 =	vadd.s32 s28, v2;
	v15 =	vor.u32 v6, v11;
	v11 =	vld.idx.msk [tilespmem:v13+s18+$0x0], $0xffff  }
0x31e: {  	v13 =	vand.u32 $0x7F, v19;
	v25 =	vld.idx.msk [tilespmem:v16+s16+$0x0], $0xffff  }
0x31f: {  	v19 =	vadd.s32 s30, v2;
	v13 =	vor.u32 v6, v13;
	v29 =	vld.idx.msk [tilespmem:v16+s18+$0x0], $0xffff  }
0x320: {  	s31 =	simm.s32 $0x8;
	v16 =	vand.u32 $0x7F, v19;
	v22 =	vld.idx.msk [tilespmem:v17+s16+$0x0], $0xffff  }
0x321: {  	v19 =	vadd.s32 s31, v0;
	v23 =	vld.idx.msk [tilespmem:v17+s18+$0x0], $0xffff;
	v24 =	vor.u32 v6, v16  }
0x322: {  	v16 =	vand.u32 $0x7F, v19;
	v27 =	vld.idx.msk [tilespmem:v15+s16+$0x0], $0xffff  }
0x323: {  	s26 =	simm.s32 $0xE;
	v17 =	vadd.s32 s31, v2;
	v26 =	vor.u32 v6, v16;
	v28 =	vld.idx.msk [tilespmem:v15+s18+$0x0], $0xffff  }
0x324: {  	v30 =	vimm.f32 $0.0e+00;
	v20 =	vadd.s32 s26, v0;
	s29 =	simm.s32 $0xC;
	v16 =	vand.u32 $0x7F, v17;
	v15 =	vld.idx.msk [tilespmem:v13+s16+$0x0], $0xffff  }
0x325: {  	v20 =	vand.u32 $0x7F, v20;
	s28 =	simm.s32 $0xA;
	v19 =	vor.u32 v6, v16;
	v16 =	vadd.s32 s29, v0;
	v17 =	vld.idx.msk [tilespmem:v13+s18+$0x0], $0xffff  }
0x326: {  	v20 =	vor.u32 v6, v20;
	v31 =	vadd.s32 s28, v0;
	v13 =	vand.u32 $0x7F, v16;
	v16 =	vld.idx.msk [tilespmem:v24+s16+$0x0], $0xffff  }
0x327: {  	v62 =	vadd.s32 s28, v2;
	v14 =	vmul.f32 v12, v14;
	v63 =	vmul.f32 v21, v18;
	v18 =	vld.idx.msk [tilespmem:v24+s18+$0x0], $0xffff  }
0x328: {  	v31 =	vand.u32 $0x7F, v31;
	v21 =	vor.u32 v6, v13;
	v23 =	vmul.f32 v23, v22;
	v12 =	vld.idx.msk [tilespmem:v26+s16+$0x0], $0xffff  }
0x329: {  	v24 =	vadd.f32 v63, v30;
	v13 =	vld.idx.msk [tilespmem:v26+s18+$0x0], $0xffff;
	v26 =	vadd.f32 v14, v30;
	v27 =	vmul.f32 v28, v27  }
0x32a: {  	s28 =	simm.s32 $0x10;
	v25 =	vmul.f32 v29, v25;
	v22 =	vor.u32 v6, v31;
	v28 =	vand.u32 $0x7F, v62;
	v14 =	vld.idx.msk [tilespmem:v19+s16+$0x0], $0xffff  }
.LBB2_26:
0x32b: {  	p0 =	slt.u32 s28, $0x78;
	v29 =	vld.idx.msk [tilespmem:v19+s18+$0x0], $0xffff;
	v19 =	vadd.f32 v23, v26;
	v23 =	vadd.f32 v27, v24;
	v15 =	vmul.f32 v17, v15  }
0x32c: {  	v17 =	vor.u32 v6, v28;
	v24 =	vadd.s32 s29, v2;
	v26 =	vmul.f32 v11, v10;
	v10 =	vld.idx.msk [tilespmem:v20+s16+$0x0], $0xffff  }
0x32d: {  	v16 =	vmul.f32 v18, v16;
	v11 =	vld.idx.msk [tilespmem:v20+s18+$0x0], $0xffff;
	v19 =	vadd.f32 v25, v19;
	v15 =	vadd.f32 v15, v23  }
0x32e: {  	v18 =	vand.u32 $0x7F, v24;
	v20 =	vadd.s32 s26, v2;
	v25 =	vld.idx.msk [tilespmem:v21+s16+$0x0], $0xffff  }
0x32f: {  	v18 =	vor.u32 v6, v18;
	v30 =	vld.idx.msk [tilespmem:v21+s18+$0x0], $0xffff;
	v24 =	vadd.f32 v26, v19;
	v27 =	vadd.f32 v16, v15  }
0x330: {  	v15 =	vand.u32 $0x7F, v20;
	v23 =	vld.idx.msk [tilespmem:v22+s16+$0x0], $0xffff  }
0x331: {  	v16 =	vadd.s32 s28, v0;
	v21 =	vor.u32 v6, v15;
	v22 =	vld.idx.msk [tilespmem:v22+s18+$0x0], $0xffff  }
0x332: {  	v15 =	vand.u32 $0x7F, v16;
	v28 =	vld.idx.msk [tilespmem:v17+s16+$0x0], $0xffff  }
0x333: {  	s26 =	sadd.s32 $0x6, s28;
	v16 =	vadd.s32 s28, v2;
	v26 =	vor.u32 v6, v15;
	v31 =	vld.idx.msk [tilespmem:v17+s18+$0x0], $0xffff  }
0x334: {  	s30 =	sadd.s32 $0x2, s28;
	s29 =	sadd.s32 $0x4, s28;
	v20 =	vadd.s32 s26, v0;
	v16 =	vand.u32 $0x7F, v16;
	v15 =	vld.idx.msk [tilespmem:v18+s16+$0x0], $0xffff  }
0x335: {  	v32 =	vadd.s32 s30, v0;
	v19 =	vor.u32 v6, v16;
	v16 =	vadd.s32 s29, v0;
	v17 =	vld.idx.msk [tilespmem:v18+s18+$0x0], $0xffff  }
.Ltmp12:
0x336: {  	v33 =	vadd.s32 s30, v2;
	v34 =	vand.u32 $0x7F, v16;
	v18 =	vand.u32 $0x7F, v20;
	v16 =	vld.idx.msk [tilespmem:v21+s16+$0x0], $0xffff;
	(pc) =	sbr.rel @p0 .LBB2_26-.Ltmp12, $4  }
0x337: {  	v35 =	vmul.f32 v13, v12;
	v14 =	vmul.f32 v29, v14;
	v20 =	vor.u32 v6, v18;
	v18 =	vld.idx.msk [tilespmem:v21+s18+$0x0], $0xffff  }
0x338: {  	v29 =	vand.u32 $0x7F, v32;
	v23 =	vmul.f32 v22, v23;
	v21 =	vor.u32 v6, v34;
	v12 =	vld.idx.msk [tilespmem:v26+s16+$0x0], $0xffff  }
0x339: {  	v13 =	vld.idx.msk [tilespmem:v26+s18+$0x0], $0xffff;
	v26 =	vadd.f32 v35, v24;
	v24 =	vadd.f32 v14, v27;
	v27 =	vmul.f32 v31, v28  }
0x33a: {  	s28 =	sadd.s32 $0x8, s28;
	v25 =	vmul.f32 v30, v25;
	v22 =	vor.u32 v6, v29;
	v28 =	vand.u32 $0x7F, v33;
	v14 =	vld.idx.msk [tilespmem:v19+s16+$0x0], $0xffff  }
0x33b: {  	_ =	sdelay $0x3  }
0x33c: {  	v19 =	vld.idx.msk [tilespmem:v19+s18+$0x0], $0xffff  }
0x33d: {  	v29 =	vld.idx.msk [tilespmem:v20+s16+$0x0], $0xffff  }
0x33e: {  	v28 =	vor.u32 v6, v28;
	v30 =	vadd.s32 s29, v2;
	v20 =	vld.idx.msk [tilespmem:v20+s18+$0x0], $0xffff  }
0x33f: {  	v31 =	vld.idx.msk [tilespmem:v21+s16+$0x0], $0xffff;
	v30 =	vand.u32 $0x7F, v30  }
0x340: {  	v32 =	vadd.s32 s26, v2;
	v21 =	vld.idx.msk [tilespmem:v21+s18+$0x0], $0xffff;
	v30 =	vor.u32 v6, v30  }
0x341: {  	v33 =	vld.idx.msk [tilespmem:v22+s16+$0x0], $0xffff;
	v32 =	vand.u32 $0x7F, v32  }
0x342: {  	v23 =	vadd.f32 v23, v26;
	v22 =	vld.idx.msk [tilespmem:v22+s18+$0x0], $0xffff;
	v26 =	vor.u32 v6, v32  }
0x343: {  	v24 =	vadd.f32 v27, v24;
	v15 =	vmul.f32 v17, v15;
	v17 =	vld.idx.msk [tilespmem:v28+s16+$0x0], $0xffff  }
0x344: {  	v10 =	vmul.f32 v11, v10;
	v11 =	vadd.f32 v25, v23;
	v23 =	vld.idx.msk [tilespmem:v28+s18+$0x0], $0xffff  }
0x345: {  	v16 =	vmul.f32 v18, v16;
	v15 =	vadd.f32 v15, v24;
	v18 =	vld.idx.msk [tilespmem:v30+s16+$0x0], $0xffff  }
0x346: {  	v12 =	vmul.f32 v13, v12;
	v10 =	vadd.f32 v10, v11;
	v11 =	vld.idx.msk [tilespmem:v30+s18+$0x0], $0xffff  }
0x347: {  	v15 =	vadd.f32 v16, v15;
	v13 =	vmul.f32 v19, v14;
	v16 =	vld.idx.msk [tilespmem:v26+s16+$0x0], $0xffff  }
0x348: {  	v19 =	vmul.f32 v22, v33;
	v10 =	vadd.f32 v12, v10;
	v14 =	vld.idx.msk [tilespmem:v26+s18+$0x0], $0xffff  }
0x349: {  	v12 =	vadd.f32 v13, v15;
	v13 =	vmul.f32 v23, v17  }
0x34a: {  	v15 =	vmul.f32 v21, v31;
	v10 =	vadd.f32 v19, v10  }
0x34b: {  	v12 =	vadd.f32 v13, v12;
	v11 =	vmul.f32 v11, v18  }
0x34c: {  	v10 =	vadd.f32 v15, v10  }
0x34d: {  	v13 =	vmul.f32 v20, v29;
	v11 =	vadd.f32 v11, v12;
	v12 =	vmul.f32 v14, v16  }
0x34e: {  	s31 =	simm.s32 $0x0;
	v14 =	vld [tilespmem:$0x104C0]  }
0x34f: {  	v10 =	vadd.f32 v13, v10;
	v11 =	vadd.f32 v12, v11;
	v12 =	vadd.s32 s31, v0  }
0x350: {  	v12 =	vand.u32 $0x7F, v12  }
0x351: {  	v10 =	vadd.f32 v11, v10;
	v11 =	vadd.s32 s31, v2;
	v12 =	vor.u32 v7, v12  }
0x352: {  	s30 =	simm.s32 $0x6;
	v11 =	vand.u32 $0x7F, v11  }
0x353: {  	v13 =	vadd.s32 s30, v0;
	v10 =	vmul.f32 v14, v10;
	v11 =	vor.u32 v7, v11  }
0x354: {  	s28 =	simm.s32 $0x4;
	v13 =	vand.u32 $0x7F, v13  }
0x355: {  	v13 =	vor.u32 v7, v13;
	[tilespmem:$0x106C0] =	vst v10;
	v10 =	vadd.s32 s28, v0  }
0x356: {  	s29 =	simm.s32 $0x2;
	v10 =	vand.u32 $0x7F, v10;
	v14 =	vld.idx.msk [tilespmem:v12+s16+$0x0], $0xffff  }
0x357: {  	v15 =	vadd.s32 s29, v0;
	v12 =	vld.idx.msk [tilespmem:v12+s18+$0x0], $0xffff;
	v16 =	vor.u32 v7, v10  }
0x358: {  	v10 =	vand.u32 $0x7F, v15;
	v18 =	vld.idx.msk [tilespmem:v11+s16+$0x0], $0xffff  }
0x359: {  	v15 =	vadd.s32 s29, v2;
	v17 =	vor.u32 v7, v10;
	v21 =	vld.idx.msk [tilespmem:v11+s18+$0x0], $0xffff  }
0x35a: {  	v11 =	vand.u32 $0x7F, v15;
	v10 =	vld.idx.msk [tilespmem:v13+s16+$0x0], $0xffff  }
0x35b: {  	v19 =	vadd.s32 s28, v2;
	v15 =	vor.u32 v7, v11;
	v11 =	vld.idx.msk [tilespmem:v13+s18+$0x0], $0xffff  }
0x35c: {  	v13 =	vand.u32 $0x7F, v19;
	v25 =	vld.idx.msk [tilespmem:v16+s16+$0x0], $0xffff  }
0x35d: {  	v19 =	vadd.s32 s30, v2;
	v13 =	vor.u32 v7, v13;
	v29 =	vld.idx.msk [tilespmem:v16+s18+$0x0], $0xffff  }
0x35e: {  	s31 =	simm.s32 $0x8;
	v16 =	vand.u32 $0x7F, v19;
	v22 =	vld.idx.msk [tilespmem:v17+s16+$0x0], $0xffff  }
0x35f: {  	v19 =	vadd.s32 s31, v0;
	v23 =	vld.idx.msk [tilespmem:v17+s18+$0x0], $0xffff;
	v24 =	vor.u32 v7, v16  }
0x360: {  	v16 =	vand.u32 $0x7F, v19;
	v27 =	vld.idx.msk [tilespmem:v15+s16+$0x0], $0xffff  }
0x361: {  	s26 =	simm.s32 $0xE;
	v17 =	vadd.s32 s31, v2;
	v26 =	vor.u32 v7, v16;
	v28 =	vld.idx.msk [tilespmem:v15+s18+$0x0], $0xffff  }
0x362: {  	v30 =	vimm.f32 $0.0e+00;
	v20 =	vadd.s32 s26, v0;
	s29 =	simm.s32 $0xC;
	v16 =	vand.u32 $0x7F, v17;
	v15 =	vld.idx.msk [tilespmem:v13+s16+$0x0], $0xffff  }
0x363: {  	v20 =	vand.u32 $0x7F, v20;
	s28 =	simm.s32 $0xA;
	v19 =	vor.u32 v7, v16;
	v16 =	vadd.s32 s29, v0;
	v17 =	vld.idx.msk [tilespmem:v13+s18+$0x0], $0xffff  }
0x364: {  	v20 =	vor.u32 v7, v20;
	v31 =	vadd.s32 s28, v0;
	v13 =	vand.u32 $0x7F, v16;
	v16 =	vld.idx.msk [tilespmem:v24+s16+$0x0], $0xffff  }
0x365: {  	v62 =	vadd.s32 s28, v2;
	v14 =	vmul.f32 v12, v14;
	v63 =	vmul.f32 v21, v18;
	v18 =	vld.idx.msk [tilespmem:v24+s18+$0x0], $0xffff  }
0x366: {  	v31 =	vand.u32 $0x7F, v31;
	v21 =	vor.u32 v7, v13;
	v23 =	vmul.f32 v23, v22;
	v12 =	vld.idx.msk [tilespmem:v26+s16+$0x0], $0xffff  }
0x367: {  	v24 =	vadd.f32 v63, v30;
	v13 =	vld.idx.msk [tilespmem:v26+s18+$0x0], $0xffff;
	v26 =	vadd.f32 v14, v30;
	v27 =	vmul.f32 v28, v27  }
0x368: {  	s28 =	simm.s32 $0x10;
	v25 =	vmul.f32 v29, v25;
	v22 =	vor.u32 v7, v31;
	v28 =	vand.u32 $0x7F, v62;
	v14 =	vld.idx.msk [tilespmem:v19+s16+$0x0], $0xffff  }
.LBB2_28:
0x369: {  	p0 =	slt.u32 s28, $0x78;
	v29 =	vld.idx.msk [tilespmem:v19+s18+$0x0], $0xffff;
	v19 =	vadd.f32 v23, v26;
	v23 =	vadd.f32 v27, v24;
	v15 =	vmul.f32 v17, v15  }
0x36a: {  	v17 =	vor.u32 v7, v28;
	v24 =	vadd.s32 s29, v2;
	v26 =	vmul.f32 v11, v10;
	v10 =	vld.idx.msk [tilespmem:v20+s16+$0x0], $0xffff  }
0x36b: {  	v16 =	vmul.f32 v18, v16;
	v11 =	vld.idx.msk [tilespmem:v20+s18+$0x0], $0xffff;
	v19 =	vadd.f32 v25, v19;
	v15 =	vadd.f32 v15, v23  }
0x36c: {  	v18 =	vand.u32 $0x7F, v24;
	v20 =	vadd.s32 s26, v2;
	v25 =	vld.idx.msk [tilespmem:v21+s16+$0x0], $0xffff  }
0x36d: {  	v18 =	vor.u32 v7, v18;
	v30 =	vld.idx.msk [tilespmem:v21+s18+$0x0], $0xffff;
	v24 =	vadd.f32 v26, v19;
	v27 =	vadd.f32 v16, v15  }
0x36e: {  	v15 =	vand.u32 $0x7F, v20;
	v23 =	vld.idx.msk [tilespmem:v22+s16+$0x0], $0xffff  }
0x36f: {  	v16 =	vadd.s32 s28, v0;
	v21 =	vor.u32 v7, v15;
	v22 =	vld.idx.msk [tilespmem:v22+s18+$0x0], $0xffff  }
0x370: {  	v15 =	vand.u32 $0x7F, v16;
	v28 =	vld.idx.msk [tilespmem:v17+s16+$0x0], $0xffff  }
0x371: {  	s26 =	sadd.s32 $0x6, s28;
	v16 =	vadd.s32 s28, v2;
	v26 =	vor.u32 v7, v15;
	v31 =	vld.idx.msk [tilespmem:v17+s18+$0x0], $0xffff  }
0x372: {  	s30 =	sadd.s32 $0x2, s28;
	s29 =	sadd.s32 $0x4, s28;
	v20 =	vadd.s32 s26, v0;
	v16 =	vand.u32 $0x7F, v16;
	v15 =	vld.idx.msk [tilespmem:v18+s16+$0x0], $0xffff  }
0x373: {  	v32 =	vadd.s32 s30, v0;
	v19 =	vor.u32 v7, v16;
	v16 =	vadd.s32 s29, v0;
	v17 =	vld.idx.msk [tilespmem:v18+s18+$0x0], $0xffff  }
.Ltmp13:
0x374: {  	v33 =	vadd.s32 s30, v2;
	v34 =	vand.u32 $0x7F, v16;
	v18 =	vand.u32 $0x7F, v20;
	v16 =	vld.idx.msk [tilespmem:v21+s16+$0x0], $0xffff;
	(pc) =	sbr.rel @p0 .LBB2_28-.Ltmp13, $4  }
0x375: {  	v35 =	vmul.f32 v13, v12;
	v14 =	vmul.f32 v29, v14;
	v20 =	vor.u32 v7, v18;
	v18 =	vld.idx.msk [tilespmem:v21+s18+$0x0], $0xffff  }
0x376: {  	v29 =	vand.u32 $0x7F, v32;
	v23 =	vmul.f32 v22, v23;
	v21 =	vor.u32 v7, v34;
	v12 =	vld.idx.msk [tilespmem:v26+s16+$0x0], $0xffff  }
0x377: {  	v13 =	vld.idx.msk [tilespmem:v26+s18+$0x0], $0xffff;
	v26 =	vadd.f32 v35, v24;
	v24 =	vadd.f32 v14, v27;
	v27 =	vmul.f32 v31, v28  }
0x378: {  	s28 =	sadd.s32 $0x8, s28;
	v25 =	vmul.f32 v30, v25;
	v22 =	vor.u32 v7, v29;
	v28 =	vand.u32 $0x7F, v33;
	v14 =	vld.idx.msk [tilespmem:v19+s16+$0x0], $0xffff  }
0x379: {  	_ =	sdelay $0x3  }
0x37a: {  	v19 =	vld.idx.msk [tilespmem:v19+s18+$0x0], $0xffff  }
0x37b: {  	v29 =	vld.idx.msk [tilespmem:v20+s16+$0x0], $0xffff  }
0x37c: {  	v28 =	vor.u32 v7, v28;
	v30 =	vadd.s32 s29, v2;
	v20 =	vld.idx.msk [tilespmem:v20+s18+$0x0], $0xffff  }
0x37d: {  	v31 =	vld.idx.msk [tilespmem:v21+s16+$0x0], $0xffff;
	v30 =	vand.u32 $0x7F, v30  }
0x37e: {  	v32 =	vadd.s32 s26, v2;
	v21 =	vld.idx.msk [tilespmem:v21+s18+$0x0], $0xffff;
	v30 =	vor.u32 v7, v30  }
0x37f: {  	v33 =	vld.idx.msk [tilespmem:v22+s16+$0x0], $0xffff;
	v32 =	vand.u32 $0x7F, v32  }
0x380: {  	v23 =	vadd.f32 v23, v26;
	v22 =	vld.idx.msk [tilespmem:v22+s18+$0x0], $0xffff;
	v26 =	vor.u32 v7, v32  }
0x381: {  	v24 =	vadd.f32 v27, v24;
	v15 =	vmul.f32 v17, v15;
	v17 =	vld.idx.msk [tilespmem:v28+s16+$0x0], $0xffff  }
0x382: {  	v10 =	vmul.f32 v11, v10;
	v11 =	vadd.f32 v25, v23;
	v23 =	vld.idx.msk [tilespmem:v28+s18+$0x0], $0xffff  }
0x383: {  	v16 =	vmul.f32 v18, v16;
	v15 =	vadd.f32 v15, v24;
	v18 =	vld.idx.msk [tilespmem:v30+s16+$0x0], $0xffff  }
0x384: {  	v12 =	vmul.f32 v13, v12;
	v10 =	vadd.f32 v10, v11;
	v11 =	vld.idx.msk [tilespmem:v30+s18+$0x0], $0xffff  }
0x385: {  	v15 =	vadd.f32 v16, v15;
	v13 =	vmul.f32 v19, v14;
	v16 =	vld.idx.msk [tilespmem:v26+s16+$0x0], $0xffff  }
0x386: {  	v19 =	vmul.f32 v22, v33;
	v10 =	vadd.f32 v12, v10;
	v14 =	vld.idx.msk [tilespmem:v26+s18+$0x0], $0xffff  }
0x387: {  	v12 =	vadd.f32 v13, v15;
	v13 =	vmul.f32 v23, v17  }
0x388: {  	v15 =	vmul.f32 v21, v31;
	v10 =	vadd.f32 v19, v10  }
0x389: {  	v12 =	vadd.f32 v13, v12;
	v11 =	vmul.f32 v11, v18  }
0x38a: {  	v10 =	vadd.f32 v15, v10  }
0x38b: {  	v13 =	vmul.f32 v20, v29;
	v11 =	vadd.f32 v11, v12;
	v12 =	vmul.f32 v14, v16  }
0x38c: {  	s31 =	simm.s32 $0x0;
	v14 =	vld [tilespmem:$0x104D0]  }
0x38d: {  	v10 =	vadd.f32 v13, v10;
	v11 =	vadd.f32 v12, v11;
	v12 =	vadd.s32 s31, v0  }
0x38e: {  	v12 =	vand.u32 $0x7F, v12  }
0x38f: {  	v10 =	vadd.f32 v11, v10;
	v11 =	vadd.s32 s31, v2;
	v12 =	vor.u32 v8, v12  }
0x390: {  	s30 =	simm.s32 $0x6;
	v11 =	vand.u32 $0x7F, v11  }
0x391: {  	v13 =	vadd.s32 s30, v0;
	v10 =	vmul.f32 v14, v10;
	v11 =	vor.u32 v8, v11  }
0x392: {  	s28 =	simm.s32 $0x4;
	v13 =	vand.u32 $0x7F, v13  }
0x393: {  	v13 =	vor.u32 v8, v13;
	[tilespmem:$0x106D0] =	vst v10;
	v10 =	vadd.s32 s28, v0  }
0x394: {  	s29 =	simm.s32 $0x2;
	v10 =	vand.u32 $0x7F, v10;
	v14 =	vld.idx.msk [tilespmem:v12+s16+$0x0], $0xffff  }
0x395: {  	v15 =	vadd.s32 s29, v0;
	v12 =	vld.idx.msk [tilespmem:v12+s18+$0x0], $0xffff;
	v16 =	vor.u32 v8, v10  }
0x396: {  	v10 =	vand.u32 $0x7F, v15;
	v18 =	vld.idx.msk [tilespmem:v11+s16+$0x0], $0xffff  }
0x397: {  	v15 =	vadd.s32 s29, v2;
	v17 =	vor.u32 v8, v10;
	v21 =	vld.idx.msk [tilespmem:v11+s18+$0x0], $0xffff  }
0x398: {  	v11 =	vand.u32 $0x7F, v15;
	v10 =	vld.idx.msk [tilespmem:v13+s16+$0x0], $0xffff  }
0x399: {  	v19 =	vadd.s32 s28, v2;
	v15 =	vor.u32 v8, v11;
	v11 =	vld.idx.msk [tilespmem:v13+s18+$0x0], $0xffff  }
0x39a: {  	v13 =	vand.u32 $0x7F, v19;
	v25 =	vld.idx.msk [tilespmem:v16+s16+$0x0], $0xffff  }
0x39b: {  	v19 =	vadd.s32 s30, v2;
	v13 =	vor.u32 v8, v13;
	v29 =	vld.idx.msk [tilespmem:v16+s18+$0x0], $0xffff  }
0x39c: {  	s31 =	simm.s32 $0x8;
	v16 =	vand.u32 $0x7F, v19;
	v22 =	vld.idx.msk [tilespmem:v17+s16+$0x0], $0xffff  }
0x39d: {  	v19 =	vadd.s32 s31, v0;
	v23 =	vld.idx.msk [tilespmem:v17+s18+$0x0], $0xffff;
	v24 =	vor.u32 v8, v16  }
0x39e: {  	v16 =	vand.u32 $0x7F, v19;
	v27 =	vld.idx.msk [tilespmem:v15+s16+$0x0], $0xffff  }
0x39f: {  	s26 =	simm.s32 $0xE;
	v17 =	vadd.s32 s31, v2;
	v26 =	vor.u32 v8, v16;
	v28 =	vld.idx.msk [tilespmem:v15+s18+$0x0], $0xffff  }
0x3a0: {  	v30 =	vimm.f32 $0.0e+00;
	v20 =	vadd.s32 s26, v0;
	s29 =	simm.s32 $0xC;
	v16 =	vand.u32 $0x7F, v17;
	v15 =	vld.idx.msk [tilespmem:v13+s16+$0x0], $0xffff  }
0x3a1: {  	v20 =	vand.u32 $0x7F, v20;
	s28 =	simm.s32 $0xA;
	v19 =	vor.u32 v8, v16;
	v16 =	vadd.s32 s29, v0;
	v17 =	vld.idx.msk [tilespmem:v13+s18+$0x0], $0xffff  }
0x3a2: {  	v20 =	vor.u32 v8, v20;
	v31 =	vadd.s32 s28, v0;
	v13 =	vand.u32 $0x7F, v16;
	v16 =	vld.idx.msk [tilespmem:v24+s16+$0x0], $0xffff  }
0x3a3: {  	v62 =	vadd.s32 s28, v2;
	v14 =	vmul.f32 v12, v14;
	v63 =	vmul.f32 v21, v18;
	v18 =	vld.idx.msk [tilespmem:v24+s18+$0x0], $0xffff  }
0x3a4: {  	v31 =	vand.u32 $0x7F, v31;
	v21 =	vor.u32 v8, v13;
	v23 =	vmul.f32 v23, v22;
	v12 =	vld.idx.msk [tilespmem:v26+s16+$0x0], $0xffff  }
0x3a5: {  	v24 =	vadd.f32 v63, v30;
	v13 =	vld.idx.msk [tilespmem:v26+s18+$0x0], $0xffff;
	v26 =	vadd.f32 v14, v30;
	v27 =	vmul.f32 v28, v27  }
0x3a6: {  	s28 =	simm.s32 $0x10;
	v25 =	vmul.f32 v29, v25;
	v22 =	vor.u32 v8, v31;
	v28 =	vand.u32 $0x7F, v62;
	v14 =	vld.idx.msk [tilespmem:v19+s16+$0x0], $0xffff  }
.LBB2_30:
0x3a7: {  	p0 =	slt.u32 s28, $0x78;
	v29 =	vld.idx.msk [tilespmem:v19+s18+$0x0], $0xffff;
	v19 =	vadd.f32 v23, v26;
	v23 =	vadd.f32 v27, v24;
	v15 =	vmul.f32 v17, v15  }
0x3a8: {  	v17 =	vor.u32 v8, v28;
	v24 =	vadd.s32 s29, v2;
	v26 =	vmul.f32 v11, v10;
	v10 =	vld.idx.msk [tilespmem:v20+s16+$0x0], $0xffff  }
0x3a9: {  	v16 =	vmul.f32 v18, v16;
	v11 =	vld.idx.msk [tilespmem:v20+s18+$0x0], $0xffff;
	v19 =	vadd.f32 v25, v19;
	v15 =	vadd.f32 v15, v23  }
0x3aa: {  	v18 =	vand.u32 $0x7F, v24;
	v20 =	vadd.s32 s26, v2;
	v25 =	vld.idx.msk [tilespmem:v21+s16+$0x0], $0xffff  }
0x3ab: {  	v18 =	vor.u32 v8, v18;
	v30 =	vld.idx.msk [tilespmem:v21+s18+$0x0], $0xffff;
	v24 =	vadd.f32 v26, v19;
	v27 =	vadd.f32 v16, v15  }
0x3ac: {  	v15 =	vand.u32 $0x7F, v20;
	v23 =	vld.idx.msk [tilespmem:v22+s16+$0x0], $0xffff  }
0x3ad: {  	v16 =	vadd.s32 s28, v0;
	v21 =	vor.u32 v8, v15;
	v22 =	vld.idx.msk [tilespmem:v22+s18+$0x0], $0xffff  }
0x3ae: {  	v15 =	vand.u32 $0x7F, v16;
	v28 =	vld.idx.msk [tilespmem:v17+s16+$0x0], $0xffff  }
0x3af: {  	s26 =	sadd.s32 $0x6, s28;
	v16 =	vadd.s32 s28, v2;
	v26 =	vor.u32 v8, v15;
	v31 =	vld.idx.msk [tilespmem:v17+s18+$0x0], $0xffff  }
0x3b0: {  	s30 =	sadd.s32 $0x2, s28;
	s29 =	sadd.s32 $0x4, s28;
	v20 =	vadd.s32 s26, v0;
	v16 =	vand.u32 $0x7F, v16;
	v15 =	vld.idx.msk [tilespmem:v18+s16+$0x0], $0xffff  }
0x3b1: {  	v32 =	vadd.s32 s30, v0;
	v19 =	vor.u32 v8, v16;
	v16 =	vadd.s32 s29, v0;
	v17 =	vld.idx.msk [tilespmem:v18+s18+$0x0], $0xffff  }
.Ltmp14:
0x3b2: {  	v33 =	vadd.s32 s30, v2;
	v34 =	vand.u32 $0x7F, v16;
	v18 =	vand.u32 $0x7F, v20;
	v16 =	vld.idx.msk [tilespmem:v21+s16+$0x0], $0xffff;
	(pc) =	sbr.rel @p0 .LBB2_30-.Ltmp14, $4  }
0x3b3: {  	v35 =	vmul.f32 v13, v12;
	v14 =	vmul.f32 v29, v14;
	v20 =	vor.u32 v8, v18;
	v18 =	vld.idx.msk [tilespmem:v21+s18+$0x0], $0xffff  }
0x3b4: {  	v29 =	vand.u32 $0x7F, v32;
	v23 =	vmul.f32 v22, v23;
	v21 =	vor.u32 v8, v34;
	v12 =	vld.idx.msk [tilespmem:v26+s16+$0x0], $0xffff  }
0x3b5: {  	v13 =	vld.idx.msk [tilespmem:v26+s18+$0x0], $0xffff;
	v26 =	vadd.f32 v35, v24;
	v24 =	vadd.f32 v14, v27;
	v27 =	vmul.f32 v31, v28  }
0x3b6: {  	s28 =	sadd.s32 $0x8, s28;
	v25 =	vmul.f32 v30, v25;
	v22 =	vor.u32 v8, v29;
	v28 =	vand.u32 $0x7F, v33;
	v14 =	vld.idx.msk [tilespmem:v19+s16+$0x0], $0xffff  }
0x3b7: {  	_ =	sdelay $0x3  }
0x3b8: {  	v19 =	vld.idx.msk [tilespmem:v19+s18+$0x0], $0xffff  }
0x3b9: {  	v29 =	vld.idx.msk [tilespmem:v20+s16+$0x0], $0xffff  }
0x3ba: {  	v28 =	vor.u32 v8, v28;
	v30 =	vadd.s32 s29, v2;
	v20 =	vld.idx.msk [tilespmem:v20+s18+$0x0], $0xffff  }
0x3bb: {  	v31 =	vld.idx.msk [tilespmem:v21+s16+$0x0], $0xffff;
	v30 =	vand.u32 $0x7F, v30  }
0x3bc: {  	v32 =	vadd.s32 s26, v2;
	v21 =	vld.idx.msk [tilespmem:v21+s18+$0x0], $0xffff;
	v30 =	vor.u32 v8, v30  }
0x3bd: {  	v33 =	vld.idx.msk [tilespmem:v22+s16+$0x0], $0xffff;
	v32 =	vand.u32 $0x7F, v32  }
0x3be: {  	v23 =	vadd.f32 v23, v26;
	v22 =	vld.idx.msk [tilespmem:v22+s18+$0x0], $0xffff;
	v26 =	vor.u32 v8, v32  }
0x3bf: {  	v24 =	vadd.f32 v27, v24;
	v15 =	vmul.f32 v17, v15;
	v17 =	vld.idx.msk [tilespmem:v28+s16+$0x0], $0xffff  }
0x3c0: {  	v10 =	vmul.f32 v11, v10;
	v11 =	vadd.f32 v25, v23;
	v23 =	vld.idx.msk [tilespmem:v28+s18+$0x0], $0xffff  }
0x3c1: {  	v16 =	vmul.f32 v18, v16;
	v15 =	vadd.f32 v15, v24;
	v18 =	vld.idx.msk [tilespmem:v30+s16+$0x0], $0xffff  }
0x3c2: {  	v12 =	vmul.f32 v13, v12;
	v10 =	vadd.f32 v10, v11;
	v11 =	vld.idx.msk [tilespmem:v30+s18+$0x0], $0xffff  }
0x3c3: {  	v15 =	vadd.f32 v16, v15;
	v13 =	vmul.f32 v19, v14;
	v16 =	vld.idx.msk [tilespmem:v26+s16+$0x0], $0xffff  }
0x3c4: {  	v19 =	vmul.f32 v22, v33;
	v10 =	vadd.f32 v12, v10;
	v14 =	vld.idx.msk [tilespmem:v26+s18+$0x0], $0xffff  }
0x3c5: {  	v12 =	vadd.f32 v13, v15;
	v13 =	vmul.f32 v23, v17  }
0x3c6: {  	v15 =	vmul.f32 v21, v31;
	v10 =	vadd.f32 v19, v10  }
0x3c7: {  	v12 =	vadd.f32 v13, v12;
	v11 =	vmul.f32 v11, v18  }
0x3c8: {  	v10 =	vadd.f32 v15, v10  }
0x3c9: {  	v13 =	vmul.f32 v20, v29;
	v11 =	vadd.f32 v11, v12;
	v12 =	vmul.f32 v14, v16  }
0x3ca: {  	s31 =	simm.s32 $0x0;
	v14 =	vld [tilespmem:$0x104E0]  }
0x3cb: {  	v10 =	vadd.f32 v13, v10;
	v11 =	vadd.f32 v12, v11;
	v12 =	vadd.s32 s31, v0  }
0x3cc: {  	v12 =	vand.u32 $0x7F, v12  }
0x3cd: {  	v10 =	vadd.f32 v11, v10;
	v11 =	vadd.s32 s31, v2;
	v12 =	vor.u32 v9, v12  }
0x3ce: {  	s30 =	simm.s32 $0x6;
	v11 =	vand.u32 $0x7F, v11  }
0x3cf: {  	v13 =	vadd.s32 s30, v0;
	v10 =	vmul.f32 v14, v10;
	v11 =	vor.u32 v9, v11  }
0x3d0: {  	s28 =	simm.s32 $0x4;
	v13 =	vand.u32 $0x7F, v13  }
0x3d1: {  	v13 =	vor.u32 v9, v13;
	[tilespmem:$0x106E0] =	vst v10;
	v10 =	vadd.s32 s28, v0  }
0x3d2: {  	s29 =	simm.s32 $0x2;
	v10 =	vand.u32 $0x7F, v10;
	v14 =	vld.idx.msk [tilespmem:v12+s16+$0x0], $0xffff  }
0x3d3: {  	v15 =	vadd.s32 s29, v0;
	v12 =	vld.idx.msk [tilespmem:v12+s18+$0x0], $0xffff;
	v16 =	vor.u32 v9, v10  }
0x3d4: {  	v10 =	vand.u32 $0x7F, v15;
	v18 =	vld.idx.msk [tilespmem:v11+s16+$0x0], $0xffff  }
0x3d5: {  	v15 =	vadd.s32 s29, v2;
	v17 =	vor.u32 v9, v10;
	v21 =	vld.idx.msk [tilespmem:v11+s18+$0x0], $0xffff  }
0x3d6: {  	v11 =	vand.u32 $0x7F, v15;
	v10 =	vld.idx.msk [tilespmem:v13+s16+$0x0], $0xffff  }
0x3d7: {  	v19 =	vadd.s32 s28, v2;
	v15 =	vor.u32 v9, v11;
	v11 =	vld.idx.msk [tilespmem:v13+s18+$0x0], $0xffff  }
0x3d8: {  	v13 =	vand.u32 $0x7F, v19;
	v25 =	vld.idx.msk [tilespmem:v16+s16+$0x0], $0xffff  }
0x3d9: {  	v19 =	vadd.s32 s30, v2;
	v13 =	vor.u32 v9, v13;
	v29 =	vld.idx.msk [tilespmem:v16+s18+$0x0], $0xffff  }
0x3da: {  	s31 =	simm.s32 $0x8;
	v16 =	vand.u32 $0x7F, v19;
	v22 =	vld.idx.msk [tilespmem:v17+s16+$0x0], $0xffff  }
0x3db: {  	v19 =	vadd.s32 s31, v0;
	v23 =	vld.idx.msk [tilespmem:v17+s18+$0x0], $0xffff;
	v24 =	vor.u32 v9, v16  }
0x3dc: {  	v16 =	vand.u32 $0x7F, v19;
	v27 =	vld.idx.msk [tilespmem:v15+s16+$0x0], $0xffff  }
0x3dd: {  	s26 =	simm.s32 $0xE;
	v17 =	vadd.s32 s31, v2;
	v26 =	vor.u32 v9, v16;
	v28 =	vld.idx.msk [tilespmem:v15+s18+$0x0], $0xffff  }
0x3de: {  	v30 =	vimm.f32 $0.0e+00;
	v20 =	vadd.s32 s26, v0;
	s29 =	simm.s32 $0xC;
	v16 =	vand.u32 $0x7F, v17;
	v15 =	vld.idx.msk [tilespmem:v13+s16+$0x0], $0xffff  }
0x3df: {  	v20 =	vand.u32 $0x7F, v20;
	s28 =	simm.s32 $0xA;
	v19 =	vor.u32 v9, v16;
	v16 =	vadd.s32 s29, v0;
	v17 =	vld.idx.msk [tilespmem:v13+s18+$0x0], $0xffff  }
0x3e0: {  	v20 =	vor.u32 v9, v20;
	v31 =	vadd.s32 s28, v0;
	v13 =	vand.u32 $0x7F, v16;
	v16 =	vld.idx.msk [tilespmem:v24+s16+$0x0], $0xffff  }
0x3e1: {  	v62 =	vadd.s32 s28, v2;
	v14 =	vmul.f32 v12, v14;
	v63 =	vmul.f32 v21, v18;
	v18 =	vld.idx.msk [tilespmem:v24+s18+$0x0], $0xffff  }
0x3e2: {  	v31 =	vand.u32 $0x7F, v31;
	v21 =	vor.u32 v9, v13;
	v23 =	vmul.f32 v23, v22;
	v12 =	vld.idx.msk [tilespmem:v26+s16+$0x0], $0xffff  }
0x3e3: {  	v24 =	vadd.f32 v63, v30;
	v13 =	vld.idx.msk [tilespmem:v26+s18+$0x0], $0xffff;
	v26 =	vadd.f32 v14, v30;
	v27 =	vmul.f32 v28, v27  }
0x3e4: {  	s28 =	simm.s32 $0x10;
	v25 =	vmul.f32 v29, v25;
	v22 =	vor.u32 v9, v31;
	v28 =	vand.u32 $0x7F, v62;
	v14 =	vld.idx.msk [tilespmem:v19+s16+$0x0], $0xffff  }
.LBB2_32:
0x3e5: {  	p0 =	slt.u32 s28, $0x78;
	v29 =	vld.idx.msk [tilespmem:v19+s18+$0x0], $0xffff;
	v19 =	vadd.f32 v23, v26;
	v23 =	vadd.f32 v27, v24;
	v15 =	vmul.f32 v17, v15  }
0x3e6: {  	v17 =	vor.u32 v9, v28;
	v24 =	vadd.s32 s29, v2;
	v26 =	vmul.f32 v11, v10;
	v10 =	vld.idx.msk [tilespmem:v20+s16+$0x0], $0xffff  }
0x3e7: {  	v16 =	vmul.f32 v18, v16;
	v11 =	vld.idx.msk [tilespmem:v20+s18+$0x0], $0xffff;
	v19 =	vadd.f32 v25, v19;
	v15 =	vadd.f32 v15, v23  }
0x3e8: {  	v18 =	vand.u32 $0x7F, v24;
	v20 =	vadd.s32 s26, v2;
	v25 =	vld.idx.msk [tilespmem:v21+s16+$0x0], $0xffff  }
0x3e9: {  	v18 =	vor.u32 v9, v18;
	v30 =	vld.idx.msk [tilespmem:v21+s18+$0x0], $0xffff;
	v24 =	vadd.f32 v26, v19;
	v27 =	vadd.f32 v16, v15  }
0x3ea: {  	v15 =	vand.u32 $0x7F, v20;
	v23 =	vld.idx.msk [tilespmem:v22+s16+$0x0], $0xffff  }
0x3eb: {  	v16 =	vadd.s32 s28, v0;
	v21 =	vor.u32 v9, v15;
	v22 =	vld.idx.msk [tilespmem:v22+s18+$0x0], $0xffff  }
0x3ec: {  	v15 =	vand.u32 $0x7F, v16;
	v28 =	vld.idx.msk [tilespmem:v17+s16+$0x0], $0xffff  }
0x3ed: {  	s26 =	sadd.s32 $0x6, s28;
	v16 =	vadd.s32 s28, v2;
	v26 =	vor.u32 v9, v15;
	v31 =	vld.idx.msk [tilespmem:v17+s18+$0x0], $0xffff  }
0x3ee: {  	s30 =	sadd.s32 $0x2, s28;
	s29 =	sadd.s32 $0x4, s28;
	v20 =	vadd.s32 s26, v0;
	v16 =	vand.u32 $0x7F, v16;
	v15 =	vld.idx.msk [tilespmem:v18+s16+$0x0], $0xffff  }
0x3ef: {  	v32 =	vadd.s32 s30, v0;
	v19 =	vor.u32 v9, v16;
	v16 =	vadd.s32 s29, v0;
	v17 =	vld.idx.msk [tilespmem:v18+s18+$0x0], $0xffff  }
.Ltmp15:
0x3f0: {  	v33 =	vadd.s32 s30, v2;
	v34 =	vand.u32 $0x7F, v16;
	v18 =	vand.u32 $0x7F, v20;
	v16 =	vld.idx.msk [tilespmem:v21+s16+$0x0], $0xffff;
	(pc) =	sbr.rel @p0 .LBB2_32-.Ltmp15, $4  }
0x3f1: {  	v35 =	vmul.f32 v13, v12;
	v14 =	vmul.f32 v29, v14;
	v20 =	vor.u32 v9, v18;
	v18 =	vld.idx.msk [tilespmem:v21+s18+$0x0], $0xffff  }
0x3f2: {  	v29 =	vand.u32 $0x7F, v32;
	v23 =	vmul.f32 v22, v23;
	v21 =	vor.u32 v9, v34;
	v12 =	vld.idx.msk [tilespmem:v26+s16+$0x0], $0xffff  }
0x3f3: {  	v13 =	vld.idx.msk [tilespmem:v26+s18+$0x0], $0xffff;
	v26 =	vadd.f32 v35, v24;
	v24 =	vadd.f32 v14, v27;
	v27 =	vmul.f32 v31, v28  }
0x3f4: {  	s28 =	sadd.s32 $0x8, s28;
	v25 =	vmul.f32 v30, v25;
	v22 =	vor.u32 v9, v29;
	v28 =	vand.u32 $0x7F, v33;
	v14 =	vld.idx.msk [tilespmem:v19+s16+$0x0], $0xffff  }
0x3f5: {  	_ =	sdelay $0x3  }
0x3f6: {  	v19 =	vld.idx.msk [tilespmem:v19+s18+$0x0], $0xffff  }
0x3f7: {  	v29 =	vld.idx.msk [tilespmem:v20+s16+$0x0], $0xffff  }
0x3f8: {  	v28 =	vor.u32 v9, v28;
	v30 =	vadd.s32 s29, v2;
	v20 =	vld.idx.msk [tilespmem:v20+s18+$0x0], $0xffff  }
0x3f9: {  	v31 =	vld.idx.msk [tilespmem:v21+s16+$0x0], $0xffff;
	v30 =	vand.u32 $0x7F, v30  }
0x3fa: {  	v32 =	vadd.s32 s26, v2;
	v21 =	vld.idx.msk [tilespmem:v21+s18+$0x0], $0xffff;
	v30 =	vor.u32 v9, v30  }
0x3fb: {  	v33 =	vld.idx.msk [tilespmem:v22+s16+$0x0], $0xffff;
	v32 =	vand.u32 $0x7F, v32  }
0x3fc: {  	v23 =	vadd.f32 v23, v26;
	v22 =	vld.idx.msk [tilespmem:v22+s18+$0x0], $0xffff;
	v26 =	vor.u32 v9, v32  }
0x3fd: {  	v24 =	vadd.f32 v27, v24;
	v15 =	vmul.f32 v17, v15;
	v17 =	vld.idx.msk [tilespmem:v28+s16+$0x0], $0xffff  }
0x3fe: {  	v10 =	vmul.f32 v11, v10;
	v11 =	vadd.f32 v25, v23;
	v23 =	vld.idx.msk [tilespmem:v28+s18+$0x0], $0xffff  }
0x3ff: {  	v16 =	vmul.f32 v18, v16;
	v15 =	vadd.f32 v15, v24;
	v18 =	vld.idx.msk [tilespmem:v30+s16+$0x0], $0xffff  }
0x400: {  	v12 =	vmul.f32 v13, v12;
	v10 =	vadd.f32 v10, v11;
	v11 =	vld.idx.msk [tilespmem:v30+s18+$0x0], $0xffff  }
0x401: {  	v15 =	vadd.f32 v16, v15;
	v13 =	vmul.f32 v19, v14;
	v16 =	vld.idx.msk [tilespmem:v26+s16+$0x0], $0xffff  }
0x402: {  	v19 =	vmul.f32 v22, v33;
	v10 =	vadd.f32 v12, v10;
	v14 =	vld.idx.msk [tilespmem:v26+s18+$0x0], $0xffff  }
0x403: {  	v12 =	vadd.f32 v13, v15;
	v13 =	vmul.f32 v23, v17  }
0x404: {  	v15 =	vmul.f32 v21, v31;
	v10 =	vadd.f32 v19, v10  }
0x405: {  	v12 =	vadd.f32 v13, v12;
	v11 =	vmul.f32 v11, v18  }
0x406: {  	v10 =	vadd.f32 v15, v10  }
0x407: {  	v13 =	vmul.f32 v20, v29;
	v11 =	vadd.f32 v11, v12;
	v12 =	vmul.f32 v14, v16  }
0x408: {  	v14 =	vld [tilespmem:$0x104F0]  }
0x409: {  	v10 =	vadd.f32 v13, v10;
	v11 =	vadd.f32 v12, v11;
	_ =	sdelay $0x1  }
0x40a: {  	v10 =	vadd.f32 v11, v10;
	_ =	sdelay $0x1  }
0x40b: {  	v10 =	vmul.f32 v14, v10;
	_ =	sdelay $0x1  }
0x40c: {  	[tilespmem:$0x106F0] =	vst v10  }
0x40d: {  	_ =	swait.ge [sflag:s15], $0x4000  }
0x40e: {  	s31 =	simm.s32 $0x0;
	[sflag:s15] =	ssyncset.done $0x0  }
0x40f: {  	v10 =	vadd.s32 s31, v0;
	[sflag:s15] =	ssyncadd.s32 $0xFFFFC000  }
0x410: {  	v10 =	vand.u32 $0x7F, v10;
	_ =	swait.ge [sflag:s15], $0x4000  }
0x411: {  	v11 =	vadd.s32 s31, v2;
	v10 =	vor.u32 v1, v10;
	[sflag:s15] =	ssyncset.done $0x0  }
0x412: {  	s30 =	simm.s32 $0x6;
	s28 =	simm.s32 $0x4;
	v11 =	vand.u32 $0x7F, v11;
	[sflag:s15] =	ssyncadd.s32 $0xFFFFC000  }
0x413: {  	v13 =	vadd.s32 s28, v0;
	v11 =	vor.u32 v1, v11;
	[tilespmem:s16], [sflag:$0x2] =	stream.indirect.gather [hbm4b:s1+s12], $0x80, s22, s12, $0xb8;
	[tilespmem:$0x10800] =	vst v63  }
0x414: {  	v13 =	vand.u32 $0x7F, v13;
	v12 =	vadd.s32 s30, v0  }
0x415: {  	v13 =	vor.u32 v1, v13;
	v12 =	vand.u32 $0x7F, v12;
	[tilespmem:s18], [sflag:$0x2] =	stream.indirect.gather [hbm4b:s1+s12], $0x80, s23, s12, $0xb8;
	[tilespmem:$0x10800] =	vst v63  }
0x416: {  	s29 =	simm.s32 $0x2;
	v12 =	vor.u32 v1, v12;
	v14 =	vld.idx.msk [tilespmem:v10+s13+$0x0], $0xffff  }
0x417: {  	v15 =	vadd.s32 s29, v0;
	v18 =	vld.idx.msk [tilespmem:v10+s14+$0x0], $0xffff  }
0x418: {  	v10 =	vand.u32 $0x7F, v15;
	v21 =	vld.idx.msk [tilespmem:v11+s13+$0x0], $0xffff  }
0x419: {  	v15 =	vadd.s32 s29, v2;
	v22 =	vld.idx.msk [tilespmem:v11+s14+$0x0], $0xffff;
	v16 =	vor.u32 v1, v10  }
0x41a: {  	v25 =	vld.idx.msk [tilespmem:v13+s13+$0x0], $0xffff;
	v11 =	vand.u32 $0x7F, v15  }
0x41b: {  	v17 =	vadd.s32 s28, v2;
	v10 =	vld.idx.msk [tilespmem:v12+s13+$0x0], $0xffff;
	v15 =	vor.u32 v1, v11  }
0x41c: {  	v11 =	vld.idx.msk [tilespmem:v12+s14+$0x0], $0xffff;
	v12 =	vand.u32 $0x7F, v17  }
0x41d: {  	v29 =	vld.idx.msk [tilespmem:v13+s14+$0x0], $0xffff;
	v17 =	vadd.s32 s30, v2;
	v12 =	vor.u32 v1, v12  }
0x41e: {  	s31 =	simm.s32 $0x8;
	v17 =	vand.u32 $0x7F, v17;
	v13 =	vld.idx.msk [tilespmem:v16+s13+$0x0], $0xffff  }
0x41f: {  	v19 =	vadd.s32 s31, v0;
	v24 =	vor.u32 v1, v17;
	v23 =	vld.idx.msk [tilespmem:v16+s14+$0x0], $0xffff  }
0x420: {  	v16 =	vand.u32 $0x7F, v19;
	v27 =	vld.idx.msk [tilespmem:v15+s13+$0x0], $0xffff  }
0x421: {  	s26 =	simm.s32 $0xE;
	v17 =	vadd.s32 s31, v2;
	v26 =	vor.u32 v1, v16;
	v28 =	vld.idx.msk [tilespmem:v15+s14+$0x0], $0xffff  }
0x422: {  	v30 =	vimm.f32 $0.0e+00;
	v20 =	vadd.s32 s26, v0;
	s28 =	simm.s32 $0xA;
	s29 =	simm.s32 $0xC;
	v16 =	vand.u32 $0x7F, v17;
	v15 =	vld.idx.msk [tilespmem:v12+s13+$0x0], $0xffff  }
0x423: {  	v31 =	vadd.s32 s28, v0;
	v19 =	vor.u32 v1, v16;
	v16 =	vadd.s32 s29, v0;
	v17 =	vld.idx.msk [tilespmem:v12+s14+$0x0], $0xffff  }
0x424: {  	v22 =	vmul.f32 v22, v21;
	v12 =	vand.u32 $0x7F, v20;
	v63 =	vand.u32 $0x7F, v16;
	v16 =	vld.idx.msk [tilespmem:v24+s13+$0x0], $0xffff  }
0x425: {  	v62 =	vadd.s32 s28, v2;
	v14 =	vmul.f32 v18, v14;
	v20 =	vor.u32 v1, v12;
	v18 =	vld.idx.msk [tilespmem:v24+s14+$0x0], $0xffff  }
0x426: {  	v31 =	vand.u32 $0x7F, v31;
	v24 =	vadd.f32 v22, v30;
	v21 =	vor.u32 v1, v63;
	v12 =	vld.idx.msk [tilespmem:v26+s13+$0x0], $0xffff  }
0x427: {  	v23 =	vmul.f32 v23, v13;
	v13 =	vld.idx.msk [tilespmem:v26+s14+$0x0], $0xffff;
	v26 =	vadd.f32 v14, v30;
	v27 =	vmul.f32 v28, v27  }
0x428: {  	s28 =	simm.s32 $0x10;
	v25 =	vmul.f32 v29, v25;
	v22 =	vor.u32 v1, v31;
	v28 =	vand.u32 $0x7F, v62;
	v14 =	vld.idx.msk [tilespmem:v19+s13+$0x0], $0xffff  }
.LBB2_34:
0x429: {  	p0 =	slt.u32 s28, $0x78;
	v29 =	vld.idx.msk [tilespmem:v19+s14+$0x0], $0xffff;
	v19 =	vadd.f32 v23, v26;
	v23 =	vadd.f32 v27, v24;
	v15 =	vmul.f32 v17, v15  }
0x42a: {  	v17 =	vor.u32 v1, v28;
	v24 =	vadd.s32 s29, v2;
	v26 =	vmul.f32 v11, v10;
	v10 =	vld.idx.msk [tilespmem:v20+s13+$0x0], $0xffff  }
0x42b: {  	v16 =	vmul.f32 v18, v16;
	v11 =	vld.idx.msk [tilespmem:v20+s14+$0x0], $0xffff;
	v19 =	vadd.f32 v25, v19;
	v15 =	vadd.f32 v15, v23  }
0x42c: {  	v18 =	vand.u32 $0x7F, v24;
	v20 =	vadd.s32 s26, v2;
	v25 =	vld.idx.msk [tilespmem:v21+s13+$0x0], $0xffff  }
0x42d: {  	v18 =	vor.u32 v1, v18;
	v30 =	vld.idx.msk [tilespmem:v21+s14+$0x0], $0xffff;
	v24 =	vadd.f32 v26, v19;
	v27 =	vadd.f32 v16, v15  }
0x42e: {  	v15 =	vand.u32 $0x7F, v20;
	v23 =	vld.idx.msk [tilespmem:v22+s13+$0x0], $0xffff  }
0x42f: {  	v16 =	vadd.s32 s28, v0;
	v21 =	vor.u32 v1, v15;
	v22 =	vld.idx.msk [tilespmem:v22+s14+$0x0], $0xffff  }
0x430: {  	v15 =	vand.u32 $0x7F, v16;
	v28 =	vld.idx.msk [tilespmem:v17+s13+$0x0], $0xffff  }
0x431: {  	s26 =	sadd.s32 $0x6, s28;
	v16 =	vadd.s32 s28, v2;
	v26 =	vor.u32 v1, v15;
	v31 =	vld.idx.msk [tilespmem:v17+s14+$0x0], $0xffff  }
0x432: {  	s30 =	sadd.s32 $0x2, s28;
	s29 =	sadd.s32 $0x4, s28;
	v20 =	vadd.s32 s26, v0;
	v16 =	vand.u32 $0x7F, v16;
	v15 =	vld.idx.msk [tilespmem:v18+s13+$0x0], $0xffff  }
0x433: {  	v32 =	vadd.s32 s30, v0;
	v19 =	vor.u32 v1, v16;
	v16 =	vadd.s32 s29, v0;
	v17 =	vld.idx.msk [tilespmem:v18+s14+$0x0], $0xffff  }
.Ltmp16:
0x434: {  	v33 =	vadd.s32 s30, v2;
	v34 =	vand.u32 $0x7F, v16;
	v18 =	vand.u32 $0x7F, v20;
	v16 =	vld.idx.msk [tilespmem:v21+s13+$0x0], $0xffff;
	(pc) =	sbr.rel @p0 .LBB2_34-.Ltmp16, $4  }
0x435: {  	v35 =	vmul.f32 v13, v12;
	v14 =	vmul.f32 v29, v14;
	v20 =	vor.u32 v1, v18;
	v18 =	vld.idx.msk [tilespmem:v21+s14+$0x0], $0xffff  }
0x436: {  	v29 =	vand.u32 $0x7F, v32;
	v23 =	vmul.f32 v22, v23;
	v21 =	vor.u32 v1, v34;
	v12 =	vld.idx.msk [tilespmem:v26+s13+$0x0], $0xffff  }
0x437: {  	v13 =	vld.idx.msk [tilespmem:v26+s14+$0x0], $0xffff;
	v26 =	vadd.f32 v35, v24;
	v24 =	vadd.f32 v14, v27;
	v27 =	vmul.f32 v31, v28  }
0x438: {  	s28 =	sadd.s32 $0x8, s28;
	v25 =	vmul.f32 v30, v25;
	v22 =	vor.u32 v1, v29;
	v28 =	vand.u32 $0x7F, v33;
	v14 =	vld.idx.msk [tilespmem:v19+s13+$0x0], $0xffff  }
0x439: {  	_ =	sdelay $0x3  }
0x43a: {  	v19 =	vld.idx.msk [tilespmem:v19+s14+$0x0], $0xffff  }
0x43b: {  	v29 =	vld.idx.msk [tilespmem:v20+s13+$0x0], $0xffff  }
0x43c: {  	v28 =	vor.u32 v1, v28;
	v30 =	vadd.s32 s29, v2;
	v20 =	vld.idx.msk [tilespmem:v20+s14+$0x0], $0xffff  }
0x43d: {  	v31 =	vld.idx.msk [tilespmem:v21+s13+$0x0], $0xffff;
	v30 =	vand.u32 $0x7F, v30  }
0x43e: {  	v32 =	vadd.s32 s26, v2;
	v21 =	vld.idx.msk [tilespmem:v21+s14+$0x0], $0xffff;
	v30 =	vor.u32 v1, v30  }
0x43f: {  	v33 =	vld.idx.msk [tilespmem:v22+s13+$0x0], $0xffff;
	v32 =	vand.u32 $0x7F, v32  }
0x440: {  	v23 =	vadd.f32 v23, v26;
	v22 =	vld.idx.msk [tilespmem:v22+s14+$0x0], $0xffff;
	v26 =	vor.u32 v1, v32  }
0x441: {  	v24 =	vadd.f32 v27, v24;
	v15 =	vmul.f32 v17, v15;
	v17 =	vld.idx.msk [tilespmem:v28+s13+$0x0], $0xffff  }
0x442: {  	v10 =	vmul.f32 v11, v10;
	v11 =	vadd.f32 v25, v23;
	v23 =	vld.idx.msk [tilespmem:v28+s14+$0x0], $0xffff  }
0x443: {  	v16 =	vmul.f32 v18, v16;
	v15 =	vadd.f32 v15, v24;
	v18 =	vld.idx.msk [tilespmem:v30+s13+$0x0], $0xffff  }
0x444: {  	v12 =	vmul.f32 v13, v12;
	v10 =	vadd.f32 v10, v11;
	v11 =	vld.idx.msk [tilespmem:v30+s14+$0x0], $0xffff  }
0x445: {  	v15 =	vadd.f32 v16, v15;
	v13 =	vmul.f32 v19, v14;
	v16 =	vld.idx.msk [tilespmem:v26+s13+$0x0], $0xffff  }
0x446: {  	v19 =	vmul.f32 v22, v33;
	v10 =	vadd.f32 v12, v10;
	v14 =	vld.idx.msk [tilespmem:v26+s14+$0x0], $0xffff  }
0x447: {  	v12 =	vadd.f32 v13, v15;
	v13 =	vmul.f32 v23, v17  }
0x448: {  	v15 =	vmul.f32 v21, v31;
	v10 =	vadd.f32 v19, v10  }
0x449: {  	v12 =	vadd.f32 v13, v12;
	v11 =	vmul.f32 v11, v18  }
0x44a: {  	v10 =	vadd.f32 v15, v10  }
0x44b: {  	v13 =	vmul.f32 v20, v29;
	v11 =	vadd.f32 v11, v12;
	v12 =	vmul.f32 v14, v16  }
0x44c: {  	s31 =	simm.s32 $0x0;
	v14 =	vld [tilespmem:$0x10500]  }
0x44d: {  	v10 =	vadd.f32 v13, v10;
	v11 =	vadd.f32 v12, v11;
	v12 =	vadd.s32 s31, v0  }
0x44e: {  	v12 =	vand.u32 $0x7F, v12  }
0x44f: {  	v10 =	vadd.f32 v11, v10;
	v11 =	vadd.s32 s31, v2;
	v12 =	vor.u32 v3, v12  }
0x450: {  	s30 =	simm.s32 $0x6;
	v11 =	vand.u32 $0x7F, v11  }
0x451: {  	v13 =	vadd.s32 s30, v0;
	v10 =	vmul.f32 v14, v10;
	v11 =	vor.u32 v3, v11  }
0x452: {  	s28 =	simm.s32 $0x4;
	v13 =	vand.u32 $0x7F, v13  }
0x453: {  	v13 =	vor.u32 v3, v13;
	[tilespmem:$0x10700] =	vst v10;
	v10 =	vadd.s32 s28, v0  }
0x454: {  	s29 =	simm.s32 $0x2;
	v10 =	vand.u32 $0x7F, v10;
	v14 =	vld.idx.msk [tilespmem:v12+s13+$0x0], $0xffff  }
0x455: {  	v15 =	vadd.s32 s29, v0;
	v12 =	vld.idx.msk [tilespmem:v12+s14+$0x0], $0xffff;
	v16 =	vor.u32 v3, v10  }
0x456: {  	v10 =	vand.u32 $0x7F, v15;
	v18 =	vld.idx.msk [tilespmem:v11+s13+$0x0], $0xffff  }
0x457: {  	v15 =	vadd.s32 s29, v2;
	v17 =	vor.u32 v3, v10;
	v21 =	vld.idx.msk [tilespmem:v11+s14+$0x0], $0xffff  }
0x458: {  	v11 =	vand.u32 $0x7F, v15;
	v10 =	vld.idx.msk [tilespmem:v13+s13+$0x0], $0xffff  }
0x459: {  	v19 =	vadd.s32 s28, v2;
	v15 =	vor.u32 v3, v11;
	v11 =	vld.idx.msk [tilespmem:v13+s14+$0x0], $0xffff  }
0x45a: {  	v13 =	vand.u32 $0x7F, v19;
	v25 =	vld.idx.msk [tilespmem:v16+s13+$0x0], $0xffff  }
0x45b: {  	v19 =	vadd.s32 s30, v2;
	v13 =	vor.u32 v3, v13;
	v29 =	vld.idx.msk [tilespmem:v16+s14+$0x0], $0xffff  }
0x45c: {  	s31 =	simm.s32 $0x8;
	v16 =	vand.u32 $0x7F, v19;
	v22 =	vld.idx.msk [tilespmem:v17+s13+$0x0], $0xffff  }
0x45d: {  	v19 =	vadd.s32 s31, v0;
	v23 =	vld.idx.msk [tilespmem:v17+s14+$0x0], $0xffff;
	v24 =	vor.u32 v3, v16  }
0x45e: {  	v16 =	vand.u32 $0x7F, v19;
	v27 =	vld.idx.msk [tilespmem:v15+s13+$0x0], $0xffff  }
0x45f: {  	s26 =	simm.s32 $0xE;
	v17 =	vadd.s32 s31, v2;
	v26 =	vor.u32 v3, v16;
	v28 =	vld.idx.msk [tilespmem:v15+s14+$0x0], $0xffff  }
0x460: {  	v30 =	vimm.f32 $0.0e+00;
	v20 =	vadd.s32 s26, v0;
	s29 =	simm.s32 $0xC;
	v16 =	vand.u32 $0x7F, v17;
	v15 =	vld.idx.msk [tilespmem:v13+s13+$0x0], $0xffff  }
0x461: {  	v20 =	vand.u32 $0x7F, v20;
	s28 =	simm.s32 $0xA;
	v19 =	vor.u32 v3, v16;
	v16 =	vadd.s32 s29, v0;
	v17 =	vld.idx.msk [tilespmem:v13+s14+$0x0], $0xffff  }
0x462: {  	v20 =	vor.u32 v3, v20;
	v31 =	vadd.s32 s28, v0;
	v13 =	vand.u32 $0x7F, v16;
	v16 =	vld.idx.msk [tilespmem:v24+s13+$0x0], $0xffff  }
0x463: {  	v62 =	vadd.s32 s28, v2;
	v14 =	vmul.f32 v12, v14;
	v63 =	vmul.f32 v21, v18;
	v18 =	vld.idx.msk [tilespmem:v24+s14+$0x0], $0xffff  }
0x464: {  	v31 =	vand.u32 $0x7F, v31;
	v21 =	vor.u32 v3, v13;
	v23 =	vmul.f32 v23, v22;
	v12 =	vld.idx.msk [tilespmem:v26+s13+$0x0], $0xffff  }
0x465: {  	v24 =	vadd.f32 v63, v30;
	v13 =	vld.idx.msk [tilespmem:v26+s14+$0x0], $0xffff;
	v26 =	vadd.f32 v14, v30;
	v27 =	vmul.f32 v28, v27  }
0x466: {  	s28 =	simm.s32 $0x10;
	v25 =	vmul.f32 v29, v25;
	v22 =	vor.u32 v3, v31;
	v28 =	vand.u32 $0x7F, v62;
	v14 =	vld.idx.msk [tilespmem:v19+s13+$0x0], $0xffff  }
.LBB2_36:
0x467: {  	p0 =	slt.u32 s28, $0x78;
	v29 =	vld.idx.msk [tilespmem:v19+s14+$0x0], $0xffff;
	v19 =	vadd.f32 v23, v26;
	v23 =	vadd.f32 v27, v24;
	v15 =	vmul.f32 v17, v15  }
0x468: {  	v17 =	vor.u32 v3, v28;
	v24 =	vadd.s32 s29, v2;
	v26 =	vmul.f32 v11, v10;
	v10 =	vld.idx.msk [tilespmem:v20+s13+$0x0], $0xffff  }
0x469: {  	v16 =	vmul.f32 v18, v16;
	v11 =	vld.idx.msk [tilespmem:v20+s14+$0x0], $0xffff;
	v19 =	vadd.f32 v25, v19;
	v15 =	vadd.f32 v15, v23  }
0x46a: {  	v18 =	vand.u32 $0x7F, v24;
	v20 =	vadd.s32 s26, v2;
	v25 =	vld.idx.msk [tilespmem:v21+s13+$0x0], $0xffff  }
0x46b: {  	v18 =	vor.u32 v3, v18;
	v30 =	vld.idx.msk [tilespmem:v21+s14+$0x0], $0xffff;
	v24 =	vadd.f32 v26, v19;
	v27 =	vadd.f32 v16, v15  }
0x46c: {  	v15 =	vand.u32 $0x7F, v20;
	v23 =	vld.idx.msk [tilespmem:v22+s13+$0x0], $0xffff  }
0x46d: {  	v16 =	vadd.s32 s28, v0;
	v21 =	vor.u32 v3, v15;
	v22 =	vld.idx.msk [tilespmem:v22+s14+$0x0], $0xffff  }
0x46e: {  	v15 =	vand.u32 $0x7F, v16;
	v28 =	vld.idx.msk [tilespmem:v17+s13+$0x0], $0xffff  }
0x46f: {  	s26 =	sadd.s32 $0x6, s28;
	v16 =	vadd.s32 s28, v2;
	v26 =	vor.u32 v3, v15;
	v31 =	vld.idx.msk [tilespmem:v17+s14+$0x0], $0xffff  }
0x470: {  	s30 =	sadd.s32 $0x2, s28;
	s29 =	sadd.s32 $0x4, s28;
	v20 =	vadd.s32 s26, v0;
	v16 =	vand.u32 $0x7F, v16;
	v15 =	vld.idx.msk [tilespmem:v18+s13+$0x0], $0xffff  }
0x471: {  	v32 =	vadd.s32 s30, v0;
	v19 =	vor.u32 v3, v16;
	v16 =	vadd.s32 s29, v0;
	v17 =	vld.idx.msk [tilespmem:v18+s14+$0x0], $0xffff  }
.Ltmp17:
0x472: {  	v33 =	vadd.s32 s30, v2;
	v34 =	vand.u32 $0x7F, v16;
	v18 =	vand.u32 $0x7F, v20;
	v16 =	vld.idx.msk [tilespmem:v21+s13+$0x0], $0xffff;
	(pc) =	sbr.rel @p0 .LBB2_36-.Ltmp17, $4  }
0x473: {  	v35 =	vmul.f32 v13, v12;
	v14 =	vmul.f32 v29, v14;
	v20 =	vor.u32 v3, v18;
	v18 =	vld.idx.msk [tilespmem:v21+s14+$0x0], $0xffff  }
0x474: {  	v29 =	vand.u32 $0x7F, v32;
	v23 =	vmul.f32 v22, v23;
	v21 =	vor.u32 v3, v34;
	v12 =	vld.idx.msk [tilespmem:v26+s13+$0x0], $0xffff  }
0x475: {  	v13 =	vld.idx.msk [tilespmem:v26+s14+$0x0], $0xffff;
	v26 =	vadd.f32 v35, v24;
	v24 =	vadd.f32 v14, v27;
	v27 =	vmul.f32 v31, v28  }
0x476: {  	s28 =	sadd.s32 $0x8, s28;
	v25 =	vmul.f32 v30, v25;
	v22 =	vor.u32 v3, v29;
	v28 =	vand.u32 $0x7F, v33;
	v14 =	vld.idx.msk [tilespmem:v19+s13+$0x0], $0xffff  }
0x477: {  	_ =	sdelay $0x3  }
0x478: {  	v19 =	vld.idx.msk [tilespmem:v19+s14+$0x0], $0xffff  }
0x479: {  	v29 =	vld.idx.msk [tilespmem:v20+s13+$0x0], $0xffff  }
0x47a: {  	v28 =	vor.u32 v3, v28;
	v30 =	vadd.s32 s29, v2;
	v20 =	vld.idx.msk [tilespmem:v20+s14+$0x0], $0xffff  }
0x47b: {  	v31 =	vld.idx.msk [tilespmem:v21+s13+$0x0], $0xffff;
	v30 =	vand.u32 $0x7F, v30  }
0x47c: {  	v32 =	vadd.s32 s26, v2;
	v21 =	vld.idx.msk [tilespmem:v21+s14+$0x0], $0xffff;
	v30 =	vor.u32 v3, v30  }
0x47d: {  	v33 =	vld.idx.msk [tilespmem:v22+s13+$0x0], $0xffff;
	v32 =	vand.u32 $0x7F, v32  }
0x47e: {  	v23 =	vadd.f32 v23, v26;
	v22 =	vld.idx.msk [tilespmem:v22+s14+$0x0], $0xffff;
	v26 =	vor.u32 v3, v32  }
0x47f: {  	v24 =	vadd.f32 v27, v24;
	v15 =	vmul.f32 v17, v15;
	v17 =	vld.idx.msk [tilespmem:v28+s13+$0x0], $0xffff  }
0x480: {  	v10 =	vmul.f32 v11, v10;
	v11 =	vadd.f32 v25, v23;
	v23 =	vld.idx.msk [tilespmem:v28+s14+$0x0], $0xffff  }
0x481: {  	v16 =	vmul.f32 v18, v16;
	v15 =	vadd.f32 v15, v24;
	v18 =	vld.idx.msk [tilespmem:v30+s13+$0x0], $0xffff  }
0x482: {  	v12 =	vmul.f32 v13, v12;
	v10 =	vadd.f32 v10, v11;
	v11 =	vld.idx.msk [tilespmem:v30+s14+$0x0], $0xffff  }
0x483: {  	v15 =	vadd.f32 v16, v15;
	v13 =	vmul.f32 v19, v14;
	v16 =	vld.idx.msk [tilespmem:v26+s13+$0x0], $0xffff  }
0x484: {  	v19 =	vmul.f32 v22, v33;
	v10 =	vadd.f32 v12, v10;
	v14 =	vld.idx.msk [tilespmem:v26+s14+$0x0], $0xffff  }
0x485: {  	v12 =	vadd.f32 v13, v15;
	v13 =	vmul.f32 v23, v17  }
0x486: {  	v15 =	vmul.f32 v21, v31;
	v10 =	vadd.f32 v19, v10  }
0x487: {  	v12 =	vadd.f32 v13, v12;
	v11 =	vmul.f32 v11, v18  }
0x488: {  	v10 =	vadd.f32 v15, v10  }
0x489: {  	v13 =	vmul.f32 v20, v29;
	v11 =	vadd.f32 v11, v12;
	v12 =	vmul.f32 v14, v16  }
0x48a: {  	s31 =	simm.s32 $0x0;
	v14 =	vld [tilespmem:$0x10510]  }
0x48b: {  	v10 =	vadd.f32 v13, v10;
	v11 =	vadd.f32 v12, v11;
	v12 =	vadd.s32 s31, v0  }
0x48c: {  	v12 =	vand.u32 $0x7F, v12  }
0x48d: {  	v10 =	vadd.f32 v11, v10;
	v11 =	vadd.s32 s31, v2;
	v12 =	vor.u32 v4, v12  }
0x48e: {  	s30 =	simm.s32 $0x6;
	v11 =	vand.u32 $0x7F, v11  }
0x48f: {  	v13 =	vadd.s32 s30, v0;
	v10 =	vmul.f32 v14, v10;
	v11 =	vor.u32 v4, v11  }
0x490: {  	s28 =	simm.s32 $0x4;
	v13 =	vand.u32 $0x7F, v13  }
0x491: {  	v13 =	vor.u32 v4, v13;
	[tilespmem:$0x10710] =	vst v10;
	v10 =	vadd.s32 s28, v0  }
0x492: {  	s29 =	simm.s32 $0x2;
	v10 =	vand.u32 $0x7F, v10;
	v14 =	vld.idx.msk [tilespmem:v12+s13+$0x0], $0xffff  }
0x493: {  	v15 =	vadd.s32 s29, v0;
	v12 =	vld.idx.msk [tilespmem:v12+s14+$0x0], $0xffff;
	v16 =	vor.u32 v4, v10  }
0x494: {  	v10 =	vand.u32 $0x7F, v15;
	v18 =	vld.idx.msk [tilespmem:v11+s13+$0x0], $0xffff  }
0x495: {  	v15 =	vadd.s32 s29, v2;
	v17 =	vor.u32 v4, v10;
	v21 =	vld.idx.msk [tilespmem:v11+s14+$0x0], $0xffff  }
0x496: {  	v11 =	vand.u32 $0x7F, v15;
	v10 =	vld.idx.msk [tilespmem:v13+s13+$0x0], $0xffff  }
0x497: {  	v19 =	vadd.s32 s28, v2;
	v15 =	vor.u32 v4, v11;
	v11 =	vld.idx.msk [tilespmem:v13+s14+$0x0], $0xffff  }
0x498: {  	v13 =	vand.u32 $0x7F, v19;
	v25 =	vld.idx.msk [tilespmem:v16+s13+$0x0], $0xffff  }
0x499: {  	v19 =	vadd.s32 s30, v2;
	v13 =	vor.u32 v4, v13;
	v29 =	vld.idx.msk [tilespmem:v16+s14+$0x0], $0xffff  }
0x49a: {  	s31 =	simm.s32 $0x8;
	v16 =	vand.u32 $0x7F, v19;
	v22 =	vld.idx.msk [tilespmem:v17+s13+$0x0], $0xffff  }
0x49b: {  	v19 =	vadd.s32 s31, v0;
	v23 =	vld.idx.msk [tilespmem:v17+s14+$0x0], $0xffff;
	v24 =	vor.u32 v4, v16  }
0x49c: {  	v16 =	vand.u32 $0x7F, v19;
	v27 =	vld.idx.msk [tilespmem:v15+s13+$0x0], $0xffff  }
0x49d: {  	s26 =	simm.s32 $0xE;
	v17 =	vadd.s32 s31, v2;
	v26 =	vor.u32 v4, v16;
	v28 =	vld.idx.msk [tilespmem:v15+s14+$0x0], $0xffff  }
0x49e: {  	v30 =	vimm.f32 $0.0e+00;
	v20 =	vadd.s32 s26, v0;
	s29 =	simm.s32 $0xC;
	v16 =	vand.u32 $0x7F, v17;
	v15 =	vld.idx.msk [tilespmem:v13+s13+$0x0], $0xffff  }
0x49f: {  	v20 =	vand.u32 $0x7F, v20;
	s28 =	simm.s32 $0xA;
	v19 =	vor.u32 v4, v16;
	v16 =	vadd.s32 s29, v0;
	v17 =	vld.idx.msk [tilespmem:v13+s14+$0x0], $0xffff  }
0x4a0: {  	v20 =	vor.u32 v4, v20;
	v31 =	vadd.s32 s28, v0;
	v13 =	vand.u32 $0x7F, v16;
	v16 =	vld.idx.msk [tilespmem:v24+s13+$0x0], $0xffff  }
0x4a1: {  	v62 =	vadd.s32 s28, v2;
	v14 =	vmul.f32 v12, v14;
	v63 =	vmul.f32 v21, v18;
	v18 =	vld.idx.msk [tilespmem:v24+s14+$0x0], $0xffff  }
0x4a2: {  	v31 =	vand.u32 $0x7F, v31;
	v21 =	vor.u32 v4, v13;
	v23 =	vmul.f32 v23, v22;
	v12 =	vld.idx.msk [tilespmem:v26+s13+$0x0], $0xffff  }
0x4a3: {  	v24 =	vadd.f32 v63, v30;
	v13 =	vld.idx.msk [tilespmem:v26+s14+$0x0], $0xffff;
	v26 =	vadd.f32 v14, v30;
	v27 =	vmul.f32 v28, v27  }
0x4a4: {  	s28 =	simm.s32 $0x10;
	v25 =	vmul.f32 v29, v25;
	v22 =	vor.u32 v4, v31;
	v28 =	vand.u32 $0x7F, v62;
	v14 =	vld.idx.msk [tilespmem:v19+s13+$0x0], $0xffff  }
.LBB2_38:
0x4a5: {  	p0 =	slt.u32 s28, $0x78;
	v29 =	vld.idx.msk [tilespmem:v19+s14+$0x0], $0xffff;
	v19 =	vadd.f32 v23, v26;
	v23 =	vadd.f32 v27, v24;
	v15 =	vmul.f32 v17, v15  }
0x4a6: {  	v17 =	vor.u32 v4, v28;
	v24 =	vadd.s32 s29, v2;
	v26 =	vmul.f32 v11, v10;
	v10 =	vld.idx.msk [tilespmem:v20+s13+$0x0], $0xffff  }
0x4a7: {  	v16 =	vmul.f32 v18, v16;
	v11 =	vld.idx.msk [tilespmem:v20+s14+$0x0], $0xffff;
	v19 =	vadd.f32 v25, v19;
	v15 =	vadd.f32 v15, v23  }
0x4a8: {  	v18 =	vand.u32 $0x7F, v24;
	v20 =	vadd.s32 s26, v2;
	v25 =	vld.idx.msk [tilespmem:v21+s13+$0x0], $0xffff  }
0x4a9: {  	v18 =	vor.u32 v4, v18;
	v30 =	vld.idx.msk [tilespmem:v21+s14+$0x0], $0xffff;
	v24 =	vadd.f32 v26, v19;
	v27 =	vadd.f32 v16, v15  }
0x4aa: {  	v15 =	vand.u32 $0x7F, v20;
	v23 =	vld.idx.msk [tilespmem:v22+s13+$0x0], $0xffff  }
0x4ab: {  	v16 =	vadd.s32 s28, v0;
	v21 =	vor.u32 v4, v15;
	v22 =	vld.idx.msk [tilespmem:v22+s14+$0x0], $0xffff  }
0x4ac: {  	v15 =	vand.u32 $0x7F, v16;
	v28 =	vld.idx.msk [tilespmem:v17+s13+$0x0], $0xffff  }
0x4ad: {  	s26 =	sadd.s32 $0x6, s28;
	v16 =	vadd.s32 s28, v2;
	v26 =	vor.u32 v4, v15;
	v31 =	vld.idx.msk [tilespmem:v17+s14+$0x0], $0xffff  }
0x4ae: {  	s30 =	sadd.s32 $0x2, s28;
	s29 =	sadd.s32 $0x4, s28;
	v20 =	vadd.s32 s26, v0;
	v16 =	vand.u32 $0x7F, v16;
	v15 =	vld.idx.msk [tilespmem:v18+s13+$0x0], $0xffff  }
0x4af: {  	v32 =	vadd.s32 s30, v0;
	v19 =	vor.u32 v4, v16;
	v16 =	vadd.s32 s29, v0;
	v17 =	vld.idx.msk [tilespmem:v18+s14+$0x0], $0xffff  }
.Ltmp18:
0x4b0: {  	v33 =	vadd.s32 s30, v2;
	v34 =	vand.u32 $0x7F, v16;
	v18 =	vand.u32 $0x7F, v20;
	v16 =	vld.idx.msk [tilespmem:v21+s13+$0x0], $0xffff;
	(pc) =	sbr.rel @p0 .LBB2_38-.Ltmp18, $4  }
0x4b1: {  	v35 =	vmul.f32 v13, v12;
	v14 =	vmul.f32 v29, v14;
	v20 =	vor.u32 v4, v18;
	v18 =	vld.idx.msk [tilespmem:v21+s14+$0x0], $0xffff  }
0x4b2: {  	v29 =	vand.u32 $0x7F, v32;
	v23 =	vmul.f32 v22, v23;
	v21 =	vor.u32 v4, v34;
	v12 =	vld.idx.msk [tilespmem:v26+s13+$0x0], $0xffff  }
0x4b3: {  	v13 =	vld.idx.msk [tilespmem:v26+s14+$0x0], $0xffff;
	v26 =	vadd.f32 v35, v24;
	v24 =	vadd.f32 v14, v27;
	v27 =	vmul.f32 v31, v28  }
0x4b4: {  	s28 =	sadd.s32 $0x8, s28;
	v25 =	vmul.f32 v30, v25;
	v22 =	vor.u32 v4, v29;
	v28 =	vand.u32 $0x7F, v33;
	v14 =	vld.idx.msk [tilespmem:v19+s13+$0x0], $0xffff  }
0x4b5: {  	_ =	sdelay $0x3  }
0x4b6: {  	v19 =	vld.idx.msk [tilespmem:v19+s14+$0x0], $0xffff  }
0x4b7: {  	v29 =	vld.idx.msk [tilespmem:v20+s13+$0x0], $0xffff  }
0x4b8: {  	v28 =	vor.u32 v4, v28;
	v30 =	vadd.s32 s29, v2;
	v20 =	vld.idx.msk [tilespmem:v20+s14+$0x0], $0xffff  }
0x4b9: {  	v31 =	vld.idx.msk [tilespmem:v21+s13+$0x0], $0xffff;
	v30 =	vand.u32 $0x7F, v30  }
0x4ba: {  	v32 =	vadd.s32 s26, v2;
	v21 =	vld.idx.msk [tilespmem:v21+s14+$0x0], $0xffff;
	v30 =	vor.u32 v4, v30  }
0x4bb: {  	v33 =	vld.idx.msk [tilespmem:v22+s13+$0x0], $0xffff;
	v32 =	vand.u32 $0x7F, v32  }
0x4bc: {  	v23 =	vadd.f32 v23, v26;
	v22 =	vld.idx.msk [tilespmem:v22+s14+$0x0], $0xffff;
	v26 =	vor.u32 v4, v32  }
0x4bd: {  	v24 =	vadd.f32 v27, v24;
	v15 =	vmul.f32 v17, v15;
	v17 =	vld.idx.msk [tilespmem:v28+s13+$0x0], $0xffff  }
0x4be: {  	v10 =	vmul.f32 v11, v10;
	v11 =	vadd.f32 v25, v23;
	v23 =	vld.idx.msk [tilespmem:v28+s14+$0x0], $0xffff  }
0x4bf: {  	v16 =	vmul.f32 v18, v16;
	v15 =	vadd.f32 v15, v24;
	v18 =	vld.idx.msk [tilespmem:v30+s13+$0x0], $0xffff  }
0x4c0: {  	v12 =	vmul.f32 v13, v12;
	v10 =	vadd.f32 v10, v11;
	v11 =	vld.idx.msk [tilespmem:v30+s14+$0x0], $0xffff  }
0x4c1: {  	v15 =	vadd.f32 v16, v15;
	v13 =	vmul.f32 v19, v14;
	v16 =	vld.idx.msk [tilespmem:v26+s13+$0x0], $0xffff  }
0x4c2: {  	v19 =	vmul.f32 v22, v33;
	v10 =	vadd.f32 v12, v10;
	v14 =	vld.idx.msk [tilespmem:v26+s14+$0x0], $0xffff  }
0x4c3: {  	v12 =	vadd.f32 v13, v15;
	v13 =	vmul.f32 v23, v17  }
0x4c4: {  	v15 =	vmul.f32 v21, v31;
	v10 =	vadd.f32 v19, v10  }
0x4c5: {  	v12 =	vadd.f32 v13, v12;
	v11 =	vmul.f32 v11, v18  }
0x4c6: {  	v10 =	vadd.f32 v15, v10  }
0x4c7: {  	v13 =	vmul.f32 v20, v29;
	v11 =	vadd.f32 v11, v12;
	v12 =	vmul.f32 v14, v16  }
0x4c8: {  	s31 =	simm.s32 $0x0;
	v14 =	vld [tilespmem:$0x10520]  }
0x4c9: {  	v10 =	vadd.f32 v13, v10;
	v11 =	vadd.f32 v12, v11;
	v12 =	vadd.s32 s31, v0  }
0x4ca: {  	v12 =	vand.u32 $0x7F, v12  }
0x4cb: {  	v10 =	vadd.f32 v11, v10;
	v11 =	vadd.s32 s31, v2;
	v12 =	vor.u32 v5, v12  }
0x4cc: {  	s30 =	simm.s32 $0x6;
	v11 =	vand.u32 $0x7F, v11  }
0x4cd: {  	v13 =	vadd.s32 s30, v0;
	v10 =	vmul.f32 v14, v10;
	v11 =	vor.u32 v5, v11  }
0x4ce: {  	s28 =	simm.s32 $0x4;
	v13 =	vand.u32 $0x7F, v13  }
0x4cf: {  	v13 =	vor.u32 v5, v13;
	[tilespmem:$0x10720] =	vst v10;
	v10 =	vadd.s32 s28, v0  }
0x4d0: {  	s29 =	simm.s32 $0x2;
	v10 =	vand.u32 $0x7F, v10;
	v14 =	vld.idx.msk [tilespmem:v12+s13+$0x0], $0xffff  }
0x4d1: {  	v15 =	vadd.s32 s29, v0;
	v12 =	vld.idx.msk [tilespmem:v12+s14+$0x0], $0xffff;
	v16 =	vor.u32 v5, v10  }
0x4d2: {  	v10 =	vand.u32 $0x7F, v15;
	v18 =	vld.idx.msk [tilespmem:v11+s13+$0x0], $0xffff  }
0x4d3: {  	v15 =	vadd.s32 s29, v2;
	v17 =	vor.u32 v5, v10;
	v21 =	vld.idx.msk [tilespmem:v11+s14+$0x0], $0xffff  }
0x4d4: {  	v11 =	vand.u32 $0x7F, v15;
	v10 =	vld.idx.msk [tilespmem:v13+s13+$0x0], $0xffff  }
0x4d5: {  	v19 =	vadd.s32 s28, v2;
	v15 =	vor.u32 v5, v11;
	v11 =	vld.idx.msk [tilespmem:v13+s14+$0x0], $0xffff  }
0x4d6: {  	v13 =	vand.u32 $0x7F, v19;
	v25 =	vld.idx.msk [tilespmem:v16+s13+$0x0], $0xffff  }
0x4d7: {  	v19 =	vadd.s32 s30, v2;
	v13 =	vor.u32 v5, v13;
	v29 =	vld.idx.msk [tilespmem:v16+s14+$0x0], $0xffff  }
0x4d8: {  	s31 =	simm.s32 $0x8;
	v16 =	vand.u32 $0x7F, v19;
	v22 =	vld.idx.msk [tilespmem:v17+s13+$0x0], $0xffff  }
0x4d9: {  	v19 =	vadd.s32 s31, v0;
	v23 =	vld.idx.msk [tilespmem:v17+s14+$0x0], $0xffff;
	v24 =	vor.u32 v5, v16  }
0x4da: {  	v16 =	vand.u32 $0x7F, v19;
	v27 =	vld.idx.msk [tilespmem:v15+s13+$0x0], $0xffff  }
0x4db: {  	s26 =	simm.s32 $0xE;
	v17 =	vadd.s32 s31, v2;
	v26 =	vor.u32 v5, v16;
	v28 =	vld.idx.msk [tilespmem:v15+s14+$0x0], $0xffff  }
0x4dc: {  	v30 =	vimm.f32 $0.0e+00;
	v20 =	vadd.s32 s26, v0;
	s29 =	simm.s32 $0xC;
	v16 =	vand.u32 $0x7F, v17;
	v15 =	vld.idx.msk [tilespmem:v13+s13+$0x0], $0xffff  }
0x4dd: {  	v20 =	vand.u32 $0x7F, v20;
	s28 =	simm.s32 $0xA;
	v19 =	vor.u32 v5, v16;
	v16 =	vadd.s32 s29, v0;
	v17 =	vld.idx.msk [tilespmem:v13+s14+$0x0], $0xffff  }
0x4de: {  	v20 =	vor.u32 v5, v20;
	v31 =	vadd.s32 s28, v0;
	v13 =	vand.u32 $0x7F, v16;
	v16 =	vld.idx.msk [tilespmem:v24+s13+$0x0], $0xffff  }
0x4df: {  	v62 =	vadd.s32 s28, v2;
	v14 =	vmul.f32 v12, v14;
	v63 =	vmul.f32 v21, v18;
	v18 =	vld.idx.msk [tilespmem:v24+s14+$0x0], $0xffff  }
0x4e0: {  	v31 =	vand.u32 $0x7F, v31;
	v21 =	vor.u32 v5, v13;
	v23 =	vmul.f32 v23, v22;
	v12 =	vld.idx.msk [tilespmem:v26+s13+$0x0], $0xffff  }
0x4e1: {  	v24 =	vadd.f32 v63, v30;
	v13 =	vld.idx.msk [tilespmem:v26+s14+$0x0], $0xffff;
	v26 =	vadd.f32 v14, v30;
	v27 =	vmul.f32 v28, v27  }
0x4e2: {  	s28 =	simm.s32 $0x10;
	v25 =	vmul.f32 v29, v25;
	v22 =	vor.u32 v5, v31;
	v28 =	vand.u32 $0x7F, v62;
	v14 =	vld.idx.msk [tilespmem:v19+s13+$0x0], $0xffff  }
.LBB2_40:
0x4e3: {  	p0 =	slt.u32 s28, $0x78;
	v29 =	vld.idx.msk [tilespmem:v19+s14+$0x0], $0xffff;
	v19 =	vadd.f32 v23, v26;
	v23 =	vadd.f32 v27, v24;
	v15 =	vmul.f32 v17, v15  }
0x4e4: {  	v17 =	vor.u32 v5, v28;
	v24 =	vadd.s32 s29, v2;
	v26 =	vmul.f32 v11, v10;
	v10 =	vld.idx.msk [tilespmem:v20+s13+$0x0], $0xffff  }
0x4e5: {  	v16 =	vmul.f32 v18, v16;
	v11 =	vld.idx.msk [tilespmem:v20+s14+$0x0], $0xffff;
	v19 =	vadd.f32 v25, v19;
	v15 =	vadd.f32 v15, v23  }
0x4e6: {  	v18 =	vand.u32 $0x7F, v24;
	v20 =	vadd.s32 s26, v2;
	v25 =	vld.idx.msk [tilespmem:v21+s13+$0x0], $0xffff  }
0x4e7: {  	v18 =	vor.u32 v5, v18;
	v30 =	vld.idx.msk [tilespmem:v21+s14+$0x0], $0xffff;
	v24 =	vadd.f32 v26, v19;
	v27 =	vadd.f32 v16, v15  }
0x4e8: {  	v15 =	vand.u32 $0x7F, v20;
	v23 =	vld.idx.msk [tilespmem:v22+s13+$0x0], $0xffff  }
0x4e9: {  	v16 =	vadd.s32 s28, v0;
	v21 =	vor.u32 v5, v15;
	v22 =	vld.idx.msk [tilespmem:v22+s14+$0x0], $0xffff  }
0x4ea: {  	v15 =	vand.u32 $0x7F, v16;
	v28 =	vld.idx.msk [tilespmem:v17+s13+$0x0], $0xffff  }
0x4eb: {  	s26 =	sadd.s32 $0x6, s28;
	v16 =	vadd.s32 s28, v2;
	v26 =	vor.u32 v5, v15;
	v31 =	vld.idx.msk [tilespmem:v17+s14+$0x0], $0xffff  }
0x4ec: {  	s30 =	sadd.s32 $0x2, s28;
	s29 =	sadd.s32 $0x4, s28;
	v20 =	vadd.s32 s26, v0;
	v16 =	vand.u32 $0x7F, v16;
	v15 =	vld.idx.msk [tilespmem:v18+s13+$0x0], $0xffff  }
0x4ed: {  	v32 =	vadd.s32 s30, v0;
	v19 =	vor.u32 v5, v16;
	v16 =	vadd.s32 s29, v0;
	v17 =	vld.idx.msk [tilespmem:v18+s14+$0x0], $0xffff  }
.Ltmp19:
0x4ee: {  	v33 =	vadd.s32 s30, v2;
	v34 =	vand.u32 $0x7F, v16;
	v18 =	vand.u32 $0x7F, v20;
	v16 =	vld.idx.msk [tilespmem:v21+s13+$0x0], $0xffff;
	(pc) =	sbr.rel @p0 .LBB2_40-.Ltmp19, $4  }
0x4ef: {  	v35 =	vmul.f32 v13, v12;
	v14 =	vmul.f32 v29, v14;
	v20 =	vor.u32 v5, v18;
	v18 =	vld.idx.msk [tilespmem:v21+s14+$0x0], $0xffff  }
0x4f0: {  	v29 =	vand.u32 $0x7F, v32;
	v23 =	vmul.f32 v22, v23;
	v21 =	vor.u32 v5, v34;
	v12 =	vld.idx.msk [tilespmem:v26+s13+$0x0], $0xffff  }
0x4f1: {  	v13 =	vld.idx.msk [tilespmem:v26+s14+$0x0], $0xffff;
	v26 =	vadd.f32 v35, v24;
	v24 =	vadd.f32 v14, v27;
	v27 =	vmul.f32 v31, v28  }
0x4f2: {  	s28 =	sadd.s32 $0x8, s28;
	v25 =	vmul.f32 v30, v25;
	v22 =	vor.u32 v5, v29;
	v28 =	vand.u32 $0x7F, v33;
	v14 =	vld.idx.msk [tilespmem:v19+s13+$0x0], $0xffff  }
0x4f3: {  	_ =	sdelay $0x3  }
0x4f4: {  	v19 =	vld.idx.msk [tilespmem:v19+s14+$0x0], $0xffff  }
0x4f5: {  	v29 =	vld.idx.msk [tilespmem:v20+s13+$0x0], $0xffff  }
0x4f6: {  	v28 =	vor.u32 v5, v28;
	v30 =	vadd.s32 s29, v2;
	v20 =	vld.idx.msk [tilespmem:v20+s14+$0x0], $0xffff  }
0x4f7: {  	v31 =	vld.idx.msk [tilespmem:v21+s13+$0x0], $0xffff;
	v30 =	vand.u32 $0x7F, v30  }
0x4f8: {  	v32 =	vadd.s32 s26, v2;
	v21 =	vld.idx.msk [tilespmem:v21+s14+$0x0], $0xffff;
	v30 =	vor.u32 v5, v30  }
0x4f9: {  	v33 =	vld.idx.msk [tilespmem:v22+s13+$0x0], $0xffff;
	v32 =	vand.u32 $0x7F, v32  }
0x4fa: {  	v23 =	vadd.f32 v23, v26;
	v22 =	vld.idx.msk [tilespmem:v22+s14+$0x0], $0xffff;
	v26 =	vor.u32 v5, v32  }
0x4fb: {  	v24 =	vadd.f32 v27, v24;
	v15 =	vmul.f32 v17, v15;
	v17 =	vld.idx.msk [tilespmem:v28+s13+$0x0], $0xffff  }
0x4fc: {  	v10 =	vmul.f32 v11, v10;
	v11 =	vadd.f32 v25, v23;
	v23 =	vld.idx.msk [tilespmem:v28+s14+$0x0], $0xffff  }
0x4fd: {  	v16 =	vmul.f32 v18, v16;
	v15 =	vadd.f32 v15, v24;
	v18 =	vld.idx.msk [tilespmem:v30+s13+$0x0], $0xffff  }
0x4fe: {  	v12 =	vmul.f32 v13, v12;
	v10 =	vadd.f32 v10, v11;
	v11 =	vld.idx.msk [tilespmem:v30+s14+$0x0], $0xffff  }
0x4ff: {  	v15 =	vadd.f32 v16, v15;
	v13 =	vmul.f32 v19, v14;
	v16 =	vld.idx.msk [tilespmem:v26+s13+$0x0], $0xffff  }
0x500: {  	v19 =	vmul.f32 v22, v33;
	v10 =	vadd.f32 v12, v10;
	v14 =	vld.idx.msk [tilespmem:v26+s14+$0x0], $0xffff  }
0x501: {  	v12 =	vadd.f32 v13, v15;
	v13 =	vmul.f32 v23, v17  }
0x502: {  	v15 =	vmul.f32 v21, v31;
	v10 =	vadd.f32 v19, v10  }
0x503: {  	v12 =	vadd.f32 v13, v12;
	v11 =	vmul.f32 v11, v18  }
0x504: {  	v10 =	vadd.f32 v15, v10  }
0x505: {  	v13 =	vmul.f32 v20, v29;
	v11 =	vadd.f32 v11, v12;
	v12 =	vmul.f32 v14, v16  }
0x506: {  	s31 =	simm.s32 $0x0;
	v14 =	vld [tilespmem:$0x10530]  }
0x507: {  	v10 =	vadd.f32 v13, v10;
	v11 =	vadd.f32 v12, v11;
	v12 =	vadd.s32 s31, v0  }
0x508: {  	v12 =	vand.u32 $0x7F, v12  }
0x509: {  	v10 =	vadd.f32 v11, v10;
	v11 =	vadd.s32 s31, v2;
	v12 =	vor.u32 v6, v12  }
0x50a: {  	s30 =	simm.s32 $0x6;
	v11 =	vand.u32 $0x7F, v11  }
0x50b: {  	v13 =	vadd.s32 s30, v0;
	v10 =	vmul.f32 v14, v10;
	v11 =	vor.u32 v6, v11  }
0x50c: {  	s28 =	simm.s32 $0x4;
	v13 =	vand.u32 $0x7F, v13  }
0x50d: {  	v13 =	vor.u32 v6, v13;
	[tilespmem:$0x10730] =	vst v10;
	v10 =	vadd.s32 s28, v0  }
0x50e: {  	s29 =	simm.s32 $0x2;
	v10 =	vand.u32 $0x7F, v10;
	v14 =	vld.idx.msk [tilespmem:v12+s13+$0x0], $0xffff  }
0x50f: {  	v15 =	vadd.s32 s29, v0;
	v12 =	vld.idx.msk [tilespmem:v12+s14+$0x0], $0xffff;
	v16 =	vor.u32 v6, v10  }
0x510: {  	v10 =	vand.u32 $0x7F, v15;
	v18 =	vld.idx.msk [tilespmem:v11+s13+$0x0], $0xffff  }
0x511: {  	v15 =	vadd.s32 s29, v2;
	v17 =	vor.u32 v6, v10;
	v21 =	vld.idx.msk [tilespmem:v11+s14+$0x0], $0xffff  }
0x512: {  	v11 =	vand.u32 $0x7F, v15;
	v10 =	vld.idx.msk [tilespmem:v13+s13+$0x0], $0xffff  }
0x513: {  	v19 =	vadd.s32 s28, v2;
	v15 =	vor.u32 v6, v11;
	v11 =	vld.idx.msk [tilespmem:v13+s14+$0x0], $0xffff  }
0x514: {  	v13 =	vand.u32 $0x7F, v19;
	v25 =	vld.idx.msk [tilespmem:v16+s13+$0x0], $0xffff  }
0x515: {  	v19 =	vadd.s32 s30, v2;
	v13 =	vor.u32 v6, v13;
	v29 =	vld.idx.msk [tilespmem:v16+s14+$0x0], $0xffff  }
0x516: {  	s31 =	simm.s32 $0x8;
	v16 =	vand.u32 $0x7F, v19;
	v22 =	vld.idx.msk [tilespmem:v17+s13+$0x0], $0xffff  }
0x517: {  	v19 =	vadd.s32 s31, v0;
	v23 =	vld.idx.msk [tilespmem:v17+s14+$0x0], $0xffff;
	v24 =	vor.u32 v6, v16  }
0x518: {  	v16 =	vand.u32 $0x7F, v19;
	v27 =	vld.idx.msk [tilespmem:v15+s13+$0x0], $0xffff  }
0x519: {  	s26 =	simm.s32 $0xE;
	v17 =	vadd.s32 s31, v2;
	v26 =	vor.u32 v6, v16;
	v28 =	vld.idx.msk [tilespmem:v15+s14+$0x0], $0xffff  }
0x51a: {  	v30 =	vimm.f32 $0.0e+00;
	v20 =	vadd.s32 s26, v0;
	s29 =	simm.s32 $0xC;
	v16 =	vand.u32 $0x7F, v17;
	v15 =	vld.idx.msk [tilespmem:v13+s13+$0x0], $0xffff  }
0x51b: {  	v20 =	vand.u32 $0x7F, v20;
	s28 =	simm.s32 $0xA;
	v19 =	vor.u32 v6, v16;
	v16 =	vadd.s32 s29, v0;
	v17 =	vld.idx.msk [tilespmem:v13+s14+$0x0], $0xffff  }
0x51c: {  	v20 =	vor.u32 v6, v20;
	v31 =	vadd.s32 s28, v0;
	v13 =	vand.u32 $0x7F, v16;
	v16 =	vld.idx.msk [tilespmem:v24+s13+$0x0], $0xffff  }
0x51d: {  	v62 =	vadd.s32 s28, v2;
	v14 =	vmul.f32 v12, v14;
	v63 =	vmul.f32 v21, v18;
	v18 =	vld.idx.msk [tilespmem:v24+s14+$0x0], $0xffff  }
0x51e: {  	v31 =	vand.u32 $0x7F, v31;
	v21 =	vor.u32 v6, v13;
	v23 =	vmul.f32 v23, v22;
	v12 =	vld.idx.msk [tilespmem:v26+s13+$0x0], $0xffff  }
0x51f: {  	v24 =	vadd.f32 v63, v30;
	v13 =	vld.idx.msk [tilespmem:v26+s14+$0x0], $0xffff;
	v26 =	vadd.f32 v14, v30;
	v27 =	vmul.f32 v28, v27  }
0x520: {  	s28 =	simm.s32 $0x10;
	v25 =	vmul.f32 v29, v25;
	v22 =	vor.u32 v6, v31;
	v28 =	vand.u32 $0x7F, v62;
	v14 =	vld.idx.msk [tilespmem:v19+s13+$0x0], $0xffff  }
.LBB2_42:
0x521: {  	p0 =	slt.u32 s28, $0x78;
	v29 =	vld.idx.msk [tilespmem:v19+s14+$0x0], $0xffff;
	v19 =	vadd.f32 v23, v26;
	v23 =	vadd.f32 v27, v24;
	v15 =	vmul.f32 v17, v15  }
0x522: {  	v17 =	vor.u32 v6, v28;
	v24 =	vadd.s32 s29, v2;
	v26 =	vmul.f32 v11, v10;
	v10 =	vld.idx.msk [tilespmem:v20+s13+$0x0], $0xffff  }
0x523: {  	v16 =	vmul.f32 v18, v16;
	v11 =	vld.idx.msk [tilespmem:v20+s14+$0x0], $0xffff;
	v19 =	vadd.f32 v25, v19;
	v15 =	vadd.f32 v15, v23  }
0x524: {  	v18 =	vand.u32 $0x7F, v24;
	v20 =	vadd.s32 s26, v2;
	v25 =	vld.idx.msk [tilespmem:v21+s13+$0x0], $0xffff  }
0x525: {  	v18 =	vor.u32 v6, v18;
	v30 =	vld.idx.msk [tilespmem:v21+s14+$0x0], $0xffff;
	v24 =	vadd.f32 v26, v19;
	v27 =	vadd.f32 v16, v15  }
0x526: {  	v15 =	vand.u32 $0x7F, v20;
	v23 =	vld.idx.msk [tilespmem:v22+s13+$0x0], $0xffff  }
0x527: {  	v16 =	vadd.s32 s28, v0;
	v21 =	vor.u32 v6, v15;
	v22 =	vld.idx.msk [tilespmem:v22+s14+$0x0], $0xffff  }
0x528: {  	v15 =	vand.u32 $0x7F, v16;
	v28 =	vld.idx.msk [tilespmem:v17+s13+$0x0], $0xffff  }
0x529: {  	s26 =	sadd.s32 $0x6, s28;
	v16 =	vadd.s32 s28, v2;
	v26 =	vor.u32 v6, v15;
	v31 =	vld.idx.msk [tilespmem:v17+s14+$0x0], $0xffff  }
0x52a: {  	s30 =	sadd.s32 $0x2, s28;
	s29 =	sadd.s32 $0x4, s28;
	v20 =	vadd.s32 s26, v0;
	v16 =	vand.u32 $0x7F, v16;
	v15 =	vld.idx.msk [tilespmem:v18+s13+$0x0], $0xffff  }
0x52b: {  	v32 =	vadd.s32 s30, v0;
	v19 =	vor.u32 v6, v16;
	v16 =	vadd.s32 s29, v0;
	v17 =	vld.idx.msk [tilespmem:v18+s14+$0x0], $0xffff  }
.Ltmp20:
0x52c: {  	v33 =	vadd.s32 s30, v2;
	v34 =	vand.u32 $0x7F, v16;
	v18 =	vand.u32 $0x7F, v20;
	v16 =	vld.idx.msk [tilespmem:v21+s13+$0x0], $0xffff;
	(pc) =	sbr.rel @p0 .LBB2_42-.Ltmp20, $4  }
0x52d: {  	v35 =	vmul.f32 v13, v12;
	v14 =	vmul.f32 v29, v14;
	v20 =	vor.u32 v6, v18;
	v18 =	vld.idx.msk [tilespmem:v21+s14+$0x0], $0xffff  }
0x52e: {  	v29 =	vand.u32 $0x7F, v32;
	v23 =	vmul.f32 v22, v23;
	v21 =	vor.u32 v6, v34;
	v12 =	vld.idx.msk [tilespmem:v26+s13+$0x0], $0xffff  }
0x52f: {  	v13 =	vld.idx.msk [tilespmem:v26+s14+$0x0], $0xffff;
	v26 =	vadd.f32 v35, v24;
	v24 =	vadd.f32 v14, v27;
	v27 =	vmul.f32 v31, v28  }
0x530: {  	s28 =	sadd.s32 $0x8, s28;
	v25 =	vmul.f32 v30, v25;
	v22 =	vor.u32 v6, v29;
	v28 =	vand.u32 $0x7F, v33;
	v14 =	vld.idx.msk [tilespmem:v19+s13+$0x0], $0xffff  }
0x531: {  	_ =	sdelay $0x3  }
0x532: {  	v19 =	vld.idx.msk [tilespmem:v19+s14+$0x0], $0xffff  }
0x533: {  	v29 =	vld.idx.msk [tilespmem:v20+s13+$0x0], $0xffff  }
0x534: {  	v28 =	vor.u32 v6, v28;
	v30 =	vadd.s32 s29, v2;
	v20 =	vld.idx.msk [tilespmem:v20+s14+$0x0], $0xffff  }
0x535: {  	v31 =	vld.idx.msk [tilespmem:v21+s13+$0x0], $0xffff;
	v30 =	vand.u32 $0x7F, v30  }
0x536: {  	v32 =	vadd.s32 s26, v2;
	v21 =	vld.idx.msk [tilespmem:v21+s14+$0x0], $0xffff;
	v30 =	vor.u32 v6, v30  }
0x537: {  	v33 =	vld.idx.msk [tilespmem:v22+s13+$0x0], $0xffff;
	v32 =	vand.u32 $0x7F, v32  }
0x538: {  	v23 =	vadd.f32 v23, v26;
	v22 =	vld.idx.msk [tilespmem:v22+s14+$0x0], $0xffff;
	v26 =	vor.u32 v6, v32  }
0x539: {  	v24 =	vadd.f32 v27, v24;
	v15 =	vmul.f32 v17, v15;
	v17 =	vld.idx.msk [tilespmem:v28+s13+$0x0], $0xffff  }
0x53a: {  	v10 =	vmul.f32 v11, v10;
	v11 =	vadd.f32 v25, v23;
	v23 =	vld.idx.msk [tilespmem:v28+s14+$0x0], $0xffff  }
0x53b: {  	v16 =	vmul.f32 v18, v16;
	v15 =	vadd.f32 v15, v24;
	v18 =	vld.idx.msk [tilespmem:v30+s13+$0x0], $0xffff  }
0x53c: {  	v12 =	vmul.f32 v13, v12;
	v10 =	vadd.f32 v10, v11;
	v11 =	vld.idx.msk [tilespmem:v30+s14+$0x0], $0xffff  }
0x53d: {  	v15 =	vadd.f32 v16, v15;
	v13 =	vmul.f32 v19, v14;
	v16 =	vld.idx.msk [tilespmem:v26+s13+$0x0], $0xffff  }
0x53e: {  	v19 =	vmul.f32 v22, v33;
	v10 =	vadd.f32 v12, v10;
	v14 =	vld.idx.msk [tilespmem:v26+s14+$0x0], $0xffff  }
0x53f: {  	v12 =	vadd.f32 v13, v15;
	v13 =	vmul.f32 v23, v17  }
0x540: {  	v15 =	vmul.f32 v21, v31;
	v10 =	vadd.f32 v19, v10  }
0x541: {  	v12 =	vadd.f32 v13, v12;
	v11 =	vmul.f32 v11, v18  }
0x542: {  	v10 =	vadd.f32 v15, v10  }
0x543: {  	v13 =	vmul.f32 v20, v29;
	v11 =	vadd.f32 v11, v12;
	v12 =	vmul.f32 v14, v16  }
0x544: {  	s31 =	simm.s32 $0x0;
	v14 =	vld [tilespmem:$0x10540]  }
0x545: {  	v10 =	vadd.f32 v13, v10;
	v11 =	vadd.f32 v12, v11;
	v12 =	vadd.s32 s31, v0  }
0x546: {  	v12 =	vand.u32 $0x7F, v12  }
0x547: {  	v10 =	vadd.f32 v11, v10;
	v11 =	vadd.s32 s31, v2;
	v12 =	vor.u32 v7, v12  }
0x548: {  	s30 =	simm.s32 $0x6;
	v11 =	vand.u32 $0x7F, v11  }
0x549: {  	v13 =	vadd.s32 s30, v0;
	v10 =	vmul.f32 v14, v10;
	v11 =	vor.u32 v7, v11  }
0x54a: {  	s28 =	simm.s32 $0x4;
	v13 =	vand.u32 $0x7F, v13  }
0x54b: {  	v13 =	vor.u32 v7, v13;
	[tilespmem:$0x10740] =	vst v10;
	v10 =	vadd.s32 s28, v0  }
0x54c: {  	s29 =	simm.s32 $0x2;
	v10 =	vand.u32 $0x7F, v10;
	v14 =	vld.idx.msk [tilespmem:v12+s13+$0x0], $0xffff  }
0x54d: {  	v15 =	vadd.s32 s29, v0;
	v12 =	vld.idx.msk [tilespmem:v12+s14+$0x0], $0xffff;
	v16 =	vor.u32 v7, v10  }
0x54e: {  	v10 =	vand.u32 $0x7F, v15;
	v18 =	vld.idx.msk [tilespmem:v11+s13+$0x0], $0xffff  }
0x54f: {  	v15 =	vadd.s32 s29, v2;
	v17 =	vor.u32 v7, v10;
	v21 =	vld.idx.msk [tilespmem:v11+s14+$0x0], $0xffff  }
0x550: {  	v11 =	vand.u32 $0x7F, v15;
	v10 =	vld.idx.msk [tilespmem:v13+s13+$0x0], $0xffff  }
0x551: {  	v19 =	vadd.s32 s28, v2;
	v15 =	vor.u32 v7, v11;
	v11 =	vld.idx.msk [tilespmem:v13+s14+$0x0], $0xffff  }
0x552: {  	v13 =	vand.u32 $0x7F, v19;
	v25 =	vld.idx.msk [tilespmem:v16+s13+$0x0], $0xffff  }
0x553: {  	v19 =	vadd.s32 s30, v2;
	v13 =	vor.u32 v7, v13;
	v29 =	vld.idx.msk [tilespmem:v16+s14+$0x0], $0xffff  }
0x554: {  	s31 =	simm.s32 $0x8;
	v16 =	vand.u32 $0x7F, v19;
	v22 =	vld.idx.msk [tilespmem:v17+s13+$0x0], $0xffff  }
0x555: {  	v19 =	vadd.s32 s31, v0;
	v23 =	vld.idx.msk [tilespmem:v17+s14+$0x0], $0xffff;
	v24 =	vor.u32 v7, v16  }
0x556: {  	v16 =	vand.u32 $0x7F, v19;
	v27 =	vld.idx.msk [tilespmem:v15+s13+$0x0], $0xffff  }
0x557: {  	s26 =	simm.s32 $0xE;
	v17 =	vadd.s32 s31, v2;
	v26 =	vor.u32 v7, v16;
	v28 =	vld.idx.msk [tilespmem:v15+s14+$0x0], $0xffff  }
0x558: {  	v30 =	vimm.f32 $0.0e+00;
	v20 =	vadd.s32 s26, v0;
	s29 =	simm.s32 $0xC;
	v16 =	vand.u32 $0x7F, v17;
	v15 =	vld.idx.msk [tilespmem:v13+s13+$0x0], $0xffff  }
0x559: {  	v20 =	vand.u32 $0x7F, v20;
	s28 =	simm.s32 $0xA;
	v19 =	vor.u32 v7, v16;
	v16 =	vadd.s32 s29, v0;
	v17 =	vld.idx.msk [tilespmem:v13+s14+$0x0], $0xffff  }
0x55a: {  	v20 =	vor.u32 v7, v20;
	v31 =	vadd.s32 s28, v0;
	v13 =	vand.u32 $0x7F, v16;
	v16 =	vld.idx.msk [tilespmem:v24+s13+$0x0], $0xffff  }
0x55b: {  	v62 =	vadd.s32 s28, v2;
	v14 =	vmul.f32 v12, v14;
	v63 =	vmul.f32 v21, v18;
	v18 =	vld.idx.msk [tilespmem:v24+s14+$0x0], $0xffff  }
0x55c: {  	v31 =	vand.u32 $0x7F, v31;
	v21 =	vor.u32 v7, v13;
	v23 =	vmul.f32 v23, v22;
	v12 =	vld.idx.msk [tilespmem:v26+s13+$0x0], $0xffff  }
0x55d: {  	v24 =	vadd.f32 v63, v30;
	v13 =	vld.idx.msk [tilespmem:v26+s14+$0x0], $0xffff;
	v26 =	vadd.f32 v14, v30;
	v27 =	vmul.f32 v28, v27  }
0x55e: {  	s28 =	simm.s32 $0x10;
	v25 =	vmul.f32 v29, v25;
	v22 =	vor.u32 v7, v31;
	v28 =	vand.u32 $0x7F, v62;
	v14 =	vld.idx.msk [tilespmem:v19+s13+$0x0], $0xffff  }
.LBB2_44:
0x55f: {  	p0 =	slt.u32 s28, $0x78;
	v29 =	vld.idx.msk [tilespmem:v19+s14+$0x0], $0xffff;
	v19 =	vadd.f32 v23, v26;
	v23 =	vadd.f32 v27, v24;
	v15 =	vmul.f32 v17, v15  }
0x560: {  	v17 =	vor.u32 v7, v28;
	v24 =	vadd.s32 s29, v2;
	v26 =	vmul.f32 v11, v10;
	v10 =	vld.idx.msk [tilespmem:v20+s13+$0x0], $0xffff  }
0x561: {  	v16 =	vmul.f32 v18, v16;
	v11 =	vld.idx.msk [tilespmem:v20+s14+$0x0], $0xffff;
	v19 =	vadd.f32 v25, v19;
	v15 =	vadd.f32 v15, v23  }
0x562: {  	v18 =	vand.u32 $0x7F, v24;
	v20 =	vadd.s32 s26, v2;
	v25 =	vld.idx.msk [tilespmem:v21+s13+$0x0], $0xffff  }
0x563: {  	v18 =	vor.u32 v7, v18;
	v30 =	vld.idx.msk [tilespmem:v21+s14+$0x0], $0xffff;
	v24 =	vadd.f32 v26, v19;
	v27 =	vadd.f32 v16, v15  }
0x564: {  	v15 =	vand.u32 $0x7F, v20;
	v23 =	vld.idx.msk [tilespmem:v22+s13+$0x0], $0xffff  }
0x565: {  	v16 =	vadd.s32 s28, v0;
	v21 =	vor.u32 v7, v15;
	v22 =	vld.idx.msk [tilespmem:v22+s14+$0x0], $0xffff  }
0x566: {  	v15 =	vand.u32 $0x7F, v16;
	v28 =	vld.idx.msk [tilespmem:v17+s13+$0x0], $0xffff  }
0x567: {  	s26 =	sadd.s32 $0x6, s28;
	v16 =	vadd.s32 s28, v2;
	v26 =	vor.u32 v7, v15;
	v31 =	vld.idx.msk [tilespmem:v17+s14+$0x0], $0xffff  }
0x568: {  	s30 =	sadd.s32 $0x2, s28;
	s29 =	sadd.s32 $0x4, s28;
	v20 =	vadd.s32 s26, v0;
	v16 =	vand.u32 $0x7F, v16;
	v15 =	vld.idx.msk [tilespmem:v18+s13+$0x0], $0xffff  }
0x569: {  	v32 =	vadd.s32 s30, v0;
	v19 =	vor.u32 v7, v16;
	v16 =	vadd.s32 s29, v0;
	v17 =	vld.idx.msk [tilespmem:v18+s14+$0x0], $0xffff  }
.Ltmp21:
0x56a: {  	v33 =	vadd.s32 s30, v2;
	v34 =	vand.u32 $0x7F, v16;
	v18 =	vand.u32 $0x7F, v20;
	v16 =	vld.idx.msk [tilespmem:v21+s13+$0x0], $0xffff;
	(pc) =	sbr.rel @p0 .LBB2_44-.Ltmp21, $4  }
0x56b: {  	v35 =	vmul.f32 v13, v12;
	v14 =	vmul.f32 v29, v14;
	v20 =	vor.u32 v7, v18;
	v18 =	vld.idx.msk [tilespmem:v21+s14+$0x0], $0xffff  }
0x56c: {  	v29 =	vand.u32 $0x7F, v32;
	v23 =	vmul.f32 v22, v23;
	v21 =	vor.u32 v7, v34;
	v12 =	vld.idx.msk [tilespmem:v26+s13+$0x0], $0xffff  }
0x56d: {  	v13 =	vld.idx.msk [tilespmem:v26+s14+$0x0], $0xffff;
	v26 =	vadd.f32 v35, v24;
	v24 =	vadd.f32 v14, v27;
	v27 =	vmul.f32 v31, v28  }
0x56e: {  	s28 =	sadd.s32 $0x8, s28;
	v25 =	vmul.f32 v30, v25;
	v22 =	vor.u32 v7, v29;
	v28 =	vand.u32 $0x7F, v33;
	v14 =	vld.idx.msk [tilespmem:v19+s13+$0x0], $0xffff  }
0x56f: {  	_ =	sdelay $0x3  }
0x570: {  	v19 =	vld.idx.msk [tilespmem:v19+s14+$0x0], $0xffff  }
0x571: {  	v29 =	vld.idx.msk [tilespmem:v20+s13+$0x0], $0xffff  }
0x572: {  	v28 =	vor.u32 v7, v28;
	v30 =	vadd.s32 s29, v2;
	v20 =	vld.idx.msk [tilespmem:v20+s14+$0x0], $0xffff  }
0x573: {  	v31 =	vld.idx.msk [tilespmem:v21+s13+$0x0], $0xffff;
	v30 =	vand.u32 $0x7F, v30  }
0x574: {  	v32 =	vadd.s32 s26, v2;
	v21 =	vld.idx.msk [tilespmem:v21+s14+$0x0], $0xffff;
	v30 =	vor.u32 v7, v30  }
0x575: {  	v33 =	vld.idx.msk [tilespmem:v22+s13+$0x0], $0xffff;
	v32 =	vand.u32 $0x7F, v32  }
0x576: {  	v23 =	vadd.f32 v23, v26;
	v22 =	vld.idx.msk [tilespmem:v22+s14+$0x0], $0xffff;
	v26 =	vor.u32 v7, v32  }
0x577: {  	v24 =	vadd.f32 v27, v24;
	v15 =	vmul.f32 v17, v15;
	v17 =	vld.idx.msk [tilespmem:v28+s13+$0x0], $0xffff  }
0x578: {  	v10 =	vmul.f32 v11, v10;
	v11 =	vadd.f32 v25, v23;
	v23 =	vld.idx.msk [tilespmem:v28+s14+$0x0], $0xffff  }
0x579: {  	v16 =	vmul.f32 v18, v16;
	v15 =	vadd.f32 v15, v24;
	v18 =	vld.idx.msk [tilespmem:v30+s13+$0x0], $0xffff  }
0x57a: {  	v12 =	vmul.f32 v13, v12;
	v10 =	vadd.f32 v10, v11;
	v11 =	vld.idx.msk [tilespmem:v30+s14+$0x0], $0xffff  }
0x57b: {  	v15 =	vadd.f32 v16, v15;
	v13 =	vmul.f32 v19, v14;
	v16 =	vld.idx.msk [tilespmem:v26+s13+$0x0], $0xffff  }
0x57c: {  	v19 =	vmul.f32 v22, v33;
	v10 =	vadd.f32 v12, v10;
	v14 =	vld.idx.msk [tilespmem:v26+s14+$0x0], $0xffff  }
0x57d: {  	v12 =	vadd.f32 v13, v15;
	v13 =	vmul.f32 v23, v17  }
0x57e: {  	v15 =	vmul.f32 v21, v31;
	v10 =	vadd.f32 v19, v10  }
0x57f: {  	v12 =	vadd.f32 v13, v12;
	v11 =	vmul.f32 v11, v18  }
0x580: {  	v10 =	vadd.f32 v15, v10  }
0x581: {  	v13 =	vmul.f32 v20, v29;
	v11 =	vadd.f32 v11, v12;
	v12 =	vmul.f32 v14, v16  }
0x582: {  	s31 =	simm.s32 $0x0;
	v14 =	vld [tilespmem:$0x10550]  }
0x583: {  	v10 =	vadd.f32 v13, v10;
	v11 =	vadd.f32 v12, v11;
	v12 =	vadd.s32 s31, v0  }
0x584: {  	v12 =	vand.u32 $0x7F, v12  }
0x585: {  	v10 =	vadd.f32 v11, v10;
	v11 =	vadd.s32 s31, v2;
	v12 =	vor.u32 v8, v12  }
0x586: {  	s30 =	simm.s32 $0x6;
	v11 =	vand.u32 $0x7F, v11  }
0x587: {  	v13 =	vadd.s32 s30, v0;
	v10 =	vmul.f32 v14, v10;
	v11 =	vor.u32 v8, v11  }
0x588: {  	s28 =	simm.s32 $0x4;
	v13 =	vand.u32 $0x7F, v13  }
0x589: {  	v13 =	vor.u32 v8, v13;
	[tilespmem:$0x10750] =	vst v10;
	v10 =	vadd.s32 s28, v0  }
0x58a: {  	s29 =	simm.s32 $0x2;
	v10 =	vand.u32 $0x7F, v10;
	v14 =	vld.idx.msk [tilespmem:v12+s13+$0x0], $0xffff  }
0x58b: {  	v15 =	vadd.s32 s29, v0;
	v12 =	vld.idx.msk [tilespmem:v12+s14+$0x0], $0xffff;
	v16 =	vor.u32 v8, v10  }
0x58c: {  	v10 =	vand.u32 $0x7F, v15;
	v18 =	vld.idx.msk [tilespmem:v11+s13+$0x0], $0xffff  }
0x58d: {  	v15 =	vadd.s32 s29, v2;
	v17 =	vor.u32 v8, v10;
	v21 =	vld.idx.msk [tilespmem:v11+s14+$0x0], $0xffff  }
0x58e: {  	v11 =	vand.u32 $0x7F, v15;
	v10 =	vld.idx.msk [tilespmem:v13+s13+$0x0], $0xffff  }
0x58f: {  	v19 =	vadd.s32 s28, v2;
	v15 =	vor.u32 v8, v11;
	v11 =	vld.idx.msk [tilespmem:v13+s14+$0x0], $0xffff  }
0x590: {  	v13 =	vand.u32 $0x7F, v19;
	v25 =	vld.idx.msk [tilespmem:v16+s13+$0x0], $0xffff  }
0x591: {  	v19 =	vadd.s32 s30, v2;
	v13 =	vor.u32 v8, v13;
	v29 =	vld.idx.msk [tilespmem:v16+s14+$0x0], $0xffff  }
0x592: {  	s31 =	simm.s32 $0x8;
	v16 =	vand.u32 $0x7F, v19;
	v22 =	vld.idx.msk [tilespmem:v17+s13+$0x0], $0xffff  }
0x593: {  	v19 =	vadd.s32 s31, v0;
	v23 =	vld.idx.msk [tilespmem:v17+s14+$0x0], $0xffff;
	v24 =	vor.u32 v8, v16  }
0x594: {  	v16 =	vand.u32 $0x7F, v19;
	v27 =	vld.idx.msk [tilespmem:v15+s13+$0x0], $0xffff  }
0x595: {  	s26 =	simm.s32 $0xE;
	v17 =	vadd.s32 s31, v2;
	v26 =	vor.u32 v8, v16;
	v28 =	vld.idx.msk [tilespmem:v15+s14+$0x0], $0xffff  }
0x596: {  	v30 =	vimm.f32 $0.0e+00;
	v20 =	vadd.s32 s26, v0;
	s29 =	simm.s32 $0xC;
	v16 =	vand.u32 $0x7F, v17;
	v15 =	vld.idx.msk [tilespmem:v13+s13+$0x0], $0xffff  }
0x597: {  	v20 =	vand.u32 $0x7F, v20;
	s28 =	simm.s32 $0xA;
	v19 =	vor.u32 v8, v16;
	v16 =	vadd.s32 s29, v0;
	v17 =	vld.idx.msk [tilespmem:v13+s14+$0x0], $0xffff  }
0x598: {  	v20 =	vor.u32 v8, v20;
	v31 =	vadd.s32 s28, v0;
	v13 =	vand.u32 $0x7F, v16;
	v16 =	vld.idx.msk [tilespmem:v24+s13+$0x0], $0xffff  }
0x599: {  	v62 =	vadd.s32 s28, v2;
	v14 =	vmul.f32 v12, v14;
	v63 =	vmul.f32 v21, v18;
	v18 =	vld.idx.msk [tilespmem:v24+s14+$0x0], $0xffff  }
0x59a: {  	v31 =	vand.u32 $0x7F, v31;
	v21 =	vor.u32 v8, v13;
	v23 =	vmul.f32 v23, v22;
	v12 =	vld.idx.msk [tilespmem:v26+s13+$0x0], $0xffff  }
0x59b: {  	v24 =	vadd.f32 v63, v30;
	v13 =	vld.idx.msk [tilespmem:v26+s14+$0x0], $0xffff;
	v26 =	vadd.f32 v14, v30;
	v27 =	vmul.f32 v28, v27  }
0x59c: {  	s28 =	simm.s32 $0x10;
	v25 =	vmul.f32 v29, v25;
	v22 =	vor.u32 v8, v31;
	v28 =	vand.u32 $0x7F, v62;
	v14 =	vld.idx.msk [tilespmem:v19+s13+$0x0], $0xffff  }
.LBB2_46:
0x59d: {  	p0 =	slt.u32 s28, $0x78;
	v29 =	vld.idx.msk [tilespmem:v19+s14+$0x0], $0xffff;
	v19 =	vadd.f32 v23, v26;
	v23 =	vadd.f32 v27, v24;
	v15 =	vmul.f32 v17, v15  }
0x59e: {  	v17 =	vor.u32 v8, v28;
	v24 =	vadd.s32 s29, v2;
	v26 =	vmul.f32 v11, v10;
	v10 =	vld.idx.msk [tilespmem:v20+s13+$0x0], $0xffff  }
0x59f: {  	v16 =	vmul.f32 v18, v16;
	v11 =	vld.idx.msk [tilespmem:v20+s14+$0x0], $0xffff;
	v19 =	vadd.f32 v25, v19;
	v15 =	vadd.f32 v15, v23  }
0x5a0: {  	v18 =	vand.u32 $0x7F, v24;
	v20 =	vadd.s32 s26, v2;
	v25 =	vld.idx.msk [tilespmem:v21+s13+$0x0], $0xffff  }
0x5a1: {  	v18 =	vor.u32 v8, v18;
	v30 =	vld.idx.msk [tilespmem:v21+s14+$0x0], $0xffff;
	v24 =	vadd.f32 v26, v19;
	v27 =	vadd.f32 v16, v15  }
0x5a2: {  	v15 =	vand.u32 $0x7F, v20;
	v23 =	vld.idx.msk [tilespmem:v22+s13+$0x0], $0xffff  }
0x5a3: {  	v16 =	vadd.s32 s28, v0;
	v21 =	vor.u32 v8, v15;
	v22 =	vld.idx.msk [tilespmem:v22+s14+$0x0], $0xffff  }
0x5a4: {  	v15 =	vand.u32 $0x7F, v16;
	v28 =	vld.idx.msk [tilespmem:v17+s13+$0x0], $0xffff  }
0x5a5: {  	s26 =	sadd.s32 $0x6, s28;
	v16 =	vadd.s32 s28, v2;
	v26 =	vor.u32 v8, v15;
	v31 =	vld.idx.msk [tilespmem:v17+s14+$0x0], $0xffff  }
0x5a6: {  	s30 =	sadd.s32 $0x2, s28;
	s29 =	sadd.s32 $0x4, s28;
	v20 =	vadd.s32 s26, v0;
	v16 =	vand.u32 $0x7F, v16;
	v15 =	vld.idx.msk [tilespmem:v18+s13+$0x0], $0xffff  }
0x5a7: {  	v32 =	vadd.s32 s30, v0;
	v19 =	vor.u32 v8, v16;
	v16 =	vadd.s32 s29, v0;
	v17 =	vld.idx.msk [tilespmem:v18+s14+$0x0], $0xffff  }
.Ltmp22:
0x5a8: {  	v33 =	vadd.s32 s30, v2;
	v34 =	vand.u32 $0x7F, v16;
	v18 =	vand.u32 $0x7F, v20;
	v16 =	vld.idx.msk [tilespmem:v21+s13+$0x0], $0xffff;
	(pc) =	sbr.rel @p0 .LBB2_46-.Ltmp22, $4  }
0x5a9: {  	v35 =	vmul.f32 v13, v12;
	v14 =	vmul.f32 v29, v14;
	v20 =	vor.u32 v8, v18;
	v18 =	vld.idx.msk [tilespmem:v21+s14+$0x0], $0xffff  }
0x5aa: {  	v29 =	vand.u32 $0x7F, v32;
	v23 =	vmul.f32 v22, v23;
	v21 =	vor.u32 v8, v34;
	v12 =	vld.idx.msk [tilespmem:v26+s13+$0x0], $0xffff  }
0x5ab: {  	v13 =	vld.idx.msk [tilespmem:v26+s14+$0x0], $0xffff;
	v26 =	vadd.f32 v35, v24;
	v24 =	vadd.f32 v14, v27;
	v27 =	vmul.f32 v31, v28  }
0x5ac: {  	s28 =	sadd.s32 $0x8, s28;
	v25 =	vmul.f32 v30, v25;
	v22 =	vor.u32 v8, v29;
	v28 =	vand.u32 $0x7F, v33;
	v14 =	vld.idx.msk [tilespmem:v19+s13+$0x0], $0xffff  }
0x5ad: {  	_ =	sdelay $0x3  }
0x5ae: {  	v19 =	vld.idx.msk [tilespmem:v19+s14+$0x0], $0xffff  }
0x5af: {  	v29 =	vld.idx.msk [tilespmem:v20+s13+$0x0], $0xffff  }
0x5b0: {  	v28 =	vor.u32 v8, v28;
	v30 =	vadd.s32 s29, v2;
	v20 =	vld.idx.msk [tilespmem:v20+s14+$0x0], $0xffff  }
0x5b1: {  	v31 =	vld.idx.msk [tilespmem:v21+s13+$0x0], $0xffff;
	v30 =	vand.u32 $0x7F, v30  }
0x5b2: {  	v32 =	vadd.s32 s26, v2;
	v21 =	vld.idx.msk [tilespmem:v21+s14+$0x0], $0xffff;
	v30 =	vor.u32 v8, v30  }
0x5b3: {  	v33 =	vld.idx.msk [tilespmem:v22+s13+$0x0], $0xffff;
	v32 =	vand.u32 $0x7F, v32  }
0x5b4: {  	v23 =	vadd.f32 v23, v26;
	v22 =	vld.idx.msk [tilespmem:v22+s14+$0x0], $0xffff;
	v26 =	vor.u32 v8, v32  }
0x5b5: {  	v24 =	vadd.f32 v27, v24;
	v15 =	vmul.f32 v17, v15;
	v17 =	vld.idx.msk [tilespmem:v28+s13+$0x0], $0xffff  }
0x5b6: {  	v10 =	vmul.f32 v11, v10;
	v11 =	vadd.f32 v25, v23;
	v23 =	vld.idx.msk [tilespmem:v28+s14+$0x0], $0xffff  }
0x5b7: {  	v16 =	vmul.f32 v18, v16;
	v15 =	vadd.f32 v15, v24;
	v18 =	vld.idx.msk [tilespmem:v30+s13+$0x0], $0xffff  }
0x5b8: {  	v12 =	vmul.f32 v13, v12;
	v10 =	vadd.f32 v10, v11;
	v11 =	vld.idx.msk [tilespmem:v30+s14+$0x0], $0xffff  }
0x5b9: {  	v15 =	vadd.f32 v16, v15;
	v13 =	vmul.f32 v19, v14;
	v16 =	vld.idx.msk [tilespmem:v26+s13+$0x0], $0xffff  }
0x5ba: {  	v19 =	vmul.f32 v22, v33;
	v10 =	vadd.f32 v12, v10;
	v14 =	vld.idx.msk [tilespmem:v26+s14+$0x0], $0xffff  }
0x5bb: {  	v12 =	vadd.f32 v13, v15;
	v13 =	vmul.f32 v23, v17  }
0x5bc: {  	v15 =	vmul.f32 v21, v31;
	v10 =	vadd.f32 v19, v10  }
0x5bd: {  	v12 =	vadd.f32 v13, v12;
	v11 =	vmul.f32 v11, v18  }
0x5be: {  	v10 =	vadd.f32 v15, v10  }
0x5bf: {  	v13 =	vmul.f32 v20, v29;
	v11 =	vadd.f32 v11, v12;
	v12 =	vmul.f32 v14, v16  }
0x5c0: {  	s31 =	simm.s32 $0x0;
	v14 =	vld [tilespmem:$0x10560]  }
0x5c1: {  	v10 =	vadd.f32 v13, v10;
	v11 =	vadd.f32 v12, v11;
	v12 =	vadd.s32 s31, v0  }
0x5c2: {  	v12 =	vand.u32 $0x7F, v12  }
0x5c3: {  	v10 =	vadd.f32 v11, v10;
	v11 =	vadd.s32 s31, v2;
	v12 =	vor.u32 v9, v12  }
0x5c4: {  	s30 =	simm.s32 $0x6;
	v11 =	vand.u32 $0x7F, v11  }
0x5c5: {  	v13 =	vadd.s32 s30, v0;
	v10 =	vmul.f32 v14, v10;
	v11 =	vor.u32 v9, v11  }
0x5c6: {  	s28 =	simm.s32 $0x4;
	v13 =	vand.u32 $0x7F, v13  }
0x5c7: {  	v13 =	vor.u32 v9, v13;
	[tilespmem:$0x10760] =	vst v10;
	v10 =	vadd.s32 s28, v0  }
0x5c8: {  	s29 =	simm.s32 $0x2;
	v10 =	vand.u32 $0x7F, v10;
	v14 =	vld.idx.msk [tilespmem:v12+s13+$0x0], $0xffff  }
0x5c9: {  	v15 =	vadd.s32 s29, v0;
	v12 =	vld.idx.msk [tilespmem:v12+s14+$0x0], $0xffff;
	v16 =	vor.u32 v9, v10  }
0x5ca: {  	v10 =	vand.u32 $0x7F, v15;
	v18 =	vld.idx.msk [tilespmem:v11+s13+$0x0], $0xffff  }
0x5cb: {  	v15 =	vadd.s32 s29, v2;
	v17 =	vor.u32 v9, v10;
	v21 =	vld.idx.msk [tilespmem:v11+s14+$0x0], $0xffff  }
0x5cc: {  	v11 =	vand.u32 $0x7F, v15;
	v10 =	vld.idx.msk [tilespmem:v13+s13+$0x0], $0xffff  }
0x5cd: {  	v19 =	vadd.s32 s28, v2;
	v15 =	vor.u32 v9, v11;
	v11 =	vld.idx.msk [tilespmem:v13+s14+$0x0], $0xffff  }
0x5ce: {  	v13 =	vand.u32 $0x7F, v19;
	v25 =	vld.idx.msk [tilespmem:v16+s13+$0x0], $0xffff  }
0x5cf: {  	v19 =	vadd.s32 s30, v2;
	v13 =	vor.u32 v9, v13;
	v29 =	vld.idx.msk [tilespmem:v16+s14+$0x0], $0xffff  }
0x5d0: {  	s31 =	simm.s32 $0x8;
	v16 =	vand.u32 $0x7F, v19;
	v22 =	vld.idx.msk [tilespmem:v17+s13+$0x0], $0xffff  }
0x5d1: {  	v19 =	vadd.s32 s31, v0;
	v23 =	vld.idx.msk [tilespmem:v17+s14+$0x0], $0xffff;
	v24 =	vor.u32 v9, v16  }
0x5d2: {  	v16 =	vand.u32 $0x7F, v19;
	v27 =	vld.idx.msk [tilespmem:v15+s13+$0x0], $0xffff  }
0x5d3: {  	s26 =	simm.s32 $0xE;
	v17 =	vadd.s32 s31, v2;
	v26 =	vor.u32 v9, v16;
	v28 =	vld.idx.msk [tilespmem:v15+s14+$0x0], $0xffff  }
0x5d4: {  	v30 =	vimm.f32 $0.0e+00;
	v20 =	vadd.s32 s26, v0;
	s29 =	simm.s32 $0xC;
	v16 =	vand.u32 $0x7F, v17;
	v15 =	vld.idx.msk [tilespmem:v13+s13+$0x0], $0xffff  }
0x5d5: {  	v20 =	vand.u32 $0x7F, v20;
	s28 =	simm.s32 $0xA;
	v19 =	vor.u32 v9, v16;
	v16 =	vadd.s32 s29, v0;
	v17 =	vld.idx.msk [tilespmem:v13+s14+$0x0], $0xffff  }
0x5d6: {  	v20 =	vor.u32 v9, v20;
	v31 =	vadd.s32 s28, v0;
	v13 =	vand.u32 $0x7F, v16;
	v16 =	vld.idx.msk [tilespmem:v24+s13+$0x0], $0xffff  }
0x5d7: {  	v62 =	vadd.s32 s28, v2;
	v14 =	vmul.f32 v12, v14;
	v63 =	vmul.f32 v21, v18;
	v18 =	vld.idx.msk [tilespmem:v24+s14+$0x0], $0xffff  }
0x5d8: {  	v31 =	vand.u32 $0x7F, v31;
	v21 =	vor.u32 v9, v13;
	v23 =	vmul.f32 v23, v22;
	v12 =	vld.idx.msk [tilespmem:v26+s13+$0x0], $0xffff  }
0x5d9: {  	v24 =	vadd.f32 v63, v30;
	v13 =	vld.idx.msk [tilespmem:v26+s14+$0x0], $0xffff;
	v26 =	vadd.f32 v14, v30;
	v27 =	vmul.f32 v28, v27  }
0x5da: {  	s28 =	simm.s32 $0x10;
	v25 =	vmul.f32 v29, v25;
	v22 =	vor.u32 v9, v31;
	v28 =	vand.u32 $0x7F, v62;
	v14 =	vld.idx.msk [tilespmem:v19+s13+$0x0], $0xffff  }
.LBB2_48:
0x5db: {  	p0 =	slt.u32 s28, $0x78;
	v29 =	vld.idx.msk [tilespmem:v19+s14+$0x0], $0xffff;
	v19 =	vadd.f32 v23, v26;
	v23 =	vadd.f32 v27, v24;
	v15 =	vmul.f32 v17, v15  }
0x5dc: {  	v17 =	vor.u32 v9, v28;
	v24 =	vadd.s32 s29, v2;
	v26 =	vmul.f32 v11, v10;
	v10 =	vld.idx.msk [tilespmem:v20+s13+$0x0], $0xffff  }
0x5dd: {  	v16 =	vmul.f32 v18, v16;
	v11 =	vld.idx.msk [tilespmem:v20+s14+$0x0], $0xffff;
	v19 =	vadd.f32 v25, v19;
	v15 =	vadd.f32 v15, v23  }
0x5de: {  	v18 =	vand.u32 $0x7F, v24;
	v20 =	vadd.s32 s26, v2;
	v25 =	vld.idx.msk [tilespmem:v21+s13+$0x0], $0xffff  }
0x5df: {  	v18 =	vor.u32 v9, v18;
	v30 =	vld.idx.msk [tilespmem:v21+s14+$0x0], $0xffff;
	v24 =	vadd.f32 v26, v19;
	v27 =	vadd.f32 v16, v15  }
0x5e0: {  	v15 =	vand.u32 $0x7F, v20;
	v23 =	vld.idx.msk [tilespmem:v22+s13+$0x0], $0xffff  }
0x5e1: {  	v16 =	vadd.s32 s28, v0;
	v21 =	vor.u32 v9, v15;
	v22 =	vld.idx.msk [tilespmem:v22+s14+$0x0], $0xffff  }
0x5e2: {  	v15 =	vand.u32 $0x7F, v16;
	v28 =	vld.idx.msk [tilespmem:v17+s13+$0x0], $0xffff  }
0x5e3: {  	s26 =	sadd.s32 $0x6, s28;
	v16 =	vadd.s32 s28, v2;
	v26 =	vor.u32 v9, v15;
	v31 =	vld.idx.msk [tilespmem:v17+s14+$0x0], $0xffff  }
0x5e4: {  	s30 =	sadd.s32 $0x2, s28;
	s29 =	sadd.s32 $0x4, s28;
	v20 =	vadd.s32 s26, v0;
	v16 =	vand.u32 $0x7F, v16;
	v15 =	vld.idx.msk [tilespmem:v18+s13+$0x0], $0xffff  }
0x5e5: {  	v32 =	vadd.s32 s30, v0;
	v19 =	vor.u32 v9, v16;
	v16 =	vadd.s32 s29, v0;
	v17 =	vld.idx.msk [tilespmem:v18+s14+$0x0], $0xffff  }
.Ltmp23:
0x5e6: {  	v33 =	vadd.s32 s30, v2;
	v34 =	vand.u32 $0x7F, v16;
	v18 =	vand.u32 $0x7F, v20;
	v16 =	vld.idx.msk [tilespmem:v21+s13+$0x0], $0xffff;
	(pc) =	sbr.rel @p0 .LBB2_48-.Ltmp23, $4  }
0x5e7: {  	v35 =	vmul.f32 v13, v12;
	v14 =	vmul.f32 v29, v14;
	v20 =	vor.u32 v9, v18;
	v18 =	vld.idx.msk [tilespmem:v21+s14+$0x0], $0xffff  }
0x5e8: {  	v29 =	vand.u32 $0x7F, v32;
	v23 =	vmul.f32 v22, v23;
	v21 =	vor.u32 v9, v34;
	v12 =	vld.idx.msk [tilespmem:v26+s13+$0x0], $0xffff  }
0x5e9: {  	v13 =	vld.idx.msk [tilespmem:v26+s14+$0x0], $0xffff;
	v26 =	vadd.f32 v35, v24;
	v24 =	vadd.f32 v14, v27;
	v27 =	vmul.f32 v31, v28  }
0x5ea: {  	s28 =	sadd.s32 $0x8, s28;
	v25 =	vmul.f32 v30, v25;
	v22 =	vor.u32 v9, v29;
	v28 =	vand.u32 $0x7F, v33;
	v14 =	vld.idx.msk [tilespmem:v19+s13+$0x0], $0xffff  }
0x5eb: {  	_ =	sdelay $0x3  }
0x5ec: {  	v19 =	vld.idx.msk [tilespmem:v19+s14+$0x0], $0xffff  }
0x5ed: {  	v29 =	vld.idx.msk [tilespmem:v20+s13+$0x0], $0xffff  }
0x5ee: {  	v28 =	vor.u32 v9, v28;
	v30 =	vadd.s32 s29, v2;
	v20 =	vld.idx.msk [tilespmem:v20+s14+$0x0], $0xffff  }
0x5ef: {  	v31 =	vld.idx.msk [tilespmem:v21+s13+$0x0], $0xffff;
	v30 =	vand.u32 $0x7F, v30  }
0x5f0: {  	v32 =	vadd.s32 s26, v2;
	v21 =	vld.idx.msk [tilespmem:v21+s14+$0x0], $0xffff;
	v30 =	vor.u32 v9, v30  }
0x5f1: {  	v33 =	vld.idx.msk [tilespmem:v22+s13+$0x0], $0xffff;
	v32 =	vand.u32 $0x7F, v32  }
0x5f2: {  	v23 =	vadd.f32 v23, v26;
	v22 =	vld.idx.msk [tilespmem:v22+s14+$0x0], $0xffff;
	v26 =	vor.u32 v9, v32  }
0x5f3: {  	v24 =	vadd.f32 v27, v24;
	v15 =	vmul.f32 v17, v15;
	v17 =	vld.idx.msk [tilespmem:v28+s13+$0x0], $0xffff  }
0x5f4: {  	v10 =	vmul.f32 v11, v10;
	v11 =	vadd.f32 v25, v23;
	v23 =	vld.idx.msk [tilespmem:v28+s14+$0x0], $0xffff  }
0x5f5: {  	v16 =	vmul.f32 v18, v16;
	v15 =	vadd.f32 v15, v24;
	v18 =	vld.idx.msk [tilespmem:v30+s13+$0x0], $0xffff  }
0x5f6: {  	v12 =	vmul.f32 v13, v12;
	v10 =	vadd.f32 v10, v11;
	v11 =	vld.idx.msk [tilespmem:v30+s14+$0x0], $0xffff  }
0x5f7: {  	v15 =	vadd.f32 v16, v15;
	v13 =	vmul.f32 v19, v14;
	v16 =	vld.idx.msk [tilespmem:v26+s13+$0x0], $0xffff  }
0x5f8: {  	v19 =	vmul.f32 v22, v33;
	v10 =	vadd.f32 v12, v10;
	v14 =	vld.idx.msk [tilespmem:v26+s14+$0x0], $0xffff  }
0x5f9: {  	v12 =	vadd.f32 v13, v15;
	v13 =	vmul.f32 v23, v17  }
0x5fa: {  	v15 =	vmul.f32 v21, v31;
	v10 =	vadd.f32 v19, v10  }
0x5fb: {  	v12 =	vadd.f32 v13, v12;
	v11 =	vmul.f32 v11, v18  }
0x5fc: {  	v10 =	vadd.f32 v15, v10  }
0x5fd: {  	v13 =	vmul.f32 v20, v29;
	v11 =	vadd.f32 v11, v12;
	v12 =	vmul.f32 v14, v16  }
0x5fe: {  	v14 =	vld [tilespmem:$0x10570]  }
0x5ff: {  	v10 =	vadd.f32 v13, v10;
	v11 =	vadd.f32 v12, v11;
	_ =	sdelay $0x1  }
0x600: {  	v10 =	vadd.f32 v11, v10;
	_ =	sdelay $0x1  }
0x601: {  	v10 =	vmul.f32 v14, v10  }
0x602: {  	s31 =	simm.s32 $0x0  }
0x603: {  	[tilespmem:$0x10770] =	vst v10;
	v10 =	vadd.s32 s31, v0  }
0x604: {  	_ =	swait.ge [sflag:s19], $0x4000;
	v10 =	vand.u32 $0x7F, v10  }
0x605: {  	v11 =	vadd.s32 s31, v2;
	[sflag:s19] =	ssyncset.done $0x0;
	v10 =	vor.u32 v1, v10  }
0x606: {  	s28 =	simm.s32 $0x4;
	v11 =	vand.u32 $0x7F, v11;
	[sflag:s19] =	ssyncadd.s32 $0xFFFFC000  }
0x607: {  	s30 =	simm.s32 $0x6;
	v13 =	vadd.s32 s28, v0;
	v11 =	vor.u32 v1, v11;
	_ =	swait.ge [sflag:s19], $0x4000  }
0x608: {  	v13 =	vand.u32 $0x7F, v13;
	v12 =	vadd.s32 s30, v0;
	[sflag:s19] =	ssyncset.done $0x0  }
0x609: {  	v13 =	vor.u32 v1, v13;
	v12 =	vand.u32 $0x7F, v12;
	[sflag:s19] =	ssyncadd.s32 $0xFFFFC000  }
0x60a: {  	s29 =	simm.s32 $0x2;
	v12 =	vor.u32 v1, v12;
	v14 =	vld.idx.msk [tilespmem:v10+s16+$0x0], $0xffff  }
0x60b: {  	v15 =	vadd.s32 s29, v0;
	v18 =	vld.idx.msk [tilespmem:v10+s18+$0x0], $0xffff  }
0x60c: {  	v10 =	vand.u32 $0x7F, v15;
	v21 =	vld.idx.msk [tilespmem:v11+s16+$0x0], $0xffff  }
0x60d: {  	v15 =	vadd.s32 s29, v2;
	v22 =	vld.idx.msk [tilespmem:v11+s18+$0x0], $0xffff;
	v16 =	vor.u32 v1, v10  }
0x60e: {  	v25 =	vld.idx.msk [tilespmem:v13+s16+$0x0], $0xffff;
	v11 =	vand.u32 $0x7F, v15  }
0x60f: {  	v17 =	vadd.s32 s28, v2;
	v10 =	vld.idx.msk [tilespmem:v12+s16+$0x0], $0xffff;
	v15 =	vor.u32 v1, v11  }
0x610: {  	v11 =	vld.idx.msk [tilespmem:v12+s18+$0x0], $0xffff;
	v12 =	vand.u32 $0x7F, v17  }
0x611: {  	v29 =	vld.idx.msk [tilespmem:v13+s18+$0x0], $0xffff;
	v17 =	vadd.s32 s30, v2;
	v12 =	vor.u32 v1, v12  }
0x612: {  	s31 =	simm.s32 $0x8;
	v17 =	vand.u32 $0x7F, v17;
	v13 =	vld.idx.msk [tilespmem:v16+s16+$0x0], $0xffff  }
0x613: {  	v19 =	vadd.s32 s31, v0;
	v24 =	vor.u32 v1, v17;
	v23 =	vld.idx.msk [tilespmem:v16+s18+$0x0], $0xffff  }
0x614: {  	v16 =	vand.u32 $0x7F, v19;
	v27 =	vld.idx.msk [tilespmem:v15+s16+$0x0], $0xffff  }
0x615: {  	s26 =	simm.s32 $0xE;
	v17 =	vadd.s32 s31, v2;
	v26 =	vor.u32 v1, v16;
	v28 =	vld.idx.msk [tilespmem:v15+s18+$0x0], $0xffff  }
0x616: {  	v30 =	vimm.f32 $0.0e+00;
	v20 =	vadd.s32 s26, v0;
	s28 =	simm.s32 $0xA;
	s29 =	simm.s32 $0xC;
	v16 =	vand.u32 $0x7F, v17;
	v15 =	vld.idx.msk [tilespmem:v12+s16+$0x0], $0xffff  }
0x617: {  	v31 =	vadd.s32 s28, v0;
	v19 =	vor.u32 v1, v16;
	v16 =	vadd.s32 s29, v0;
	v17 =	vld.idx.msk [tilespmem:v12+s18+$0x0], $0xffff  }
0x618: {  	v22 =	vmul.f32 v22, v21;
	v12 =	vand.u32 $0x7F, v20;
	v63 =	vand.u32 $0x7F, v16;
	v16 =	vld.idx.msk [tilespmem:v24+s16+$0x0], $0xffff  }
0x619: {  	v62 =	vadd.s32 s28, v2;
	v14 =	vmul.f32 v18, v14;
	v20 =	vor.u32 v1, v12;
	v18 =	vld.idx.msk [tilespmem:v24+s18+$0x0], $0xffff  }
0x61a: {  	v31 =	vand.u32 $0x7F, v31;
	v24 =	vadd.f32 v22, v30;
	v21 =	vor.u32 v1, v63;
	v12 =	vld.idx.msk [tilespmem:v26+s16+$0x0], $0xffff  }
0x61b: {  	v23 =	vmul.f32 v23, v13;
	v13 =	vld.idx.msk [tilespmem:v26+s18+$0x0], $0xffff;
	v26 =	vadd.f32 v14, v30;
	v27 =	vmul.f32 v28, v27  }
0x61c: {  	s28 =	simm.s32 $0x10;
	v25 =	vmul.f32 v29, v25;
	v22 =	vor.u32 v1, v31;
	v28 =	vand.u32 $0x7F, v62;
	v14 =	vld.idx.msk [tilespmem:v19+s16+$0x0], $0xffff  }
.LBB2_50:
0x61d: {  	p0 =	slt.u32 s28, $0x78;
	v29 =	vld.idx.msk [tilespmem:v19+s18+$0x0], $0xffff;
	v19 =	vadd.f32 v23, v26;
	v23 =	vadd.f32 v27, v24;
	v15 =	vmul.f32 v17, v15  }
0x61e: {  	v17 =	vor.u32 v1, v28;
	v24 =	vadd.s32 s29, v2;
	v26 =	vmul.f32 v11, v10;
	v10 =	vld.idx.msk [tilespmem:v20+s16+$0x0], $0xffff  }
0x61f: {  	v16 =	vmul.f32 v18, v16;
	v11 =	vld.idx.msk [tilespmem:v20+s18+$0x0], $0xffff;
	v19 =	vadd.f32 v25, v19;
	v15 =	vadd.f32 v15, v23  }
0x620: {  	v18 =	vand.u32 $0x7F, v24;
	v20 =	vadd.s32 s26, v2;
	v25 =	vld.idx.msk [tilespmem:v21+s16+$0x0], $0xffff  }
0x621: {  	v18 =	vor.u32 v1, v18;
	v30 =	vld.idx.msk [tilespmem:v21+s18+$0x0], $0xffff;
	v24 =	vadd.f32 v26, v19;
	v27 =	vadd.f32 v16, v15  }
0x622: {  	v15 =	vand.u32 $0x7F, v20;
	v23 =	vld.idx.msk [tilespmem:v22+s16+$0x0], $0xffff  }
0x623: {  	v16 =	vadd.s32 s28, v0;
	v21 =	vor.u32 v1, v15;
	v22 =	vld.idx.msk [tilespmem:v22+s18+$0x0], $0xffff  }
0x624: {  	v15 =	vand.u32 $0x7F, v16;
	v28 =	vld.idx.msk [tilespmem:v17+s16+$0x0], $0xffff  }
0x625: {  	s26 =	sadd.s32 $0x6, s28;
	v16 =	vadd.s32 s28, v2;
	v26 =	vor.u32 v1, v15;
	v31 =	vld.idx.msk [tilespmem:v17+s18+$0x0], $0xffff  }
0x626: {  	s30 =	sadd.s32 $0x2, s28;
	s29 =	sadd.s32 $0x4, s28;
	v20 =	vadd.s32 s26, v0;
	v16 =	vand.u32 $0x7F, v16;
	v15 =	vld.idx.msk [tilespmem:v18+s16+$0x0], $0xffff  }
0x627: {  	v32 =	vadd.s32 s30, v0;
	v19 =	vor.u32 v1, v16;
	v16 =	vadd.s32 s29, v0;
	v17 =	vld.idx.msk [tilespmem:v18+s18+$0x0], $0xffff  }
.Ltmp24:
0x628: {  	v33 =	vadd.s32 s30, v2;
	v34 =	vand.u32 $0x7F, v16;
	v18 =	vand.u32 $0x7F, v20;
	v16 =	vld.idx.msk [tilespmem:v21+s16+$0x0], $0xffff;
	(pc) =	sbr.rel @p0 .LBB2_50-.Ltmp24, $4  }
0x629: {  	v35 =	vmul.f32 v13, v12;
	v14 =	vmul.f32 v29, v14;
	v20 =	vor.u32 v1, v18;
	v18 =	vld.idx.msk [tilespmem:v21+s18+$0x0], $0xffff  }
0x62a: {  	v29 =	vand.u32 $0x7F, v32;
	v23 =	vmul.f32 v22, v23;
	v21 =	vor.u32 v1, v34;
	v12 =	vld.idx.msk [tilespmem:v26+s16+$0x0], $0xffff  }
0x62b: {  	v13 =	vld.idx.msk [tilespmem:v26+s18+$0x0], $0xffff;
	v26 =	vadd.f32 v35, v24;
	v24 =	vadd.f32 v14, v27;
	v27 =	vmul.f32 v31, v28  }
0x62c: {  	s28 =	sadd.s32 $0x8, s28;
	v25 =	vmul.f32 v30, v25;
	v22 =	vor.u32 v1, v29;
	v28 =	vand.u32 $0x7F, v33;
	v14 =	vld.idx.msk [tilespmem:v19+s16+$0x0], $0xffff  }
0x62d: {  	_ =	sdelay $0x3  }
0x62e: {  	v19 =	vld.idx.msk [tilespmem:v19+s18+$0x0], $0xffff  }
0x62f: {  	v29 =	vld.idx.msk [tilespmem:v20+s16+$0x0], $0xffff  }
0x630: {  	v28 =	vor.u32 v1, v28;
	v30 =	vadd.s32 s29, v2;
	v20 =	vld.idx.msk [tilespmem:v20+s18+$0x0], $0xffff  }
0x631: {  	v31 =	vld.idx.msk [tilespmem:v21+s16+$0x0], $0xffff;
	v30 =	vand.u32 $0x7F, v30  }
0x632: {  	v32 =	vadd.s32 s26, v2;
	v21 =	vld.idx.msk [tilespmem:v21+s18+$0x0], $0xffff;
	v30 =	vor.u32 v1, v30  }
0x633: {  	v33 =	vld.idx.msk [tilespmem:v22+s16+$0x0], $0xffff;
	v32 =	vand.u32 $0x7F, v32  }
0x634: {  	v23 =	vadd.f32 v23, v26;
	v22 =	vld.idx.msk [tilespmem:v22+s18+$0x0], $0xffff;
	v26 =	vor.u32 v1, v32  }
0x635: {  	v24 =	vadd.f32 v27, v24;
	v15 =	vmul.f32 v17, v15;
	v17 =	vld.idx.msk [tilespmem:v28+s16+$0x0], $0xffff  }
0x636: {  	v10 =	vmul.f32 v11, v10;
	v11 =	vadd.f32 v25, v23;
	v23 =	vld.idx.msk [tilespmem:v28+s18+$0x0], $0xffff  }
0x637: {  	v16 =	vmul.f32 v18, v16;
	v15 =	vadd.f32 v15, v24;
	v18 =	vld.idx.msk [tilespmem:v30+s16+$0x0], $0xffff  }
0x638: {  	v12 =	vmul.f32 v13, v12;
	v10 =	vadd.f32 v10, v11;
	v11 =	vld.idx.msk [tilespmem:v30+s18+$0x0], $0xffff  }
0x639: {  	v15 =	vadd.f32 v16, v15;
	v13 =	vmul.f32 v19, v14;
	v16 =	vld.idx.msk [tilespmem:v26+s16+$0x0], $0xffff  }
0x63a: {  	v19 =	vmul.f32 v22, v33;
	v10 =	vadd.f32 v12, v10;
	v14 =	vld.idx.msk [tilespmem:v26+s18+$0x0], $0xffff  }
0x63b: {  	v12 =	vadd.f32 v13, v15;
	v13 =	vmul.f32 v23, v17  }
0x63c: {  	v15 =	vmul.f32 v21, v31;
	v10 =	vadd.f32 v19, v10  }
0x63d: {  	v12 =	vadd.f32 v13, v12;
	v11 =	vmul.f32 v11, v18  }
0x63e: {  	v10 =	vadd.f32 v15, v10  }
0x63f: {  	v13 =	vmul.f32 v20, v29;
	v11 =	vadd.f32 v11, v12;
	v12 =	vmul.f32 v14, v16  }
0x640: {  	s31 =	simm.s32 $0x0;
	v14 =	vld [tilespmem:$0x10580]  }
0x641: {  	v10 =	vadd.f32 v13, v10;
	v11 =	vadd.f32 v12, v11;
	v12 =	vadd.s32 s31, v0  }
0x642: {  	v12 =	vand.u32 $0x7F, v12  }
0x643: {  	v10 =	vadd.f32 v11, v10;
	v11 =	vadd.s32 s31, v2;
	v12 =	vor.u32 v3, v12  }
0x644: {  	s30 =	simm.s32 $0x6;
	v11 =	vand.u32 $0x7F, v11  }
0x645: {  	v13 =	vadd.s32 s30, v0;
	v10 =	vmul.f32 v14, v10;
	v11 =	vor.u32 v3, v11  }
0x646: {  	s28 =	simm.s32 $0x4;
	v13 =	vand.u32 $0x7F, v13  }
0x647: {  	v13 =	vor.u32 v3, v13;
	[tilespmem:$0x10780] =	vst v10;
	v10 =	vadd.s32 s28, v0  }
0x648: {  	s29 =	simm.s32 $0x2;
	v10 =	vand.u32 $0x7F, v10;
	v14 =	vld.idx.msk [tilespmem:v12+s16+$0x0], $0xffff  }
0x649: {  	v15 =	vadd.s32 s29, v0;
	v12 =	vld.idx.msk [tilespmem:v12+s18+$0x0], $0xffff;
	v16 =	vor.u32 v3, v10  }
0x64a: {  	v10 =	vand.u32 $0x7F, v15;
	v18 =	vld.idx.msk [tilespmem:v11+s16+$0x0], $0xffff  }
0x64b: {  	v15 =	vadd.s32 s29, v2;
	v17 =	vor.u32 v3, v10;
	v21 =	vld.idx.msk [tilespmem:v11+s18+$0x0], $0xffff  }
0x64c: {  	v11 =	vand.u32 $0x7F, v15;
	v10 =	vld.idx.msk [tilespmem:v13+s16+$0x0], $0xffff  }
0x64d: {  	v19 =	vadd.s32 s28, v2;
	v15 =	vor.u32 v3, v11;
	v11 =	vld.idx.msk [tilespmem:v13+s18+$0x0], $0xffff  }
0x64e: {  	v13 =	vand.u32 $0x7F, v19;
	v25 =	vld.idx.msk [tilespmem:v16+s16+$0x0], $0xffff  }
0x64f: {  	v19 =	vadd.s32 s30, v2;
	v13 =	vor.u32 v3, v13;
	v29 =	vld.idx.msk [tilespmem:v16+s18+$0x0], $0xffff  }
0x650: {  	s31 =	simm.s32 $0x8;
	v16 =	vand.u32 $0x7F, v19;
	v22 =	vld.idx.msk [tilespmem:v17+s16+$0x0], $0xffff  }
0x651: {  	v19 =	vadd.s32 s31, v0;
	v23 =	vld.idx.msk [tilespmem:v17+s18+$0x0], $0xffff;
	v24 =	vor.u32 v3, v16  }
0x652: {  	v16 =	vand.u32 $0x7F, v19;
	v27 =	vld.idx.msk [tilespmem:v15+s16+$0x0], $0xffff  }
0x653: {  	s26 =	simm.s32 $0xE;
	v17 =	vadd.s32 s31, v2;
	v26 =	vor.u32 v3, v16;
	v28 =	vld.idx.msk [tilespmem:v15+s18+$0x0], $0xffff  }
0x654: {  	v30 =	vimm.f32 $0.0e+00;
	v20 =	vadd.s32 s26, v0;
	s29 =	simm.s32 $0xC;
	v16 =	vand.u32 $0x7F, v17;
	v15 =	vld.idx.msk [tilespmem:v13+s16+$0x0], $0xffff  }
0x655: {  	v20 =	vand.u32 $0x7F, v20;
	s28 =	simm.s32 $0xA;
	v19 =	vor.u32 v3, v16;
	v16 =	vadd.s32 s29, v0;
	v17 =	vld.idx.msk [tilespmem:v13+s18+$0x0], $0xffff  }
0x656: {  	v20 =	vor.u32 v3, v20;
	v31 =	vadd.s32 s28, v0;
	v13 =	vand.u32 $0x7F, v16;
	v16 =	vld.idx.msk [tilespmem:v24+s16+$0x0], $0xffff  }
0x657: {  	v62 =	vadd.s32 s28, v2;
	v14 =	vmul.f32 v12, v14;
	v63 =	vmul.f32 v21, v18;
	v18 =	vld.idx.msk [tilespmem:v24+s18+$0x0], $0xffff  }
0x658: {  	v31 =	vand.u32 $0x7F, v31;
	v21 =	vor.u32 v3, v13;
	v23 =	vmul.f32 v23, v22;
	v12 =	vld.idx.msk [tilespmem:v26+s16+$0x0], $0xffff  }
0x659: {  	v24 =	vadd.f32 v63, v30;
	v13 =	vld.idx.msk [tilespmem:v26+s18+$0x0], $0xffff;
	v26 =	vadd.f32 v14, v30;
	v27 =	vmul.f32 v28, v27  }
0x65a: {  	s28 =	simm.s32 $0x10;
	v25 =	vmul.f32 v29, v25;
	v22 =	vor.u32 v3, v31;
	v28 =	vand.u32 $0x7F, v62;
	v14 =	vld.idx.msk [tilespmem:v19+s16+$0x0], $0xffff  }
.LBB2_52:
0x65b: {  	p0 =	slt.u32 s28, $0x78;
	v29 =	vld.idx.msk [tilespmem:v19+s18+$0x0], $0xffff;
	v19 =	vadd.f32 v23, v26;
	v23 =	vadd.f32 v27, v24;
	v15 =	vmul.f32 v17, v15  }
0x65c: {  	v17 =	vor.u32 v3, v28;
	v24 =	vadd.s32 s29, v2;
	v26 =	vmul.f32 v11, v10;
	v10 =	vld.idx.msk [tilespmem:v20+s16+$0x0], $0xffff  }
0x65d: {  	v16 =	vmul.f32 v18, v16;
	v11 =	vld.idx.msk [tilespmem:v20+s18+$0x0], $0xffff;
	v19 =	vadd.f32 v25, v19;
	v15 =	vadd.f32 v15, v23  }
0x65e: {  	v18 =	vand.u32 $0x7F, v24;
	v20 =	vadd.s32 s26, v2;
	v25 =	vld.idx.msk [tilespmem:v21+s16+$0x0], $0xffff  }
0x65f: {  	v18 =	vor.u32 v3, v18;
	v30 =	vld.idx.msk [tilespmem:v21+s18+$0x0], $0xffff;
	v24 =	vadd.f32 v26, v19;
	v27 =	vadd.f32 v16, v15  }
0x660: {  	v15 =	vand.u32 $0x7F, v20;
	v23 =	vld.idx.msk [tilespmem:v22+s16+$0x0], $0xffff  }
0x661: {  	v16 =	vadd.s32 s28, v0;
	v21 =	vor.u32 v3, v15;
	v22 =	vld.idx.msk [tilespmem:v22+s18+$0x0], $0xffff  }
0x662: {  	v15 =	vand.u32 $0x7F, v16;
	v28 =	vld.idx.msk [tilespmem:v17+s16+$0x0], $0xffff  }
0x663: {  	s26 =	sadd.s32 $0x6, s28;
	v16 =	vadd.s32 s28, v2;
	v26 =	vor.u32 v3, v15;
	v31 =	vld.idx.msk [tilespmem:v17+s18+$0x0], $0xffff  }
0x664: {  	s30 =	sadd.s32 $0x2, s28;
	s29 =	sadd.s32 $0x4, s28;
	v20 =	vadd.s32 s26, v0;
	v16 =	vand.u32 $0x7F, v16;
	v15 =	vld.idx.msk [tilespmem:v18+s16+$0x0], $0xffff  }
0x665: {  	v32 =	vadd.s32 s30, v0;
	v19 =	vor.u32 v3, v16;
	v16 =	vadd.s32 s29, v0;
	v17 =	vld.idx.msk [tilespmem:v18+s18+$0x0], $0xffff  }
.Ltmp25:
0x666: {  	v33 =	vadd.s32 s30, v2;
	v34 =	vand.u32 $0x7F, v16;
	v18 =	vand.u32 $0x7F, v20;
	v16 =	vld.idx.msk [tilespmem:v21+s16+$0x0], $0xffff;
	(pc) =	sbr.rel @p0 .LBB2_52-.Ltmp25, $4  }
0x667: {  	v35 =	vmul.f32 v13, v12;
	v14 =	vmul.f32 v29, v14;
	v20 =	vor.u32 v3, v18;
	v18 =	vld.idx.msk [tilespmem:v21+s18+$0x0], $0xffff  }
0x668: {  	v29 =	vand.u32 $0x7F, v32;
	v23 =	vmul.f32 v22, v23;
	v21 =	vor.u32 v3, v34;
	v12 =	vld.idx.msk [tilespmem:v26+s16+$0x0], $0xffff  }
0x669: {  	v13 =	vld.idx.msk [tilespmem:v26+s18+$0x0], $0xffff;
	v26 =	vadd.f32 v35, v24;
	v24 =	vadd.f32 v14, v27;
	v27 =	vmul.f32 v31, v28  }
0x66a: {  	s28 =	sadd.s32 $0x8, s28;
	v25 =	vmul.f32 v30, v25;
	v22 =	vor.u32 v3, v29;
	v28 =	vand.u32 $0x7F, v33;
	v14 =	vld.idx.msk [tilespmem:v19+s16+$0x0], $0xffff  }
0x66b: {  	_ =	sdelay $0x3  }
0x66c: {  	v19 =	vld.idx.msk [tilespmem:v19+s18+$0x0], $0xffff  }
0x66d: {  	v29 =	vld.idx.msk [tilespmem:v20+s16+$0x0], $0xffff  }
0x66e: {  	v28 =	vor.u32 v3, v28;
	v30 =	vadd.s32 s29, v2;
	v20 =	vld.idx.msk [tilespmem:v20+s18+$0x0], $0xffff  }
0x66f: {  	v31 =	vld.idx.msk [tilespmem:v21+s16+$0x0], $0xffff;
	v30 =	vand.u32 $0x7F, v30  }
0x670: {  	v32 =	vadd.s32 s26, v2;
	v21 =	vld.idx.msk [tilespmem:v21+s18+$0x0], $0xffff;
	v30 =	vor.u32 v3, v30  }
0x671: {  	v33 =	vld.idx.msk [tilespmem:v22+s16+$0x0], $0xffff;
	v32 =	vand.u32 $0x7F, v32  }
0x672: {  	v23 =	vadd.f32 v23, v26;
	v22 =	vld.idx.msk [tilespmem:v22+s18+$0x0], $0xffff;
	v26 =	vor.u32 v3, v32  }
0x673: {  	v24 =	vadd.f32 v27, v24;
	v15 =	vmul.f32 v17, v15;
	v17 =	vld.idx.msk [tilespmem:v28+s16+$0x0], $0xffff  }
0x674: {  	v10 =	vmul.f32 v11, v10;
	v11 =	vadd.f32 v25, v23;
	v23 =	vld.idx.msk [tilespmem:v28+s18+$0x0], $0xffff  }
0x675: {  	v16 =	vmul.f32 v18, v16;
	v15 =	vadd.f32 v15, v24;
	v18 =	vld.idx.msk [tilespmem:v30+s16+$0x0], $0xffff  }
0x676: {  	v12 =	vmul.f32 v13, v12;
	v10 =	vadd.f32 v10, v11;
	v11 =	vld.idx.msk [tilespmem:v30+s18+$0x0], $0xffff  }
0x677: {  	v15 =	vadd.f32 v16, v15;
	v13 =	vmul.f32 v19, v14;
	v16 =	vld.idx.msk [tilespmem:v26+s16+$0x0], $0xffff  }
0x678: {  	v19 =	vmul.f32 v22, v33;
	v10 =	vadd.f32 v12, v10;
	v14 =	vld.idx.msk [tilespmem:v26+s18+$0x0], $0xffff  }
0x679: {  	v12 =	vadd.f32 v13, v15;
	v13 =	vmul.f32 v23, v17  }
0x67a: {  	v15 =	vmul.f32 v21, v31;
	v10 =	vadd.f32 v19, v10  }
0x67b: {  	v12 =	vadd.f32 v13, v12;
	v11 =	vmul.f32 v11, v18  }
0x67c: {  	v10 =	vadd.f32 v15, v10  }
0x67d: {  	v13 =	vmul.f32 v20, v29;
	v11 =	vadd.f32 v11, v12;
	v12 =	vmul.f32 v14, v16  }
0x67e: {  	s31 =	simm.s32 $0x0;
	v14 =	vld [tilespmem:$0x10590]  }
0x67f: {  	v10 =	vadd.f32 v13, v10;
	v11 =	vadd.f32 v12, v11;
	v12 =	vadd.s32 s31, v0  }
0x680: {  	v12 =	vand.u32 $0x7F, v12  }
0x681: {  	v10 =	vadd.f32 v11, v10;
	v11 =	vadd.s32 s31, v2;
	v12 =	vor.u32 v4, v12  }
0x682: {  	s30 =	simm.s32 $0x6;
	v11 =	vand.u32 $0x7F, v11  }
0x683: {  	v13 =	vadd.s32 s30, v0;
	v10 =	vmul.f32 v14, v10;
	v11 =	vor.u32 v4, v11  }
0x684: {  	s28 =	simm.s32 $0x4;
	v13 =	vand.u32 $0x7F, v13  }
0x685: {  	v13 =	vor.u32 v4, v13;
	[tilespmem:$0x10790] =	vst v10;
	v10 =	vadd.s32 s28, v0  }
0x686: {  	s29 =	simm.s32 $0x2;
	v10 =	vand.u32 $0x7F, v10;
	v14 =	vld.idx.msk [tilespmem:v12+s16+$0x0], $0xffff  }
0x687: {  	v15 =	vadd.s32 s29, v0;
	v12 =	vld.idx.msk [tilespmem:v12+s18+$0x0], $0xffff;
	v16 =	vor.u32 v4, v10  }
0x688: {  	v10 =	vand.u32 $0x7F, v15;
	v18 =	vld.idx.msk [tilespmem:v11+s16+$0x0], $0xffff  }
0x689: {  	v15 =	vadd.s32 s29, v2;
	v17 =	vor.u32 v4, v10;
	v21 =	vld.idx.msk [tilespmem:v11+s18+$0x0], $0xffff  }
0x68a: {  	v11 =	vand.u32 $0x7F, v15;
	v10 =	vld.idx.msk [tilespmem:v13+s16+$0x0], $0xffff  }
0x68b: {  	v19 =	vadd.s32 s28, v2;
	v15 =	vor.u32 v4, v11;
	v11 =	vld.idx.msk [tilespmem:v13+s18+$0x0], $0xffff  }
0x68c: {  	v13 =	vand.u32 $0x7F, v19;
	v25 =	vld.idx.msk [tilespmem:v16+s16+$0x0], $0xffff  }
0x68d: {  	v19 =	vadd.s32 s30, v2;
	v13 =	vor.u32 v4, v13;
	v29 =	vld.idx.msk [tilespmem:v16+s18+$0x0], $0xffff  }
0x68e: {  	s31 =	simm.s32 $0x8;
	v16 =	vand.u32 $0x7F, v19;
	v22 =	vld.idx.msk [tilespmem:v17+s16+$0x0], $0xffff  }
0x68f: {  	v19 =	vadd.s32 s31, v0;
	v23 =	vld.idx.msk [tilespmem:v17+s18+$0x0], $0xffff;
	v24 =	vor.u32 v4, v16  }
0x690: {  	v16 =	vand.u32 $0x7F, v19;
	v27 =	vld.idx.msk [tilespmem:v15+s16+$0x0], $0xffff  }
0x691: {  	s26 =	simm.s32 $0xE;
	v17 =	vadd.s32 s31, v2;
	v26 =	vor.u32 v4, v16;
	v28 =	vld.idx.msk [tilespmem:v15+s18+$0x0], $0xffff  }
0x692: {  	v30 =	vimm.f32 $0.0e+00;
	v20 =	vadd.s32 s26, v0;
	s29 =	simm.s32 $0xC;
	v16 =	vand.u32 $0x7F, v17;
	v15 =	vld.idx.msk [tilespmem:v13+s16+$0x0], $0xffff  }
0x693: {  	v20 =	vand.u32 $0x7F, v20;
	s28 =	simm.s32 $0xA;
	v19 =	vor.u32 v4, v16;
	v16 =	vadd.s32 s29, v0;
	v17 =	vld.idx.msk [tilespmem:v13+s18+$0x0], $0xffff  }
0x694: {  	v20 =	vor.u32 v4, v20;
	v31 =	vadd.s32 s28, v0;
	v13 =	vand.u32 $0x7F, v16;
	v16 =	vld.idx.msk [tilespmem:v24+s16+$0x0], $0xffff  }
0x695: {  	v62 =	vadd.s32 s28, v2;
	v14 =	vmul.f32 v12, v14;
	v63 =	vmul.f32 v21, v18;
	v18 =	vld.idx.msk [tilespmem:v24+s18+$0x0], $0xffff  }
0x696: {  	v31 =	vand.u32 $0x7F, v31;
	v21 =	vor.u32 v4, v13;
	v23 =	vmul.f32 v23, v22;
	v12 =	vld.idx.msk [tilespmem:v26+s16+$0x0], $0xffff  }
0x697: {  	v24 =	vadd.f32 v63, v30;
	v13 =	vld.idx.msk [tilespmem:v26+s18+$0x0], $0xffff;
	v26 =	vadd.f32 v14, v30;
	v27 =	vmul.f32 v28, v27  }
0x698: {  	s28 =	simm.s32 $0x10;
	v25 =	vmul.f32 v29, v25;
	v22 =	vor.u32 v4, v31;
	v28 =	vand.u32 $0x7F, v62;
	v14 =	vld.idx.msk [tilespmem:v19+s16+$0x0], $0xffff  }
.LBB2_54:
0x699: {  	p0 =	slt.u32 s28, $0x78;
	v29 =	vld.idx.msk [tilespmem:v19+s18+$0x0], $0xffff;
	v19 =	vadd.f32 v23, v26;
	v23 =	vadd.f32 v27, v24;
	v15 =	vmul.f32 v17, v15  }
0x69a: {  	v17 =	vor.u32 v4, v28;
	v24 =	vadd.s32 s29, v2;
	v26 =	vmul.f32 v11, v10;
	v10 =	vld.idx.msk [tilespmem:v20+s16+$0x0], $0xffff  }
0x69b: {  	v16 =	vmul.f32 v18, v16;
	v11 =	vld.idx.msk [tilespmem:v20+s18+$0x0], $0xffff;
	v19 =	vadd.f32 v25, v19;
	v15 =	vadd.f32 v15, v23  }
0x69c: {  	v18 =	vand.u32 $0x7F, v24;
	v20 =	vadd.s32 s26, v2;
	v25 =	vld.idx.msk [tilespmem:v21+s16+$0x0], $0xffff  }
0x69d: {  	v18 =	vor.u32 v4, v18;
	v30 =	vld.idx.msk [tilespmem:v21+s18+$0x0], $0xffff;
	v24 =	vadd.f32 v26, v19;
	v27 =	vadd.f32 v16, v15  }
0x69e: {  	v15 =	vand.u32 $0x7F, v20;
	v23 =	vld.idx.msk [tilespmem:v22+s16+$0x0], $0xffff  }
0x69f: {  	v16 =	vadd.s32 s28, v0;
	v21 =	vor.u32 v4, v15;
	v22 =	vld.idx.msk [tilespmem:v22+s18+$0x0], $0xffff  }
0x6a0: {  	v15 =	vand.u32 $0x7F, v16;
	v28 =	vld.idx.msk [tilespmem:v17+s16+$0x0], $0xffff  }
0x6a1: {  	s26 =	sadd.s32 $0x6, s28;
	v16 =	vadd.s32 s28, v2;
	v26 =	vor.u32 v4, v15;
	v31 =	vld.idx.msk [tilespmem:v17+s18+$0x0], $0xffff  }
0x6a2: {  	s30 =	sadd.s32 $0x2, s28;
	s29 =	sadd.s32 $0x4, s28;
	v20 =	vadd.s32 s26, v0;
	v16 =	vand.u32 $0x7F, v16;
	v15 =	vld.idx.msk [tilespmem:v18+s16+$0x0], $0xffff  }
0x6a3: {  	v32 =	vadd.s32 s30, v0;
	v19 =	vor.u32 v4, v16;
	v16 =	vadd.s32 s29, v0;
	v17 =	vld.idx.msk [tilespmem:v18+s18+$0x0], $0xffff  }
.Ltmp26:
0x6a4: {  	v33 =	vadd.s32 s30, v2;
	v34 =	vand.u32 $0x7F, v16;
	v18 =	vand.u32 $0x7F, v20;
	v16 =	vld.idx.msk [tilespmem:v21+s16+$0x0], $0xffff;
	(pc) =	sbr.rel @p0 .LBB2_54-.Ltmp26, $4  }
0x6a5: {  	v35 =	vmul.f32 v13, v12;
	v14 =	vmul.f32 v29, v14;
	v20 =	vor.u32 v4, v18;
	v18 =	vld.idx.msk [tilespmem:v21+s18+$0x0], $0xffff  }
0x6a6: {  	v29 =	vand.u32 $0x7F, v32;
	v23 =	vmul.f32 v22, v23;
	v21 =	vor.u32 v4, v34;
	v12 =	vld.idx.msk [tilespmem:v26+s16+$0x0], $0xffff  }
0x6a7: {  	v13 =	vld.idx.msk [tilespmem:v26+s18+$0x0], $0xffff;
	v26 =	vadd.f32 v35, v24;
	v24 =	vadd.f32 v14, v27;
	v27 =	vmul.f32 v31, v28  }
0x6a8: {  	s28 =	sadd.s32 $0x8, s28;
	v25 =	vmul.f32 v30, v25;
	v22 =	vor.u32 v4, v29;
	v28 =	vand.u32 $0x7F, v33;
	v14 =	vld.idx.msk [tilespmem:v19+s16+$0x0], $0xffff  }
0x6a9: {  	_ =	sdelay $0x3  }
0x6aa: {  	v19 =	vld.idx.msk [tilespmem:v19+s18+$0x0], $0xffff  }
0x6ab: {  	v29 =	vld.idx.msk [tilespmem:v20+s16+$0x0], $0xffff  }
0x6ac: {  	v28 =	vor.u32 v4, v28;
	v30 =	vadd.s32 s29, v2;
	v20 =	vld.idx.msk [tilespmem:v20+s18+$0x0], $0xffff  }
0x6ad: {  	v31 =	vld.idx.msk [tilespmem:v21+s16+$0x0], $0xffff;
	v30 =	vand.u32 $0x7F, v30  }
0x6ae: {  	v32 =	vadd.s32 s26, v2;
	v21 =	vld.idx.msk [tilespmem:v21+s18+$0x0], $0xffff;
	v30 =	vor.u32 v4, v30  }
0x6af: {  	v33 =	vld.idx.msk [tilespmem:v22+s16+$0x0], $0xffff;
	v32 =	vand.u32 $0x7F, v32  }
0x6b0: {  	v23 =	vadd.f32 v23, v26;
	v22 =	vld.idx.msk [tilespmem:v22+s18+$0x0], $0xffff;
	v26 =	vor.u32 v4, v32  }
0x6b1: {  	v24 =	vadd.f32 v27, v24;
	v15 =	vmul.f32 v17, v15;
	v17 =	vld.idx.msk [tilespmem:v28+s16+$0x0], $0xffff  }
0x6b2: {  	v10 =	vmul.f32 v11, v10;
	v11 =	vadd.f32 v25, v23;
	v23 =	vld.idx.msk [tilespmem:v28+s18+$0x0], $0xffff  }
0x6b3: {  	v16 =	vmul.f32 v18, v16;
	v15 =	vadd.f32 v15, v24;
	v18 =	vld.idx.msk [tilespmem:v30+s16+$0x0], $0xffff  }
0x6b4: {  	v12 =	vmul.f32 v13, v12;
	v10 =	vadd.f32 v10, v11;
	v11 =	vld.idx.msk [tilespmem:v30+s18+$0x0], $0xffff  }
0x6b5: {  	v15 =	vadd.f32 v16, v15;
	v13 =	vmul.f32 v19, v14;
	v16 =	vld.idx.msk [tilespmem:v26+s16+$0x0], $0xffff  }
0x6b6: {  	v19 =	vmul.f32 v22, v33;
	v10 =	vadd.f32 v12, v10;
	v14 =	vld.idx.msk [tilespmem:v26+s18+$0x0], $0xffff  }
0x6b7: {  	v12 =	vadd.f32 v13, v15;
	v13 =	vmul.f32 v23, v17  }
0x6b8: {  	v15 =	vmul.f32 v21, v31;
	v10 =	vadd.f32 v19, v10  }
0x6b9: {  	v12 =	vadd.f32 v13, v12;
	v11 =	vmul.f32 v11, v18  }
0x6ba: {  	v10 =	vadd.f32 v15, v10  }
0x6bb: {  	v13 =	vmul.f32 v20, v29;
	v11 =	vadd.f32 v11, v12;
	v12 =	vmul.f32 v14, v16  }
0x6bc: {  	s31 =	simm.s32 $0x0;
	v14 =	vld [tilespmem:$0x105A0]  }
0x6bd: {  	v10 =	vadd.f32 v13, v10;
	v11 =	vadd.f32 v12, v11;
	v12 =	vadd.s32 s31, v0  }
0x6be: {  	v12 =	vand.u32 $0x7F, v12  }
0x6bf: {  	v10 =	vadd.f32 v11, v10;
	v11 =	vadd.s32 s31, v2;
	v12 =	vor.u32 v5, v12  }
0x6c0: {  	s30 =	simm.s32 $0x6;
	v11 =	vand.u32 $0x7F, v11  }
0x6c1: {  	v13 =	vadd.s32 s30, v0;
	v10 =	vmul.f32 v14, v10;
	v11 =	vor.u32 v5, v11  }
0x6c2: {  	s28 =	simm.s32 $0x4;
	v13 =	vand.u32 $0x7F, v13  }
0x6c3: {  	v13 =	vor.u32 v5, v13;
	[tilespmem:$0x107A0] =	vst v10;
	v10 =	vadd.s32 s28, v0  }
0x6c4: {  	s29 =	simm.s32 $0x2;
	v10 =	vand.u32 $0x7F, v10;
	v14 =	vld.idx.msk [tilespmem:v12+s16+$0x0], $0xffff  }
0x6c5: {  	v15 =	vadd.s32 s29, v0;
	v12 =	vld.idx.msk [tilespmem:v12+s18+$0x0], $0xffff;
	v16 =	vor.u32 v5, v10  }
0x6c6: {  	v10 =	vand.u32 $0x7F, v15;
	v18 =	vld.idx.msk [tilespmem:v11+s16+$0x0], $0xffff  }
0x6c7: {  	v15 =	vadd.s32 s29, v2;
	v17 =	vor.u32 v5, v10;
	v21 =	vld.idx.msk [tilespmem:v11+s18+$0x0], $0xffff  }
0x6c8: {  	v11 =	vand.u32 $0x7F, v15;
	v10 =	vld.idx.msk [tilespmem:v13+s16+$0x0], $0xffff  }
0x6c9: {  	v19 =	vadd.s32 s28, v2;
	v15 =	vor.u32 v5, v11;
	v11 =	vld.idx.msk [tilespmem:v13+s18+$0x0], $0xffff  }
0x6ca: {  	v13 =	vand.u32 $0x7F, v19;
	v25 =	vld.idx.msk [tilespmem:v16+s16+$0x0], $0xffff  }
0x6cb: {  	v19 =	vadd.s32 s30, v2;
	v13 =	vor.u32 v5, v13;
	v29 =	vld.idx.msk [tilespmem:v16+s18+$0x0], $0xffff  }
0x6cc: {  	s31 =	simm.s32 $0x8;
	v16 =	vand.u32 $0x7F, v19;
	v22 =	vld.idx.msk [tilespmem:v17+s16+$0x0], $0xffff  }
0x6cd: {  	v19 =	vadd.s32 s31, v0;
	v23 =	vld.idx.msk [tilespmem:v17+s18+$0x0], $0xffff;
	v24 =	vor.u32 v5, v16  }
0x6ce: {  	v16 =	vand.u32 $0x7F, v19;
	v27 =	vld.idx.msk [tilespmem:v15+s16+$0x0], $0xffff  }
0x6cf: {  	s26 =	simm.s32 $0xE;
	v17 =	vadd.s32 s31, v2;
	v26 =	vor.u32 v5, v16;
	v28 =	vld.idx.msk [tilespmem:v15+s18+$0x0], $0xffff  }
0x6d0: {  	v30 =	vimm.f32 $0.0e+00;
	v20 =	vadd.s32 s26, v0;
	s29 =	simm.s32 $0xC;
	v16 =	vand.u32 $0x7F, v17;
	v15 =	vld.idx.msk [tilespmem:v13+s16+$0x0], $0xffff  }
0x6d1: {  	v20 =	vand.u32 $0x7F, v20;
	s28 =	simm.s32 $0xA;
	v19 =	vor.u32 v5, v16;
	v16 =	vadd.s32 s29, v0;
	v17 =	vld.idx.msk [tilespmem:v13+s18+$0x0], $0xffff  }
0x6d2: {  	v20 =	vor.u32 v5, v20;
	v31 =	vadd.s32 s28, v0;
	v13 =	vand.u32 $0x7F, v16;
	v16 =	vld.idx.msk [tilespmem:v24+s16+$0x0], $0xffff  }
0x6d3: {  	v62 =	vadd.s32 s28, v2;
	v14 =	vmul.f32 v12, v14;
	v63 =	vmul.f32 v21, v18;
	v18 =	vld.idx.msk [tilespmem:v24+s18+$0x0], $0xffff  }
0x6d4: {  	v31 =	vand.u32 $0x7F, v31;
	v21 =	vor.u32 v5, v13;
	v23 =	vmul.f32 v23, v22;
	v12 =	vld.idx.msk [tilespmem:v26+s16+$0x0], $0xffff  }
0x6d5: {  	v24 =	vadd.f32 v63, v30;
	v13 =	vld.idx.msk [tilespmem:v26+s18+$0x0], $0xffff;
	v26 =	vadd.f32 v14, v30;
	v27 =	vmul.f32 v28, v27  }
0x6d6: {  	s28 =	simm.s32 $0x10;
	v25 =	vmul.f32 v29, v25;
	v22 =	vor.u32 v5, v31;
	v28 =	vand.u32 $0x7F, v62;
	v14 =	vld.idx.msk [tilespmem:v19+s16+$0x0], $0xffff  }
.LBB2_56:
0x6d7: {  	p0 =	slt.u32 s28, $0x78;
	v29 =	vld.idx.msk [tilespmem:v19+s18+$0x0], $0xffff;
	v19 =	vadd.f32 v23, v26;
	v23 =	vadd.f32 v27, v24;
	v15 =	vmul.f32 v17, v15  }
0x6d8: {  	v17 =	vor.u32 v5, v28;
	v24 =	vadd.s32 s29, v2;
	v26 =	vmul.f32 v11, v10;
	v10 =	vld.idx.msk [tilespmem:v20+s16+$0x0], $0xffff  }
0x6d9: {  	v16 =	vmul.f32 v18, v16;
	v11 =	vld.idx.msk [tilespmem:v20+s18+$0x0], $0xffff;
	v19 =	vadd.f32 v25, v19;
	v15 =	vadd.f32 v15, v23  }
0x6da: {  	v18 =	vand.u32 $0x7F, v24;
	v20 =	vadd.s32 s26, v2;
	v25 =	vld.idx.msk [tilespmem:v21+s16+$0x0], $0xffff  }
0x6db: {  	v18 =	vor.u32 v5, v18;
	v30 =	vld.idx.msk [tilespmem:v21+s18+$0x0], $0xffff;
	v24 =	vadd.f32 v26, v19;
	v27 =	vadd.f32 v16, v15  }
0x6dc: {  	v15 =	vand.u32 $0x7F, v20;
	v23 =	vld.idx.msk [tilespmem:v22+s16+$0x0], $0xffff  }
0x6dd: {  	v16 =	vadd.s32 s28, v0;
	v21 =	vor.u32 v5, v15;
	v22 =	vld.idx.msk [tilespmem:v22+s18+$0x0], $0xffff  }
0x6de: {  	v15 =	vand.u32 $0x7F, v16;
	v28 =	vld.idx.msk [tilespmem:v17+s16+$0x0], $0xffff  }
0x6df: {  	s26 =	sadd.s32 $0x6, s28;
	v16 =	vadd.s32 s28, v2;
	v26 =	vor.u32 v5, v15;
	v31 =	vld.idx.msk [tilespmem:v17+s18+$0x0], $0xffff  }
0x6e0: {  	s30 =	sadd.s32 $0x2, s28;
	s29 =	sadd.s32 $0x4, s28;
	v20 =	vadd.s32 s26, v0;
	v16 =	vand.u32 $0x7F, v16;
	v15 =	vld.idx.msk [tilespmem:v18+s16+$0x0], $0xffff  }
0x6e1: {  	v32 =	vadd.s32 s30, v0;
	v19 =	vor.u32 v5, v16;
	v16 =	vadd.s32 s29, v0;
	v17 =	vld.idx.msk [tilespmem:v18+s18+$0x0], $0xffff  }
.Ltmp27:
0x6e2: {  	v33 =	vadd.s32 s30, v2;
	v34 =	vand.u32 $0x7F, v16;
	v18 =	vand.u32 $0x7F, v20;
	v16 =	vld.idx.msk [tilespmem:v21+s16+$0x0], $0xffff;
	(pc) =	sbr.rel @p0 .LBB2_56-.Ltmp27, $4  }
0x6e3: {  	v35 =	vmul.f32 v13, v12;
	v14 =	vmul.f32 v29, v14;
	v20 =	vor.u32 v5, v18;
	v18 =	vld.idx.msk [tilespmem:v21+s18+$0x0], $0xffff  }
0x6e4: {  	v29 =	vand.u32 $0x7F, v32;
	v23 =	vmul.f32 v22, v23;
	v21 =	vor.u32 v5, v34;
	v12 =	vld.idx.msk [tilespmem:v26+s16+$0x0], $0xffff  }
0x6e5: {  	v13 =	vld.idx.msk [tilespmem:v26+s18+$0x0], $0xffff;
	v26 =	vadd.f32 v35, v24;
	v24 =	vadd.f32 v14, v27;
	v27 =	vmul.f32 v31, v28  }
0x6e6: {  	s28 =	sadd.s32 $0x8, s28;
	v25 =	vmul.f32 v30, v25;
	v22 =	vor.u32 v5, v29;
	v28 =	vand.u32 $0x7F, v33;
	v14 =	vld.idx.msk [tilespmem:v19+s16+$0x0], $0xffff  }
0x6e7: {  	_ =	sdelay $0x3  }
0x6e8: {  	v19 =	vld.idx.msk [tilespmem:v19+s18+$0x0], $0xffff  }
0x6e9: {  	v29 =	vld.idx.msk [tilespmem:v20+s16+$0x0], $0xffff  }
0x6ea: {  	v28 =	vor.u32 v5, v28;
	v30 =	vadd.s32 s29, v2;
	v20 =	vld.idx.msk [tilespmem:v20+s18+$0x0], $0xffff  }
0x6eb: {  	v31 =	vld.idx.msk [tilespmem:v21+s16+$0x0], $0xffff;
	v30 =	vand.u32 $0x7F, v30  }
0x6ec: {  	v32 =	vadd.s32 s26, v2;
	v21 =	vld.idx.msk [tilespmem:v21+s18+$0x0], $0xffff;
	v30 =	vor.u32 v5, v30  }
0x6ed: {  	v33 =	vld.idx.msk [tilespmem:v22+s16+$0x0], $0xffff;
	v32 =	vand.u32 $0x7F, v32  }
0x6ee: {  	v23 =	vadd.f32 v23, v26;
	v22 =	vld.idx.msk [tilespmem:v22+s18+$0x0], $0xffff;
	v26 =	vor.u32 v5, v32  }
0x6ef: {  	v24 =	vadd.f32 v27, v24;
	v15 =	vmul.f32 v17, v15;
	v17 =	vld.idx.msk [tilespmem:v28+s16+$0x0], $0xffff  }
0x6f0: {  	v10 =	vmul.f32 v11, v10;
	v11 =	vadd.f32 v25, v23;
	v23 =	vld.idx.msk [tilespmem:v28+s18+$0x0], $0xffff  }
0x6f1: {  	v16 =	vmul.f32 v18, v16;
	v15 =	vadd.f32 v15, v24;
	v18 =	vld.idx.msk [tilespmem:v30+s16+$0x0], $0xffff  }
0x6f2: {  	v12 =	vmul.f32 v13, v12;
	v10 =	vadd.f32 v10, v11;
	v11 =	vld.idx.msk [tilespmem:v30+s18+$0x0], $0xffff  }
0x6f3: {  	v15 =	vadd.f32 v16, v15;
	v13 =	vmul.f32 v19, v14;
	v16 =	vld.idx.msk [tilespmem:v26+s16+$0x0], $0xffff  }
0x6f4: {  	v19 =	vmul.f32 v22, v33;
	v10 =	vadd.f32 v12, v10;
	v14 =	vld.idx.msk [tilespmem:v26+s18+$0x0], $0xffff  }
0x6f5: {  	v12 =	vadd.f32 v13, v15;
	v13 =	vmul.f32 v23, v17  }
0x6f6: {  	v15 =	vmul.f32 v21, v31;
	v10 =	vadd.f32 v19, v10  }
0x6f7: {  	v12 =	vadd.f32 v13, v12;
	v11 =	vmul.f32 v11, v18  }
0x6f8: {  	v10 =	vadd.f32 v15, v10  }
0x6f9: {  	v13 =	vmul.f32 v20, v29;
	v11 =	vadd.f32 v11, v12;
	v12 =	vmul.f32 v14, v16  }
0x6fa: {  	s31 =	simm.s32 $0x0;
	v14 =	vld [tilespmem:$0x105B0]  }
0x6fb: {  	v10 =	vadd.f32 v13, v10;
	v11 =	vadd.f32 v12, v11;
	v12 =	vadd.s32 s31, v0  }
0x6fc: {  	v12 =	vand.u32 $0x7F, v12  }
0x6fd: {  	v10 =	vadd.f32 v11, v10;
	v11 =	vadd.s32 s31, v2;
	v12 =	vor.u32 v6, v12  }
0x6fe: {  	s30 =	simm.s32 $0x6;
	v11 =	vand.u32 $0x7F, v11  }
0x6ff: {  	v13 =	vadd.s32 s30, v0;
	v10 =	vmul.f32 v14, v10;
	v11 =	vor.u32 v6, v11  }
0x700: {  	s28 =	simm.s32 $0x4;
	v13 =	vand.u32 $0x7F, v13  }
0x701: {  	v13 =	vor.u32 v6, v13;
	[tilespmem:$0x107B0] =	vst v10;
	v10 =	vadd.s32 s28, v0  }
0x702: {  	s29 =	simm.s32 $0x2;
	v10 =	vand.u32 $0x7F, v10;
	v14 =	vld.idx.msk [tilespmem:v12+s16+$0x0], $0xffff  }
0x703: {  	v15 =	vadd.s32 s29, v0;
	v12 =	vld.idx.msk [tilespmem:v12+s18+$0x0], $0xffff;
	v16 =	vor.u32 v6, v10  }
0x704: {  	v10 =	vand.u32 $0x7F, v15;
	v18 =	vld.idx.msk [tilespmem:v11+s16+$0x0], $0xffff  }
0x705: {  	v15 =	vadd.s32 s29, v2;
	v17 =	vor.u32 v6, v10;
	v21 =	vld.idx.msk [tilespmem:v11+s18+$0x0], $0xffff  }
0x706: {  	v11 =	vand.u32 $0x7F, v15;
	v10 =	vld.idx.msk [tilespmem:v13+s16+$0x0], $0xffff  }
0x707: {  	v19 =	vadd.s32 s28, v2;
	v15 =	vor.u32 v6, v11;
	v11 =	vld.idx.msk [tilespmem:v13+s18+$0x0], $0xffff  }
0x708: {  	v13 =	vand.u32 $0x7F, v19;
	v25 =	vld.idx.msk [tilespmem:v16+s16+$0x0], $0xffff  }
0x709: {  	v19 =	vadd.s32 s30, v2;
	v13 =	vor.u32 v6, v13;
	v29 =	vld.idx.msk [tilespmem:v16+s18+$0x0], $0xffff  }
0x70a: {  	s31 =	simm.s32 $0x8;
	v16 =	vand.u32 $0x7F, v19;
	v22 =	vld.idx.msk [tilespmem:v17+s16+$0x0], $0xffff  }
0x70b: {  	v19 =	vadd.s32 s31, v0;
	v23 =	vld.idx.msk [tilespmem:v17+s18+$0x0], $0xffff;
	v24 =	vor.u32 v6, v16  }
0x70c: {  	v16 =	vand.u32 $0x7F, v19;
	v27 =	vld.idx.msk [tilespmem:v15+s16+$0x0], $0xffff  }
0x70d: {  	s26 =	simm.s32 $0xE;
	v17 =	vadd.s32 s31, v2;
	v26 =	vor.u32 v6, v16;
	v28 =	vld.idx.msk [tilespmem:v15+s18+$0x0], $0xffff  }
0x70e: {  	v30 =	vimm.f32 $0.0e+00;
	v20 =	vadd.s32 s26, v0;
	s29 =	simm.s32 $0xC;
	v16 =	vand.u32 $0x7F, v17;
	v15 =	vld.idx.msk [tilespmem:v13+s16+$0x0], $0xffff  }
0x70f: {  	v20 =	vand.u32 $0x7F, v20;
	s28 =	simm.s32 $0xA;
	v19 =	vor.u32 v6, v16;
	v16 =	vadd.s32 s29, v0;
	v17 =	vld.idx.msk [tilespmem:v13+s18+$0x0], $0xffff  }
0x710: {  	v20 =	vor.u32 v6, v20;
	v31 =	vadd.s32 s28, v0;
	v13 =	vand.u32 $0x7F, v16;
	v16 =	vld.idx.msk [tilespmem:v24+s16+$0x0], $0xffff  }
0x711: {  	v62 =	vadd.s32 s28, v2;
	v14 =	vmul.f32 v12, v14;
	v63 =	vmul.f32 v21, v18;
	v18 =	vld.idx.msk [tilespmem:v24+s18+$0x0], $0xffff  }
0x712: {  	v31 =	vand.u32 $0x7F, v31;
	v21 =	vor.u32 v6, v13;
	v23 =	vmul.f32 v23, v22;
	v12 =	vld.idx.msk [tilespmem:v26+s16+$0x0], $0xffff  }
0x713: {  	v24 =	vadd.f32 v63, v30;
	v13 =	vld.idx.msk [tilespmem:v26+s18+$0x0], $0xffff;
	v26 =	vadd.f32 v14, v30;
	v27 =	vmul.f32 v28, v27  }
0x714: {  	s28 =	simm.s32 $0x10;
	v25 =	vmul.f32 v29, v25;
	v22 =	vor.u32 v6, v31;
	v28 =	vand.u32 $0x7F, v62;
	v14 =	vld.idx.msk [tilespmem:v19+s16+$0x0], $0xffff  }
.LBB2_58:
0x715: {  	p0 =	slt.u32 s28, $0x78;
	v29 =	vld.idx.msk [tilespmem:v19+s18+$0x0], $0xffff;
	v19 =	vadd.f32 v23, v26;
	v23 =	vadd.f32 v27, v24;
	v15 =	vmul.f32 v17, v15  }
0x716: {  	v17 =	vor.u32 v6, v28;
	v24 =	vadd.s32 s29, v2;
	v26 =	vmul.f32 v11, v10;
	v10 =	vld.idx.msk [tilespmem:v20+s16+$0x0], $0xffff  }
0x717: {  	v16 =	vmul.f32 v18, v16;
	v11 =	vld.idx.msk [tilespmem:v20+s18+$0x0], $0xffff;
	v19 =	vadd.f32 v25, v19;
	v15 =	vadd.f32 v15, v23  }
0x718: {  	v18 =	vand.u32 $0x7F, v24;
	v20 =	vadd.s32 s26, v2;
	v25 =	vld.idx.msk [tilespmem:v21+s16+$0x0], $0xffff  }
0x719: {  	v18 =	vor.u32 v6, v18;
	v30 =	vld.idx.msk [tilespmem:v21+s18+$0x0], $0xffff;
	v24 =	vadd.f32 v26, v19;
	v27 =	vadd.f32 v16, v15  }
0x71a: {  	v15 =	vand.u32 $0x7F, v20;
	v23 =	vld.idx.msk [tilespmem:v22+s16+$0x0], $0xffff  }
0x71b: {  	v16 =	vadd.s32 s28, v0;
	v21 =	vor.u32 v6, v15;
	v22 =	vld.idx.msk [tilespmem:v22+s18+$0x0], $0xffff  }
0x71c: {  	v15 =	vand.u32 $0x7F, v16;
	v28 =	vld.idx.msk [tilespmem:v17+s16+$0x0], $0xffff  }
0x71d: {  	s26 =	sadd.s32 $0x6, s28;
	v16 =	vadd.s32 s28, v2;
	v26 =	vor.u32 v6, v15;
	v31 =	vld.idx.msk [tilespmem:v17+s18+$0x0], $0xffff  }
0x71e: {  	s30 =	sadd.s32 $0x2, s28;
	s29 =	sadd.s32 $0x4, s28;
	v20 =	vadd.s32 s26, v0;
	v16 =	vand.u32 $0x7F, v16;
	v15 =	vld.idx.msk [tilespmem:v18+s16+$0x0], $0xffff  }
0x71f: {  	v32 =	vadd.s32 s30, v0;
	v19 =	vor.u32 v6, v16;
	v16 =	vadd.s32 s29, v0;
	v17 =	vld.idx.msk [tilespmem:v18+s18+$0x0], $0xffff  }
.Ltmp28:
0x720: {  	v33 =	vadd.s32 s30, v2;
	v34 =	vand.u32 $0x7F, v16;
	v18 =	vand.u32 $0x7F, v20;
	v16 =	vld.idx.msk [tilespmem:v21+s16+$0x0], $0xffff;
	(pc) =	sbr.rel @p0 .LBB2_58-.Ltmp28, $4  }
0x721: {  	v35 =	vmul.f32 v13, v12;
	v14 =	vmul.f32 v29, v14;
	v20 =	vor.u32 v6, v18;
	v18 =	vld.idx.msk [tilespmem:v21+s18+$0x0], $0xffff  }
0x722: {  	v29 =	vand.u32 $0x7F, v32;
	v23 =	vmul.f32 v22, v23;
	v21 =	vor.u32 v6, v34;
	v12 =	vld.idx.msk [tilespmem:v26+s16+$0x0], $0xffff  }
0x723: {  	v13 =	vld.idx.msk [tilespmem:v26+s18+$0x0], $0xffff;
	v26 =	vadd.f32 v35, v24;
	v24 =	vadd.f32 v14, v27;
	v27 =	vmul.f32 v31, v28  }
0x724: {  	s28 =	sadd.s32 $0x8, s28;
	v25 =	vmul.f32 v30, v25;
	v22 =	vor.u32 v6, v29;
	v28 =	vand.u32 $0x7F, v33;
	v14 =	vld.idx.msk [tilespmem:v19+s16+$0x0], $0xffff  }
0x725: {  	_ =	sdelay $0x3  }
0x726: {  	v19 =	vld.idx.msk [tilespmem:v19+s18+$0x0], $0xffff  }
0x727: {  	v29 =	vld.idx.msk [tilespmem:v20+s16+$0x0], $0xffff  }
0x728: {  	v28 =	vor.u32 v6, v28;
	v30 =	vadd.s32 s29, v2;
	v20 =	vld.idx.msk [tilespmem:v20+s18+$0x0], $0xffff  }
0x729: {  	v31 =	vld.idx.msk [tilespmem:v21+s16+$0x0], $0xffff;
	v30 =	vand.u32 $0x7F, v30  }
0x72a: {  	v32 =	vadd.s32 s26, v2;
	v21 =	vld.idx.msk [tilespmem:v21+s18+$0x0], $0xffff;
	v30 =	vor.u32 v6, v30  }
0x72b: {  	v33 =	vld.idx.msk [tilespmem:v22+s16+$0x0], $0xffff;
	v32 =	vand.u32 $0x7F, v32  }
0x72c: {  	v23 =	vadd.f32 v23, v26;
	v22 =	vld.idx.msk [tilespmem:v22+s18+$0x0], $0xffff;
	v26 =	vor.u32 v6, v32  }
0x72d: {  	v24 =	vadd.f32 v27, v24;
	v15 =	vmul.f32 v17, v15;
	v17 =	vld.idx.msk [tilespmem:v28+s16+$0x0], $0xffff  }
0x72e: {  	v10 =	vmul.f32 v11, v10;
	v11 =	vadd.f32 v25, v23;
	v23 =	vld.idx.msk [tilespmem:v28+s18+$0x0], $0xffff  }
0x72f: {  	v16 =	vmul.f32 v18, v16;
	v15 =	vadd.f32 v15, v24;
	v18 =	vld.idx.msk [tilespmem:v30+s16+$0x0], $0xffff  }
0x730: {  	v12 =	vmul.f32 v13, v12;
	v10 =	vadd.f32 v10, v11;
	v11 =	vld.idx.msk [tilespmem:v30+s18+$0x0], $0xffff  }
0x731: {  	v15 =	vadd.f32 v16, v15;
	v13 =	vmul.f32 v19, v14;
	v16 =	vld.idx.msk [tilespmem:v26+s16+$0x0], $0xffff  }
0x732: {  	v19 =	vmul.f32 v22, v33;
	v10 =	vadd.f32 v12, v10;
	v14 =	vld.idx.msk [tilespmem:v26+s18+$0x0], $0xffff  }
0x733: {  	v12 =	vadd.f32 v13, v15;
	v13 =	vmul.f32 v23, v17  }
0x734: {  	v15 =	vmul.f32 v21, v31;
	v10 =	vadd.f32 v19, v10  }
0x735: {  	v12 =	vadd.f32 v13, v12;
	v11 =	vmul.f32 v11, v18  }
0x736: {  	v10 =	vadd.f32 v15, v10  }
0x737: {  	v13 =	vmul.f32 v20, v29;
	v11 =	vadd.f32 v11, v12;
	v12 =	vmul.f32 v14, v16  }
0x738: {  	s31 =	simm.s32 $0x0;
	v14 =	vld [tilespmem:$0x105C0]  }
0x739: {  	v10 =	vadd.f32 v13, v10;
	v11 =	vadd.f32 v12, v11;
	v12 =	vadd.s32 s31, v0  }
0x73a: {  	v12 =	vand.u32 $0x7F, v12  }
0x73b: {  	v10 =	vadd.f32 v11, v10;
	v11 =	vadd.s32 s31, v2;
	v12 =	vor.u32 v7, v12  }
0x73c: {  	s30 =	simm.s32 $0x6;
	v11 =	vand.u32 $0x7F, v11  }
0x73d: {  	v13 =	vadd.s32 s30, v0;
	v10 =	vmul.f32 v14, v10;
	v11 =	vor.u32 v7, v11  }
0x73e: {  	s28 =	simm.s32 $0x4;
	v13 =	vand.u32 $0x7F, v13  }
0x73f: {  	v13 =	vor.u32 v7, v13;
	[tilespmem:$0x107C0] =	vst v10;
	v10 =	vadd.s32 s28, v0  }
0x740: {  	s29 =	simm.s32 $0x2;
	v10 =	vand.u32 $0x7F, v10;
	v14 =	vld.idx.msk [tilespmem:v12+s16+$0x0], $0xffff  }
0x741: {  	v15 =	vadd.s32 s29, v0;
	v12 =	vld.idx.msk [tilespmem:v12+s18+$0x0], $0xffff;
	v16 =	vor.u32 v7, v10  }
0x742: {  	v10 =	vand.u32 $0x7F, v15;
	v18 =	vld.idx.msk [tilespmem:v11+s16+$0x0], $0xffff  }
0x743: {  	v15 =	vadd.s32 s29, v2;
	v17 =	vor.u32 v7, v10;
	v21 =	vld.idx.msk [tilespmem:v11+s18+$0x0], $0xffff  }
0x744: {  	v11 =	vand.u32 $0x7F, v15;
	v10 =	vld.idx.msk [tilespmem:v13+s16+$0x0], $0xffff  }
0x745: {  	v19 =	vadd.s32 s28, v2;
	v15 =	vor.u32 v7, v11;
	v11 =	vld.idx.msk [tilespmem:v13+s18+$0x0], $0xffff  }
0x746: {  	v13 =	vand.u32 $0x7F, v19;
	v25 =	vld.idx.msk [tilespmem:v16+s16+$0x0], $0xffff  }
0x747: {  	v19 =	vadd.s32 s30, v2;
	v13 =	vor.u32 v7, v13;
	v29 =	vld.idx.msk [tilespmem:v16+s18+$0x0], $0xffff  }
0x748: {  	s31 =	simm.s32 $0x8;
	v16 =	vand.u32 $0x7F, v19;
	v22 =	vld.idx.msk [tilespmem:v17+s16+$0x0], $0xffff  }
0x749: {  	v19 =	vadd.s32 s31, v0;
	v23 =	vld.idx.msk [tilespmem:v17+s18+$0x0], $0xffff;
	v24 =	vor.u32 v7, v16  }
0x74a: {  	v16 =	vand.u32 $0x7F, v19;
	v27 =	vld.idx.msk [tilespmem:v15+s16+$0x0], $0xffff  }
0x74b: {  	s26 =	simm.s32 $0xE;
	v17 =	vadd.s32 s31, v2;
	v26 =	vor.u32 v7, v16;
	v28 =	vld.idx.msk [tilespmem:v15+s18+$0x0], $0xffff  }
0x74c: {  	v30 =	vimm.f32 $0.0e+00;
	v20 =	vadd.s32 s26, v0;
	s29 =	simm.s32 $0xC;
	v16 =	vand.u32 $0x7F, v17;
	v15 =	vld.idx.msk [tilespmem:v13+s16+$0x0], $0xffff  }
0x74d: {  	v20 =	vand.u32 $0x7F, v20;
	s28 =	simm.s32 $0xA;
	v19 =	vor.u32 v7, v16;
	v16 =	vadd.s32 s29, v0;
	v17 =	vld.idx.msk [tilespmem:v13+s18+$0x0], $0xffff  }
0x74e: {  	v20 =	vor.u32 v7, v20;
	v31 =	vadd.s32 s28, v0;
	v13 =	vand.u32 $0x7F, v16;
	v16 =	vld.idx.msk [tilespmem:v24+s16+$0x0], $0xffff  }
0x74f: {  	v62 =	vadd.s32 s28, v2;
	v14 =	vmul.f32 v12, v14;
	v63 =	vmul.f32 v21, v18;
	v18 =	vld.idx.msk [tilespmem:v24+s18+$0x0], $0xffff  }
0x750: {  	v31 =	vand.u32 $0x7F, v31;
	v21 =	vor.u32 v7, v13;
	v23 =	vmul.f32 v23, v22;
	v12 =	vld.idx.msk [tilespmem:v26+s16+$0x0], $0xffff  }
0x751: {  	v24 =	vadd.f32 v63, v30;
	v13 =	vld.idx.msk [tilespmem:v26+s18+$0x0], $0xffff;
	v26 =	vadd.f32 v14, v30;
	v27 =	vmul.f32 v28, v27  }
0x752: {  	s28 =	simm.s32 $0x10;
	v25 =	vmul.f32 v29, v25;
	v22 =	vor.u32 v7, v31;
	v28 =	vand.u32 $0x7F, v62;
	v14 =	vld.idx.msk [tilespmem:v19+s16+$0x0], $0xffff  }
.LBB2_60:
0x753: {  	p0 =	slt.u32 s28, $0x78;
	v29 =	vld.idx.msk [tilespmem:v19+s18+$0x0], $0xffff;
	v19 =	vadd.f32 v23, v26;
	v23 =	vadd.f32 v27, v24;
	v15 =	vmul.f32 v17, v15  }
0x754: {  	v17 =	vor.u32 v7, v28;
	v24 =	vadd.s32 s29, v2;
	v26 =	vmul.f32 v11, v10;
	v10 =	vld.idx.msk [tilespmem:v20+s16+$0x0], $0xffff  }
0x755: {  	v16 =	vmul.f32 v18, v16;
	v11 =	vld.idx.msk [tilespmem:v20+s18+$0x0], $0xffff;
	v19 =	vadd.f32 v25, v19;
	v15 =	vadd.f32 v15, v23  }
0x756: {  	v18 =	vand.u32 $0x7F, v24;
	v20 =	vadd.s32 s26, v2;
	v25 =	vld.idx.msk [tilespmem:v21+s16+$0x0], $0xffff  }
0x757: {  	v18 =	vor.u32 v7, v18;
	v30 =	vld.idx.msk [tilespmem:v21+s18+$0x0], $0xffff;
	v24 =	vadd.f32 v26, v19;
	v27 =	vadd.f32 v16, v15  }
0x758: {  	v15 =	vand.u32 $0x7F, v20;
	v23 =	vld.idx.msk [tilespmem:v22+s16+$0x0], $0xffff  }
0x759: {  	v16 =	vadd.s32 s28, v0;
	v21 =	vor.u32 v7, v15;
	v22 =	vld.idx.msk [tilespmem:v22+s18+$0x0], $0xffff  }
0x75a: {  	v15 =	vand.u32 $0x7F, v16;
	v28 =	vld.idx.msk [tilespmem:v17+s16+$0x0], $0xffff  }
0x75b: {  	s26 =	sadd.s32 $0x6, s28;
	v16 =	vadd.s32 s28, v2;
	v26 =	vor.u32 v7, v15;
	v31 =	vld.idx.msk [tilespmem:v17+s18+$0x0], $0xffff  }
0x75c: {  	s30 =	sadd.s32 $0x2, s28;
	s29 =	sadd.s32 $0x4, s28;
	v20 =	vadd.s32 s26, v0;
	v16 =	vand.u32 $0x7F, v16;
	v15 =	vld.idx.msk [tilespmem:v18+s16+$0x0], $0xffff  }
0x75d: {  	v32 =	vadd.s32 s30, v0;
	v19 =	vor.u32 v7, v16;
	v16 =	vadd.s32 s29, v0;
	v17 =	vld.idx.msk [tilespmem:v18+s18+$0x0], $0xffff  }
.Ltmp29:
0x75e: {  	v33 =	vadd.s32 s30, v2;
	v34 =	vand.u32 $0x7F, v16;
	v18 =	vand.u32 $0x7F, v20;
	v16 =	vld.idx.msk [tilespmem:v21+s16+$0x0], $0xffff;
	(pc) =	sbr.rel @p0 .LBB2_60-.Ltmp29, $4  }
0x75f: {  	v35 =	vmul.f32 v13, v12;
	v14 =	vmul.f32 v29, v14;
	v20 =	vor.u32 v7, v18;
	v18 =	vld.idx.msk [tilespmem:v21+s18+$0x0], $0xffff  }
0x760: {  	v29 =	vand.u32 $0x7F, v32;
	v23 =	vmul.f32 v22, v23;
	v21 =	vor.u32 v7, v34;
	v12 =	vld.idx.msk [tilespmem:v26+s16+$0x0], $0xffff  }
0x761: {  	v13 =	vld.idx.msk [tilespmem:v26+s18+$0x0], $0xffff;
	v26 =	vadd.f32 v35, v24;
	v24 =	vadd.f32 v14, v27;
	v27 =	vmul.f32 v31, v28  }
0x762: {  	s28 =	sadd.s32 $0x8, s28;
	v25 =	vmul.f32 v30, v25;
	v22 =	vor.u32 v7, v29;
	v28 =	vand.u32 $0x7F, v33;
	v14 =	vld.idx.msk [tilespmem:v19+s16+$0x0], $0xffff  }
0x763: {  	_ =	sdelay $0x3  }
0x764: {  	v19 =	vld.idx.msk [tilespmem:v19+s18+$0x0], $0xffff  }
0x765: {  	v29 =	vld.idx.msk [tilespmem:v20+s16+$0x0], $0xffff  }
0x766: {  	v28 =	vor.u32 v7, v28;
	v30 =	vadd.s32 s29, v2;
	v20 =	vld.idx.msk [tilespmem:v20+s18+$0x0], $0xffff  }
0x767: {  	v31 =	vld.idx.msk [tilespmem:v21+s16+$0x0], $0xffff;
	v30 =	vand.u32 $0x7F, v30  }
0x768: {  	v32 =	vadd.s32 s26, v2;
	v21 =	vld.idx.msk [tilespmem:v21+s18+$0x0], $0xffff;
	v30 =	vor.u32 v7, v30  }
0x769: {  	v33 =	vld.idx.msk [tilespmem:v22+s16+$0x0], $0xffff;
	v32 =	vand.u32 $0x7F, v32  }
0x76a: {  	v23 =	vadd.f32 v23, v26;
	v22 =	vld.idx.msk [tilespmem:v22+s18+$0x0], $0xffff;
	v26 =	vor.u32 v7, v32  }
0x76b: {  	v24 =	vadd.f32 v27, v24;
	v15 =	vmul.f32 v17, v15;
	v17 =	vld.idx.msk [tilespmem:v28+s16+$0x0], $0xffff  }
0x76c: {  	v10 =	vmul.f32 v11, v10;
	v11 =	vadd.f32 v25, v23;
	v23 =	vld.idx.msk [tilespmem:v28+s18+$0x0], $0xffff  }
0x76d: {  	v16 =	vmul.f32 v18, v16;
	v15 =	vadd.f32 v15, v24;
	v18 =	vld.idx.msk [tilespmem:v30+s16+$0x0], $0xffff  }
0x76e: {  	v12 =	vmul.f32 v13, v12;
	v10 =	vadd.f32 v10, v11;
	v11 =	vld.idx.msk [tilespmem:v30+s18+$0x0], $0xffff  }
0x76f: {  	v15 =	vadd.f32 v16, v15;
	v13 =	vmul.f32 v19, v14;
	v16 =	vld.idx.msk [tilespmem:v26+s16+$0x0], $0xffff  }
0x770: {  	v19 =	vmul.f32 v22, v33;
	v10 =	vadd.f32 v12, v10;
	v14 =	vld.idx.msk [tilespmem:v26+s18+$0x0], $0xffff  }
0x771: {  	v12 =	vadd.f32 v13, v15;
	v13 =	vmul.f32 v23, v17  }
0x772: {  	v15 =	vmul.f32 v21, v31;
	v10 =	vadd.f32 v19, v10  }
0x773: {  	v12 =	vadd.f32 v13, v12;
	v11 =	vmul.f32 v11, v18  }
0x774: {  	v10 =	vadd.f32 v15, v10  }
0x775: {  	v13 =	vmul.f32 v20, v29;
	v11 =	vadd.f32 v11, v12;
	v12 =	vmul.f32 v14, v16  }
0x776: {  	s31 =	simm.s32 $0x0;
	v14 =	vld [tilespmem:$0x105D0]  }
0x777: {  	v10 =	vadd.f32 v13, v10;
	v11 =	vadd.f32 v12, v11;
	v12 =	vadd.s32 s31, v0  }
0x778: {  	v12 =	vand.u32 $0x7F, v12  }
0x779: {  	v10 =	vadd.f32 v11, v10;
	v11 =	vadd.s32 s31, v2;
	v12 =	vor.u32 v8, v12  }
0x77a: {  	s30 =	simm.s32 $0x6;
	v11 =	vand.u32 $0x7F, v11  }
0x77b: {  	v13 =	vadd.s32 s30, v0;
	v10 =	vmul.f32 v14, v10;
	v11 =	vor.u32 v8, v11  }
0x77c: {  	s28 =	simm.s32 $0x4;
	v13 =	vand.u32 $0x7F, v13  }
0x77d: {  	v13 =	vor.u32 v8, v13;
	[tilespmem:$0x107D0] =	vst v10;
	v10 =	vadd.s32 s28, v0  }
0x77e: {  	s29 =	simm.s32 $0x2;
	v10 =	vand.u32 $0x7F, v10;
	v14 =	vld.idx.msk [tilespmem:v12+s16+$0x0], $0xffff  }
0x77f: {  	v15 =	vadd.s32 s29, v0;
	v12 =	vld.idx.msk [tilespmem:v12+s18+$0x0], $0xffff;
	v16 =	vor.u32 v8, v10  }
0x780: {  	v10 =	vand.u32 $0x7F, v15;
	v18 =	vld.idx.msk [tilespmem:v11+s16+$0x0], $0xffff  }
0x781: {  	v15 =	vadd.s32 s29, v2;
	v17 =	vor.u32 v8, v10;
	v21 =	vld.idx.msk [tilespmem:v11+s18+$0x0], $0xffff  }
0x782: {  	v11 =	vand.u32 $0x7F, v15;
	v10 =	vld.idx.msk [tilespmem:v13+s16+$0x0], $0xffff  }
0x783: {  	v19 =	vadd.s32 s28, v2;
	v15 =	vor.u32 v8, v11;
	v11 =	vld.idx.msk [tilespmem:v13+s18+$0x0], $0xffff  }
0x784: {  	v13 =	vand.u32 $0x7F, v19;
	v25 =	vld.idx.msk [tilespmem:v16+s16+$0x0], $0xffff  }
0x785: {  	v19 =	vadd.s32 s30, v2;
	v13 =	vor.u32 v8, v13;
	v29 =	vld.idx.msk [tilespmem:v16+s18+$0x0], $0xffff  }
0x786: {  	s31 =	simm.s32 $0x8;
	v16 =	vand.u32 $0x7F, v19;
	v22 =	vld.idx.msk [tilespmem:v17+s16+$0x0], $0xffff  }
0x787: {  	v19 =	vadd.s32 s31, v0;
	v23 =	vld.idx.msk [tilespmem:v17+s18+$0x0], $0xffff;
	v24 =	vor.u32 v8, v16  }
0x788: {  	v16 =	vand.u32 $0x7F, v19;
	v27 =	vld.idx.msk [tilespmem:v15+s16+$0x0], $0xffff  }
0x789: {  	s26 =	simm.s32 $0xE;
	v17 =	vadd.s32 s31, v2;
	v26 =	vor.u32 v8, v16;
	v28 =	vld.idx.msk [tilespmem:v15+s18+$0x0], $0xffff  }
0x78a: {  	v30 =	vimm.f32 $0.0e+00;
	v20 =	vadd.s32 s26, v0;
	s29 =	simm.s32 $0xC;
	v16 =	vand.u32 $0x7F, v17;
	v15 =	vld.idx.msk [tilespmem:v13+s16+$0x0], $0xffff  }
0x78b: {  	v20 =	vand.u32 $0x7F, v20;
	s28 =	simm.s32 $0xA;
	v19 =	vor.u32 v8, v16;
	v16 =	vadd.s32 s29, v0;
	v17 =	vld.idx.msk [tilespmem:v13+s18+$0x0], $0xffff  }
0x78c: {  	v20 =	vor.u32 v8, v20;
	v31 =	vadd.s32 s28, v0;
	v13 =	vand.u32 $0x7F, v16;
	v16 =	vld.idx.msk [tilespmem:v24+s16+$0x0], $0xffff  }
0x78d: {  	v62 =	vadd.s32 s28, v2;
	v14 =	vmul.f32 v12, v14;
	v63 =	vmul.f32 v21, v18;
	v18 =	vld.idx.msk [tilespmem:v24+s18+$0x0], $0xffff  }
0x78e: {  	v31 =	vand.u32 $0x7F, v31;
	v21 =	vor.u32 v8, v13;
	v23 =	vmul.f32 v23, v22;
	v12 =	vld.idx.msk [tilespmem:v26+s16+$0x0], $0xffff  }
0x78f: {  	v24 =	vadd.f32 v63, v30;
	v13 =	vld.idx.msk [tilespmem:v26+s18+$0x0], $0xffff;
	v26 =	vadd.f32 v14, v30;
	v27 =	vmul.f32 v28, v27  }
0x790: {  	s28 =	simm.s32 $0x10;
	v25 =	vmul.f32 v29, v25;
	v22 =	vor.u32 v8, v31;
	v28 =	vand.u32 $0x7F, v62;
	v14 =	vld.idx.msk [tilespmem:v19+s16+$0x0], $0xffff  }
.LBB2_62:
0x791: {  	p0 =	slt.u32 s28, $0x78;
	v29 =	vld.idx.msk [tilespmem:v19+s18+$0x0], $0xffff;
	v19 =	vadd.f32 v23, v26;
	v23 =	vadd.f32 v27, v24;
	v15 =	vmul.f32 v17, v15  }
0x792: {  	v17 =	vor.u32 v8, v28;
	v24 =	vadd.s32 s29, v2;
	v26 =	vmul.f32 v11, v10;
	v10 =	vld.idx.msk [tilespmem:v20+s16+$0x0], $0xffff  }
0x793: {  	v16 =	vmul.f32 v18, v16;
	v11 =	vld.idx.msk [tilespmem:v20+s18+$0x0], $0xffff;
	v19 =	vadd.f32 v25, v19;
	v15 =	vadd.f32 v15, v23  }
0x794: {  	v18 =	vand.u32 $0x7F, v24;
	v20 =	vadd.s32 s26, v2;
	v25 =	vld.idx.msk [tilespmem:v21+s16+$0x0], $0xffff  }
0x795: {  	v18 =	vor.u32 v8, v18;
	v30 =	vld.idx.msk [tilespmem:v21+s18+$0x0], $0xffff;
	v24 =	vadd.f32 v26, v19;
	v27 =	vadd.f32 v16, v15  }
0x796: {  	v15 =	vand.u32 $0x7F, v20;
	v23 =	vld.idx.msk [tilespmem:v22+s16+$0x0], $0xffff  }
0x797: {  	v16 =	vadd.s32 s28, v0;
	v21 =	vor.u32 v8, v15;
	v22 =	vld.idx.msk [tilespmem:v22+s18+$0x0], $0xffff  }
0x798: {  	v15 =	vand.u32 $0x7F, v16;
	v28 =	vld.idx.msk [tilespmem:v17+s16+$0x0], $0xffff  }
0x799: {  	s26 =	sadd.s32 $0x6, s28;
	v16 =	vadd.s32 s28, v2;
	v26 =	vor.u32 v8, v15;
	v31 =	vld.idx.msk [tilespmem:v17+s18+$0x0], $0xffff  }
0x79a: {  	s30 =	sadd.s32 $0x2, s28;
	s29 =	sadd.s32 $0x4, s28;
	v20 =	vadd.s32 s26, v0;
	v16 =	vand.u32 $0x7F, v16;
	v15 =	vld.idx.msk [tilespmem:v18+s16+$0x0], $0xffff  }
0x79b: {  	v32 =	vadd.s32 s30, v0;
	v19 =	vor.u32 v8, v16;
	v16 =	vadd.s32 s29, v0;
	v17 =	vld.idx.msk [tilespmem:v18+s18+$0x0], $0xffff  }
.Ltmp30:
0x79c: {  	v33 =	vadd.s32 s30, v2;
	v34 =	vand.u32 $0x7F, v16;
	v18 =	vand.u32 $0x7F, v20;
	v16 =	vld.idx.msk [tilespmem:v21+s16+$0x0], $0xffff;
	(pc) =	sbr.rel @p0 .LBB2_62-.Ltmp30, $4  }
0x79d: {  	v35 =	vmul.f32 v13, v12;
	v14 =	vmul.f32 v29, v14;
	v20 =	vor.u32 v8, v18;
	v18 =	vld.idx.msk [tilespmem:v21+s18+$0x0], $0xffff  }
0x79e: {  	v29 =	vand.u32 $0x7F, v32;
	v23 =	vmul.f32 v22, v23;
	v21 =	vor.u32 v8, v34;
	v12 =	vld.idx.msk [tilespmem:v26+s16+$0x0], $0xffff  }
0x79f: {  	v13 =	vld.idx.msk [tilespmem:v26+s18+$0x0], $0xffff;
	v26 =	vadd.f32 v35, v24;
	v24 =	vadd.f32 v14, v27;
	v27 =	vmul.f32 v31, v28  }
0x7a0: {  	s28 =	sadd.s32 $0x8, s28;
	v25 =	vmul.f32 v30, v25;
	v22 =	vor.u32 v8, v29;
	v28 =	vand.u32 $0x7F, v33;
	v14 =	vld.idx.msk [tilespmem:v19+s16+$0x0], $0xffff  }
0x7a1: {  	_ =	sdelay $0x3  }
0x7a2: {  	v19 =	vld.idx.msk [tilespmem:v19+s18+$0x0], $0xffff  }
0x7a3: {  	v29 =	vld.idx.msk [tilespmem:v20+s16+$0x0], $0xffff  }
0x7a4: {  	v28 =	vor.u32 v8, v28;
	v30 =	vadd.s32 s29, v2;
	v20 =	vld.idx.msk [tilespmem:v20+s18+$0x0], $0xffff  }
0x7a5: {  	v31 =	vld.idx.msk [tilespmem:v21+s16+$0x0], $0xffff;
	v30 =	vand.u32 $0x7F, v30  }
0x7a6: {  	v32 =	vadd.s32 s26, v2;
	v21 =	vld.idx.msk [tilespmem:v21+s18+$0x0], $0xffff;
	v30 =	vor.u32 v8, v30  }
0x7a7: {  	v33 =	vld.idx.msk [tilespmem:v22+s16+$0x0], $0xffff;
	v32 =	vand.u32 $0x7F, v32  }
0x7a8: {  	v23 =	vadd.f32 v23, v26;
	v22 =	vld.idx.msk [tilespmem:v22+s18+$0x0], $0xffff;
	v8 =	vor.u32 v8, v32  }
0x7a9: {  	v24 =	vadd.f32 v27, v24;
	v15 =	vmul.f32 v17, v15;
	v17 =	vld.idx.msk [tilespmem:v28+s16+$0x0], $0xffff  }
0x7aa: {  	v10 =	vmul.f32 v11, v10;
	v11 =	vadd.f32 v25, v23;
	v23 =	vld.idx.msk [tilespmem:v28+s18+$0x0], $0xffff  }
0x7ab: {  	v16 =	vmul.f32 v18, v16;
	v15 =	vadd.f32 v15, v24;
	v18 =	vld.idx.msk [tilespmem:v30+s16+$0x0], $0xffff  }
0x7ac: {  	v12 =	vmul.f32 v13, v12;
	v10 =	vadd.f32 v10, v11;
	v11 =	vld.idx.msk [tilespmem:v30+s18+$0x0], $0xffff  }
0x7ad: {  	v15 =	vadd.f32 v16, v15;
	v13 =	vmul.f32 v19, v14;
	v16 =	vld.idx.msk [tilespmem:v8+s16+$0x0], $0xffff  }
0x7ae: {  	v14 =	vmul.f32 v22, v33;
	v10 =	vadd.f32 v12, v10;
	v8 =	vld.idx.msk [tilespmem:v8+s18+$0x0], $0xffff  }
0x7af: {  	v12 =	vadd.f32 v13, v15;
	v13 =	vmul.f32 v23, v17  }
0x7b0: {  	v15 =	vmul.f32 v21, v31;
	v10 =	vadd.f32 v14, v10  }
0x7b1: {  	v12 =	vadd.f32 v13, v12;
	v11 =	vmul.f32 v11, v18  }
0x7b2: {  	v10 =	vadd.f32 v15, v10  }
0x7b3: {  	v13 =	vmul.f32 v20, v29;
	v8 =	vmul.f32 v8, v16;
	v11 =	vadd.f32 v11, v12  }
0x7b4: {  	s31 =	simm.s32 $0x0;
	v12 =	vld [tilespmem:$0x105E0]  }
0x7b5: {  	v10 =	vadd.f32 v13, v10;
	v8 =	vadd.f32 v8, v11;
	v11 =	vadd.s32 s31, v0  }
0x7b6: {  	v11 =	vand.u32 $0x7F, v11  }
0x7b7: {  	v8 =	vadd.f32 v8, v10;
	v10 =	vadd.s32 s31, v2;
	v11 =	vor.u32 v9, v11  }
0x7b8: {  	s30 =	simm.s32 $0x6;
	v10 =	vand.u32 $0x7F, v10  }
0x7b9: {  	v8 =	vmul.f32 v12, v8;
	v12 =	vadd.s32 s30, v0;
	v10 =	vor.u32 v9, v10  }
0x7ba: {  	s28 =	simm.s32 $0x4;
	v12 =	vand.u32 $0x7F, v12  }
0x7bb: {  	[tilespmem:$0x107E0] =	vst v8;
	v8 =	vadd.s32 s28, v0;
	v12 =	vor.u32 v9, v12  }
0x7bc: {  	s29 =	simm.s32 $0x2;
	v8 =	vand.u32 $0x7F, v8;
	v13 =	vld.idx.msk [tilespmem:v11+s16+$0x0], $0xffff  }
0x7bd: {  	v14 =	vadd.s32 s29, v0;
	v11 =	vld.idx.msk [tilespmem:v11+s18+$0x0], $0xffff;
	v15 =	vor.u32 v9, v8  }
0x7be: {  	v8 =	vand.u32 $0x7F, v14;
	v17 =	vld.idx.msk [tilespmem:v10+s16+$0x0], $0xffff  }
0x7bf: {  	v14 =	vadd.s32 s29, v2;
	v16 =	vor.u32 v9, v8;
	v20 =	vld.idx.msk [tilespmem:v10+s18+$0x0], $0xffff  }
0x7c0: {  	v10 =	vand.u32 $0x7F, v14;
	v8 =	vld.idx.msk [tilespmem:v12+s16+$0x0], $0xffff  }
0x7c1: {  	v18 =	vadd.s32 s28, v2;
	v14 =	vor.u32 v9, v10;
	v10 =	vld.idx.msk [tilespmem:v12+s18+$0x0], $0xffff  }
0x7c2: {  	v12 =	vand.u32 $0x7F, v18;
	v24 =	vld.idx.msk [tilespmem:v15+s16+$0x0], $0xffff  }
0x7c3: {  	v18 =	vadd.s32 s30, v2;
	v12 =	vor.u32 v9, v12;
	v28 =	vld.idx.msk [tilespmem:v15+s18+$0x0], $0xffff  }
0x7c4: {  	s31 =	simm.s32 $0x8;
	v15 =	vand.u32 $0x7F, v18;
	v21 =	vld.idx.msk [tilespmem:v16+s16+$0x0], $0xffff  }
0x7c5: {  	v18 =	vadd.s32 s31, v0;
	v22 =	vld.idx.msk [tilespmem:v16+s18+$0x0], $0xffff;
	v23 =	vor.u32 v9, v15  }
0x7c6: {  	s26 =	simm.s32 $0xE;
	v15 =	vand.u32 $0x7F, v18;
	v26 =	vld.idx.msk [tilespmem:v14+s16+$0x0], $0xffff  }
0x7c7: {  	v19 =	vadd.s32 s26, v0;
	v16 =	vadd.s32 s31, v2;
	v25 =	vor.u32 v9, v15;
	v27 =	vld.idx.msk [tilespmem:v14+s18+$0x0], $0xffff  }
0x7c8: {  	v19 =	vand.u32 $0x7F, v19;
	s29 =	simm.s32 $0xC;
	v15 =	vand.u32 $0x7F, v16;
	v14 =	vld.idx.msk [tilespmem:v12+s16+$0x0], $0xffff  }
0x7c9: {  	v19 =	vor.u32 v9, v19;
	s28 =	simm.s32 $0xA;
	v18 =	vor.u32 v9, v15;
	v15 =	vadd.s32 s29, v0;
	v16 =	vld.idx.msk [tilespmem:v12+s18+$0x0], $0xffff  }
0x7ca: {  	v29 =	vimm.f32 $0.0e+00;
	v61 =	vadd.s32 s28, v0;
	v12 =	vand.u32 $0x7F, v15;
	v15 =	vld.idx.msk [tilespmem:v23+s16+$0x0], $0xffff  }
0x7cb: {  	v62 =	vadd.s32 s28, v2;
	v13 =	vmul.f32 v11, v13;
	v63 =	vmul.f32 v20, v17;
	v17 =	vld.idx.msk [tilespmem:v23+s18+$0x0], $0xffff  }
0x7cc: {  	v30 =	vand.u32 $0x7F, v61;
	v20 =	vor.u32 v9, v12;
	v22 =	vmul.f32 v22, v21;
	v11 =	vld.idx.msk [tilespmem:v25+s16+$0x0], $0xffff  }
0x7cd: {  	v23 =	vadd.f32 v63, v29;
	v12 =	vld.idx.msk [tilespmem:v25+s18+$0x0], $0xffff;
	v25 =	vadd.f32 v13, v29;
	v26 =	vmul.f32 v27, v26  }
0x7ce: {  	s28 =	simm.s32 $0x10;
	v24 =	vmul.f32 v28, v24;
	v21 =	vor.u32 v9, v30;
	v27 =	vand.u32 $0x7F, v62;
	v13 =	vld.idx.msk [tilespmem:v18+s16+$0x0], $0xffff  }
.LBB2_64:
0x7cf: {  	p0 =	slt.u32 s28, $0x78;
	v28 =	vld.idx.msk [tilespmem:v18+s18+$0x0], $0xffff;
	v18 =	vadd.f32 v22, v25;
	v22 =	vadd.f32 v26, v23;
	v14 =	vmul.f32 v16, v14  }
0x7d0: {  	v16 =	vor.u32 v9, v27;
	v23 =	vadd.s32 s29, v2;
	v25 =	vmul.f32 v10, v8;
	v8 =	vld.idx.msk [tilespmem:v19+s16+$0x0], $0xffff  }
0x7d1: {  	v15 =	vmul.f32 v17, v15;
	v10 =	vld.idx.msk [tilespmem:v19+s18+$0x0], $0xffff;
	v18 =	vadd.f32 v24, v18;
	v14 =	vadd.f32 v14, v22  }
0x7d2: {  	v17 =	vand.u32 $0x7F, v23;
	v19 =	vadd.s32 s26, v2;
	v24 =	vld.idx.msk [tilespmem:v20+s16+$0x0], $0xffff  }
0x7d3: {  	v17 =	vor.u32 v9, v17;
	v29 =	vld.idx.msk [tilespmem:v20+s18+$0x0], $0xffff;
	v23 =	vadd.f32 v25, v18;
	v26 =	vadd.f32 v15, v14  }
0x7d4: {  	v14 =	vand.u32 $0x7F, v19;
	v22 =	vld.idx.msk [tilespmem:v21+s16+$0x0], $0xffff  }
0x7d5: {  	v15 =	vadd.s32 s28, v0;
	v20 =	vor.u32 v9, v14;
	v21 =	vld.idx.msk [tilespmem:v21+s18+$0x0], $0xffff  }
0x7d6: {  	v14 =	vand.u32 $0x7F, v15;
	v27 =	vld.idx.msk [tilespmem:v16+s16+$0x0], $0xffff  }
0x7d7: {  	s26 =	sadd.s32 $0x6, s28;
	v15 =	vadd.s32 s28, v2;
	v25 =	vor.u32 v9, v14;
	v30 =	vld.idx.msk [tilespmem:v16+s18+$0x0], $0xffff  }
0x7d8: {  	s30 =	sadd.s32 $0x2, s28;
	s29 =	sadd.s32 $0x4, s28;
	v19 =	vadd.s32 s26, v0;
	v15 =	vand.u32 $0x7F, v15;
	v14 =	vld.idx.msk [tilespmem:v17+s16+$0x0], $0xffff  }
0x7d9: {  	v31 =	vadd.s32 s30, v0;
	v18 =	vor.u32 v9, v15;
	v15 =	vadd.s32 s29, v0;
	v16 =	vld.idx.msk [tilespmem:v17+s18+$0x0], $0xffff  }
.Ltmp31:
0x7da: {  	v32 =	vadd.s32 s30, v2;
	v33 =	vand.u32 $0x7F, v15;
	v17 =	vand.u32 $0x7F, v19;
	v15 =	vld.idx.msk [tilespmem:v20+s16+$0x0], $0xffff;
	(pc) =	sbr.rel @p0 .LBB2_64-.Ltmp31, $4  }
0x7db: {  	v34 =	vmul.f32 v12, v11;
	v13 =	vmul.f32 v28, v13;
	v19 =	vor.u32 v9, v17;
	v17 =	vld.idx.msk [tilespmem:v20+s18+$0x0], $0xffff  }
0x7dc: {  	v28 =	vand.u32 $0x7F, v31;
	v22 =	vmul.f32 v21, v22;
	v20 =	vor.u32 v9, v33;
	v11 =	vld.idx.msk [tilespmem:v25+s16+$0x0], $0xffff  }
0x7dd: {  	v12 =	vld.idx.msk [tilespmem:v25+s18+$0x0], $0xffff;
	v25 =	vadd.f32 v34, v23;
	v23 =	vadd.f32 v13, v26;
	v26 =	vmul.f32 v30, v27  }
0x7de: {  	s28 =	sadd.s32 $0x8, s28;
	v24 =	vmul.f32 v29, v24;
	v21 =	vor.u32 v9, v28;
	v27 =	vand.u32 $0x7F, v32;
	v13 =	vld.idx.msk [tilespmem:v18+s16+$0x0], $0xffff  }
0x7df: {  	_ =	sdelay $0x3  }
0x7e0: {  	v18 =	vld.idx.msk [tilespmem:v18+s18+$0x0], $0xffff  }
0x7e1: {  	v28 =	vld.idx.msk [tilespmem:v19+s16+$0x0], $0xffff  }
0x7e2: {  	v27 =	vor.u32 v9, v27;
	v29 =	vadd.s32 s29, v2;
	v47 =	vld.idx.msk [tilespmem:v19+s18+$0x0], $0xffff  }
0x7e3: {  	v30 =	vld.idx.msk [tilespmem:v20+s16+$0x0], $0xffff;
	v29 =	vand.u32 $0x7F, v29  }
0x7e4: {  	v31 =	vadd.s32 s26, v2;
	v48 =	vld.idx.msk [tilespmem:v20+s18+$0x0], $0xffff;
	v29 =	vor.u32 v9, v29  }
0x7e5: {  	v32 =	vld.idx.msk [tilespmem:v21+s16+$0x0], $0xffff;
	v31 =	vand.u32 $0x7F, v31  }
0x7e6: {  	v50 =	vld.idx.msk [tilespmem:v21+s18+$0x0], $0xffff;
	v49 =	vor.u32 v9, v31  }
0x7e7: {  	v22 =	vadd.f32 v22, v25;
	v23 =	vadd.f32 v26, v23;
	v14 =	vmul.f32 v16, v14;
	v51 =	vld.idx.msk [tilespmem:v27+s16+$0x0], $0xffff  }
0x7e8: {  	v8 =	vmul.f32 v10, v8;
	v53 =	vld.idx.msk [tilespmem:v27+s18+$0x0], $0xffff  }
0x7e9: {  	v15 =	vmul.f32 v17, v15;
	v52 =	vadd.f32 v24, v22;
	v14 =	vadd.f32 v14, v23;
	v54 =	vld.idx.msk [tilespmem:v29+s16+$0x0], $0xffff  }
0x7ea: {  	v11 =	vmul.f32 v12, v11;
	v55 =	vld.idx.msk [tilespmem:v29+s18+$0x0], $0xffff  }
0x7eb: {  	v8 =	vadd.f32 v8, v52;
	v14 =	vadd.f32 v15, v14;
	v57 =	vmul.f32 v18, v13;
	v56 =	vld.idx.msk [tilespmem:v49+s16+$0x0], $0xffff  }
0x7ec: {  	v58 =	vmul.f32 v50, v32;
	v9 =	vld.idx.msk [tilespmem:v49+s18+$0x0], $0xffff  }
0x7ed: {  	v8 =	vadd.f32 v11, v8;
	v59 =	vadd.f32 v57, v14;
	v60 =	vmul.f32 v53, v51  }
0x7ee: {  	v61 =	vmul.f32 v48, v30  }
0x7ef: {  	v8 =	vadd.f32 v58, v8;
	v11 =	vadd.f32 v60, v59;
	v10 =	vmul.f32 v55, v54  }
0x7f0: {  	v62 =	vmul.f32 v47, v28  }
0x7f1: {  	v8 =	vadd.f32 v61, v8;
	v9 =	vmul.f32 v9, v56;
	v10 =	vadd.f32 v10, v11  }
0x7f2: {  	v63 =	vld [tilespmem:$0x105F0]  }
0x7f3: {  	v8 =	vadd.f32 v62, v8;
	v9 =	vadd.f32 v9, v10;
	_ =	sdelay $0x1  }
0x7f4: {  	v8 =	vadd.f32 v9, v8;
	_ =	sdelay $0x1  }
0x7f5: {  	s25 =	sadd.s32 $0x1, s25;
	v8 =	vmul.f32 v63, v8  }
0x7f6: {  	p0 =	sne.s32 s25, s8  }
.Ltmp32:
0x7f7: {  	[tilespmem:$0x107F0] =	vst v8;
	(pc) =	sbr.rel @p0 .LBB2_1-.Ltmp32, $4  }
0x7f8: {  	[hbm4b:s7+s3] =	stream.linear.scatter [tilespmem:s24], [sflag:$0x3], $0x200, $0x38;
	[tilespmem:$0x10800] =	vst v63  }
0x7f9: {  	_ =	swait.ge [sflag:s9], $0x200  }
0x7fa: {  	[sflag:s9] =	ssyncset.done $0x0  }
0x7fb: {  	[sflag:s9] =	ssyncadd.s32 $0xFFFFFE00  }
0x7fc: {  	_ =	sfence.sel $0x180000  }
0x7fd: {  	[bflag:$0x0] =	sbarrier.arrive $0xFFFF  }
0x7fe: {  	p0 =	sne.s32 s2, $0x0;
	_ =	strace $0x90000047  }
0x7ff: {  	s0 =	sadd.s32 @!p0 $0x100000, s0;
	[bflag:$0x2] =	sbarrier.arrive $0xFFFF  }
0x800: {  	[sflag:s0] =	ssyncadd.tile.s32 @!p0 $0x1;
	_ =	shalt  }
.Lfunc_end2:
_tile_overlayer_lowered:
.L_overlay_start_2:
0x801: {  	(tag) =	ssettag $0x2  }
0x802: {  	s0 =	rddreg [dreg:$0x0];
	s2 =	stileid.u32  }
0x803: {  	s1 =	rddreg [dreg:$0x1];
	p0 =	sne.s32 s2, $0x0  }
0x804: {  	s3 =	rddreg [dreg:$0x2];
	[bflag:$0x3] =	sbarrier.arrive $0xFFFF;
	s2 =	simm.s32 @!p0 $0x1C03  }
0x805: {  	[timem:s3], [sflag:s2] =	dma.local @!p0 [hbm:s0], s1  }
0x806: {  	s0 =	simm.s32 @!p0 $0x3  }
0x807: {  	_ =	swait.ge @!p0 [sflag:s0], s1  }
0x808: {  	s1 =	ssub.s32 @!p0 $0x0, s1;
	[sflag:s0] =	ssyncset.done @!p0 $0x0  }
0x809: {  	[sflag:s0] =	ssyncadd.s32 @!p0 s1  }
0x80a: {  	[bflag:$0x3] =	sbarrier.arrive $0xFFFF  }
0x80b: {  	_ =	shalt  }

</sc_bundles>
